<compile_context>
chip_gen: v7x
topology: tpu7x:2x2x1
jax: 0.10.2.dev20260603
libtpu: 0.0.44.dev20260713+nightly
codegen_flags: <defaults>
</compile_context>

<pallas_src>
import functools

import jax
import jax.numpy as jnp
from jax import lax
from jax.experimental import pallas as pl
from jax.experimental.pallas import tpu as pltpu
from jax.experimental.pallas import tpu_sc as plsc

NBUF = 8
PAIR = 2


@functools.lru_cache(maxsize=None)
def _build(batch: int, hist: int, d: int):
  info = plsc.get_sparse_core_info()
  nc, ns = info.num_cores, info.num_subcores
  nw = nc * ns
  assert PAIR * hist <= 128
  hist_pad = ((hist + 7) // 8) * 8
  nblk = batch // nw // PAIR
  assert nblk * nw * PAIR == batch
  rounds = nblk // NBUF
  assert rounds * NBUF == nblk and rounds >= 3

  mesh = plsc.VectorSubcoreMesh(core_axis_name="c", subcore_axis_name="s")

  @functools.partial(
      pl.kernel,
      out_type=jax.ShapeDtypeStruct((batch, hist_pad, 128), jnp.float32),
      mesh=mesh,
      compiler_params=pltpu.CompilerParams(use_tc_tiling_on_sc=False),
      scratch_types=[
          pltpu.VMEM((nblk, PAIR * hist), jnp.int32),
          pltpu.VMEM((NBUF, PAIR * hist, 64), jnp.float32),
          [pltpu.SemaphoreType.DMA] * NBUF,
          [pltpu.SemaphoreType.DMA] * NBUF,
      ],
  )
  def gather_kernel(idx_hbm, tab_hbm, out_hbm, idx_v, rows, gsem, wsem):
    wid = lax.axis_index("s") * nc + lax.axis_index("c")
    base = wid * nblk * PAIR
    pltpu.sync_copy(idx_hbm.at[wid], idx_v)

    def fire_gather(g, s):
      pltpu.async_copy(tab_hbm.at[idx_v.at[g]], rows.at[s], gsem[s])

    def wait_gather(s):
      pltpu.make_async_copy(
          tab_hbm.at[idx_v.at[0]], rows.at[s], gsem[s]).wait()

    def fire_write(g, s):
      for p in range(PAIR):
        pltpu.async_copy(
            rows.at[s, pl.ds(p * hist, hist)],
            out_hbm.at[base + g * PAIR + p, pl.ds(0, hist), pl.ds(0, d)],
            wsem[s])

    def wait_write(s):
      for p in range(PAIR):
        pltpu.make_async_copy(
            rows.at[s, pl.ds(p * hist, hist)],
            out_hbm.at[base, pl.ds(0, hist), pl.ds(0, d)],
            wsem[s]).wait()

    def step(g, s, first=False, ahead=True):
      s3 = (s + NBUF - 1) % NBUF
      if ahead:
        if not first:
          wait_write(s3)
        fire_gather(g + NBUF - 1, s3)
      wait_gather(s)
      fire_write(g, s)

    for s in range(NBUF - 1):
      fire_gather(s, s)

    step(0, 0, first=True)
    for s in range(1, NBUF):
      step(s, s)

    def round_body(r, carry):
      g0 = r * NBUF
      for s in range(NBUF):
        step(g0 + s, s)
      return carry

    lax.fori_loop(1, rounds - 1, round_body, 0)

    g0 = (rounds - 1) * NBUF
    step(g0, 0)
    for s in range(1, NBUF):
      step(g0 + s, s, ahead=False)
    for s in range(NBUF):
      wait_write(s)

  return gather_kernel, nw, nblk


def kernel(input, C):
  idx = input.astype(jnp.int32)
  batch, hist = idx.shape
  d = C.shape[1]
  gather_kernel, nw, nblk = _build(batch, hist, d)
  idx3 = idx.reshape(nw, nblk, PAIR * hist)
  out = gather_kernel(idx3, C)
  return out[:, :hist, :d]

# --- scband reference (transcript-rebuilt; emitter-appended) ---
"""Pipeline reference for scband-embedding-layer-44435731644734 (READ-ONLY COPY).

The authoritative reference and input builder live on the scoring server;
editing this copy changes nothing except your own understanding.
"""

import jax, jax.numpy as jnp
import numpy as np

N_T = 100000
N_C = 16
L_MAX = 1
EMBED_DIM = N_C * (L_MAX + 1) ** 2  # 64
BATCH = 16384
HIST = 50

def setup_inputs(seed: int = 0) -> dict:
    key = jax.random.key(seed)
    k1, k2 = jax.random.split(key)
    indices = jax.random.randint(k1, (BATCH, HIST), 0, N_T, dtype=jnp.int64 if jax.config.jax_enable_x64 else jnp.int32)
    C = jax.random.normal(k2, (N_T, EMBED_DIM), dtype=jnp.float32)
    return {"input": indices, "C": C}

def reference(input, C):
    # Faithful translation of EmbeddingLayer.forward: validate-range is a no-op here;
    # the core op is a row gather from the parameter table C.
    idx = input.astype(jnp.int32)
    return jnp.take(C, idx, axis=0)

if __name__ == "__main__":
    import jax
    _d = setup_inputs()
    print(jax.jit(kernel)(*tuple(_d.values())))

</pallas_src>

<mosaic_0001>
#map = affine_map<(d0, d1) -> (0, 0, 0)>
#map1 = affine_map<(d0, d1) -> (0, 0)>
module attributes {stable_mosaic.version = 14 : i64} {
  func.func @gather_kernel(%arg0: i32, %arg1: i32, %arg2: memref<32x256x100xi32, #tpu.memory_space<hbm>>, %arg3: memref<100000x64xf32, #tpu.memory_space<hbm>>, %arg4: memref<16384x56x128xf32, #tpu.memory_space<hbm>>, %arg5: memref<256x100xi32, #tpu.memory_space<vmem>>, %arg6: memref<8x100x64xf32, #tpu.memory_space<vmem>>, %arg7: memref<!tpu.dma_semaphore, #tpu.memory_space<semaphore_mem>>, %arg8: memref<!tpu.dma_semaphore, #tpu.memory_space<semaphore_mem>>, %arg9: memref<!tpu.dma_semaphore, #tpu.memory_space<semaphore_mem>>, %arg10: memref<!tpu.dma_semaphore, #tpu.memory_space<semaphore_mem>>, %arg11: memref<!tpu.dma_semaphore, #tpu.memory_space<semaphore_mem>>, %arg12: memref<!tpu.dma_semaphore, #tpu.memory_space<semaphore_mem>>, %arg13: memref<!tpu.dma_semaphore, #tpu.memory_space<semaphore_mem>>, %arg14: memref<!tpu.dma_semaphore, #tpu.memory_space<semaphore_mem>>, %arg15: memref<!tpu.dma_semaphore, #tpu.memory_space<semaphore_mem>>, %arg16: memref<!tpu.dma_semaphore, #tpu.memory_space<semaphore_mem>>, %arg17: memref<!tpu.dma_semaphore, #tpu.memory_space<semaphore_mem>>, %arg18: memref<!tpu.dma_semaphore, #tpu.memory_space<semaphore_mem>>, %arg19: memref<!tpu.dma_semaphore, #tpu.memory_space<semaphore_mem>>, %arg20: memref<!tpu.dma_semaphore, #tpu.memory_space<semaphore_mem>>, %arg21: memref<!tpu.dma_semaphore, #tpu.memory_space<semaphore_mem>>, %arg22: memref<!tpu.dma_semaphore, #tpu.memory_space<semaphore_mem>>) attributes {dimension_semantics = [#tpu.dimension_semantics<core_parallel>, #tpu.dimension_semantics<subcore_parallel>], iteration_bounds = array<i64: 2, 16>, scalar_prefetch = 0 : i64, scratch_operands = 18 : i64, tpu.core_type = #tpu.core_type<sc_vector_subcore>, window_params = [{transform_indices = #map}, {transform_indices = #map1}, {transform_indices = #map}]} {
    %mul3A = arith.constant 2 : i32
    %mul3A_0 = arith.muli %arg1, %mul3A : i32
    %add3A = arith.addi %mul3A_0, %arg0 : i32
    %mul3A_1 = arith.constant 256 : i32
    %mul3A_2 = arith.muli %add3A, %mul3A_1 : i32
    %mul3A_3 = arith.constant 2 : i32
    %mul3A_4 = arith.muli %mul3A_2, %mul3A_3 : i32
    "tpu.region"() ({
      %run_scoped3A = tpu.sem_alloc : memref<!tpu.dma_semaphore, #tpu.memory_space<semaphore_mem>>
      %dma_start3A_1608 = arith.constant 0 : i32
      %dma_start3A_1609 = arith.constant 0 : i32
      %dma_start3A_1610 = tpu.memref_slice %arg2[%add3A, %dma_start3A_1608, %dma_start3A_1609] : memref<32x256x100xi32, #tpu.memory_space<hbm>> -> memref<1x256x100xi32, #tpu.memory_space<hbm>>
      %dma_start3A_1611 = tpu.memref_squeeze %dma_start3A_1610 : memref<1x256x100xi32, #tpu.memory_space<hbm>> -> memref<256x100xi32, #tpu.memory_space<hbm>>
      %dma_start3A_1612 = arith.constant 0 : i32
      %dma_start3A_1613 = arith.constant 0 : i32
      %dma_start3A_1614 = tpu.memref_slice %arg2[%add3A, %dma_start3A_1612, %dma_start3A_1613] : memref<32x256x100xi32, #tpu.memory_space<hbm>> -> memref<1x256x100xi32, #tpu.memory_space<hbm>>
      %dma_start3A_1615 = tpu.memref_squeeze %dma_start3A_1614 : memref<1x256x100xi32, #tpu.memory_space<hbm>> -> memref<256x100xi32, #tpu.memory_space<hbm>>
      tpu.enqueue_dma source(%dma_start3A_1615 : memref<256x100xi32, #tpu.memory_space<hbm>>) target(%arg5 : memref<256x100xi32, #tpu.memory_space<vmem>>) target_semaphore(%run_scoped3A : memref<!tpu.dma_semaphore, #tpu.memory_space<semaphore_mem>>)
      %dma_wait3A_1616 = arith.constant 0 : i32
      %dma_wait3A_1617 = arith.constant 0 : i32
      %dma_wait3A_1618 = tpu.memref_slice %arg2[%add3A, %dma_wait3A_1616, %dma_wait3A_1617] : memref<32x256x100xi32, #tpu.memory_space<hbm>> -> memref<1x256x100xi32, #tpu.memory_space<hbm>>
      %dma_wait3A_1619 = tpu.memref_squeeze %dma_wait3A_1618 : memref<1x256x100xi32, #tpu.memory_space<hbm>> -> memref<256x100xi32, #tpu.memory_space<hbm>>
      %dma_wait3A_1620 = arith.constant 0 : i32
      %dma_wait3A_1621 = arith.constant 0 : i32
      %dma_wait3A_1622 = tpu.memref_slice %arg2[%add3A, %dma_wait3A_1620, %dma_wait3A_1621] : memref<32x256x100xi32, #tpu.memory_space<hbm>> -> memref<1x256x100xi32, #tpu.memory_space<hbm>>
      %dma_wait3A_1623 = tpu.memref_squeeze %dma_wait3A_1622 : memref<1x256x100xi32, #tpu.memory_space<hbm>> -> memref<256x100xi32, #tpu.memory_space<hbm>>
      tpu.wait_dma2 semaphore(%run_scoped3A : memref<!tpu.dma_semaphore, #tpu.memory_space<semaphore_mem>>) src(%dma_wait3A_1623 : memref<256x100xi32, #tpu.memory_space<hbm>>) dst(%arg5 : memref<256x100xi32, #tpu.memory_space<vmem>>)
      tpu.yield
    }) : () -> ()
    %dma_start3A = arith.constant 0 : i32
    %dma_start3A_5 = arith.constant 0 : i32
    %dma_start3A_6 = arith.constant 0 : i32
    %dma_start3A_7 = arith.constant 0 : i32
    %dma_start3A_8 = tpu.memref_slice %arg6[%dma_start3A_5, %dma_start3A_6, %dma_start3A_7] : memref<8x100x64xf32, #tpu.memory_space<vmem>> -> memref<1x100x64xf32, #tpu.memory_space<vmem>>
    %dma_start3A_9 = tpu.memref_squeeze %dma_start3A_8 : memref<1x100x64xf32, #tpu.memory_space<vmem>> -> memref<100x64xf32, #tpu.memory_space<vmem>>
    %dma_start3A_10 = arith.constant 0 : i32
    %dma_start3A_11 = tpu.memref_slice %arg5[%dma_start3A, %dma_start3A_10] : memref<256x100xi32, #tpu.memory_space<vmem>> -> memref<1x100xi32, #tpu.memory_space<vmem>>
    %dma_start3A_12 = tpu.memref_squeeze %dma_start3A_11 : memref<1x100xi32, #tpu.memory_space<vmem>> -> memref<100xi32, #tpu.memory_space<vmem>>
    %dma_start3A_13 = arith.constant 0 : i32
    %dma_start3A_14 = arith.constant 0 : i32
    %dma_start3A_15 = tpu.memref_slice %arg3[%dma_start3A_13, %dma_start3A_14] : memref<100000x64xf32, #tpu.memory_space<hbm>> -> memref<100000x64xf32, #tpu.memory_space<hbm>>
    tpu.enqueue_indirect_dma source(%dma_start3A_15 : memref<100000x64xf32, #tpu.memory_space<hbm>>) target(%dma_start3A_9 : memref<100x64xf32, #tpu.memory_space<vmem>>) offsets(%dma_start3A_12 : memref<100xi32, #tpu.memory_space<vmem>>) semaphore(%arg7 : memref<!tpu.dma_semaphore, #tpu.memory_space<semaphore_mem>>)
    %dma_start3A_16 = arith.constant 1 : i32
    %dma_start3A_17 = arith.constant 1 : i32
    %dma_start3A_18 = arith.constant 0 : i32
    %dma_start3A_19 = arith.constant 0 : i32
    %dma_start3A_20 = tpu.memref_slice %arg6[%dma_start3A_17, %dma_start3A_18, %dma_start3A_19] : memref<8x100x64xf32, #tpu.memory_space<vmem>> -> memref<1x100x64xf32, #tpu.memory_space<vmem>>
    %dma_start3A_21 = tpu.memref_squeeze %dma_start3A_20 : memref<1x100x64xf32, #tpu.memory_space<vmem>> -> memref<100x64xf32, #tpu.memory_space<vmem>>
    %dma_start3A_22 = arith.constant 0 : i32
    %dma_start3A_23 = tpu.memref_slice %arg5[%dma_start3A_16, %dma_start3A_22] : memref<256x100xi32, #tpu.memory_space<vmem>> -> memref<1x100xi32, #tpu.memory_space<vmem>>
    %dma_start3A_24 = tpu.memref_squeeze %dma_start3A_23 : memref<1x100xi32, #tpu.memory_space<vmem>> -> memref<100xi32, #tpu.memory_space<vmem>>
    %dma_start3A_25 = arith.constant 0 : i32
    %dma_start3A_26 = arith.constant 0 : i32
    %dma_start3A_27 = tpu.memref_slice %arg3[%dma_start3A_25, %dma_start3A_26] : memref<100000x64xf32, #tpu.memory_space<hbm>> -> memref<100000x64xf32, #tpu.memory_space<hbm>>
    tpu.enqueue_indirect_dma source(%dma_start3A_27 : memref<100000x64xf32, #tpu.memory_space<hbm>>) target(%dma_start3A_21 : memref<100x64xf32, #tpu.memory_space<vmem>>) offsets(%dma_start3A_24 : memref<100xi32, #tpu.memory_space<vmem>>) semaphore(%arg8 : memref<!tpu.dma_semaphore, #tpu.memory_space<semaphore_mem>>)
    %dma_start3A_28 = arith.constant 2 : i32
    %dma_start3A_29 = arith.constant 2 : i32
    %dma_start3A_30 = arith.constant 0 : i32
    %dma_start3A_31 = arith.constant 0 : i32
    %dma_start3A_32 = tpu.memref_slice %arg6[%dma_start3A_29, %dma_start3A_30, %dma_start3A_31] : memref<8x100x64xf32, #tpu.memory_space<vmem>> -> memref<1x100x64xf32, #tpu.memory_space<vmem>>
    %dma_start3A_33 = tpu.memref_squeeze %dma_start3A_32 : memref<1x100x64xf32, #tpu.memory_space<vmem>> -> memref<100x64xf32, #tpu.memory_space<vmem>>
    %dma_start3A_34 = arith.constant 0 : i32
    %dma_start3A_35 = tpu.memref_slice %arg5[%dma_start3A_28, %dma_start3A_34] : memref<256x100xi32, #tpu.memory_space<vmem>> -> memref<1x100xi32, #tpu.memory_space<vmem>>
    %dma_start3A_36 = tpu.memref_squeeze %dma_start3A_35 : memref<1x100xi32, #tpu.memory_space<vmem>> -> memref<100xi32, #tpu.memory_space<vmem>>
    %dma_start3A_37 = arith.constant 0 : i32
    %dma_start3A_38 = arith.constant 0 : i32
    %dma_start3A_39 = tpu.memref_slice %arg3[%dma_start3A_37, %dma_start3A_38] : memref<100000x64xf32, #tpu.memory_space<hbm>> -> memref<100000x64xf32, #tpu.memory_space<hbm>>
    tpu.enqueue_indirect_dma source(%dma_start3A_39 : memref<100000x64xf32, #tpu.memory_space<hbm>>) target(%dma_start3A_33 : memref<100x64xf32, #tpu.memory_space<vmem>>) offsets(%dma_start3A_36 : memref<100xi32, #tpu.memory_space<vmem>>) semaphore(%arg9 : memref<!tpu.dma_semaphore, #tpu.memory_space<semaphore_mem>>)
    %dma_start3A_40 = arith.constant 3 : i32
    %dma_start3A_41 = arith.constant 3 : i32
    %dma_start3A_42 = arith.constant 0 : i32
    %dma_start3A_43 = arith.constant 0 : i32
    %dma_start3A_44 = tpu.memref_slice %arg6[%dma_start3A_41, %dma_start3A_42, %dma_start3A_43] : memref<8x100x64xf32, #tpu.memory_space<vmem>> -> memref<1x100x64xf32, #tpu.memory_space<vmem>>
    %dma_start3A_45 = tpu.memref_squeeze %dma_start3A_44 : memref<1x100x64xf32, #tpu.memory_space<vmem>> -> memref<100x64xf32, #tpu.memory_space<vmem>>
    %dma_start3A_46 = arith.constant 0 : i32
    %dma_start3A_47 = tpu.memref_slice %arg5[%dma_start3A_40, %dma_start3A_46] : memref<256x100xi32, #tpu.memory_space<vmem>> -> memref<1x100xi32, #tpu.memory_space<vmem>>
    %dma_start3A_48 = tpu.memref_squeeze %dma_start3A_47 : memref<1x100xi32, #tpu.memory_space<vmem>> -> memref<100xi32, #tpu.memory_space<vmem>>
    %dma_start3A_49 = arith.constant 0 : i32
    %dma_start3A_50 = arith.constant 0 : i32
    %dma_start3A_51 = tpu.memref_slice %arg3[%dma_start3A_49, %dma_start3A_50] : memref<100000x64xf32, #tpu.memory_space<hbm>> -> memref<100000x64xf32, #tpu.memory_space<hbm>>
    tpu.enqueue_indirect_dma source(%dma_start3A_51 : memref<100000x64xf32, #tpu.memory_space<hbm>>) target(%dma_start3A_45 : memref<100x64xf32, #tpu.memory_space<vmem>>) offsets(%dma_start3A_48 : memref<100xi32, #tpu.memory_space<vmem>>) semaphore(%arg10 : memref<!tpu.dma_semaphore, #tpu.memory_space<semaphore_mem>>)
    %dma_start3A_52 = arith.constant 4 : i32
    %dma_start3A_53 = arith.constant 4 : i32
    %dma_start3A_54 = arith.constant 0 : i32
    %dma_start3A_55 = arith.constant 0 : i32
    %dma_start3A_56 = tpu.memref_slice %arg6[%dma_start3A_53, %dma_start3A_54, %dma_start3A_55] : memref<8x100x64xf32, #tpu.memory_space<vmem>> -> memref<1x100x64xf32, #tpu.memory_space<vmem>>
    %dma_start3A_57 = tpu.memref_squeeze %dma_start3A_56 : memref<1x100x64xf32, #tpu.memory_space<vmem>> -> memref<100x64xf32, #tpu.memory_space<vmem>>
    %dma_start3A_58 = arith.constant 0 : i32
    %dma_start3A_59 = tpu.memref_slice %arg5[%dma_start3A_52, %dma_start3A_58] : memref<256x100xi32, #tpu.memory_space<vmem>> -> memref<1x100xi32, #tpu.memory_space<vmem>>
    %dma_start3A_60 = tpu.memref_squeeze %dma_start3A_59 : memref<1x100xi32, #tpu.memory_space<vmem>> -> memref<100xi32, #tpu.memory_space<vmem>>
    %dma_start3A_61 = arith.constant 0 : i32
    %dma_start3A_62 = arith.constant 0 : i32
    %dma_start3A_63 = tpu.memref_slice %arg3[%dma_start3A_61, %dma_start3A_62] : memref<100000x64xf32, #tpu.memory_space<hbm>> -> memref<100000x64xf32, #tpu.memory_space<hbm>>
    tpu.enqueue_indirect_dma source(%dma_start3A_63 : memref<100000x64xf32, #tpu.memory_space<hbm>>) target(%dma_start3A_57 : memref<100x64xf32, #tpu.memory_space<vmem>>) offsets(%dma_start3A_60 : memref<100xi32, #tpu.memory_space<vmem>>) semaphore(%arg11 : memref<!tpu.dma_semaphore, #tpu.memory_space<semaphore_mem>>)
    %dma_start3A_64 = arith.constant 5 : i32
    %dma_start3A_65 = arith.constant 5 : i32
    %dma_start3A_66 = arith.constant 0 : i32
    %dma_start3A_67 = arith.constant 0 : i32
    %dma_start3A_68 = tpu.memref_slice %arg6[%dma_start3A_65, %dma_start3A_66, %dma_start3A_67] : memref<8x100x64xf32, #tpu.memory_space<vmem>> -> memref<1x100x64xf32, #tpu.memory_space<vmem>>
    %dma_start3A_69 = tpu.memref_squeeze %dma_start3A_68 : memref<1x100x64xf32, #tpu.memory_space<vmem>> -> memref<100x64xf32, #tpu.memory_space<vmem>>
    %dma_start3A_70 = arith.constant 0 : i32
    %dma_start3A_71 = tpu.memref_slice %arg5[%dma_start3A_64, %dma_start3A_70] : memref<256x100xi32, #tpu.memory_space<vmem>> -> memref<1x100xi32, #tpu.memory_space<vmem>>
    %dma_start3A_72 = tpu.memref_squeeze %dma_start3A_71 : memref<1x100xi32, #tpu.memory_space<vmem>> -> memref<100xi32, #tpu.memory_space<vmem>>
    %dma_start3A_73 = arith.constant 0 : i32
    %dma_start3A_74 = arith.constant 0 : i32
    %dma_start3A_75 = tpu.memref_slice %arg3[%dma_start3A_73, %dma_start3A_74] : memref<100000x64xf32, #tpu.memory_space<hbm>> -> memref<100000x64xf32, #tpu.memory_space<hbm>>
    tpu.enqueue_indirect_dma source(%dma_start3A_75 : memref<100000x64xf32, #tpu.memory_space<hbm>>) target(%dma_start3A_69 : memref<100x64xf32, #tpu.memory_space<vmem>>) offsets(%dma_start3A_72 : memref<100xi32, #tpu.memory_space<vmem>>) semaphore(%arg12 : memref<!tpu.dma_semaphore, #tpu.memory_space<semaphore_mem>>)
    %dma_start3A_76 = arith.constant 6 : i32
    %dma_start3A_77 = arith.constant 6 : i32
    %dma_start3A_78 = arith.constant 0 : i32
    %dma_start3A_79 = arith.constant 0 : i32
    %dma_start3A_80 = tpu.memref_slice %arg6[%dma_start3A_77, %dma_start3A_78, %dma_start3A_79] : memref<8x100x64xf32, #tpu.memory_space<vmem>> -> memref<1x100x64xf32, #tpu.memory_space<vmem>>
    %dma_start3A_81 = tpu.memref_squeeze %dma_start3A_80 : memref<1x100x64xf32, #tpu.memory_space<vmem>> -> memref<100x64xf32, #tpu.memory_space<vmem>>
    %dma_start3A_82 = arith.constant 0 : i32
    %dma_start3A_83 = tpu.memref_slice %arg5[%dma_start3A_76, %dma_start3A_82] : memref<256x100xi32, #tpu.memory_space<vmem>> -> memref<1x100xi32, #tpu.memory_space<vmem>>
    %dma_start3A_84 = tpu.memref_squeeze %dma_start3A_83 : memref<1x100xi32, #tpu.memory_space<vmem>> -> memref<100xi32, #tpu.memory_space<vmem>>
    %dma_start3A_85 = arith.constant 0 : i32
    %dma_start3A_86 = arith.constant 0 : i32
    %dma_start3A_87 = tpu.memref_slice %arg3[%dma_start3A_85, %dma_start3A_86] : memref<100000x64xf32, #tpu.memory_space<hbm>> -> memref<100000x64xf32, #tpu.memory_space<hbm>>
    tpu.enqueue_indirect_dma source(%dma_start3A_87 : memref<100000x64xf32, #tpu.memory_space<hbm>>) target(%dma_start3A_81 : memref<100x64xf32, #tpu.memory_space<vmem>>) offsets(%dma_start3A_84 : memref<100xi32, #tpu.memory_space<vmem>>) semaphore(%arg13 : memref<!tpu.dma_semaphore, #tpu.memory_space<semaphore_mem>>)
    %dma_start3A_88 = arith.constant 7 : i32
    %dma_start3A_89 = arith.constant 7 : i32
    %dma_start3A_90 = arith.constant 0 : i32
    %dma_start3A_91 = arith.constant 0 : i32
    %dma_start3A_92 = tpu.memref_slice %arg6[%dma_start3A_89, %dma_start3A_90, %dma_start3A_91] : memref<8x100x64xf32, #tpu.memory_space<vmem>> -> memref<1x100x64xf32, #tpu.memory_space<vmem>>
    %dma_start3A_93 = tpu.memref_squeeze %dma_start3A_92 : memref<1x100x64xf32, #tpu.memory_space<vmem>> -> memref<100x64xf32, #tpu.memory_space<vmem>>
    %dma_start3A_94 = arith.constant 0 : i32
    %dma_start3A_95 = tpu.memref_slice %arg5[%dma_start3A_88, %dma_start3A_94] : memref<256x100xi32, #tpu.memory_space<vmem>> -> memref<1x100xi32, #tpu.memory_space<vmem>>
    %dma_start3A_96 = tpu.memref_squeeze %dma_start3A_95 : memref<1x100xi32, #tpu.memory_space<vmem>> -> memref<100xi32, #tpu.memory_space<vmem>>
    %dma_start3A_97 = arith.constant 0 : i32
    %dma_start3A_98 = arith.constant 0 : i32
    %dma_start3A_99 = tpu.memref_slice %arg3[%dma_start3A_97, %dma_start3A_98] : memref<100000x64xf32, #tpu.memory_space<hbm>> -> memref<100000x64xf32, #tpu.memory_space<hbm>>
    tpu.enqueue_indirect_dma source(%dma_start3A_99 : memref<100000x64xf32, #tpu.memory_space<hbm>>) target(%dma_start3A_93 : memref<100x64xf32, #tpu.memory_space<vmem>>) offsets(%dma_start3A_96 : memref<100xi32, #tpu.memory_space<vmem>>) semaphore(%arg14 : memref<!tpu.dma_semaphore, #tpu.memory_space<semaphore_mem>>)
    %dma_wait3A = arith.constant 0 : i32
    %dma_wait3A_100 = arith.constant 0 : i32
    %dma_wait3A_101 = arith.constant 0 : i32
    %dma_wait3A_102 = arith.constant 0 : i32
    %dma_wait3A_103 = tpu.memref_slice %arg6[%dma_wait3A_100, %dma_wait3A_101, %dma_wait3A_102] : memref<8x100x64xf32, #tpu.memory_space<vmem>> -> memref<1x100x64xf32, #tpu.memory_space<vmem>>
    %dma_wait3A_104 = tpu.memref_squeeze %dma_wait3A_103 : memref<1x100x64xf32, #tpu.memory_space<vmem>> -> memref<100x64xf32, #tpu.memory_space<vmem>>
    %dma_wait3A_105 = arith.constant 0 : i32
    %dma_wait3A_106 = tpu.memref_slice %arg5[%dma_wait3A, %dma_wait3A_105] : memref<256x100xi32, #tpu.memory_space<vmem>> -> memref<1x100xi32, #tpu.memory_space<vmem>>
    %dma_wait3A_107 = tpu.memref_squeeze %dma_wait3A_106 : memref<1x100xi32, #tpu.memory_space<vmem>> -> memref<100xi32, #tpu.memory_space<vmem>>
    %dma_wait3A_108 = arith.constant 0 : i32
    %dma_wait3A_109 = arith.constant 0 : i32
    %dma_wait3A_110 = tpu.memref_slice %arg3[%dma_wait3A_108, %dma_wait3A_109] : memref<100000x64xf32, #tpu.memory_space<hbm>> -> memref<100000x64xf32, #tpu.memory_space<hbm>>
    tpu.wait_indirect_dma semaphore(%arg7 : memref<!tpu.dma_semaphore, #tpu.memory_space<semaphore_mem>>) src(%dma_wait3A_110 : memref<100000x64xf32, #tpu.memory_space<hbm>>) dst(%dma_wait3A_104 : memref<100x64xf32, #tpu.memory_space<vmem>>)
    %add3A_111 = arith.constant 0 : i32
    %add3A_112 = arith.addi %mul3A_4, %add3A_111 : i32
    %add3A_113 = arith.constant 0 : i32
    %add3A_114 = arith.addi %add3A_112, %add3A_113 : i32
    %dma_start3A_115 = arith.constant 0 : i32
    %dma_start3A_116 = arith.constant 0 : i32
    %dma_start3A_117 = arith.constant 0 : i32
    %dma_start3A_118 = tpu.memref_slice %arg6[%dma_start3A_115, %dma_start3A_116, %dma_start3A_117] : memref<8x100x64xf32, #tpu.memory_space<vmem>> -> memref<1x50x64xf32, #tpu.memory_space<vmem>>
    %dma_start3A_119 = tpu.memref_squeeze %dma_start3A_118 : memref<1x50x64xf32, #tpu.memory_space<vmem>> -> memref<50x64xf32, #tpu.memory_space<vmem>>
    %dma_start3A_120 = arith.constant 0 : i32
    %dma_start3A_121 = arith.constant 0 : i32
    %dma_start3A_122 = tpu.memref_slice %arg4[%add3A_114, %dma_start3A_120, %dma_start3A_121] : memref<16384x56x128xf32, #tpu.memory_space<hbm>> -> memref<1x50x64xf32, #tpu.memory_space<hbm>>
    %dma_start3A_123 = tpu.memref_squeeze %dma_start3A_122 : memref<1x50x64xf32, #tpu.memory_space<hbm>> -> memref<50x64xf32, #tpu.memory_space<hbm>>
    %dma_start3A_124 = arith.constant 0 : i32
    %dma_start3A_125 = arith.constant 0 : i32
    %dma_start3A_126 = tpu.memref_slice %arg4[%add3A_114, %dma_start3A_124, %dma_start3A_125] : memref<16384x56x128xf32, #tpu.memory_space<hbm>> -> memref<1x50x64xf32, #tpu.memory_space<hbm>>
    %dma_start3A_127 = tpu.memref_squeeze %dma_start3A_126 : memref<1x50x64xf32, #tpu.memory_space<hbm>> -> memref<50x64xf32, #tpu.memory_space<hbm>>
    %dma_start3A_128 = arith.constant 0 : i32
    %dma_start3A_129 = arith.constant 0 : i32
    %dma_start3A_130 = tpu.memref_slice %arg6[%dma_start3A_115, %dma_start3A_128, %dma_start3A_129] : memref<8x100x64xf32, #tpu.memory_space<vmem>> -> memref<1x50x64xf32, #tpu.memory_space<vmem>>
    %dma_start3A_131 = tpu.memref_squeeze %dma_start3A_130 : memref<1x50x64xf32, #tpu.memory_space<vmem>> -> memref<50x64xf32, #tpu.memory_space<vmem>>
    tpu.enqueue_dma source(%dma_start3A_131 : memref<50x64xf32, #tpu.memory_space<vmem>>) target(%dma_start3A_127 : memref<50x64xf32, #tpu.memory_space<hbm>>) target_semaphore(%arg15 : memref<!tpu.dma_semaphore, #tpu.memory_space<semaphore_mem>>)
    %add3A_132 = arith.constant 0 : i32
    %add3A_133 = arith.addi %mul3A_4, %add3A_132 : i32
    %add3A_134 = arith.constant 1 : i32
    %add3A_135 = arith.addi %add3A_133, %add3A_134 : i32
    %dma_start3A_136 = arith.constant 0 : i32
    %dma_start3A_137 = arith.constant 50 : i32
    %dma_start3A_138 = arith.constant 0 : i32
    %dma_start3A_139 = tpu.memref_slice %arg6[%dma_start3A_136, %dma_start3A_137, %dma_start3A_138] : memref<8x100x64xf32, #tpu.memory_space<vmem>> -> memref<1x50x64xf32, #tpu.memory_space<vmem>>
    %dma_start3A_140 = tpu.memref_squeeze %dma_start3A_139 : memref<1x50x64xf32, #tpu.memory_space<vmem>> -> memref<50x64xf32, #tpu.memory_space<vmem>>
    %dma_start3A_141 = arith.constant 0 : i32
    %dma_start3A_142 = arith.constant 0 : i32
    %dma_start3A_143 = tpu.memref_slice %arg4[%add3A_135, %dma_start3A_141, %dma_start3A_142] : memref<16384x56x128xf32, #tpu.memory_space<hbm>> -> memref<1x50x64xf32, #tpu.memory_space<hbm>>
    %dma_start3A_144 = tpu.memref_squeeze %dma_start3A_143 : memref<1x50x64xf32, #tpu.memory_space<hbm>> -> memref<50x64xf32, #tpu.memory_space<hbm>>
    %dma_start3A_145 = arith.constant 0 : i32
    %dma_start3A_146 = arith.constant 0 : i32
    %dma_start3A_147 = tpu.memref_slice %arg4[%add3A_135, %dma_start3A_145, %dma_start3A_146] : memref<16384x56x128xf32, #tpu.memory_space<hbm>> -> memref<1x50x64xf32, #tpu.memory_space<hbm>>
    %dma_start3A_148 = tpu.memref_squeeze %dma_start3A_147 : memref<1x50x64xf32, #tpu.memory_space<hbm>> -> memref<50x64xf32, #tpu.memory_space<hbm>>
    %dma_start3A_149 = arith.constant 50 : i32
    %dma_start3A_150 = arith.constant 0 : i32
    %dma_start3A_151 = tpu.memref_slice %arg6[%dma_start3A_136, %dma_start3A_149, %dma_start3A_150] : memref<8x100x64xf32, #tpu.memory_space<vmem>> -> memref<1x50x64xf32, #tpu.memory_space<vmem>>
    %dma_start3A_152 = tpu.memref_squeeze %dma_start3A_151 : memref<1x50x64xf32, #tpu.memory_space<vmem>> -> memref<50x64xf32, #tpu.memory_space<vmem>>
    tpu.enqueue_dma source(%dma_start3A_152 : memref<50x64xf32, #tpu.memory_space<vmem>>) target(%dma_start3A_148 : memref<50x64xf32, #tpu.memory_space<hbm>>) target_semaphore(%arg15 : memref<!tpu.dma_semaphore, #tpu.memory_space<semaphore_mem>>)
    %dma_wait3A_153 = arith.constant 0 : i32
    %dma_wait3A_154 = arith.constant 0 : i32
    %dma_wait3A_155 = arith.constant 0 : i32
    %dma_wait3A_156 = tpu.memref_slice %arg6[%dma_wait3A_153, %dma_wait3A_154, %dma_wait3A_155] : memref<8x100x64xf32, #tpu.memory_space<vmem>> -> memref<1x50x64xf32, #tpu.memory_space<vmem>>
    %dma_wait3A_157 = tpu.memref_squeeze %dma_wait3A_156 : memref<1x50x64xf32, #tpu.memory_space<vmem>> -> memref<50x64xf32, #tpu.memory_space<vmem>>
    %dma_wait3A_158 = arith.constant 0 : i32
    %dma_wait3A_159 = arith.constant 0 : i32
    %dma_wait3A_160 = tpu.memref_slice %arg4[%mul3A_4, %dma_wait3A_158, %dma_wait3A_159] : memref<16384x56x128xf32, #tpu.memory_space<hbm>> -> memref<1x50x64xf32, #tpu.memory_space<hbm>>
    %dma_wait3A_161 = tpu.memref_squeeze %dma_wait3A_160 : memref<1x50x64xf32, #tpu.memory_space<hbm>> -> memref<50x64xf32, #tpu.memory_space<hbm>>
    %dma_wait3A_162 = arith.constant 0 : i32
    %dma_wait3A_163 = arith.constant 0 : i32
    %dma_wait3A_164 = tpu.memref_slice %arg4[%mul3A_4, %dma_wait3A_162, %dma_wait3A_163] : memref<16384x56x128xf32, #tpu.memory_space<hbm>> -> memref<1x50x64xf32, #tpu.memory_space<hbm>>
    %dma_wait3A_165 = tpu.memref_squeeze %dma_wait3A_164 : memref<1x50x64xf32, #tpu.memory_space<hbm>> -> memref<50x64xf32, #tpu.memory_space<hbm>>
    %dma_wait3A_166 = arith.constant 0 : i32
    %dma_wait3A_167 = arith.constant 0 : i32
    %dma_wait3A_168 = tpu.memref_slice %arg6[%dma_wait3A_153, %dma_wait3A_166, %dma_wait3A_167] : memref<8x100x64xf32, #tpu.memory_space<vmem>> -> memref<1x50x64xf32, #tpu.memory_space<vmem>>
    %dma_wait3A_169 = tpu.memref_squeeze %dma_wait3A_168 : memref<1x50x64xf32, #tpu.memory_space<vmem>> -> memref<50x64xf32, #tpu.memory_space<vmem>>
    tpu.wait_dma2 semaphore(%arg15 : memref<!tpu.dma_semaphore, #tpu.memory_space<semaphore_mem>>) src(%dma_wait3A_169 : memref<50x64xf32, #tpu.memory_space<vmem>>) dst(%dma_wait3A_165 : memref<50x64xf32, #tpu.memory_space<hbm>>)
    %dma_wait3A_170 = arith.constant 0 : i32
    %dma_wait3A_171 = arith.constant 50 : i32
    %dma_wait3A_172 = arith.constant 0 : i32
    %dma_wait3A_173 = tpu.memref_slice %arg6[%dma_wait3A_170, %dma_wait3A_171, %dma_wait3A_172] : memref<8x100x64xf32, #tpu.memory_space<vmem>> -> memref<1x50x64xf32, #tpu.memory_space<vmem>>
    %dma_wait3A_174 = tpu.memref_squeeze %dma_wait3A_173 : memref<1x50x64xf32, #tpu.memory_space<vmem>> -> memref<50x64xf32, #tpu.memory_space<vmem>>
    %dma_wait3A_175 = arith.constant 0 : i32
    %dma_wait3A_176 = arith.constant 0 : i32
    %dma_wait3A_177 = tpu.memref_slice %arg4[%mul3A_4, %dma_wait3A_175, %dma_wait3A_176] : memref<16384x56x128xf32, #tpu.memory_space<hbm>> -> memref<1x50x64xf32, #tpu.memory_space<hbm>>
    %dma_wait3A_178 = tpu.memref_squeeze %dma_wait3A_177 : memref<1x50x64xf32, #tpu.memory_space<hbm>> -> memref<50x64xf32, #tpu.memory_space<hbm>>
    %dma_wait3A_179 = arith.constant 0 : i32
    %dma_wait3A_180 = arith.constant 0 : i32
    %dma_wait3A_181 = tpu.memref_slice %arg4[%mul3A_4, %dma_wait3A_179, %dma_wait3A_180] : memref<16384x56x128xf32, #tpu.memory_space<hbm>> -> memref<1x50x64xf32, #tpu.memory_space<hbm>>
    %dma_wait3A_182 = tpu.memref_squeeze %dma_wait3A_181 : memref<1x50x64xf32, #tpu.memory_space<hbm>> -> memref<50x64xf32, #tpu.memory_space<hbm>>
    %dma_wait3A_183 = arith.constant 50 : i32
    %dma_wait3A_184 = arith.constant 0 : i32
    %dma_wait3A_185 = tpu.memref_slice %arg6[%dma_wait3A_170, %dma_wait3A_183, %dma_wait3A_184] : memref<8x100x64xf32, #tpu.memory_space<vmem>> -> memref<1x50x64xf32, #tpu.memory_space<vmem>>
    %dma_wait3A_186 = tpu.memref_squeeze %dma_wait3A_185 : memref<1x50x64xf32, #tpu.memory_space<vmem>> -> memref<50x64xf32, #tpu.memory_space<vmem>>
    tpu.wait_dma2 semaphore(%arg15 : memref<!tpu.dma_semaphore, #tpu.memory_space<semaphore_mem>>) src(%dma_wait3A_186 : memref<50x64xf32, #tpu.memory_space<vmem>>) dst(%dma_wait3A_182 : memref<50x64xf32, #tpu.memory_space<hbm>>)
    %dma_start3A_187 = arith.constant 8 : i32
    %dma_start3A_188 = arith.constant 0 : i32
    %dma_start3A_189 = arith.constant 0 : i32
    %dma_start3A_190 = arith.constant 0 : i32
    %dma_start3A_191 = tpu.memref_slice %arg6[%dma_start3A_188, %dma_start3A_189, %dma_start3A_190] : memref<8x100x64xf32, #tpu.memory_space<vmem>> -> memref<1x100x64xf32, #tpu.memory_space<vmem>>
    %dma_start3A_192 = tpu.memref_squeeze %dma_start3A_191 : memref<1x100x64xf32, #tpu.memory_space<vmem>> -> memref<100x64xf32, #tpu.memory_space<vmem>>
    %dma_start3A_193 = arith.constant 0 : i32
    %dma_start3A_194 = tpu.memref_slice %arg5[%dma_start3A_187, %dma_start3A_193] : memref<256x100xi32, #tpu.memory_space<vmem>> -> memref<1x100xi32, #tpu.memory_space<vmem>>
    %dma_start3A_195 = tpu.memref_squeeze %dma_start3A_194 : memref<1x100xi32, #tpu.memory_space<vmem>> -> memref<100xi32, #tpu.memory_space<vmem>>
    %dma_start3A_196 = arith.constant 0 : i32
    %dma_start3A_197 = arith.constant 0 : i32
    %dma_start3A_198 = tpu.memref_slice %arg3[%dma_start3A_196, %dma_start3A_197] : memref<100000x64xf32, #tpu.memory_space<hbm>> -> memref<100000x64xf32, #tpu.memory_space<hbm>>
    tpu.enqueue_indirect_dma source(%dma_start3A_198 : memref<100000x64xf32, #tpu.memory_space<hbm>>) target(%dma_start3A_192 : memref<100x64xf32, #tpu.memory_space<vmem>>) offsets(%dma_start3A_195 : memref<100xi32, #tpu.memory_space<vmem>>) semaphore(%arg7 : memref<!tpu.dma_semaphore, #tpu.memory_space<semaphore_mem>>)
    %dma_wait3A_199 = arith.constant 0 : i32
    %dma_wait3A_200 = arith.constant 1 : i32
    %dma_wait3A_201 = arith.constant 0 : i32
    %dma_wait3A_202 = arith.constant 0 : i32
    %dma_wait3A_203 = tpu.memref_slice %arg6[%dma_wait3A_200, %dma_wait3A_201, %dma_wait3A_202] : memref<8x100x64xf32, #tpu.memory_space<vmem>> -> memref<1x100x64xf32, #tpu.memory_space<vmem>>
    %dma_wait3A_204 = tpu.memref_squeeze %dma_wait3A_203 : memref<1x100x64xf32, #tpu.memory_space<vmem>> -> memref<100x64xf32, #tpu.memory_space<vmem>>
    %dma_wait3A_205 = arith.constant 0 : i32
    %dma_wait3A_206 = tpu.memref_slice %arg5[%dma_wait3A_199, %dma_wait3A_205] : memref<256x100xi32, #tpu.memory_space<vmem>> -> memref<1x100xi32, #tpu.memory_space<vmem>>
    %dma_wait3A_207 = tpu.memref_squeeze %dma_wait3A_206 : memref<1x100xi32, #tpu.memory_space<vmem>> -> memref<100xi32, #tpu.memory_space<vmem>>
    %dma_wait3A_208 = arith.constant 0 : i32
    %dma_wait3A_209 = arith.constant 0 : i32
    %dma_wait3A_210 = tpu.memref_slice %arg3[%dma_wait3A_208, %dma_wait3A_209] : memref<100000x64xf32, #tpu.memory_space<hbm>> -> memref<100000x64xf32, #tpu.memory_space<hbm>>
    tpu.wait_indirect_dma semaphore(%arg8 : memref<!tpu.dma_semaphore, #tpu.memory_space<semaphore_mem>>) src(%dma_wait3A_210 : memref<100000x64xf32, #tpu.memory_space<hbm>>) dst(%dma_wait3A_204 : memref<100x64xf32, #tpu.memory_space<vmem>>)
    %add3A_211 = arith.constant 2 : i32
    %add3A_212 = arith.addi %mul3A_4, %add3A_211 : i32
    %add3A_213 = arith.constant 0 : i32
    %add3A_214 = arith.addi %add3A_212, %add3A_213 : i32
    %dma_start3A_215 = arith.constant 1 : i32
    %dma_start3A_216 = arith.constant 0 : i32
    %dma_start3A_217 = arith.constant 0 : i32
    %dma_start3A_218 = tpu.memref_slice %arg6[%dma_start3A_215, %dma_start3A_216, %dma_start3A_217] : memref<8x100x64xf32, #tpu.memory_space<vmem>> -> memref<1x50x64xf32, #tpu.memory_space<vmem>>
    %dma_start3A_219 = tpu.memref_squeeze %dma_start3A_218 : memref<1x50x64xf32, #tpu.memory_space<vmem>> -> memref<50x64xf32, #tpu.memory_space<vmem>>
    %dma_start3A_220 = arith.constant 0 : i32
    %dma_start3A_221 = arith.constant 0 : i32
    %dma_start3A_222 = tpu.memref_slice %arg4[%add3A_214, %dma_start3A_220, %dma_start3A_221] : memref<16384x56x128xf32, #tpu.memory_space<hbm>> -> memref<1x50x64xf32, #tpu.memory_space<hbm>>
    %dma_start3A_223 = tpu.memref_squeeze %dma_start3A_222 : memref<1x50x64xf32, #tpu.memory_space<hbm>> -> memref<50x64xf32, #tpu.memory_space<hbm>>
    %dma_start3A_224 = arith.constant 0 : i32
    %dma_start3A_225 = arith.constant 0 : i32
    %dma_start3A_226 = tpu.memref_slice %arg4[%add3A_214, %dma_start3A_224, %dma_start3A_225] : memref<16384x56x128xf32, #tpu.memory_space<hbm>> -> memref<1x50x64xf32, #tpu.memory_space<hbm>>
    %dma_start3A_227 = tpu.memref_squeeze %dma_start3A_226 : memref<1x50x64xf32, #tpu.memory_space<hbm>> -> memref<50x64xf32, #tpu.memory_space<hbm>>
    %dma_start3A_228 = arith.constant 0 : i32
    %dma_start3A_229 = arith.constant 0 : i32
    %dma_start3A_230 = tpu.memref_slice %arg6[%dma_start3A_215, %dma_start3A_228, %dma_start3A_229] : memref<8x100x64xf32, #tpu.memory_space<vmem>> -> memref<1x50x64xf32, #tpu.memory_space<vmem>>
    %dma_start3A_231 = tpu.memref_squeeze %dma_start3A_230 : memref<1x50x64xf32, #tpu.memory_space<vmem>> -> memref<50x64xf32, #tpu.memory_space<vmem>>
    tpu.enqueue_dma source(%dma_start3A_231 : memref<50x64xf32, #tpu.memory_space<vmem>>) target(%dma_start3A_227 : memref<50x64xf32, #tpu.memory_space<hbm>>) target_semaphore(%arg16 : memref<!tpu.dma_semaphore, #tpu.memory_space<semaphore_mem>>)
    %add3A_232 = arith.constant 2 : i32
    %add3A_233 = arith.addi %mul3A_4, %add3A_232 : i32
    %add3A_234 = arith.constant 1 : i32
    %add3A_235 = arith.addi %add3A_233, %add3A_234 : i32
    %dma_start3A_236 = arith.constant 1 : i32
    %dma_start3A_237 = arith.constant 50 : i32
    %dma_start3A_238 = arith.constant 0 : i32
    %dma_start3A_239 = tpu.memref_slice %arg6[%dma_start3A_236, %dma_start3A_237, %dma_start3A_238] : memref<8x100x64xf32, #tpu.memory_space<vmem>> -> memref<1x50x64xf32, #tpu.memory_space<vmem>>
    %dma_start3A_240 = tpu.memref_squeeze %dma_start3A_239 : memref<1x50x64xf32, #tpu.memory_space<vmem>> -> memref<50x64xf32, #tpu.memory_space<vmem>>
    %dma_start3A_241 = arith.constant 0 : i32
    %dma_start3A_242 = arith.constant 0 : i32
    %dma_start3A_243 = tpu.memref_slice %arg4[%add3A_235, %dma_start3A_241, %dma_start3A_242] : memref<16384x56x128xf32, #tpu.memory_space<hbm>> -> memref<1x50x64xf32, #tpu.memory_space<hbm>>
    %dma_start3A_244 = tpu.memref_squeeze %dma_start3A_243 : memref<1x50x64xf32, #tpu.memory_space<hbm>> -> memref<50x64xf32, #tpu.memory_space<hbm>>
    %dma_start3A_245 = arith.constant 0 : i32
    %dma_start3A_246 = arith.constant 0 : i32
    %dma_start3A_247 = tpu.memref_slice %arg4[%add3A_235, %dma_start3A_245, %dma_start3A_246] : memref<16384x56x128xf32, #tpu.memory_space<hbm>> -> memref<1x50x64xf32, #tpu.memory_space<hbm>>
    %dma_start3A_248 = tpu.memref_squeeze %dma_start3A_247 : memref<1x50x64xf32, #tpu.memory_space<hbm>> -> memref<50x64xf32, #tpu.memory_space<hbm>>
    %dma_start3A_249 = arith.constant 50 : i32
    %dma_start3A_250 = arith.constant 0 : i32
    %dma_start3A_251 = tpu.memref_slice %arg6[%dma_start3A_236, %dma_start3A_249, %dma_start3A_250] : memref<8x100x64xf32, #tpu.memory_space<vmem>> -> memref<1x50x64xf32, #tpu.memory_space<vmem>>
    %dma_start3A_252 = tpu.memref_squeeze %dma_start3A_251 : memref<1x50x64xf32, #tpu.memory_space<vmem>> -> memref<50x64xf32, #tpu.memory_space<vmem>>
    tpu.enqueue_dma source(%dma_start3A_252 : memref<50x64xf32, #tpu.memory_space<vmem>>) target(%dma_start3A_248 : memref<50x64xf32, #tpu.memory_space<hbm>>) target_semaphore(%arg16 : memref<!tpu.dma_semaphore, #tpu.memory_space<semaphore_mem>>)
    %dma_wait3A_253 = arith.constant 1 : i32
    %dma_wait3A_254 = arith.constant 0 : i32
    %dma_wait3A_255 = arith.constant 0 : i32
    %dma_wait3A_256 = tpu.memref_slice %arg6[%dma_wait3A_253, %dma_wait3A_254, %dma_wait3A_255] : memref<8x100x64xf32, #tpu.memory_space<vmem>> -> memref<1x50x64xf32, #tpu.memory_space<vmem>>
    %dma_wait3A_257 = tpu.memref_squeeze %dma_wait3A_256 : memref<1x50x64xf32, #tpu.memory_space<vmem>> -> memref<50x64xf32, #tpu.memory_space<vmem>>
    %dma_wait3A_258 = arith.constant 0 : i32
    %dma_wait3A_259 = arith.constant 0 : i32
    %dma_wait3A_260 = tpu.memref_slice %arg4[%mul3A_4, %dma_wait3A_258, %dma_wait3A_259] : memref<16384x56x128xf32, #tpu.memory_space<hbm>> -> memref<1x50x64xf32, #tpu.memory_space<hbm>>
    %dma_wait3A_261 = tpu.memref_squeeze %dma_wait3A_260 : memref<1x50x64xf32, #tpu.memory_space<hbm>> -> memref<50x64xf32, #tpu.memory_space<hbm>>
    %dma_wait3A_262 = arith.constant 0 : i32
    %dma_wait3A_263 = arith.constant 0 : i32
    %dma_wait3A_264 = tpu.memref_slice %arg4[%mul3A_4, %dma_wait3A_262, %dma_wait3A_263] : memref<16384x56x128xf32, #tpu.memory_space<hbm>> -> memref<1x50x64xf32, #tpu.memory_space<hbm>>
    %dma_wait3A_265 = tpu.memref_squeeze %dma_wait3A_264 : memref<1x50x64xf32, #tpu.memory_space<hbm>> -> memref<50x64xf32, #tpu.memory_space<hbm>>
    %dma_wait3A_266 = arith.constant 0 : i32
    %dma_wait3A_267 = arith.constant 0 : i32
    %dma_wait3A_268 = tpu.memref_slice %arg6[%dma_wait3A_253, %dma_wait3A_266, %dma_wait3A_267] : memref<8x100x64xf32, #tpu.memory_space<vmem>> -> memref<1x50x64xf32, #tpu.memory_space<vmem>>
    %dma_wait3A_269 = tpu.memref_squeeze %dma_wait3A_268 : memref<1x50x64xf32, #tpu.memory_space<vmem>> -> memref<50x64xf32, #tpu.memory_space<vmem>>
    tpu.wait_dma2 semaphore(%arg16 : memref<!tpu.dma_semaphore, #tpu.memory_space<semaphore_mem>>) src(%dma_wait3A_269 : memref<50x64xf32, #tpu.memory_space<vmem>>) dst(%dma_wait3A_265 : memref<50x64xf32, #tpu.memory_space<hbm>>)
    %dma_wait3A_270 = arith.constant 1 : i32
    %dma_wait3A_271 = arith.constant 50 : i32
    %dma_wait3A_272 = arith.constant 0 : i32
    %dma_wait3A_273 = tpu.memref_slice %arg6[%dma_wait3A_270, %dma_wait3A_271, %dma_wait3A_272] : memref<8x100x64xf32, #tpu.memory_space<vmem>> -> memref<1x50x64xf32, #tpu.memory_space<vmem>>
    %dma_wait3A_274 = tpu.memref_squeeze %dma_wait3A_273 : memref<1x50x64xf32, #tpu.memory_space<vmem>> -> memref<50x64xf32, #tpu.memory_space<vmem>>
    %dma_wait3A_275 = arith.constant 0 : i32
    %dma_wait3A_276 = arith.constant 0 : i32
    %dma_wait3A_277 = tpu.memref_slice %arg4[%mul3A_4, %dma_wait3A_275, %dma_wait3A_276] : memref<16384x56x128xf32, #tpu.memory_space<hbm>> -> memref<1x50x64xf32, #tpu.memory_space<hbm>>
    %dma_wait3A_278 = tpu.memref_squeeze %dma_wait3A_277 : memref<1x50x64xf32, #tpu.memory_space<hbm>> -> memref<50x64xf32, #tpu.memory_space<hbm>>
    %dma_wait3A_279 = arith.constant 0 : i32
    %dma_wait3A_280 = arith.constant 0 : i32
    %dma_wait3A_281 = tpu.memref_slice %arg4[%mul3A_4, %dma_wait3A_279, %dma_wait3A_280] : memref<16384x56x128xf32, #tpu.memory_space<hbm>> -> memref<1x50x64xf32, #tpu.memory_space<hbm>>
    %dma_wait3A_282 = tpu.memref_squeeze %dma_wait3A_281 : memref<1x50x64xf32, #tpu.memory_space<hbm>> -> memref<50x64xf32, #tpu.memory_space<hbm>>
    %dma_wait3A_283 = arith.constant 50 : i32
    %dma_wait3A_284 = arith.constant 0 : i32
    %dma_wait3A_285 = tpu.memref_slice %arg6[%dma_wait3A_270, %dma_wait3A_283, %dma_wait3A_284] : memref<8x100x64xf32, #tpu.memory_space<vmem>> -> memref<1x50x64xf32, #tpu.memory_space<vmem>>
    %dma_wait3A_286 = tpu.memref_squeeze %dma_wait3A_285 : memref<1x50x64xf32, #tpu.memory_space<vmem>> -> memref<50x64xf32, #tpu.memory_space<vmem>>
    tpu.wait_dma2 semaphore(%arg16 : memref<!tpu.dma_semaphore, #tpu.memory_space<semaphore_mem>>) src(%dma_wait3A_286 : memref<50x64xf32, #tpu.memory_space<vmem>>) dst(%dma_wait3A_282 : memref<50x64xf32, #tpu.memory_space<hbm>>)
    %dma_start3A_287 = arith.constant 9 : i32
    %dma_start3A_288 = arith.constant 1 : i32
    %dma_start3A_289 = arith.constant 0 : i32
    %dma_start3A_290 = arith.constant 0 : i32
    %dma_start3A_291 = tpu.memref_slice %arg6[%dma_start3A_288, %dma_start3A_289, %dma_start3A_290] : memref<8x100x64xf32, #tpu.memory_space<vmem>> -> memref<1x100x64xf32, #tpu.memory_space<vmem>>
    %dma_start3A_292 = tpu.memref_squeeze %dma_start3A_291 : memref<1x100x64xf32, #tpu.memory_space<vmem>> -> memref<100x64xf32, #tpu.memory_space<vmem>>
    %dma_start3A_293 = arith.constant 0 : i32
    %dma_start3A_294 = tpu.memref_slice %arg5[%dma_start3A_287, %dma_start3A_293] : memref<256x100xi32, #tpu.memory_space<vmem>> -> memref<1x100xi32, #tpu.memory_space<vmem>>
    %dma_start3A_295 = tpu.memref_squeeze %dma_start3A_294 : memref<1x100xi32, #tpu.memory_space<vmem>> -> memref<100xi32, #tpu.memory_space<vmem>>
    %dma_start3A_296 = arith.constant 0 : i32
    %dma_start3A_297 = arith.constant 0 : i32
    %dma_start3A_298 = tpu.memref_slice %arg3[%dma_start3A_296, %dma_start3A_297] : memref<100000x64xf32, #tpu.memory_space<hbm>> -> memref<100000x64xf32, #tpu.memory_space<hbm>>
    tpu.enqueue_indirect_dma source(%dma_start3A_298 : memref<100000x64xf32, #tpu.memory_space<hbm>>) target(%dma_start3A_292 : memref<100x64xf32, #tpu.memory_space<vmem>>) offsets(%dma_start3A_295 : memref<100xi32, #tpu.memory_space<vmem>>) semaphore(%arg8 : memref<!tpu.dma_semaphore, #tpu.memory_space<semaphore_mem>>)
    %dma_wait3A_299 = arith.constant 0 : i32
    %dma_wait3A_300 = arith.constant 2 : i32
    %dma_wait3A_301 = arith.constant 0 : i32
    %dma_wait3A_302 = arith.constant 0 : i32
    %dma_wait3A_303 = tpu.memref_slice %arg6[%dma_wait3A_300, %dma_wait3A_301, %dma_wait3A_302] : memref<8x100x64xf32, #tpu.memory_space<vmem>> -> memref<1x100x64xf32, #tpu.memory_space<vmem>>
    %dma_wait3A_304 = tpu.memref_squeeze %dma_wait3A_303 : memref<1x100x64xf32, #tpu.memory_space<vmem>> -> memref<100x64xf32, #tpu.memory_space<vmem>>
    %dma_wait3A_305 = arith.constant 0 : i32
    %dma_wait3A_306 = tpu.memref_slice %arg5[%dma_wait3A_299, %dma_wait3A_305] : memref<256x100xi32, #tpu.memory_space<vmem>> -> memref<1x100xi32, #tpu.memory_space<vmem>>
    %dma_wait3A_307 = tpu.memref_squeeze %dma_wait3A_306 : memref<1x100xi32, #tpu.memory_space<vmem>> -> memref<100xi32, #tpu.memory_space<vmem>>
    %dma_wait3A_308 = arith.constant 0 : i32
    %dma_wait3A_309 = arith.constant 0 : i32
    %dma_wait3A_310 = tpu.memref_slice %arg3[%dma_wait3A_308, %dma_wait3A_309] : memref<100000x64xf32, #tpu.memory_space<hbm>> -> memref<100000x64xf32, #tpu.memory_space<hbm>>
    tpu.wait_indirect_dma semaphore(%arg9 : memref<!tpu.dma_semaphore, #tpu.memory_space<semaphore_mem>>) src(%dma_wait3A_310 : memref<100000x64xf32, #tpu.memory_space<hbm>>) dst(%dma_wait3A_304 : memref<100x64xf32, #tpu.memory_space<vmem>>)
    %add3A_311 = arith.constant 4 : i32
    %add3A_312 = arith.addi %mul3A_4, %add3A_311 : i32
    %add3A_313 = arith.constant 0 : i32
    %add3A_314 = arith.addi %add3A_312, %add3A_313 : i32
    %dma_start3A_315 = arith.constant 2 : i32
    %dma_start3A_316 = arith.constant 0 : i32
    %dma_start3A_317 = arith.constant 0 : i32
    %dma_start3A_318 = tpu.memref_slice %arg6[%dma_start3A_315, %dma_start3A_316, %dma_start3A_317] : memref<8x100x64xf32, #tpu.memory_space<vmem>> -> memref<1x50x64xf32, #tpu.memory_space<vmem>>
    %dma_start3A_319 = tpu.memref_squeeze %dma_start3A_318 : memref<1x50x64xf32, #tpu.memory_space<vmem>> -> memref<50x64xf32, #tpu.memory_space<vmem>>
    %dma_start3A_320 = arith.constant 0 : i32
    %dma_start3A_321 = arith.constant 0 : i32
    %dma_start3A_322 = tpu.memref_slice %arg4[%add3A_314, %dma_start3A_320, %dma_start3A_321] : memref<16384x56x128xf32, #tpu.memory_space<hbm>> -> memref<1x50x64xf32, #tpu.memory_space<hbm>>
    %dma_start3A_323 = tpu.memref_squeeze %dma_start3A_322 : memref<1x50x64xf32, #tpu.memory_space<hbm>> -> memref<50x64xf32, #tpu.memory_space<hbm>>
    %dma_start3A_324 = arith.constant 0 : i32
    %dma_start3A_325 = arith.constant 0 : i32
    %dma_start3A_326 = tpu.memref_slice %arg4[%add3A_314, %dma_start3A_324, %dma_start3A_325] : memref<16384x56x128xf32, #tpu.memory_space<hbm>> -> memref<1x50x64xf32, #tpu.memory_space<hbm>>
    %dma_start3A_327 = tpu.memref_squeeze %dma_start3A_326 : memref<1x50x64xf32, #tpu.memory_space<hbm>> -> memref<50x64xf32, #tpu.memory_space<hbm>>
    %dma_start3A_328 = arith.constant 0 : i32
    %dma_start3A_329 = arith.constant 0 : i32
    %dma_start3A_330 = tpu.memref_slice %arg6[%dma_start3A_315, %dma_start3A_328, %dma_start3A_329] : memref<8x100x64xf32, #tpu.memory_space<vmem>> -> memref<1x50x64xf32, #tpu.memory_space<vmem>>
    %dma_start3A_331 = tpu.memref_squeeze %dma_start3A_330 : memref<1x50x64xf32, #tpu.memory_space<vmem>> -> memref<50x64xf32, #tpu.memory_space<vmem>>
    tpu.enqueue_dma source(%dma_start3A_331 : memref<50x64xf32, #tpu.memory_space<vmem>>) target(%dma_start3A_327 : memref<50x64xf32, #tpu.memory_space<hbm>>) target_semaphore(%arg17 : memref<!tpu.dma_semaphore, #tpu.memory_space<semaphore_mem>>)
    %add3A_332 = arith.constant 4 : i32
    %add3A_333 = arith.addi %mul3A_4, %add3A_332 : i32
    %add3A_334 = arith.constant 1 : i32
    %add3A_335 = arith.addi %add3A_333, %add3A_334 : i32
    %dma_start3A_336 = arith.constant 2 : i32
    %dma_start3A_337 = arith.constant 50 : i32
    %dma_start3A_338 = arith.constant 0 : i32
    %dma_start3A_339 = tpu.memref_slice %arg6[%dma_start3A_336, %dma_start3A_337, %dma_start3A_338] : memref<8x100x64xf32, #tpu.memory_space<vmem>> -> memref<1x50x64xf32, #tpu.memory_space<vmem>>
    %dma_start3A_340 = tpu.memref_squeeze %dma_start3A_339 : memref<1x50x64xf32, #tpu.memory_space<vmem>> -> memref<50x64xf32, #tpu.memory_space<vmem>>
    %dma_start3A_341 = arith.constant 0 : i32
    %dma_start3A_342 = arith.constant 0 : i32
    %dma_start3A_343 = tpu.memref_slice %arg4[%add3A_335, %dma_start3A_341, %dma_start3A_342] : memref<16384x56x128xf32, #tpu.memory_space<hbm>> -> memref<1x50x64xf32, #tpu.memory_space<hbm>>
    %dma_start3A_344 = tpu.memref_squeeze %dma_start3A_343 : memref<1x50x64xf32, #tpu.memory_space<hbm>> -> memref<50x64xf32, #tpu.memory_space<hbm>>
    %dma_start3A_345 = arith.constant 0 : i32
    %dma_start3A_346 = arith.constant 0 : i32
    %dma_start3A_347 = tpu.memref_slice %arg4[%add3A_335, %dma_start3A_345, %dma_start3A_346] : memref<16384x56x128xf32, #tpu.memory_space<hbm>> -> memref<1x50x64xf32, #tpu.memory_space<hbm>>
    %dma_start3A_348 = tpu.memref_squeeze %dma_start3A_347 : memref<1x50x64xf32, #tpu.memory_space<hbm>> -> memref<50x64xf32, #tpu.memory_space<hbm>>
    %dma_start3A_349 = arith.constant 50 : i32
    %dma_start3A_350 = arith.constant 0 : i32
    %dma_start3A_351 = tpu.memref_slice %arg6[%dma_start3A_336, %dma_start3A_349, %dma_start3A_350] : memref<8x100x64xf32, #tpu.memory_space<vmem>> -> memref<1x50x64xf32, #tpu.memory_space<vmem>>
    %dma_start3A_352 = tpu.memref_squeeze %dma_start3A_351 : memref<1x50x64xf32, #tpu.memory_space<vmem>> -> memref<50x64xf32, #tpu.memory_space<vmem>>
    tpu.enqueue_dma source(%dma_start3A_352 : memref<50x64xf32, #tpu.memory_space<vmem>>) target(%dma_start3A_348 : memref<50x64xf32, #tpu.memory_space<hbm>>) target_semaphore(%arg17 : memref<!tpu.dma_semaphore, #tpu.memory_space<semaphore_mem>>)
    %dma_wait3A_353 = arith.constant 2 : i32
    %dma_wait3A_354 = arith.constant 0 : i32
    %dma_wait3A_355 = arith.constant 0 : i32
    %dma_wait3A_356 = tpu.memref_slice %arg6[%dma_wait3A_353, %dma_wait3A_354, %dma_wait3A_355] : memref<8x100x64xf32, #tpu.memory_space<vmem>> -> memref<1x50x64xf32, #tpu.memory_space<vmem>>
    %dma_wait3A_357 = tpu.memref_squeeze %dma_wait3A_356 : memref<1x50x64xf32, #tpu.memory_space<vmem>> -> memref<50x64xf32, #tpu.memory_space<vmem>>
    %dma_wait3A_358 = arith.constant 0 : i32
    %dma_wait3A_359 = arith.constant 0 : i32
    %dma_wait3A_360 = tpu.memref_slice %arg4[%mul3A_4, %dma_wait3A_358, %dma_wait3A_359] : memref<16384x56x128xf32, #tpu.memory_space<hbm>> -> memref<1x50x64xf32, #tpu.memory_space<hbm>>
    %dma_wait3A_361 = tpu.memref_squeeze %dma_wait3A_360 : memref<1x50x64xf32, #tpu.memory_space<hbm>> -> memref<50x64xf32, #tpu.memory_space<hbm>>
    %dma_wait3A_362 = arith.constant 0 : i32
    %dma_wait3A_363 = arith.constant 0 : i32
    %dma_wait3A_364 = tpu.memref_slice %arg4[%mul3A_4, %dma_wait3A_362, %dma_wait3A_363] : memref<16384x56x128xf32, #tpu.memory_space<hbm>> -> memref<1x50x64xf32, #tpu.memory_space<hbm>>
    %dma_wait3A_365 = tpu.memref_squeeze %dma_wait3A_364 : memref<1x50x64xf32, #tpu.memory_space<hbm>> -> memref<50x64xf32, #tpu.memory_space<hbm>>
    %dma_wait3A_366 = arith.constant 0 : i32
    %dma_wait3A_367 = arith.constant 0 : i32
    %dma_wait3A_368 = tpu.memref_slice %arg6[%dma_wait3A_353, %dma_wait3A_366, %dma_wait3A_367] : memref<8x100x64xf32, #tpu.memory_space<vmem>> -> memref<1x50x64xf32, #tpu.memory_space<vmem>>
    %dma_wait3A_369 = tpu.memref_squeeze %dma_wait3A_368 : memref<1x50x64xf32, #tpu.memory_space<vmem>> -> memref<50x64xf32, #tpu.memory_space<vmem>>
    tpu.wait_dma2 semaphore(%arg17 : memref<!tpu.dma_semaphore, #tpu.memory_space<semaphore_mem>>) src(%dma_wait3A_369 : memref<50x64xf32, #tpu.memory_space<vmem>>) dst(%dma_wait3A_365 : memref<50x64xf32, #tpu.memory_space<hbm>>)
    %dma_wait3A_370 = arith.constant 2 : i32
    %dma_wait3A_371 = arith.constant 50 : i32
    %dma_wait3A_372 = arith.constant 0 : i32
    %dma_wait3A_373 = tpu.memref_slice %arg6[%dma_wait3A_370, %dma_wait3A_371, %dma_wait3A_372] : memref<8x100x64xf32, #tpu.memory_space<vmem>> -> memref<1x50x64xf32, #tpu.memory_space<vmem>>
    %dma_wait3A_374 = tpu.memref_squeeze %dma_wait3A_373 : memref<1x50x64xf32, #tpu.memory_space<vmem>> -> memref<50x64xf32, #tpu.memory_space<vmem>>
    %dma_wait3A_375 = arith.constant 0 : i32
    %dma_wait3A_376 = arith.constant 0 : i32
    %dma_wait3A_377 = tpu.memref_slice %arg4[%mul3A_4, %dma_wait3A_375, %dma_wait3A_376] : memref<16384x56x128xf32, #tpu.memory_space<hbm>> -> memref<1x50x64xf32, #tpu.memory_space<hbm>>
    %dma_wait3A_378 = tpu.memref_squeeze %dma_wait3A_377 : memref<1x50x64xf32, #tpu.memory_space<hbm>> -> memref<50x64xf32, #tpu.memory_space<hbm>>
    %dma_wait3A_379 = arith.constant 0 : i32
    %dma_wait3A_380 = arith.constant 0 : i32
    %dma_wait3A_381 = tpu.memref_slice %arg4[%mul3A_4, %dma_wait3A_379, %dma_wait3A_380] : memref<16384x56x128xf32, #tpu.memory_space<hbm>> -> memref<1x50x64xf32, #tpu.memory_space<hbm>>
    %dma_wait3A_382 = tpu.memref_squeeze %dma_wait3A_381 : memref<1x50x64xf32, #tpu.memory_space<hbm>> -> memref<50x64xf32, #tpu.memory_space<hbm>>
    %dma_wait3A_383 = arith.constant 50 : i32
    %dma_wait3A_384 = arith.constant 0 : i32
    %dma_wait3A_385 = tpu.memref_slice %arg6[%dma_wait3A_370, %dma_wait3A_383, %dma_wait3A_384] : memref<8x100x64xf32, #tpu.memory_space<vmem>> -> memref<1x50x64xf32, #tpu.memory_space<vmem>>
    %dma_wait3A_386 = tpu.memref_squeeze %dma_wait3A_385 : memref<1x50x64xf32, #tpu.memory_space<vmem>> -> memref<50x64xf32, #tpu.memory_space<vmem>>
    tpu.wait_dma2 semaphore(%arg17 : memref<!tpu.dma_semaphore, #tpu.memory_space<semaphore_mem>>) src(%dma_wait3A_386 : memref<50x64xf32, #tpu.memory_space<vmem>>) dst(%dma_wait3A_382 : memref<50x64xf32, #tpu.memory_space<hbm>>)
    %dma_start3A_387 = arith.constant 10 : i32
    %dma_start3A_388 = arith.constant 2 : i32
    %dma_start3A_389 = arith.constant 0 : i32
    %dma_start3A_390 = arith.constant 0 : i32
    %dma_start3A_391 = tpu.memref_slice %arg6[%dma_start3A_388, %dma_start3A_389, %dma_start3A_390] : memref<8x100x64xf32, #tpu.memory_space<vmem>> -> memref<1x100x64xf32, #tpu.memory_space<vmem>>
    %dma_start3A_392 = tpu.memref_squeeze %dma_start3A_391 : memref<1x100x64xf32, #tpu.memory_space<vmem>> -> memref<100x64xf32, #tpu.memory_space<vmem>>
    %dma_start3A_393 = arith.constant 0 : i32
    %dma_start3A_394 = tpu.memref_slice %arg5[%dma_start3A_387, %dma_start3A_393] : memref<256x100xi32, #tpu.memory_space<vmem>> -> memref<1x100xi32, #tpu.memory_space<vmem>>
    %dma_start3A_395 = tpu.memref_squeeze %dma_start3A_394 : memref<1x100xi32, #tpu.memory_space<vmem>> -> memref<100xi32, #tpu.memory_space<vmem>>
    %dma_start3A_396 = arith.constant 0 : i32
    %dma_start3A_397 = arith.constant 0 : i32
    %dma_start3A_398 = tpu.memref_slice %arg3[%dma_start3A_396, %dma_start3A_397] : memref<100000x64xf32, #tpu.memory_space<hbm>> -> memref<100000x64xf32, #tpu.memory_space<hbm>>
    tpu.enqueue_indirect_dma source(%dma_start3A_398 : memref<100000x64xf32, #tpu.memory_space<hbm>>) target(%dma_start3A_392 : memref<100x64xf32, #tpu.memory_space<vmem>>) offsets(%dma_start3A_395 : memref<100xi32, #tpu.memory_space<vmem>>) semaphore(%arg9 : memref<!tpu.dma_semaphore, #tpu.memory_space<semaphore_mem>>)
    %dma_wait3A_399 = arith.constant 0 : i32
    %dma_wait3A_400 = arith.constant 3 : i32
    %dma_wait3A_401 = arith.constant 0 : i32
    %dma_wait3A_402 = arith.constant 0 : i32
    %dma_wait3A_403 = tpu.memref_slice %arg6[%dma_wait3A_400, %dma_wait3A_401, %dma_wait3A_402] : memref<8x100x64xf32, #tpu.memory_space<vmem>> -> memref<1x100x64xf32, #tpu.memory_space<vmem>>
    %dma_wait3A_404 = tpu.memref_squeeze %dma_wait3A_403 : memref<1x100x64xf32, #tpu.memory_space<vmem>> -> memref<100x64xf32, #tpu.memory_space<vmem>>
    %dma_wait3A_405 = arith.constant 0 : i32
    %dma_wait3A_406 = tpu.memref_slice %arg5[%dma_wait3A_399, %dma_wait3A_405] : memref<256x100xi32, #tpu.memory_space<vmem>> -> memref<1x100xi32, #tpu.memory_space<vmem>>
    %dma_wait3A_407 = tpu.memref_squeeze %dma_wait3A_406 : memref<1x100xi32, #tpu.memory_space<vmem>> -> memref<100xi32, #tpu.memory_space<vmem>>
    %dma_wait3A_408 = arith.constant 0 : i32
    %dma_wait3A_409 = arith.constant 0 : i32
    %dma_wait3A_410 = tpu.memref_slice %arg3[%dma_wait3A_408, %dma_wait3A_409] : memref<100000x64xf32, #tpu.memory_space<hbm>> -> memref<100000x64xf32, #tpu.memory_space<hbm>>
    tpu.wait_indirect_dma semaphore(%arg10 : memref<!tpu.dma_semaphore, #tpu.memory_space<semaphore_mem>>) src(%dma_wait3A_410 : memref<100000x64xf32, #tpu.memory_space<hbm>>) dst(%dma_wait3A_404 : memref<100x64xf32, #tpu.memory_space<vmem>>)
    %add3A_411 = arith.constant 6 : i32
    %add3A_412 = arith.addi %mul3A_4, %add3A_411 : i32
    %add3A_413 = arith.constant 0 : i32
    %add3A_414 = arith.addi %add3A_412, %add3A_413 : i32
    %dma_start3A_415 = arith.constant 3 : i32
    %dma_start3A_416 = arith.constant 0 : i32
    %dma_start3A_417 = arith.constant 0 : i32
    %dma_start3A_418 = tpu.memref_slice %arg6[%dma_start3A_415, %dma_start3A_416, %dma_start3A_417] : memref<8x100x64xf32, #tpu.memory_space<vmem>> -> memref<1x50x64xf32, #tpu.memory_space<vmem>>
    %dma_start3A_419 = tpu.memref_squeeze %dma_start3A_418 : memref<1x50x64xf32, #tpu.memory_space<vmem>> -> memref<50x64xf32, #tpu.memory_space<vmem>>
    %dma_start3A_420 = arith.constant 0 : i32
    %dma_start3A_421 = arith.constant 0 : i32
    %dma_start3A_422 = tpu.memref_slice %arg4[%add3A_414, %dma_start3A_420, %dma_start3A_421] : memref<16384x56x128xf32, #tpu.memory_space<hbm>> -> memref<1x50x64xf32, #tpu.memory_space<hbm>>
    %dma_start3A_423 = tpu.memref_squeeze %dma_start3A_422 : memref<1x50x64xf32, #tpu.memory_space<hbm>> -> memref<50x64xf32, #tpu.memory_space<hbm>>
    %dma_start3A_424 = arith.constant 0 : i32
    %dma_start3A_425 = arith.constant 0 : i32
    %dma_start3A_426 = tpu.memref_slice %arg4[%add3A_414, %dma_start3A_424, %dma_start3A_425] : memref<16384x56x128xf32, #tpu.memory_space<hbm>> -> memref<1x50x64xf32, #tpu.memory_space<hbm>>
    %dma_start3A_427 = tpu.memref_squeeze %dma_start3A_426 : memref<1x50x64xf32, #tpu.memory_space<hbm>> -> memref<50x64xf32, #tpu.memory_space<hbm>>
    %dma_start3A_428 = arith.constant 0 : i32
    %dma_start3A_429 = arith.constant 0 : i32
    %dma_start3A_430 = tpu.memref_slice %arg6[%dma_start3A_415, %dma_start3A_428, %dma_start3A_429] : memref<8x100x64xf32, #tpu.memory_space<vmem>> -> memref<1x50x64xf32, #tpu.memory_space<vmem>>
    %dma_start3A_431 = tpu.memref_squeeze %dma_start3A_430 : memref<1x50x64xf32, #tpu.memory_space<vmem>> -> memref<50x64xf32, #tpu.memory_space<vmem>>
    tpu.enqueue_dma source(%dma_start3A_431 : memref<50x64xf32, #tpu.memory_space<vmem>>) target(%dma_start3A_427 : memref<50x64xf32, #tpu.memory_space<hbm>>) target_semaphore(%arg18 : memref<!tpu.dma_semaphore, #tpu.memory_space<semaphore_mem>>)
    %add3A_432 = arith.constant 6 : i32
    %add3A_433 = arith.addi %mul3A_4, %add3A_432 : i32
    %add3A_434 = arith.constant 1 : i32
    %add3A_435 = arith.addi %add3A_433, %add3A_434 : i32
    %dma_start3A_436 = arith.constant 3 : i32
    %dma_start3A_437 = arith.constant 50 : i32
    %dma_start3A_438 = arith.constant 0 : i32
    %dma_start3A_439 = tpu.memref_slice %arg6[%dma_start3A_436, %dma_start3A_437, %dma_start3A_438] : memref<8x100x64xf32, #tpu.memory_space<vmem>> -> memref<1x50x64xf32, #tpu.memory_space<vmem>>
    %dma_start3A_440 = tpu.memref_squeeze %dma_start3A_439 : memref<1x50x64xf32, #tpu.memory_space<vmem>> -> memref<50x64xf32, #tpu.memory_space<vmem>>
    %dma_start3A_441 = arith.constant 0 : i32
    %dma_start3A_442 = arith.constant 0 : i32
    %dma_start3A_443 = tpu.memref_slice %arg4[%add3A_435, %dma_start3A_441, %dma_start3A_442] : memref<16384x56x128xf32, #tpu.memory_space<hbm>> -> memref<1x50x64xf32, #tpu.memory_space<hbm>>
    %dma_start3A_444 = tpu.memref_squeeze %dma_start3A_443 : memref<1x50x64xf32, #tpu.memory_space<hbm>> -> memref<50x64xf32, #tpu.memory_space<hbm>>
    %dma_start3A_445 = arith.constant 0 : i32
    %dma_start3A_446 = arith.constant 0 : i32
    %dma_start3A_447 = tpu.memref_slice %arg4[%add3A_435, %dma_start3A_445, %dma_start3A_446] : memref<16384x56x128xf32, #tpu.memory_space<hbm>> -> memref<1x50x64xf32, #tpu.memory_space<hbm>>
    %dma_start3A_448 = tpu.memref_squeeze %dma_start3A_447 : memref<1x50x64xf32, #tpu.memory_space<hbm>> -> memref<50x64xf32, #tpu.memory_space<hbm>>
    %dma_start3A_449 = arith.constant 50 : i32
    %dma_start3A_450 = arith.constant 0 : i32
    %dma_start3A_451 = tpu.memref_slice %arg6[%dma_start3A_436, %dma_start3A_449, %dma_start3A_450] : memref<8x100x64xf32, #tpu.memory_space<vmem>> -> memref<1x50x64xf32, #tpu.memory_space<vmem>>
    %dma_start3A_452 = tpu.memref_squeeze %dma_start3A_451 : memref<1x50x64xf32, #tpu.memory_space<vmem>> -> memref<50x64xf32, #tpu.memory_space<vmem>>
    tpu.enqueue_dma source(%dma_start3A_452 : memref<50x64xf32, #tpu.memory_space<vmem>>) target(%dma_start3A_448 : memref<50x64xf32, #tpu.memory_space<hbm>>) target_semaphore(%arg18 : memref<!tpu.dma_semaphore, #tpu.memory_space<semaphore_mem>>)
    %dma_wait3A_453 = arith.constant 3 : i32
    %dma_wait3A_454 = arith.constant 0 : i32
    %dma_wait3A_455 = arith.constant 0 : i32
    %dma_wait3A_456 = tpu.memref_slice %arg6[%dma_wait3A_453, %dma_wait3A_454, %dma_wait3A_455] : memref<8x100x64xf32, #tpu.memory_space<vmem>> -> memref<1x50x64xf32, #tpu.memory_space<vmem>>
    %dma_wait3A_457 = tpu.memref_squeeze %dma_wait3A_456 : memref<1x50x64xf32, #tpu.memory_space<vmem>> -> memref<50x64xf32, #tpu.memory_space<vmem>>
    %dma_wait3A_458 = arith.constant 0 : i32
    %dma_wait3A_459 = arith.constant 0 : i32
    %dma_wait3A_460 = tpu.memref_slice %arg4[%mul3A_4, %dma_wait3A_458, %dma_wait3A_459] : memref<16384x56x128xf32, #tpu.memory_space<hbm>> -> memref<1x50x64xf32, #tpu.memory_space<hbm>>
    %dma_wait3A_461 = tpu.memref_squeeze %dma_wait3A_460 : memref<1x50x64xf32, #tpu.memory_space<hbm>> -> memref<50x64xf32, #tpu.memory_space<hbm>>
    %dma_wait3A_462 = arith.constant 0 : i32
    %dma_wait3A_463 = arith.constant 0 : i32
    %dma_wait3A_464 = tpu.memref_slice %arg4[%mul3A_4, %dma_wait3A_462, %dma_wait3A_463] : memref<16384x56x128xf32, #tpu.memory_space<hbm>> -> memref<1x50x64xf32, #tpu.memory_space<hbm>>
    %dma_wait3A_465 = tpu.memref_squeeze %dma_wait3A_464 : memref<1x50x64xf32, #tpu.memory_space<hbm>> -> memref<50x64xf32, #tpu.memory_space<hbm>>
    %dma_wait3A_466 = arith.constant 0 : i32
    %dma_wait3A_467 = arith.constant 0 : i32
    %dma_wait3A_468 = tpu.memref_slice %arg6[%dma_wait3A_453, %dma_wait3A_466, %dma_wait3A_467] : memref<8x100x64xf32, #tpu.memory_space<vmem>> -> memref<1x50x64xf32, #tpu.memory_space<vmem>>
    %dma_wait3A_469 = tpu.memref_squeeze %dma_wait3A_468 : memref<1x50x64xf32, #tpu.memory_space<vmem>> -> memref<50x64xf32, #tpu.memory_space<vmem>>
    tpu.wait_dma2 semaphore(%arg18 : memref<!tpu.dma_semaphore, #tpu.memory_space<semaphore_mem>>) src(%dma_wait3A_469 : memref<50x64xf32, #tpu.memory_space<vmem>>) dst(%dma_wait3A_465 : memref<50x64xf32, #tpu.memory_space<hbm>>)
    %dma_wait3A_470 = arith.constant 3 : i32
    %dma_wait3A_471 = arith.constant 50 : i32
    %dma_wait3A_472 = arith.constant 0 : i32
    %dma_wait3A_473 = tpu.memref_slice %arg6[%dma_wait3A_470, %dma_wait3A_471, %dma_wait3A_472] : memref<8x100x64xf32, #tpu.memory_space<vmem>> -> memref<1x50x64xf32, #tpu.memory_space<vmem>>
    %dma_wait3A_474 = tpu.memref_squeeze %dma_wait3A_473 : memref<1x50x64xf32, #tpu.memory_space<vmem>> -> memref<50x64xf32, #tpu.memory_space<vmem>>
    %dma_wait3A_475 = arith.constant 0 : i32
    %dma_wait3A_476 = arith.constant 0 : i32
    %dma_wait3A_477 = tpu.memref_slice %arg4[%mul3A_4, %dma_wait3A_475, %dma_wait3A_476] : memref<16384x56x128xf32, #tpu.memory_space<hbm>> -> memref<1x50x64xf32, #tpu.memory_space<hbm>>
    %dma_wait3A_478 = tpu.memref_squeeze %dma_wait3A_477 : memref<1x50x64xf32, #tpu.memory_space<hbm>> -> memref<50x64xf32, #tpu.memory_space<hbm>>
    %dma_wait3A_479 = arith.constant 0 : i32
    %dma_wait3A_480 = arith.constant 0 : i32
    %dma_wait3A_481 = tpu.memref_slice %arg4[%mul3A_4, %dma_wait3A_479, %dma_wait3A_480] : memref<16384x56x128xf32, #tpu.memory_space<hbm>> -> memref<1x50x64xf32, #tpu.memory_space<hbm>>
    %dma_wait3A_482 = tpu.memref_squeeze %dma_wait3A_481 : memref<1x50x64xf32, #tpu.memory_space<hbm>> -> memref<50x64xf32, #tpu.memory_space<hbm>>
    %dma_wait3A_483 = arith.constant 50 : i32
    %dma_wait3A_484 = arith.constant 0 : i32
    %dma_wait3A_485 = tpu.memref_slice %arg6[%dma_wait3A_470, %dma_wait3A_483, %dma_wait3A_484] : memref<8x100x64xf32, #tpu.memory_space<vmem>> -> memref<1x50x64xf32, #tpu.memory_space<vmem>>
    %dma_wait3A_486 = tpu.memref_squeeze %dma_wait3A_485 : memref<1x50x64xf32, #tpu.memory_space<vmem>> -> memref<50x64xf32, #tpu.memory_space<vmem>>
    tpu.wait_dma2 semaphore(%arg18 : memref<!tpu.dma_semaphore, #tpu.memory_space<semaphore_mem>>) src(%dma_wait3A_486 : memref<50x64xf32, #tpu.memory_space<vmem>>) dst(%dma_wait3A_482 : memref<50x64xf32, #tpu.memory_space<hbm>>)
    %dma_start3A_487 = arith.constant 11 : i32
    %dma_start3A_488 = arith.constant 3 : i32
    %dma_start3A_489 = arith.constant 0 : i32
    %dma_start3A_490 = arith.constant 0 : i32
    %dma_start3A_491 = tpu.memref_slice %arg6[%dma_start3A_488, %dma_start3A_489, %dma_start3A_490] : memref<8x100x64xf32, #tpu.memory_space<vmem>> -> memref<1x100x64xf32, #tpu.memory_space<vmem>>
    %dma_start3A_492 = tpu.memref_squeeze %dma_start3A_491 : memref<1x100x64xf32, #tpu.memory_space<vmem>> -> memref<100x64xf32, #tpu.memory_space<vmem>>
    %dma_start3A_493 = arith.constant 0 : i32
    %dma_start3A_494 = tpu.memref_slice %arg5[%dma_start3A_487, %dma_start3A_493] : memref<256x100xi32, #tpu.memory_space<vmem>> -> memref<1x100xi32, #tpu.memory_space<vmem>>
    %dma_start3A_495 = tpu.memref_squeeze %dma_start3A_494 : memref<1x100xi32, #tpu.memory_space<vmem>> -> memref<100xi32, #tpu.memory_space<vmem>>
    %dma_start3A_496 = arith.constant 0 : i32
    %dma_start3A_497 = arith.constant 0 : i32
    %dma_start3A_498 = tpu.memref_slice %arg3[%dma_start3A_496, %dma_start3A_497] : memref<100000x64xf32, #tpu.memory_space<hbm>> -> memref<100000x64xf32, #tpu.memory_space<hbm>>
    tpu.enqueue_indirect_dma source(%dma_start3A_498 : memref<100000x64xf32, #tpu.memory_space<hbm>>) target(%dma_start3A_492 : memref<100x64xf32, #tpu.memory_space<vmem>>) offsets(%dma_start3A_495 : memref<100xi32, #tpu.memory_space<vmem>>) semaphore(%arg10 : memref<!tpu.dma_semaphore, #tpu.memory_space<semaphore_mem>>)
    %dma_wait3A_499 = arith.constant 0 : i32
    %dma_wait3A_500 = arith.constant 4 : i32
    %dma_wait3A_501 = arith.constant 0 : i32
    %dma_wait3A_502 = arith.constant 0 : i32
    %dma_wait3A_503 = tpu.memref_slice %arg6[%dma_wait3A_500, %dma_wait3A_501, %dma_wait3A_502] : memref<8x100x64xf32, #tpu.memory_space<vmem>> -> memref<1x100x64xf32, #tpu.memory_space<vmem>>
    %dma_wait3A_504 = tpu.memref_squeeze %dma_wait3A_503 : memref<1x100x64xf32, #tpu.memory_space<vmem>> -> memref<100x64xf32, #tpu.memory_space<vmem>>
    %dma_wait3A_505 = arith.constant 0 : i32
    %dma_wait3A_506 = tpu.memref_slice %arg5[%dma_wait3A_499, %dma_wait3A_505] : memref<256x100xi32, #tpu.memory_space<vmem>> -> memref<1x100xi32, #tpu.memory_space<vmem>>
    %dma_wait3A_507 = tpu.memref_squeeze %dma_wait3A_506 : memref<1x100xi32, #tpu.memory_space<vmem>> -> memref<100xi32, #tpu.memory_space<vmem>>
    %dma_wait3A_508 = arith.constant 0 : i32
    %dma_wait3A_509 = arith.constant 0 : i32
    %dma_wait3A_510 = tpu.memref_slice %arg3[%dma_wait3A_508, %dma_wait3A_509] : memref<100000x64xf32, #tpu.memory_space<hbm>> -> memref<100000x64xf32, #tpu.memory_space<hbm>>
    tpu.wait_indirect_dma semaphore(%arg11 : memref<!tpu.dma_semaphore, #tpu.memory_space<semaphore_mem>>) src(%dma_wait3A_510 : memref<100000x64xf32, #tpu.memory_space<hbm>>) dst(%dma_wait3A_504 : memref<100x64xf32, #tpu.memory_space<vmem>>)
    %add3A_511 = arith.constant 8 : i32
    %add3A_512 = arith.addi %mul3A_4, %add3A_511 : i32
    %add3A_513 = arith.constant 0 : i32
    %add3A_514 = arith.addi %add3A_512, %add3A_513 : i32
    %dma_start3A_515 = arith.constant 4 : i32
    %dma_start3A_516 = arith.constant 0 : i32
    %dma_start3A_517 = arith.constant 0 : i32
    %dma_start3A_518 = tpu.memref_slice %arg6[%dma_start3A_515, %dma_start3A_516, %dma_start3A_517] : memref<8x100x64xf32, #tpu.memory_space<vmem>> -> memref<1x50x64xf32, #tpu.memory_space<vmem>>
    %dma_start3A_519 = tpu.memref_squeeze %dma_start3A_518 : memref<1x50x64xf32, #tpu.memory_space<vmem>> -> memref<50x64xf32, #tpu.memory_space<vmem>>
    %dma_start3A_520 = arith.constant 0 : i32
    %dma_start3A_521 = arith.constant 0 : i32
    %dma_start3A_522 = tpu.memref_slice %arg4[%add3A_514, %dma_start3A_520, %dma_start3A_521] : memref<16384x56x128xf32, #tpu.memory_space<hbm>> -> memref<1x50x64xf32, #tpu.memory_space<hbm>>
    %dma_start3A_523 = tpu.memref_squeeze %dma_start3A_522 : memref<1x50x64xf32, #tpu.memory_space<hbm>> -> memref<50x64xf32, #tpu.memory_space<hbm>>
    %dma_start3A_524 = arith.constant 0 : i32
    %dma_start3A_525 = arith.constant 0 : i32
    %dma_start3A_526 = tpu.memref_slice %arg4[%add3A_514, %dma_start3A_524, %dma_start3A_525] : memref<16384x56x128xf32, #tpu.memory_space<hbm>> -> memref<1x50x64xf32, #tpu.memory_space<hbm>>
    %dma_start3A_527 = tpu.memref_squeeze %dma_start3A_526 : memref<1x50x64xf32, #tpu.memory_space<hbm>> -> memref<50x64xf32, #tpu.memory_space<hbm>>
    %dma_start3A_528 = arith.constant 0 : i32
    %dma_start3A_529 = arith.constant 0 : i32
    %dma_start3A_530 = tpu.memref_slice %arg6[%dma_start3A_515, %dma_start3A_528, %dma_start3A_529] : memref<8x100x64xf32, #tpu.memory_space<vmem>> -> memref<1x50x64xf32, #tpu.memory_space<vmem>>
    %dma_start3A_531 = tpu.memref_squeeze %dma_start3A_530 : memref<1x50x64xf32, #tpu.memory_space<vmem>> -> memref<50x64xf32, #tpu.memory_space<vmem>>
    tpu.enqueue_dma source(%dma_start3A_531 : memref<50x64xf32, #tpu.memory_space<vmem>>) target(%dma_start3A_527 : memref<50x64xf32, #tpu.memory_space<hbm>>) target_semaphore(%arg19 : memref<!tpu.dma_semaphore, #tpu.memory_space<semaphore_mem>>)
    %add3A_532 = arith.constant 8 : i32
    %add3A_533 = arith.addi %mul3A_4, %add3A_532 : i32
    %add3A_534 = arith.constant 1 : i32
    %add3A_535 = arith.addi %add3A_533, %add3A_534 : i32
    %dma_start3A_536 = arith.constant 4 : i32
    %dma_start3A_537 = arith.constant 50 : i32
    %dma_start3A_538 = arith.constant 0 : i32
    %dma_start3A_539 = tpu.memref_slice %arg6[%dma_start3A_536, %dma_start3A_537, %dma_start3A_538] : memref<8x100x64xf32, #tpu.memory_space<vmem>> -> memref<1x50x64xf32, #tpu.memory_space<vmem>>
    %dma_start3A_540 = tpu.memref_squeeze %dma_start3A_539 : memref<1x50x64xf32, #tpu.memory_space<vmem>> -> memref<50x64xf32, #tpu.memory_space<vmem>>
    %dma_start3A_541 = arith.constant 0 : i32
    %dma_start3A_542 = arith.constant 0 : i32
    %dma_start3A_543 = tpu.memref_slice %arg4[%add3A_535, %dma_start3A_541, %dma_start3A_542] : memref<16384x56x128xf32, #tpu.memory_space<hbm>> -> memref<1x50x64xf32, #tpu.memory_space<hbm>>
    %dma_start3A_544 = tpu.memref_squeeze %dma_start3A_543 : memref<1x50x64xf32, #tpu.memory_space<hbm>> -> memref<50x64xf32, #tpu.memory_space<hbm>>
    %dma_start3A_545 = arith.constant 0 : i32
    %dma_start3A_546 = arith.constant 0 : i32
    %dma_start3A_547 = tpu.memref_slice %arg4[%add3A_535, %dma_start3A_545, %dma_start3A_546] : memref<16384x56x128xf32, #tpu.memory_space<hbm>> -> memref<1x50x64xf32, #tpu.memory_space<hbm>>
    %dma_start3A_548 = tpu.memref_squeeze %dma_start3A_547 : memref<1x50x64xf32, #tpu.memory_space<hbm>> -> memref<50x64xf32, #tpu.memory_space<hbm>>
    %dma_start3A_549 = arith.constant 50 : i32
    %dma_start3A_550 = arith.constant 0 : i32
    %dma_start3A_551 = tpu.memref_slice %arg6[%dma_start3A_536, %dma_start3A_549, %dma_start3A_550] : memref<8x100x64xf32, #tpu.memory_space<vmem>> -> memref<1x50x64xf32, #tpu.memory_space<vmem>>
    %dma_start3A_552 = tpu.memref_squeeze %dma_start3A_551 : memref<1x50x64xf32, #tpu.memory_space<vmem>> -> memref<50x64xf32, #tpu.memory_space<vmem>>
    tpu.enqueue_dma source(%dma_start3A_552 : memref<50x64xf32, #tpu.memory_space<vmem>>) target(%dma_start3A_548 : memref<50x64xf32, #tpu.memory_space<hbm>>) target_semaphore(%arg19 : memref<!tpu.dma_semaphore, #tpu.memory_space<semaphore_mem>>)
    %dma_wait3A_553 = arith.constant 4 : i32
    %dma_wait3A_554 = arith.constant 0 : i32
    %dma_wait3A_555 = arith.constant 0 : i32
    %dma_wait3A_556 = tpu.memref_slice %arg6[%dma_wait3A_553, %dma_wait3A_554, %dma_wait3A_555] : memref<8x100x64xf32, #tpu.memory_space<vmem>> -> memref<1x50x64xf32, #tpu.memory_space<vmem>>
    %dma_wait3A_557 = tpu.memref_squeeze %dma_wait3A_556 : memref<1x50x64xf32, #tpu.memory_space<vmem>> -> memref<50x64xf32, #tpu.memory_space<vmem>>
    %dma_wait3A_558 = arith.constant 0 : i32
    %dma_wait3A_559 = arith.constant 0 : i32
    %dma_wait3A_560 = tpu.memref_slice %arg4[%mul3A_4, %dma_wait3A_558, %dma_wait3A_559] : memref<16384x56x128xf32, #tpu.memory_space<hbm>> -> memref<1x50x64xf32, #tpu.memory_space<hbm>>
    %dma_wait3A_561 = tpu.memref_squeeze %dma_wait3A_560 : memref<1x50x64xf32, #tpu.memory_space<hbm>> -> memref<50x64xf32, #tpu.memory_space<hbm>>
    %dma_wait3A_562 = arith.constant 0 : i32
    %dma_wait3A_563 = arith.constant 0 : i32
    %dma_wait3A_564 = tpu.memref_slice %arg4[%mul3A_4, %dma_wait3A_562, %dma_wait3A_563] : memref<16384x56x128xf32, #tpu.memory_space<hbm>> -> memref<1x50x64xf32, #tpu.memory_space<hbm>>
    %dma_wait3A_565 = tpu.memref_squeeze %dma_wait3A_564 : memref<1x50x64xf32, #tpu.memory_space<hbm>> -> memref<50x64xf32, #tpu.memory_space<hbm>>
    %dma_wait3A_566 = arith.constant 0 : i32
    %dma_wait3A_567 = arith.constant 0 : i32
    %dma_wait3A_568 = tpu.memref_slice %arg6[%dma_wait3A_553, %dma_wait3A_566, %dma_wait3A_567] : memref<8x100x64xf32, #tpu.memory_space<vmem>> -> memref<1x50x64xf32, #tpu.memory_space<vmem>>
    %dma_wait3A_569 = tpu.memref_squeeze %dma_wait3A_568 : memref<1x50x64xf32, #tpu.memory_space<vmem>> -> memref<50x64xf32, #tpu.memory_space<vmem>>
    tpu.wait_dma2 semaphore(%arg19 : memref<!tpu.dma_semaphore, #tpu.memory_space<semaphore_mem>>) src(%dma_wait3A_569 : memref<50x64xf32, #tpu.memory_space<vmem>>) dst(%dma_wait3A_565 : memref<50x64xf32, #tpu.memory_space<hbm>>)
    %dma_wait3A_570 = arith.constant 4 : i32
    %dma_wait3A_571 = arith.constant 50 : i32
    %dma_wait3A_572 = arith.constant 0 : i32
    %dma_wait3A_573 = tpu.memref_slice %arg6[%dma_wait3A_570, %dma_wait3A_571, %dma_wait3A_572] : memref<8x100x64xf32, #tpu.memory_space<vmem>> -> memref<1x50x64xf32, #tpu.memory_space<vmem>>
    %dma_wait3A_574 = tpu.memref_squeeze %dma_wait3A_573 : memref<1x50x64xf32, #tpu.memory_space<vmem>> -> memref<50x64xf32, #tpu.memory_space<vmem>>
    %dma_wait3A_575 = arith.constant 0 : i32
    %dma_wait3A_576 = arith.constant 0 : i32
    %dma_wait3A_577 = tpu.memref_slice %arg4[%mul3A_4, %dma_wait3A_575, %dma_wait3A_576] : memref<16384x56x128xf32, #tpu.memory_space<hbm>> -> memref<1x50x64xf32, #tpu.memory_space<hbm>>
    %dma_wait3A_578 = tpu.memref_squeeze %dma_wait3A_577 : memref<1x50x64xf32, #tpu.memory_space<hbm>> -> memref<50x64xf32, #tpu.memory_space<hbm>>
    %dma_wait3A_579 = arith.constant 0 : i32
    %dma_wait3A_580 = arith.constant 0 : i32
    %dma_wait3A_581 = tpu.memref_slice %arg4[%mul3A_4, %dma_wait3A_579, %dma_wait3A_580] : memref<16384x56x128xf32, #tpu.memory_space<hbm>> -> memref<1x50x64xf32, #tpu.memory_space<hbm>>
    %dma_wait3A_582 = tpu.memref_squeeze %dma_wait3A_581 : memref<1x50x64xf32, #tpu.memory_space<hbm>> -> memref<50x64xf32, #tpu.memory_space<hbm>>
    %dma_wait3A_583 = arith.constant 50 : i32
    %dma_wait3A_584 = arith.constant 0 : i32
    %dma_wait3A_585 = tpu.memref_slice %arg6[%dma_wait3A_570, %dma_wait3A_583, %dma_wait3A_584] : memref<8x100x64xf32, #tpu.memory_space<vmem>> -> memref<1x50x64xf32, #tpu.memory_space<vmem>>
    %dma_wait3A_586 = tpu.memref_squeeze %dma_wait3A_585 : memref<1x50x64xf32, #tpu.memory_space<vmem>> -> memref<50x64xf32, #tpu.memory_space<vmem>>
    tpu.wait_dma2 semaphore(%arg19 : memref<!tpu.dma_semaphore, #tpu.memory_space<semaphore_mem>>) src(%dma_wait3A_586 : memref<50x64xf32, #tpu.memory_space<vmem>>) dst(%dma_wait3A_582 : memref<50x64xf32, #tpu.memory_space<hbm>>)
    %dma_start3A_587 = arith.constant 12 : i32
    %dma_start3A_588 = arith.constant 4 : i32
    %dma_start3A_589 = arith.constant 0 : i32
    %dma_start3A_590 = arith.constant 0 : i32
    %dma_start3A_591 = tpu.memref_slice %arg6[%dma_start3A_588, %dma_start3A_589, %dma_start3A_590] : memref<8x100x64xf32, #tpu.memory_space<vmem>> -> memref<1x100x64xf32, #tpu.memory_space<vmem>>
    %dma_start3A_592 = tpu.memref_squeeze %dma_start3A_591 : memref<1x100x64xf32, #tpu.memory_space<vmem>> -> memref<100x64xf32, #tpu.memory_space<vmem>>
    %dma_start3A_593 = arith.constant 0 : i32
    %dma_start3A_594 = tpu.memref_slice %arg5[%dma_start3A_587, %dma_start3A_593] : memref<256x100xi32, #tpu.memory_space<vmem>> -> memref<1x100xi32, #tpu.memory_space<vmem>>
    %dma_start3A_595 = tpu.memref_squeeze %dma_start3A_594 : memref<1x100xi32, #tpu.memory_space<vmem>> -> memref<100xi32, #tpu.memory_space<vmem>>
    %dma_start3A_596 = arith.constant 0 : i32
    %dma_start3A_597 = arith.constant 0 : i32
    %dma_start3A_598 = tpu.memref_slice %arg3[%dma_start3A_596, %dma_start3A_597] : memref<100000x64xf32, #tpu.memory_space<hbm>> -> memref<100000x64xf32, #tpu.memory_space<hbm>>
    tpu.enqueue_indirect_dma source(%dma_start3A_598 : memref<100000x64xf32, #tpu.memory_space<hbm>>) target(%dma_start3A_592 : memref<100x64xf32, #tpu.memory_space<vmem>>) offsets(%dma_start3A_595 : memref<100xi32, #tpu.memory_space<vmem>>) semaphore(%arg11 : memref<!tpu.dma_semaphore, #tpu.memory_space<semaphore_mem>>)
    %dma_wait3A_599 = arith.constant 0 : i32
    %dma_wait3A_600 = arith.constant 5 : i32
    %dma_wait3A_601 = arith.constant 0 : i32
    %dma_wait3A_602 = arith.constant 0 : i32
    %dma_wait3A_603 = tpu.memref_slice %arg6[%dma_wait3A_600, %dma_wait3A_601, %dma_wait3A_602] : memref<8x100x64xf32, #tpu.memory_space<vmem>> -> memref<1x100x64xf32, #tpu.memory_space<vmem>>
    %dma_wait3A_604 = tpu.memref_squeeze %dma_wait3A_603 : memref<1x100x64xf32, #tpu.memory_space<vmem>> -> memref<100x64xf32, #tpu.memory_space<vmem>>
    %dma_wait3A_605 = arith.constant 0 : i32
    %dma_wait3A_606 = tpu.memref_slice %arg5[%dma_wait3A_599, %dma_wait3A_605] : memref<256x100xi32, #tpu.memory_space<vmem>> -> memref<1x100xi32, #tpu.memory_space<vmem>>
    %dma_wait3A_607 = tpu.memref_squeeze %dma_wait3A_606 : memref<1x100xi32, #tpu.memory_space<vmem>> -> memref<100xi32, #tpu.memory_space<vmem>>
    %dma_wait3A_608 = arith.constant 0 : i32
    %dma_wait3A_609 = arith.constant 0 : i32
    %dma_wait3A_610 = tpu.memref_slice %arg3[%dma_wait3A_608, %dma_wait3A_609] : memref<100000x64xf32, #tpu.memory_space<hbm>> -> memref<100000x64xf32, #tpu.memory_space<hbm>>
    tpu.wait_indirect_dma semaphore(%arg12 : memref<!tpu.dma_semaphore, #tpu.memory_space<semaphore_mem>>) src(%dma_wait3A_610 : memref<100000x64xf32, #tpu.memory_space<hbm>>) dst(%dma_wait3A_604 : memref<100x64xf32, #tpu.memory_space<vmem>>)
    %add3A_611 = arith.constant 10 : i32
    %add3A_612 = arith.addi %mul3A_4, %add3A_611 : i32
    %add3A_613 = arith.constant 0 : i32
    %add3A_614 = arith.addi %add3A_612, %add3A_613 : i32
    %dma_start3A_615 = arith.constant 5 : i32
    %dma_start3A_616 = arith.constant 0 : i32
    %dma_start3A_617 = arith.constant 0 : i32
    %dma_start3A_618 = tpu.memref_slice %arg6[%dma_start3A_615, %dma_start3A_616, %dma_start3A_617] : memref<8x100x64xf32, #tpu.memory_space<vmem>> -> memref<1x50x64xf32, #tpu.memory_space<vmem>>
    %dma_start3A_619 = tpu.memref_squeeze %dma_start3A_618 : memref<1x50x64xf32, #tpu.memory_space<vmem>> -> memref<50x64xf32, #tpu.memory_space<vmem>>
    %dma_start3A_620 = arith.constant 0 : i32
    %dma_start3A_621 = arith.constant 0 : i32
    %dma_start3A_622 = tpu.memref_slice %arg4[%add3A_614, %dma_start3A_620, %dma_start3A_621] : memref<16384x56x128xf32, #tpu.memory_space<hbm>> -> memref<1x50x64xf32, #tpu.memory_space<hbm>>
    %dma_start3A_623 = tpu.memref_squeeze %dma_start3A_622 : memref<1x50x64xf32, #tpu.memory_space<hbm>> -> memref<50x64xf32, #tpu.memory_space<hbm>>
    %dma_start3A_624 = arith.constant 0 : i32
    %dma_start3A_625 = arith.constant 0 : i32
    %dma_start3A_626 = tpu.memref_slice %arg4[%add3A_614, %dma_start3A_624, %dma_start3A_625] : memref<16384x56x128xf32, #tpu.memory_space<hbm>> -> memref<1x50x64xf32, #tpu.memory_space<hbm>>
    %dma_start3A_627 = tpu.memref_squeeze %dma_start3A_626 : memref<1x50x64xf32, #tpu.memory_space<hbm>> -> memref<50x64xf32, #tpu.memory_space<hbm>>
    %dma_start3A_628 = arith.constant 0 : i32
    %dma_start3A_629 = arith.constant 0 : i32
    %dma_start3A_630 = tpu.memref_slice %arg6[%dma_start3A_615, %dma_start3A_628, %dma_start3A_629] : memref<8x100x64xf32, #tpu.memory_space<vmem>> -> memref<1x50x64xf32, #tpu.memory_space<vmem>>
    %dma_start3A_631 = tpu.memref_squeeze %dma_start3A_630 : memref<1x50x64xf32, #tpu.memory_space<vmem>> -> memref<50x64xf32, #tpu.memory_space<vmem>>
    tpu.enqueue_dma source(%dma_start3A_631 : memref<50x64xf32, #tpu.memory_space<vmem>>) target(%dma_start3A_627 : memref<50x64xf32, #tpu.memory_space<hbm>>) target_semaphore(%arg20 : memref<!tpu.dma_semaphore, #tpu.memory_space<semaphore_mem>>)
    %add3A_632 = arith.constant 10 : i32
    %add3A_633 = arith.addi %mul3A_4, %add3A_632 : i32
    %add3A_634 = arith.constant 1 : i32
    %add3A_635 = arith.addi %add3A_633, %add3A_634 : i32
    %dma_start3A_636 = arith.constant 5 : i32
    %dma_start3A_637 = arith.constant 50 : i32
    %dma_start3A_638 = arith.constant 0 : i32
    %dma_start3A_639 = tpu.memref_slice %arg6[%dma_start3A_636, %dma_start3A_637, %dma_start3A_638] : memref<8x100x64xf32, #tpu.memory_space<vmem>> -> memref<1x50x64xf32, #tpu.memory_space<vmem>>
    %dma_start3A_640 = tpu.memref_squeeze %dma_start3A_639 : memref<1x50x64xf32, #tpu.memory_space<vmem>> -> memref<50x64xf32, #tpu.memory_space<vmem>>
    %dma_start3A_641 = arith.constant 0 : i32
    %dma_start3A_642 = arith.constant 0 : i32
    %dma_start3A_643 = tpu.memref_slice %arg4[%add3A_635, %dma_start3A_641, %dma_start3A_642] : memref<16384x56x128xf32, #tpu.memory_space<hbm>> -> memref<1x50x64xf32, #tpu.memory_space<hbm>>
    %dma_start3A_644 = tpu.memref_squeeze %dma_start3A_643 : memref<1x50x64xf32, #tpu.memory_space<hbm>> -> memref<50x64xf32, #tpu.memory_space<hbm>>
    %dma_start3A_645 = arith.constant 0 : i32
    %dma_start3A_646 = arith.constant 0 : i32
    %dma_start3A_647 = tpu.memref_slice %arg4[%add3A_635, %dma_start3A_645, %dma_start3A_646] : memref<16384x56x128xf32, #tpu.memory_space<hbm>> -> memref<1x50x64xf32, #tpu.memory_space<hbm>>
    %dma_start3A_648 = tpu.memref_squeeze %dma_start3A_647 : memref<1x50x64xf32, #tpu.memory_space<hbm>> -> memref<50x64xf32, #tpu.memory_space<hbm>>
    %dma_start3A_649 = arith.constant 50 : i32
    %dma_start3A_650 = arith.constant 0 : i32
    %dma_start3A_651 = tpu.memref_slice %arg6[%dma_start3A_636, %dma_start3A_649, %dma_start3A_650] : memref<8x100x64xf32, #tpu.memory_space<vmem>> -> memref<1x50x64xf32, #tpu.memory_space<vmem>>
    %dma_start3A_652 = tpu.memref_squeeze %dma_start3A_651 : memref<1x50x64xf32, #tpu.memory_space<vmem>> -> memref<50x64xf32, #tpu.memory_space<vmem>>
    tpu.enqueue_dma source(%dma_start3A_652 : memref<50x64xf32, #tpu.memory_space<vmem>>) target(%dma_start3A_648 : memref<50x64xf32, #tpu.memory_space<hbm>>) target_semaphore(%arg20 : memref<!tpu.dma_semaphore, #tpu.memory_space<semaphore_mem>>)
    %dma_wait3A_653 = arith.constant 5 : i32
    %dma_wait3A_654 = arith.constant 0 : i32
    %dma_wait3A_655 = arith.constant 0 : i32
    %dma_wait3A_656 = tpu.memref_slice %arg6[%dma_wait3A_653, %dma_wait3A_654, %dma_wait3A_655] : memref<8x100x64xf32, #tpu.memory_space<vmem>> -> memref<1x50x64xf32, #tpu.memory_space<vmem>>
    %dma_wait3A_657 = tpu.memref_squeeze %dma_wait3A_656 : memref<1x50x64xf32, #tpu.memory_space<vmem>> -> memref<50x64xf32, #tpu.memory_space<vmem>>
    %dma_wait3A_658 = arith.constant 0 : i32
    %dma_wait3A_659 = arith.constant 0 : i32
    %dma_wait3A_660 = tpu.memref_slice %arg4[%mul3A_4, %dma_wait3A_658, %dma_wait3A_659] : memref<16384x56x128xf32, #tpu.memory_space<hbm>> -> memref<1x50x64xf32, #tpu.memory_space<hbm>>
    %dma_wait3A_661 = tpu.memref_squeeze %dma_wait3A_660 : memref<1x50x64xf32, #tpu.memory_space<hbm>> -> memref<50x64xf32, #tpu.memory_space<hbm>>
    %dma_wait3A_662 = arith.constant 0 : i32
    %dma_wait3A_663 = arith.constant 0 : i32
    %dma_wait3A_664 = tpu.memref_slice %arg4[%mul3A_4, %dma_wait3A_662, %dma_wait3A_663] : memref<16384x56x128xf32, #tpu.memory_space<hbm>> -> memref<1x50x64xf32, #tpu.memory_space<hbm>>
    %dma_wait3A_665 = tpu.memref_squeeze %dma_wait3A_664 : memref<1x50x64xf32, #tpu.memory_space<hbm>> -> memref<50x64xf32, #tpu.memory_space<hbm>>
    %dma_wait3A_666 = arith.constant 0 : i32
    %dma_wait3A_667 = arith.constant 0 : i32
    %dma_wait3A_668 = tpu.memref_slice %arg6[%dma_wait3A_653, %dma_wait3A_666, %dma_wait3A_667] : memref<8x100x64xf32, #tpu.memory_space<vmem>> -> memref<1x50x64xf32, #tpu.memory_space<vmem>>
    %dma_wait3A_669 = tpu.memref_squeeze %dma_wait3A_668 : memref<1x50x64xf32, #tpu.memory_space<vmem>> -> memref<50x64xf32, #tpu.memory_space<vmem>>
    tpu.wait_dma2 semaphore(%arg20 : memref<!tpu.dma_semaphore, #tpu.memory_space<semaphore_mem>>) src(%dma_wait3A_669 : memref<50x64xf32, #tpu.memory_space<vmem>>) dst(%dma_wait3A_665 : memref<50x64xf32, #tpu.memory_space<hbm>>)
    %dma_wait3A_670 = arith.constant 5 : i32
    %dma_wait3A_671 = arith.constant 50 : i32
    %dma_wait3A_672 = arith.constant 0 : i32
    %dma_wait3A_673 = tpu.memref_slice %arg6[%dma_wait3A_670, %dma_wait3A_671, %dma_wait3A_672] : memref<8x100x64xf32, #tpu.memory_space<vmem>> -> memref<1x50x64xf32, #tpu.memory_space<vmem>>
    %dma_wait3A_674 = tpu.memref_squeeze %dma_wait3A_673 : memref<1x50x64xf32, #tpu.memory_space<vmem>> -> memref<50x64xf32, #tpu.memory_space<vmem>>
    %dma_wait3A_675 = arith.constant 0 : i32
    %dma_wait3A_676 = arith.constant 0 : i32
    %dma_wait3A_677 = tpu.memref_slice %arg4[%mul3A_4, %dma_wait3A_675, %dma_wait3A_676] : memref<16384x56x128xf32, #tpu.memory_space<hbm>> -> memref<1x50x64xf32, #tpu.memory_space<hbm>>
    %dma_wait3A_678 = tpu.memref_squeeze %dma_wait3A_677 : memref<1x50x64xf32, #tpu.memory_space<hbm>> -> memref<50x64xf32, #tpu.memory_space<hbm>>
    %dma_wait3A_679 = arith.constant 0 : i32
    %dma_wait3A_680 = arith.constant 0 : i32
    %dma_wait3A_681 = tpu.memref_slice %arg4[%mul3A_4, %dma_wait3A_679, %dma_wait3A_680] : memref<16384x56x128xf32, #tpu.memory_space<hbm>> -> memref<1x50x64xf32, #tpu.memory_space<hbm>>
    %dma_wait3A_682 = tpu.memref_squeeze %dma_wait3A_681 : memref<1x50x64xf32, #tpu.memory_space<hbm>> -> memref<50x64xf32, #tpu.memory_space<hbm>>
    %dma_wait3A_683 = arith.constant 50 : i32
    %dma_wait3A_684 = arith.constant 0 : i32
    %dma_wait3A_685 = tpu.memref_slice %arg6[%dma_wait3A_670, %dma_wait3A_683, %dma_wait3A_684] : memref<8x100x64xf32, #tpu.memory_space<vmem>> -> memref<1x50x64xf32, #tpu.memory_space<vmem>>
    %dma_wait3A_686 = tpu.memref_squeeze %dma_wait3A_685 : memref<1x50x64xf32, #tpu.memory_space<vmem>> -> memref<50x64xf32, #tpu.memory_space<vmem>>
    tpu.wait_dma2 semaphore(%arg20 : memref<!tpu.dma_semaphore, #tpu.memory_space<semaphore_mem>>) src(%dma_wait3A_686 : memref<50x64xf32, #tpu.memory_space<vmem>>) dst(%dma_wait3A_682 : memref<50x64xf32, #tpu.memory_space<hbm>>)
    %dma_start3A_687 = arith.constant 13 : i32
    %dma_start3A_688 = arith.constant 5 : i32
    %dma_start3A_689 = arith.constant 0 : i32
    %dma_start3A_690 = arith.constant 0 : i32
    %dma_start3A_691 = tpu.memref_slice %arg6[%dma_start3A_688, %dma_start3A_689, %dma_start3A_690] : memref<8x100x64xf32, #tpu.memory_space<vmem>> -> memref<1x100x64xf32, #tpu.memory_space<vmem>>
    %dma_start3A_692 = tpu.memref_squeeze %dma_start3A_691 : memref<1x100x64xf32, #tpu.memory_space<vmem>> -> memref<100x64xf32, #tpu.memory_space<vmem>>
    %dma_start3A_693 = arith.constant 0 : i32
    %dma_start3A_694 = tpu.memref_slice %arg5[%dma_start3A_687, %dma_start3A_693] : memref<256x100xi32, #tpu.memory_space<vmem>> -> memref<1x100xi32, #tpu.memory_space<vmem>>
    %dma_start3A_695 = tpu.memref_squeeze %dma_start3A_694 : memref<1x100xi32, #tpu.memory_space<vmem>> -> memref<100xi32, #tpu.memory_space<vmem>>
    %dma_start3A_696 = arith.constant 0 : i32
    %dma_start3A_697 = arith.constant 0 : i32
    %dma_start3A_698 = tpu.memref_slice %arg3[%dma_start3A_696, %dma_start3A_697] : memref<100000x64xf32, #tpu.memory_space<hbm>> -> memref<100000x64xf32, #tpu.memory_space<hbm>>
    tpu.enqueue_indirect_dma source(%dma_start3A_698 : memref<100000x64xf32, #tpu.memory_space<hbm>>) target(%dma_start3A_692 : memref<100x64xf32, #tpu.memory_space<vmem>>) offsets(%dma_start3A_695 : memref<100xi32, #tpu.memory_space<vmem>>) semaphore(%arg12 : memref<!tpu.dma_semaphore, #tpu.memory_space<semaphore_mem>>)
    %dma_wait3A_699 = arith.constant 0 : i32
    %dma_wait3A_700 = arith.constant 6 : i32
    %dma_wait3A_701 = arith.constant 0 : i32
    %dma_wait3A_702 = arith.constant 0 : i32
    %dma_wait3A_703 = tpu.memref_slice %arg6[%dma_wait3A_700, %dma_wait3A_701, %dma_wait3A_702] : memref<8x100x64xf32, #tpu.memory_space<vmem>> -> memref<1x100x64xf32, #tpu.memory_space<vmem>>
    %dma_wait3A_704 = tpu.memref_squeeze %dma_wait3A_703 : memref<1x100x64xf32, #tpu.memory_space<vmem>> -> memref<100x64xf32, #tpu.memory_space<vmem>>
    %dma_wait3A_705 = arith.constant 0 : i32
    %dma_wait3A_706 = tpu.memref_slice %arg5[%dma_wait3A_699, %dma_wait3A_705] : memref<256x100xi32, #tpu.memory_space<vmem>> -> memref<1x100xi32, #tpu.memory_space<vmem>>
    %dma_wait3A_707 = tpu.memref_squeeze %dma_wait3A_706 : memref<1x100xi32, #tpu.memory_space<vmem>> -> memref<100xi32, #tpu.memory_space<vmem>>
    %dma_wait3A_708 = arith.constant 0 : i32
    %dma_wait3A_709 = arith.constant 0 : i32
    %dma_wait3A_710 = tpu.memref_slice %arg3[%dma_wait3A_708, %dma_wait3A_709] : memref<100000x64xf32, #tpu.memory_space<hbm>> -> memref<100000x64xf32, #tpu.memory_space<hbm>>
    tpu.wait_indirect_dma semaphore(%arg13 : memref<!tpu.dma_semaphore, #tpu.memory_space<semaphore_mem>>) src(%dma_wait3A_710 : memref<100000x64xf32, #tpu.memory_space<hbm>>) dst(%dma_wait3A_704 : memref<100x64xf32, #tpu.memory_space<vmem>>)
    %add3A_711 = arith.constant 12 : i32
    %add3A_712 = arith.addi %mul3A_4, %add3A_711 : i32
    %add3A_713 = arith.constant 0 : i32
    %add3A_714 = arith.addi %add3A_712, %add3A_713 : i32
    %dma_start3A_715 = arith.constant 6 : i32
    %dma_start3A_716 = arith.constant 0 : i32
    %dma_start3A_717 = arith.constant 0 : i32
    %dma_start3A_718 = tpu.memref_slice %arg6[%dma_start3A_715, %dma_start3A_716, %dma_start3A_717] : memref<8x100x64xf32, #tpu.memory_space<vmem>> -> memref<1x50x64xf32, #tpu.memory_space<vmem>>
    %dma_start3A_719 = tpu.memref_squeeze %dma_start3A_718 : memref<1x50x64xf32, #tpu.memory_space<vmem>> -> memref<50x64xf32, #tpu.memory_space<vmem>>
    %dma_start3A_720 = arith.constant 0 : i32
    %dma_start3A_721 = arith.constant 0 : i32
    %dma_start3A_722 = tpu.memref_slice %arg4[%add3A_714, %dma_start3A_720, %dma_start3A_721] : memref<16384x56x128xf32, #tpu.memory_space<hbm>> -> memref<1x50x64xf32, #tpu.memory_space<hbm>>
    %dma_start3A_723 = tpu.memref_squeeze %dma_start3A_722 : memref<1x50x64xf32, #tpu.memory_space<hbm>> -> memref<50x64xf32, #tpu.memory_space<hbm>>
    %dma_start3A_724 = arith.constant 0 : i32
    %dma_start3A_725 = arith.constant 0 : i32
    %dma_start3A_726 = tpu.memref_slice %arg4[%add3A_714, %dma_start3A_724, %dma_start3A_725] : memref<16384x56x128xf32, #tpu.memory_space<hbm>> -> memref<1x50x64xf32, #tpu.memory_space<hbm>>
    %dma_start3A_727 = tpu.memref_squeeze %dma_start3A_726 : memref<1x50x64xf32, #tpu.memory_space<hbm>> -> memref<50x64xf32, #tpu.memory_space<hbm>>
    %dma_start3A_728 = arith.constant 0 : i32
    %dma_start3A_729 = arith.constant 0 : i32
    %dma_start3A_730 = tpu.memref_slice %arg6[%dma_start3A_715, %dma_start3A_728, %dma_start3A_729] : memref<8x100x64xf32, #tpu.memory_space<vmem>> -> memref<1x50x64xf32, #tpu.memory_space<vmem>>
    %dma_start3A_731 = tpu.memref_squeeze %dma_start3A_730 : memref<1x50x64xf32, #tpu.memory_space<vmem>> -> memref<50x64xf32, #tpu.memory_space<vmem>>
    tpu.enqueue_dma source(%dma_start3A_731 : memref<50x64xf32, #tpu.memory_space<vmem>>) target(%dma_start3A_727 : memref<50x64xf32, #tpu.memory_space<hbm>>) target_semaphore(%arg21 : memref<!tpu.dma_semaphore, #tpu.memory_space<semaphore_mem>>)
    %add3A_732 = arith.constant 12 : i32
    %add3A_733 = arith.addi %mul3A_4, %add3A_732 : i32
    %add3A_734 = arith.constant 1 : i32
    %add3A_735 = arith.addi %add3A_733, %add3A_734 : i32
    %dma_start3A_736 = arith.constant 6 : i32
    %dma_start3A_737 = arith.constant 50 : i32
    %dma_start3A_738 = arith.constant 0 : i32
    %dma_start3A_739 = tpu.memref_slice %arg6[%dma_start3A_736, %dma_start3A_737, %dma_start3A_738] : memref<8x100x64xf32, #tpu.memory_space<vmem>> -> memref<1x50x64xf32, #tpu.memory_space<vmem>>
    %dma_start3A_740 = tpu.memref_squeeze %dma_start3A_739 : memref<1x50x64xf32, #tpu.memory_space<vmem>> -> memref<50x64xf32, #tpu.memory_space<vmem>>
    %dma_start3A_741 = arith.constant 0 : i32
    %dma_start3A_742 = arith.constant 0 : i32
    %dma_start3A_743 = tpu.memref_slice %arg4[%add3A_735, %dma_start3A_741, %dma_start3A_742] : memref<16384x56x128xf32, #tpu.memory_space<hbm>> -> memref<1x50x64xf32, #tpu.memory_space<hbm>>
    %dma_start3A_744 = tpu.memref_squeeze %dma_start3A_743 : memref<1x50x64xf32, #tpu.memory_space<hbm>> -> memref<50x64xf32, #tpu.memory_space<hbm>>
    %dma_start3A_745 = arith.constant 0 : i32
    %dma_start3A_746 = arith.constant 0 : i32
    %dma_start3A_747 = tpu.memref_slice %arg4[%add3A_735, %dma_start3A_745, %dma_start3A_746] : memref<16384x56x128xf32, #tpu.memory_space<hbm>> -> memref<1x50x64xf32, #tpu.memory_space<hbm>>
    %dma_start3A_748 = tpu.memref_squeeze %dma_start3A_747 : memref<1x50x64xf32, #tpu.memory_space<hbm>> -> memref<50x64xf32, #tpu.memory_space<hbm>>
    %dma_start3A_749 = arith.constant 50 : i32
    %dma_start3A_750 = arith.constant 0 : i32
    %dma_start3A_751 = tpu.memref_slice %arg6[%dma_start3A_736, %dma_start3A_749, %dma_start3A_750] : memref<8x100x64xf32, #tpu.memory_space<vmem>> -> memref<1x50x64xf32, #tpu.memory_space<vmem>>
    %dma_start3A_752 = tpu.memref_squeeze %dma_start3A_751 : memref<1x50x64xf32, #tpu.memory_space<vmem>> -> memref<50x64xf32, #tpu.memory_space<vmem>>
    tpu.enqueue_dma source(%dma_start3A_752 : memref<50x64xf32, #tpu.memory_space<vmem>>) target(%dma_start3A_748 : memref<50x64xf32, #tpu.memory_space<hbm>>) target_semaphore(%arg21 : memref<!tpu.dma_semaphore, #tpu.memory_space<semaphore_mem>>)
    %dma_wait3A_753 = arith.constant 6 : i32
    %dma_wait3A_754 = arith.constant 0 : i32
    %dma_wait3A_755 = arith.constant 0 : i32
    %dma_wait3A_756 = tpu.memref_slice %arg6[%dma_wait3A_753, %dma_wait3A_754, %dma_wait3A_755] : memref<8x100x64xf32, #tpu.memory_space<vmem>> -> memref<1x50x64xf32, #tpu.memory_space<vmem>>
    %dma_wait3A_757 = tpu.memref_squeeze %dma_wait3A_756 : memref<1x50x64xf32, #tpu.memory_space<vmem>> -> memref<50x64xf32, #tpu.memory_space<vmem>>
    %dma_wait3A_758 = arith.constant 0 : i32
    %dma_wait3A_759 = arith.constant 0 : i32
    %dma_wait3A_760 = tpu.memref_slice %arg4[%mul3A_4, %dma_wait3A_758, %dma_wait3A_759] : memref<16384x56x128xf32, #tpu.memory_space<hbm>> -> memref<1x50x64xf32, #tpu.memory_space<hbm>>
    %dma_wait3A_761 = tpu.memref_squeeze %dma_wait3A_760 : memref<1x50x64xf32, #tpu.memory_space<hbm>> -> memref<50x64xf32, #tpu.memory_space<hbm>>
    %dma_wait3A_762 = arith.constant 0 : i32
    %dma_wait3A_763 = arith.constant 0 : i32
    %dma_wait3A_764 = tpu.memref_slice %arg4[%mul3A_4, %dma_wait3A_762, %dma_wait3A_763] : memref<16384x56x128xf32, #tpu.memory_space<hbm>> -> memref<1x50x64xf32, #tpu.memory_space<hbm>>
    %dma_wait3A_765 = tpu.memref_squeeze %dma_wait3A_764 : memref<1x50x64xf32, #tpu.memory_space<hbm>> -> memref<50x64xf32, #tpu.memory_space<hbm>>
    %dma_wait3A_766 = arith.constant 0 : i32
    %dma_wait3A_767 = arith.constant 0 : i32
    %dma_wait3A_768 = tpu.memref_slice %arg6[%dma_wait3A_753, %dma_wait3A_766, %dma_wait3A_767] : memref<8x100x64xf32, #tpu.memory_space<vmem>> -> memref<1x50x64xf32, #tpu.memory_space<vmem>>
    %dma_wait3A_769 = tpu.memref_squeeze %dma_wait3A_768 : memref<1x50x64xf32, #tpu.memory_space<vmem>> -> memref<50x64xf32, #tpu.memory_space<vmem>>
    tpu.wait_dma2 semaphore(%arg21 : memref<!tpu.dma_semaphore, #tpu.memory_space<semaphore_mem>>) src(%dma_wait3A_769 : memref<50x64xf32, #tpu.memory_space<vmem>>) dst(%dma_wait3A_765 : memref<50x64xf32, #tpu.memory_space<hbm>>)
    %dma_wait3A_770 = arith.constant 6 : i32
    %dma_wait3A_771 = arith.constant 50 : i32
    %dma_wait3A_772 = arith.constant 0 : i32
    %dma_wait3A_773 = tpu.memref_slice %arg6[%dma_wait3A_770, %dma_wait3A_771, %dma_wait3A_772] : memref<8x100x64xf32, #tpu.memory_space<vmem>> -> memref<1x50x64xf32, #tpu.memory_space<vmem>>
    %dma_wait3A_774 = tpu.memref_squeeze %dma_wait3A_773 : memref<1x50x64xf32, #tpu.memory_space<vmem>> -> memref<50x64xf32, #tpu.memory_space<vmem>>
    %dma_wait3A_775 = arith.constant 0 : i32
    %dma_wait3A_776 = arith.constant 0 : i32
    %dma_wait3A_777 = tpu.memref_slice %arg4[%mul3A_4, %dma_wait3A_775, %dma_wait3A_776] : memref<16384x56x128xf32, #tpu.memory_space<hbm>> -> memref<1x50x64xf32, #tpu.memory_space<hbm>>
    %dma_wait3A_778 = tpu.memref_squeeze %dma_wait3A_777 : memref<1x50x64xf32, #tpu.memory_space<hbm>> -> memref<50x64xf32, #tpu.memory_space<hbm>>
    %dma_wait3A_779 = arith.constant 0 : i32
    %dma_wait3A_780 = arith.constant 0 : i32
    %dma_wait3A_781 = tpu.memref_slice %arg4[%mul3A_4, %dma_wait3A_779, %dma_wait3A_780] : memref<16384x56x128xf32, #tpu.memory_space<hbm>> -> memref<1x50x64xf32, #tpu.memory_space<hbm>>
    %dma_wait3A_782 = tpu.memref_squeeze %dma_wait3A_781 : memref<1x50x64xf32, #tpu.memory_space<hbm>> -> memref<50x64xf32, #tpu.memory_space<hbm>>
    %dma_wait3A_783 = arith.constant 50 : i32
    %dma_wait3A_784 = arith.constant 0 : i32
    %dma_wait3A_785 = tpu.memref_slice %arg6[%dma_wait3A_770, %dma_wait3A_783, %dma_wait3A_784] : memref<8x100x64xf32, #tpu.memory_space<vmem>> -> memref<1x50x64xf32, #tpu.memory_space<vmem>>
    %dma_wait3A_786 = tpu.memref_squeeze %dma_wait3A_785 : memref<1x50x64xf32, #tpu.memory_space<vmem>> -> memref<50x64xf32, #tpu.memory_space<vmem>>
    tpu.wait_dma2 semaphore(%arg21 : memref<!tpu.dma_semaphore, #tpu.memory_space<semaphore_mem>>) src(%dma_wait3A_786 : memref<50x64xf32, #tpu.memory_space<vmem>>) dst(%dma_wait3A_782 : memref<50x64xf32, #tpu.memory_space<hbm>>)
    %dma_start3A_787 = arith.constant 14 : i32
    %dma_start3A_788 = arith.constant 6 : i32
    %dma_start3A_789 = arith.constant 0 : i32
    %dma_start3A_790 = arith.constant 0 : i32
    %dma_start3A_791 = tpu.memref_slice %arg6[%dma_start3A_788, %dma_start3A_789, %dma_start3A_790] : memref<8x100x64xf32, #tpu.memory_space<vmem>> -> memref<1x100x64xf32, #tpu.memory_space<vmem>>
    %dma_start3A_792 = tpu.memref_squeeze %dma_start3A_791 : memref<1x100x64xf32, #tpu.memory_space<vmem>> -> memref<100x64xf32, #tpu.memory_space<vmem>>
    %dma_start3A_793 = arith.constant 0 : i32
    %dma_start3A_794 = tpu.memref_slice %arg5[%dma_start3A_787, %dma_start3A_793] : memref<256x100xi32, #tpu.memory_space<vmem>> -> memref<1x100xi32, #tpu.memory_space<vmem>>
    %dma_start3A_795 = tpu.memref_squeeze %dma_start3A_794 : memref<1x100xi32, #tpu.memory_space<vmem>> -> memref<100xi32, #tpu.memory_space<vmem>>
    %dma_start3A_796 = arith.constant 0 : i32
    %dma_start3A_797 = arith.constant 0 : i32
    %dma_start3A_798 = tpu.memref_slice %arg3[%dma_start3A_796, %dma_start3A_797] : memref<100000x64xf32, #tpu.memory_space<hbm>> -> memref<100000x64xf32, #tpu.memory_space<hbm>>
    tpu.enqueue_indirect_dma source(%dma_start3A_798 : memref<100000x64xf32, #tpu.memory_space<hbm>>) target(%dma_start3A_792 : memref<100x64xf32, #tpu.memory_space<vmem>>) offsets(%dma_start3A_795 : memref<100xi32, #tpu.memory_space<vmem>>) semaphore(%arg13 : memref<!tpu.dma_semaphore, #tpu.memory_space<semaphore_mem>>)
    %dma_wait3A_799 = arith.constant 0 : i32
    %dma_wait3A_800 = arith.constant 7 : i32
    %dma_wait3A_801 = arith.constant 0 : i32
    %dma_wait3A_802 = arith.constant 0 : i32
    %dma_wait3A_803 = tpu.memref_slice %arg6[%dma_wait3A_800, %dma_wait3A_801, %dma_wait3A_802] : memref<8x100x64xf32, #tpu.memory_space<vmem>> -> memref<1x100x64xf32, #tpu.memory_space<vmem>>
    %dma_wait3A_804 = tpu.memref_squeeze %dma_wait3A_803 : memref<1x100x64xf32, #tpu.memory_space<vmem>> -> memref<100x64xf32, #tpu.memory_space<vmem>>
    %dma_wait3A_805 = arith.constant 0 : i32
    %dma_wait3A_806 = tpu.memref_slice %arg5[%dma_wait3A_799, %dma_wait3A_805] : memref<256x100xi32, #tpu.memory_space<vmem>> -> memref<1x100xi32, #tpu.memory_space<vmem>>
    %dma_wait3A_807 = tpu.memref_squeeze %dma_wait3A_806 : memref<1x100xi32, #tpu.memory_space<vmem>> -> memref<100xi32, #tpu.memory_space<vmem>>
    %dma_wait3A_808 = arith.constant 0 : i32
    %dma_wait3A_809 = arith.constant 0 : i32
    %dma_wait3A_810 = tpu.memref_slice %arg3[%dma_wait3A_808, %dma_wait3A_809] : memref<100000x64xf32, #tpu.memory_space<hbm>> -> memref<100000x64xf32, #tpu.memory_space<hbm>>
    tpu.wait_indirect_dma semaphore(%arg14 : memref<!tpu.dma_semaphore, #tpu.memory_space<semaphore_mem>>) src(%dma_wait3A_810 : memref<100000x64xf32, #tpu.memory_space<hbm>>) dst(%dma_wait3A_804 : memref<100x64xf32, #tpu.memory_space<vmem>>)
    %add3A_811 = arith.constant 14 : i32
    %add3A_812 = arith.addi %mul3A_4, %add3A_811 : i32
    %add3A_813 = arith.constant 0 : i32
    %add3A_814 = arith.addi %add3A_812, %add3A_813 : i32
    %dma_start3A_815 = arith.constant 7 : i32
    %dma_start3A_816 = arith.constant 0 : i32
    %dma_start3A_817 = arith.constant 0 : i32
    %dma_start3A_818 = tpu.memref_slice %arg6[%dma_start3A_815, %dma_start3A_816, %dma_start3A_817] : memref<8x100x64xf32, #tpu.memory_space<vmem>> -> memref<1x50x64xf32, #tpu.memory_space<vmem>>
    %dma_start3A_819 = tpu.memref_squeeze %dma_start3A_818 : memref<1x50x64xf32, #tpu.memory_space<vmem>> -> memref<50x64xf32, #tpu.memory_space<vmem>>
    %dma_start3A_820 = arith.constant 0 : i32
    %dma_start3A_821 = arith.constant 0 : i32
    %dma_start3A_822 = tpu.memref_slice %arg4[%add3A_814, %dma_start3A_820, %dma_start3A_821] : memref<16384x56x128xf32, #tpu.memory_space<hbm>> -> memref<1x50x64xf32, #tpu.memory_space<hbm>>
    %dma_start3A_823 = tpu.memref_squeeze %dma_start3A_822 : memref<1x50x64xf32, #tpu.memory_space<hbm>> -> memref<50x64xf32, #tpu.memory_space<hbm>>
    %dma_start3A_824 = arith.constant 0 : i32
    %dma_start3A_825 = arith.constant 0 : i32
    %dma_start3A_826 = tpu.memref_slice %arg4[%add3A_814, %dma_start3A_824, %dma_start3A_825] : memref<16384x56x128xf32, #tpu.memory_space<hbm>> -> memref<1x50x64xf32, #tpu.memory_space<hbm>>
    %dma_start3A_827 = tpu.memref_squeeze %dma_start3A_826 : memref<1x50x64xf32, #tpu.memory_space<hbm>> -> memref<50x64xf32, #tpu.memory_space<hbm>>
    %dma_start3A_828 = arith.constant 0 : i32
    %dma_start3A_829 = arith.constant 0 : i32
    %dma_start3A_830 = tpu.memref_slice %arg6[%dma_start3A_815, %dma_start3A_828, %dma_start3A_829] : memref<8x100x64xf32, #tpu.memory_space<vmem>> -> memref<1x50x64xf32, #tpu.memory_space<vmem>>
    %dma_start3A_831 = tpu.memref_squeeze %dma_start3A_830 : memref<1x50x64xf32, #tpu.memory_space<vmem>> -> memref<50x64xf32, #tpu.memory_space<vmem>>
    tpu.enqueue_dma source(%dma_start3A_831 : memref<50x64xf32, #tpu.memory_space<vmem>>) target(%dma_start3A_827 : memref<50x64xf32, #tpu.memory_space<hbm>>) target_semaphore(%arg22 : memref<!tpu.dma_semaphore, #tpu.memory_space<semaphore_mem>>)
    %add3A_832 = arith.constant 14 : i32
    %add3A_833 = arith.addi %mul3A_4, %add3A_832 : i32
    %add3A_834 = arith.constant 1 : i32
    %add3A_835 = arith.addi %add3A_833, %add3A_834 : i32
    %dma_start3A_836 = arith.constant 7 : i32
    %dma_start3A_837 = arith.constant 50 : i32
    %dma_start3A_838 = arith.constant 0 : i32
    %dma_start3A_839 = tpu.memref_slice %arg6[%dma_start3A_836, %dma_start3A_837, %dma_start3A_838] : memref<8x100x64xf32, #tpu.memory_space<vmem>> -> memref<1x50x64xf32, #tpu.memory_space<vmem>>
    %dma_start3A_840 = tpu.memref_squeeze %dma_start3A_839 : memref<1x50x64xf32, #tpu.memory_space<vmem>> -> memref<50x64xf32, #tpu.memory_space<vmem>>
    %dma_start3A_841 = arith.constant 0 : i32
    %dma_start3A_842 = arith.constant 0 : i32
    %dma_start3A_843 = tpu.memref_slice %arg4[%add3A_835, %dma_start3A_841, %dma_start3A_842] : memref<16384x56x128xf32, #tpu.memory_space<hbm>> -> memref<1x50x64xf32, #tpu.memory_space<hbm>>
    %dma_start3A_844 = tpu.memref_squeeze %dma_start3A_843 : memref<1x50x64xf32, #tpu.memory_space<hbm>> -> memref<50x64xf32, #tpu.memory_space<hbm>>
    %dma_start3A_845 = arith.constant 0 : i32
    %dma_start3A_846 = arith.constant 0 : i32
    %dma_start3A_847 = tpu.memref_slice %arg4[%add3A_835, %dma_start3A_845, %dma_start3A_846] : memref<16384x56x128xf32, #tpu.memory_space<hbm>> -> memref<1x50x64xf32, #tpu.memory_space<hbm>>
    %dma_start3A_848 = tpu.memref_squeeze %dma_start3A_847 : memref<1x50x64xf32, #tpu.memory_space<hbm>> -> memref<50x64xf32, #tpu.memory_space<hbm>>
    %dma_start3A_849 = arith.constant 50 : i32
    %dma_start3A_850 = arith.constant 0 : i32
    %dma_start3A_851 = tpu.memref_slice %arg6[%dma_start3A_836, %dma_start3A_849, %dma_start3A_850] : memref<8x100x64xf32, #tpu.memory_space<vmem>> -> memref<1x50x64xf32, #tpu.memory_space<vmem>>
    %dma_start3A_852 = tpu.memref_squeeze %dma_start3A_851 : memref<1x50x64xf32, #tpu.memory_space<vmem>> -> memref<50x64xf32, #tpu.memory_space<vmem>>
    tpu.enqueue_dma source(%dma_start3A_852 : memref<50x64xf32, #tpu.memory_space<vmem>>) target(%dma_start3A_848 : memref<50x64xf32, #tpu.memory_space<hbm>>) target_semaphore(%arg22 : memref<!tpu.dma_semaphore, #tpu.memory_space<semaphore_mem>>)
    %scan3A = arith.constant 0 : i32
    %scan3A_853 = arith.constant 1 : i32
    %scan3A_854 = arith.constant 30 : i32
    %scan3A_855 = arith.addi %scan3A_853, %scan3A_854 : i32
    %scan3A_856 = arith.constant 1 : i32
    scf.for %scan3A_1608 = %scan3A_853 to %scan3A_855 step %scan3A_856  : i32 {
      %mul3A_1609 = arith.constant 8 : i32
      %mul3A_1610 = arith.muli %scan3A_1608, %mul3A_1609 : i32
      %add3A_1611 = arith.constant 0 : i32
      %add3A_1612 = arith.addi %mul3A_1610, %add3A_1611 : i32
      %dma_wait3A_1613 = arith.constant 7 : i32
      %dma_wait3A_1614 = arith.constant 0 : i32
      %dma_wait3A_1615 = arith.constant 0 : i32
      %dma_wait3A_1616 = tpu.memref_slice %arg6[%dma_wait3A_1613, %dma_wait3A_1614, %dma_wait3A_1615] : memref<8x100x64xf32, #tpu.memory_space<vmem>> -> memref<1x50x64xf32, #tpu.memory_space<vmem>>
      %dma_wait3A_1617 = tpu.memref_squeeze %dma_wait3A_1616 : memref<1x50x64xf32, #tpu.memory_space<vmem>> -> memref<50x64xf32, #tpu.memory_space<vmem>>
      %dma_wait3A_1618 = arith.constant 0 : i32
      %dma_wait3A_1619 = arith.constant 0 : i32
      %dma_wait3A_1620 = tpu.memref_slice %arg4[%mul3A_4, %dma_wait3A_1618, %dma_wait3A_1619] : memref<16384x56x128xf32, #tpu.memory_space<hbm>> -> memref<1x50x64xf32, #tpu.memory_space<hbm>>
      %dma_wait3A_1621 = tpu.memref_squeeze %dma_wait3A_1620 : memref<1x50x64xf32, #tpu.memory_space<hbm>> -> memref<50x64xf32, #tpu.memory_space<hbm>>
      %dma_wait3A_1622 = arith.constant 0 : i32
      %dma_wait3A_1623 = arith.constant 0 : i32
      %dma_wait3A_1624 = tpu.memref_slice %arg4[%mul3A_4, %dma_wait3A_1622, %dma_wait3A_1623] : memref<16384x56x128xf32, #tpu.memory_space<hbm>> -> memref<1x50x64xf32, #tpu.memory_space<hbm>>
      %dma_wait3A_1625 = tpu.memref_squeeze %dma_wait3A_1624 : memref<1x50x64xf32, #tpu.memory_space<hbm>> -> memref<50x64xf32, #tpu.memory_space<hbm>>
      %dma_wait3A_1626 = arith.constant 0 : i32
      %dma_wait3A_1627 = arith.constant 0 : i32
      %dma_wait3A_1628 = tpu.memref_slice %arg6[%dma_wait3A_1613, %dma_wait3A_1626, %dma_wait3A_1627] : memref<8x100x64xf32, #tpu.memory_space<vmem>> -> memref<1x50x64xf32, #tpu.memory_space<vmem>>
      %dma_wait3A_1629 = tpu.memref_squeeze %dma_wait3A_1628 : memref<1x50x64xf32, #tpu.memory_space<vmem>> -> memref<50x64xf32, #tpu.memory_space<vmem>>
      tpu.wait_dma2 semaphore(%arg22 : memref<!tpu.dma_semaphore, #tpu.memory_space<semaphore_mem>>) src(%dma_wait3A_1629 : memref<50x64xf32, #tpu.memory_space<vmem>>) dst(%dma_wait3A_1625 : memref<50x64xf32, #tpu.memory_space<hbm>>)
      %dma_wait3A_1630 = arith.constant 7 : i32
      %dma_wait3A_1631 = arith.constant 50 : i32
      %dma_wait3A_1632 = arith.constant 0 : i32
      %dma_wait3A_1633 = tpu.memref_slice %arg6[%dma_wait3A_1630, %dma_wait3A_1631, %dma_wait3A_1632] : memref<8x100x64xf32, #tpu.memory_space<vmem>> -> memref<1x50x64xf32, #tpu.memory_space<vmem>>
      %dma_wait3A_1634 = tpu.memref_squeeze %dma_wait3A_1633 : memref<1x50x64xf32, #tpu.memory_space<vmem>> -> memref<50x64xf32, #tpu.memory_space<vmem>>
      %dma_wait3A_1635 = arith.constant 0 : i32
      %dma_wait3A_1636 = arith.constant 0 : i32
      %dma_wait3A_1637 = tpu.memref_slice %arg4[%mul3A_4, %dma_wait3A_1635, %dma_wait3A_1636] : memref<16384x56x128xf32, #tpu.memory_space<hbm>> -> memref<1x50x64xf32, #tpu.memory_space<hbm>>
      %dma_wait3A_1638 = tpu.memref_squeeze %dma_wait3A_1637 : memref<1x50x64xf32, #tpu.memory_space<hbm>> -> memref<50x64xf32, #tpu.memory_space<hbm>>
      %dma_wait3A_1639 = arith.constant 0 : i32
      %dma_wait3A_1640 = arith.constant 0 : i32
      %dma_wait3A_1641 = tpu.memref_slice %arg4[%mul3A_4, %dma_wait3A_1639, %dma_wait3A_1640] : memref<16384x56x128xf32, #tpu.memory_space<hbm>> -> memref<1x50x64xf32, #tpu.memory_space<hbm>>
      %dma_wait3A_1642 = tpu.memref_squeeze %dma_wait3A_1641 : memref<1x50x64xf32, #tpu.memory_space<hbm>> -> memref<50x64xf32, #tpu.memory_space<hbm>>
      %dma_wait3A_1643 = arith.constant 50 : i32
      %dma_wait3A_1644 = arith.constant 0 : i32
      %dma_wait3A_1645 = tpu.memref_slice %arg6[%dma_wait3A_1630, %dma_wait3A_1643, %dma_wait3A_1644] : memref<8x100x64xf32, #tpu.memory_space<vmem>> -> memref<1x50x64xf32, #tpu.memory_space<vmem>>
      %dma_wait3A_1646 = tpu.memref_squeeze %dma_wait3A_1645 : memref<1x50x64xf32, #tpu.memory_space<vmem>> -> memref<50x64xf32, #tpu.memory_space<vmem>>
      tpu.wait_dma2 semaphore(%arg22 : memref<!tpu.dma_semaphore, #tpu.memory_space<semaphore_mem>>) src(%dma_wait3A_1646 : memref<50x64xf32, #tpu.memory_space<vmem>>) dst(%dma_wait3A_1642 : memref<50x64xf32, #tpu.memory_space<hbm>>)
      %add3A_1647 = arith.constant 8 : i32
      %add3A_1648 = arith.addi %add3A_1612, %add3A_1647 : i32
      %sub3A = arith.constant 1 : i32
      %sub3A_1649 = arith.subi %add3A_1648, %sub3A : i32
      %dma_start3A_1650 = arith.constant 7 : i32
      %dma_start3A_1651 = arith.constant 0 : i32
      %dma_start3A_1652 = arith.constant 0 : i32
      %dma_start3A_1653 = tpu.memref_slice %arg6[%dma_start3A_1650, %dma_start3A_1651, %dma_start3A_1652] : memref<8x100x64xf32, #tpu.memory_space<vmem>> -> memref<1x100x64xf32, #tpu.memory_space<vmem>>
      %dma_start3A_1654 = tpu.memref_squeeze %dma_start3A_1653 : memref<1x100x64xf32, #tpu.memory_space<vmem>> -> memref<100x64xf32, #tpu.memory_space<vmem>>
      %dma_start3A_1655 = arith.constant 0 : i32
      %dma_start3A_1656 = tpu.memref_slice %arg5[%sub3A_1649, %dma_start3A_1655] : memref<256x100xi32, #tpu.memory_space<vmem>> -> memref<1x100xi32, #tpu.memory_space<vmem>>
      %dma_start3A_1657 = tpu.memref_squeeze %dma_start3A_1656 : memref<1x100xi32, #tpu.memory_space<vmem>> -> memref<100xi32, #tpu.memory_space<vmem>>
      %dma_start3A_1658 = arith.constant 0 : i32
      %dma_start3A_1659 = arith.constant 0 : i32
      %dma_start3A_1660 = tpu.memref_slice %arg3[%dma_start3A_1658, %dma_start3A_1659] : memref<100000x64xf32, #tpu.memory_space<hbm>> -> memref<100000x64xf32, #tpu.memory_space<hbm>>
      tpu.enqueue_indirect_dma source(%dma_start3A_1660 : memref<100000x64xf32, #tpu.memory_space<hbm>>) target(%dma_start3A_1654 : memref<100x64xf32, #tpu.memory_space<vmem>>) offsets(%dma_start3A_1657 : memref<100xi32, #tpu.memory_space<vmem>>) semaphore(%arg14 : memref<!tpu.dma_semaphore, #tpu.memory_space<semaphore_mem>>)
      %dma_wait3A_1661 = arith.constant 0 : i32
      %dma_wait3A_1662 = arith.constant 0 : i32
      %dma_wait3A_1663 = arith.constant 0 : i32
      %dma_wait3A_1664 = arith.constant 0 : i32
      %dma_wait3A_1665 = tpu.memref_slice %arg6[%dma_wait3A_1662, %dma_wait3A_1663, %dma_wait3A_1664] : memref<8x100x64xf32, #tpu.memory_space<vmem>> -> memref<1x100x64xf32, #tpu.memory_space<vmem>>
      %dma_wait3A_1666 = tpu.memref_squeeze %dma_wait3A_1665 : memref<1x100x64xf32, #tpu.memory_space<vmem>> -> memref<100x64xf32, #tpu.memory_space<vmem>>
      %dma_wait3A_1667 = arith.constant 0 : i32
      %dma_wait3A_1668 = tpu.memref_slice %arg5[%dma_wait3A_1661, %dma_wait3A_1667] : memref<256x100xi32, #tpu.memory_space<vmem>> -> memref<1x100xi32, #tpu.memory_space<vmem>>
      %dma_wait3A_1669 = tpu.memref_squeeze %dma_wait3A_1668 : memref<1x100xi32, #tpu.memory_space<vmem>> -> memref<100xi32, #tpu.memory_space<vmem>>
      %dma_wait3A_1670 = arith.constant 0 : i32
      %dma_wait3A_1671 = arith.constant 0 : i32
      %dma_wait3A_1672 = tpu.memref_slice %arg3[%dma_wait3A_1670, %dma_wait3A_1671] : memref<100000x64xf32, #tpu.memory_space<hbm>> -> memref<100000x64xf32, #tpu.memory_space<hbm>>
      tpu.wait_indirect_dma semaphore(%arg7 : memref<!tpu.dma_semaphore, #tpu.memory_space<semaphore_mem>>) src(%dma_wait3A_1672 : memref<100000x64xf32, #tpu.memory_space<hbm>>) dst(%dma_wait3A_1666 : memref<100x64xf32, #tpu.memory_space<vmem>>)
      %mul3A_1673 = arith.constant 2 : i32
      %mul3A_1674 = arith.muli %add3A_1612, %mul3A_1673 : i32
      %add3A_1675 = arith.addi %mul3A_4, %mul3A_1674 : i32
      %add3A_1676 = arith.constant 0 : i32
      %add3A_1677 = arith.addi %add3A_1675, %add3A_1676 : i32
      %dma_start3A_1678 = arith.constant 0 : i32
      %dma_start3A_1679 = arith.constant 0 : i32
      %dma_start3A_1680 = arith.constant 0 : i32
      %dma_start3A_1681 = tpu.memref_slice %arg6[%dma_start3A_1678, %dma_start3A_1679, %dma_start3A_1680] : memref<8x100x64xf32, #tpu.memory_space<vmem>> -> memref<1x50x64xf32, #tpu.memory_space<vmem>>
      %dma_start3A_1682 = tpu.memref_squeeze %dma_start3A_1681 : memref<1x50x64xf32, #tpu.memory_space<vmem>> -> memref<50x64xf32, #tpu.memory_space<vmem>>
      %dma_start3A_1683 = arith.constant 0 : i32
      %dma_start3A_1684 = arith.constant 0 : i32
      %dma_start3A_1685 = tpu.memref_slice %arg4[%add3A_1677, %dma_start3A_1683, %dma_start3A_1684] : memref<16384x56x128xf32, #tpu.memory_space<hbm>> -> memref<1x50x64xf32, #tpu.memory_space<hbm>>
      %dma_start3A_1686 = tpu.memref_squeeze %dma_start3A_1685 : memref<1x50x64xf32, #tpu.memory_space<hbm>> -> memref<50x64xf32, #tpu.memory_space<hbm>>
      %dma_start3A_1687 = arith.constant 0 : i32
      %dma_start3A_1688 = arith.constant 0 : i32
      %dma_start3A_1689 = tpu.memref_slice %arg4[%add3A_1677, %dma_start3A_1687, %dma_start3A_1688] : memref<16384x56x128xf32, #tpu.memory_space<hbm>> -> memref<1x50x64xf32, #tpu.memory_space<hbm>>
      %dma_start3A_1690 = tpu.memref_squeeze %dma_start3A_1689 : memref<1x50x64xf32, #tpu.memory_space<hbm>> -> memref<50x64xf32, #tpu.memory_space<hbm>>
      %dma_start3A_1691 = arith.constant 0 : i32
      %dma_start3A_1692 = arith.constant 0 : i32
      %dma_start3A_1693 = tpu.memref_slice %arg6[%dma_start3A_1678, %dma_start3A_1691, %dma_start3A_1692] : memref<8x100x64xf32, #tpu.memory_space<vmem>> -> memref<1x50x64xf32, #tpu.memory_space<vmem>>
      %dma_start3A_1694 = tpu.memref_squeeze %dma_start3A_1693 : memref<1x50x64xf32, #tpu.memory_space<vmem>> -> memref<50x64xf32, #tpu.memory_space<vmem>>
      tpu.enqueue_dma source(%dma_start3A_1694 : memref<50x64xf32, #tpu.memory_space<vmem>>) target(%dma_start3A_1690 : memref<50x64xf32, #tpu.memory_space<hbm>>) target_semaphore(%arg15 : memref<!tpu.dma_semaphore, #tpu.memory_space<semaphore_mem>>)
      %mul3A_1695 = arith.constant 2 : i32
      %mul3A_1696 = arith.muli %add3A_1612, %mul3A_1695 : i32
      %add3A_1697 = arith.addi %mul3A_4, %mul3A_1696 : i32
      %add3A_1698 = arith.constant 1 : i32
      %add3A_1699 = arith.addi %add3A_1697, %add3A_1698 : i32
      %dma_start3A_1700 = arith.constant 0 : i32
      %dma_start3A_1701 = arith.constant 50 : i32
      %dma_start3A_1702 = arith.constant 0 : i32
      %dma_start3A_1703 = tpu.memref_slice %arg6[%dma_start3A_1700, %dma_start3A_1701, %dma_start3A_1702] : memref<8x100x64xf32, #tpu.memory_space<vmem>> -> memref<1x50x64xf32, #tpu.memory_space<vmem>>
      %dma_start3A_1704 = tpu.memref_squeeze %dma_start3A_1703 : memref<1x50x64xf32, #tpu.memory_space<vmem>> -> memref<50x64xf32, #tpu.memory_space<vmem>>
      %dma_start3A_1705 = arith.constant 0 : i32
      %dma_start3A_1706 = arith.constant 0 : i32
      %dma_start3A_1707 = tpu.memref_slice %arg4[%add3A_1699, %dma_start3A_1705, %dma_start3A_1706] : memref<16384x56x128xf32, #tpu.memory_space<hbm>> -> memref<1x50x64xf32, #tpu.memory_space<hbm>>
      %dma_start3A_1708 = tpu.memref_squeeze %dma_start3A_1707 : memref<1x50x64xf32, #tpu.memory_space<hbm>> -> memref<50x64xf32, #tpu.memory_space<hbm>>
      %dma_start3A_1709 = arith.constant 0 : i32
      %dma_start3A_1710 = arith.constant 0 : i32
      %dma_start3A_1711 = tpu.memref_slice %arg4[%add3A_1699, %dma_start3A_1709, %dma_start3A_1710] : memref<16384x56x128xf32, #tpu.memory_space<hbm>> -> memref<1x50x64xf32, #tpu.memory_space<hbm>>
      %dma_start3A_1712 = tpu.memref_squeeze %dma_start3A_1711 : memref<1x50x64xf32, #tpu.memory_space<hbm>> -> memref<50x64xf32, #tpu.memory_space<hbm>>
      %dma_start3A_1713 = arith.constant 50 : i32
      %dma_start3A_1714 = arith.constant 0 : i32
      %dma_start3A_1715 = tpu.memref_slice %arg6[%dma_start3A_1700, %dma_start3A_1713, %dma_start3A_1714] : memref<8x100x64xf32, #tpu.memory_space<vmem>> -> memref<1x50x64xf32, #tpu.memory_space<vmem>>
      %dma_start3A_1716 = tpu.memref_squeeze %dma_start3A_1715 : memref<1x50x64xf32, #tpu.memory_space<vmem>> -> memref<50x64xf32, #tpu.memory_space<vmem>>
      tpu.enqueue_dma source(%dma_start3A_1716 : memref<50x64xf32, #tpu.memory_space<vmem>>) target(%dma_start3A_1712 : memref<50x64xf32, #tpu.memory_space<hbm>>) target_semaphore(%arg15 : memref<!tpu.dma_semaphore, #tpu.memory_space<semaphore_mem>>)
      %add3A_1717 = arith.constant 1 : i32
      %add3A_1718 = arith.addi %mul3A_1610, %add3A_1717 : i32
      %dma_wait3A_1719 = arith.constant 0 : i32
      %dma_wait3A_1720 = arith.constant 0 : i32
      %dma_wait3A_1721 = arith.constant 0 : i32
      %dma_wait3A_1722 = tpu.memref_slice %arg6[%dma_wait3A_1719, %dma_wait3A_1720, %dma_wait3A_1721] : memref<8x100x64xf32, #tpu.memory_space<vmem>> -> memref<1x50x64xf32, #tpu.memory_space<vmem>>
      %dma_wait3A_1723 = tpu.memref_squeeze %dma_wait3A_1722 : memref<1x50x64xf32, #tpu.memory_space<vmem>> -> memref<50x64xf32, #tpu.memory_space<vmem>>
      %dma_wait3A_1724 = arith.constant 0 : i32
      %dma_wait3A_1725 = arith.constant 0 : i32
      %dma_wait3A_1726 = tpu.memref_slice %arg4[%mul3A_4, %dma_wait3A_1724, %dma_wait3A_1725] : memref<16384x56x128xf32, #tpu.memory_space<hbm>> -> memref<1x50x64xf32, #tpu.memory_space<hbm>>
      %dma_wait3A_1727 = tpu.memref_squeeze %dma_wait3A_1726 : memref<1x50x64xf32, #tpu.memory_space<hbm>> -> memref<50x64xf32, #tpu.memory_space<hbm>>
      %dma_wait3A_1728 = arith.constant 0 : i32
      %dma_wait3A_1729 = arith.constant 0 : i32
      %dma_wait3A_1730 = tpu.memref_slice %arg4[%mul3A_4, %dma_wait3A_1728, %dma_wait3A_1729] : memref<16384x56x128xf32, #tpu.memory_space<hbm>> -> memref<1x50x64xf32, #tpu.memory_space<hbm>>
      %dma_wait3A_1731 = tpu.memref_squeeze %dma_wait3A_1730 : memref<1x50x64xf32, #tpu.memory_space<hbm>> -> memref<50x64xf32, #tpu.memory_space<hbm>>
      %dma_wait3A_1732 = arith.constant 0 : i32
      %dma_wait3A_1733 = arith.constant 0 : i32
      %dma_wait3A_1734 = tpu.memref_slice %arg6[%dma_wait3A_1719, %dma_wait3A_1732, %dma_wait3A_1733] : memref<8x100x64xf32, #tpu.memory_space<vmem>> -> memref<1x50x64xf32, #tpu.memory_space<vmem>>
      %dma_wait3A_1735 = tpu.memref_squeeze %dma_wait3A_1734 : memref<1x50x64xf32, #tpu.memory_space<vmem>> -> memref<50x64xf32, #tpu.memory_space<vmem>>
      tpu.wait_dma2 semaphore(%arg15 : memref<!tpu.dma_semaphore, #tpu.memory_space<semaphore_mem>>) src(%dma_wait3A_1735 : memref<50x64xf32, #tpu.memory_space<vmem>>) dst(%dma_wait3A_1731 : memref<50x64xf32, #tpu.memory_space<hbm>>)
      %dma_wait3A_1736 = arith.constant 0 : i32
      %dma_wait3A_1737 = arith.constant 50 : i32
      %dma_wait3A_1738 = arith.constant 0 : i32
      %dma_wait3A_1739 = tpu.memref_slice %arg6[%dma_wait3A_1736, %dma_wait3A_1737, %dma_wait3A_1738] : memref<8x100x64xf32, #tpu.memory_space<vmem>> -> memref<1x50x64xf32, #tpu.memory_space<vmem>>
      %dma_wait3A_1740 = tpu.memref_squeeze %dma_wait3A_1739 : memref<1x50x64xf32, #tpu.memory_space<vmem>> -> memref<50x64xf32, #tpu.memory_space<vmem>>
      %dma_wait3A_1741 = arith.constant 0 : i32
      %dma_wait3A_1742 = arith.constant 0 : i32
      %dma_wait3A_1743 = tpu.memref_slice %arg4[%mul3A_4, %dma_wait3A_1741, %dma_wait3A_1742] : memref<16384x56x128xf32, #tpu.memory_space<hbm>> -> memref<1x50x64xf32, #tpu.memory_space<hbm>>
      %dma_wait3A_1744 = tpu.memref_squeeze %dma_wait3A_1743 : memref<1x50x64xf32, #tpu.memory_space<hbm>> -> memref<50x64xf32, #tpu.memory_space<hbm>>
      %dma_wait3A_1745 = arith.constant 0 : i32
      %dma_wait3A_1746 = arith.constant 0 : i32
      %dma_wait3A_1747 = tpu.memref_slice %arg4[%mul3A_4, %dma_wait3A_1745, %dma_wait3A_1746] : memref<16384x56x128xf32, #tpu.memory_space<hbm>> -> memref<1x50x64xf32, #tpu.memory_space<hbm>>
      %dma_wait3A_1748 = tpu.memref_squeeze %dma_wait3A_1747 : memref<1x50x64xf32, #tpu.memory_space<hbm>> -> memref<50x64xf32, #tpu.memory_space<hbm>>
      %dma_wait3A_1749 = arith.constant 50 : i32
      %dma_wait3A_1750 = arith.constant 0 : i32
      %dma_wait3A_1751 = tpu.memref_slice %arg6[%dma_wait3A_1736, %dma_wait3A_1749, %dma_wait3A_1750] : memref<8x100x64xf32, #tpu.memory_space<vmem>> -> memref<1x50x64xf32, #tpu.memory_space<vmem>>
      %dma_wait3A_1752 = tpu.memref_squeeze %dma_wait3A_1751 : memref<1x50x64xf32, #tpu.memory_space<vmem>> -> memref<50x64xf32, #tpu.memory_space<vmem>>
      tpu.wait_dma2 semaphore(%arg15 : memref<!tpu.dma_semaphore, #tpu.memory_space<semaphore_mem>>) src(%dma_wait3A_1752 : memref<50x64xf32, #tpu.memory_space<vmem>>) dst(%dma_wait3A_1748 : memref<50x64xf32, #tpu.memory_space<hbm>>)
      %add3A_1753 = arith.constant 8 : i32
      %add3A_1754 = arith.addi %add3A_1718, %add3A_1753 : i32
      %sub3A_1755 = arith.constant 1 : i32
      %sub3A_1756 = arith.subi %add3A_1754, %sub3A_1755 : i32
      %dma_start3A_1757 = arith.constant 0 : i32
      %dma_start3A_1758 = arith.constant 0 : i32
      %dma_start3A_1759 = arith.constant 0 : i32
      %dma_start3A_1760 = tpu.memref_slice %arg6[%dma_start3A_1757, %dma_start3A_1758, %dma_start3A_1759] : memref<8x100x64xf32, #tpu.memory_space<vmem>> -> memref<1x100x64xf32, #tpu.memory_space<vmem>>
      %dma_start3A_1761 = tpu.memref_squeeze %dma_start3A_1760 : memref<1x100x64xf32, #tpu.memory_space<vmem>> -> memref<100x64xf32, #tpu.memory_space<vmem>>
      %dma_start3A_1762 = arith.constant 0 : i32
      %dma_start3A_1763 = tpu.memref_slice %arg5[%sub3A_1756, %dma_start3A_1762] : memref<256x100xi32, #tpu.memory_space<vmem>> -> memref<1x100xi32, #tpu.memory_space<vmem>>
      %dma_start3A_1764 = tpu.memref_squeeze %dma_start3A_1763 : memref<1x100xi32, #tpu.memory_space<vmem>> -> memref<100xi32, #tpu.memory_space<vmem>>
      %dma_start3A_1765 = arith.constant 0 : i32
      %dma_start3A_1766 = arith.constant 0 : i32
      %dma_start3A_1767 = tpu.memref_slice %arg3[%dma_start3A_1765, %dma_start3A_1766] : memref<100000x64xf32, #tpu.memory_space<hbm>> -> memref<100000x64xf32, #tpu.memory_space<hbm>>
      tpu.enqueue_indirect_dma source(%dma_start3A_1767 : memref<100000x64xf32, #tpu.memory_space<hbm>>) target(%dma_start3A_1761 : memref<100x64xf32, #tpu.memory_space<vmem>>) offsets(%dma_start3A_1764 : memref<100xi32, #tpu.memory_space<vmem>>) semaphore(%arg7 : memref<!tpu.dma_semaphore, #tpu.memory_space<semaphore_mem>>)
      %dma_wait3A_1768 = arith.constant 0 : i32
      %dma_wait3A_1769 = arith.constant 1 : i32
      %dma_wait3A_1770 = arith.constant 0 : i32
      %dma_wait3A_1771 = arith.constant 0 : i32
      %dma_wait3A_1772 = tpu.memref_slice %arg6[%dma_wait3A_1769, %dma_wait3A_1770, %dma_wait3A_1771] : memref<8x100x64xf32, #tpu.memory_space<vmem>> -> memref<1x100x64xf32, #tpu.memory_space<vmem>>
      %dma_wait3A_1773 = tpu.memref_squeeze %dma_wait3A_1772 : memref<1x100x64xf32, #tpu.memory_space<vmem>> -> memref<100x64xf32, #tpu.memory_space<vmem>>
      %dma_wait3A_1774 = arith.constant 0 : i32
      %dma_wait3A_1775 = tpu.memref_slice %arg5[%dma_wait3A_1768, %dma_wait3A_1774] : memref<256x100xi32, #tpu.memory_space<vmem>> -> memref<1x100xi32, #tpu.memory_space<vmem>>
      %dma_wait3A_1776 = tpu.memref_squeeze %dma_wait3A_1775 : memref<1x100xi32, #tpu.memory_space<vmem>> -> memref<100xi32, #tpu.memory_space<vmem>>
      %dma_wait3A_1777 = arith.constant 0 : i32
      %dma_wait3A_1778 = arith.constant 0 : i32
      %dma_wait3A_1779 = tpu.memref_slice %arg3[%dma_wait3A_1777, %dma_wait3A_1778] : memref<100000x64xf32, #tpu.memory_space<hbm>> -> memref<100000x64xf32, #tpu.memory_space<hbm>>
      tpu.wait_indirect_dma semaphore(%arg8 : memref<!tpu.dma_semaphore, #tpu.memory_space<semaphore_mem>>) src(%dma_wait3A_1779 : memref<100000x64xf32, #tpu.memory_space<hbm>>) dst(%dma_wait3A_1773 : memref<100x64xf32, #tpu.memory_space<vmem>>)
      %mul3A_1780 = arith.constant 2 : i32
      %mul3A_1781 = arith.muli %add3A_1718, %mul3A_1780 : i32
      %add3A_1782 = arith.addi %mul3A_4, %mul3A_1781 : i32
      %add3A_1783 = arith.constant 0 : i32
      %add3A_1784 = arith.addi %add3A_1782, %add3A_1783 : i32
      %dma_start3A_1785 = arith.constant 1 : i32
      %dma_start3A_1786 = arith.constant 0 : i32
      %dma_start3A_1787 = arith.constant 0 : i32
      %dma_start3A_1788 = tpu.memref_slice %arg6[%dma_start3A_1785, %dma_start3A_1786, %dma_start3A_1787] : memref<8x100x64xf32, #tpu.memory_space<vmem>> -> memref<1x50x64xf32, #tpu.memory_space<vmem>>
      %dma_start3A_1789 = tpu.memref_squeeze %dma_start3A_1788 : memref<1x50x64xf32, #tpu.memory_space<vmem>> -> memref<50x64xf32, #tpu.memory_space<vmem>>
      %dma_start3A_1790 = arith.constant 0 : i32
      %dma_start3A_1791 = arith.constant 0 : i32
      %dma_start3A_1792 = tpu.memref_slice %arg4[%add3A_1784, %dma_start3A_1790, %dma_start3A_1791] : memref<16384x56x128xf32, #tpu.memory_space<hbm>> -> memref<1x50x64xf32, #tpu.memory_space<hbm>>
      %dma_start3A_1793 = tpu.memref_squeeze %dma_start3A_1792 : memref<1x50x64xf32, #tpu.memory_space<hbm>> -> memref<50x64xf32, #tpu.memory_space<hbm>>
      %dma_start3A_1794 = arith.constant 0 : i32
      %dma_start3A_1795 = arith.constant 0 : i32
      %dma_start3A_1796 = tpu.memref_slice %arg4[%add3A_1784, %dma_start3A_1794, %dma_start3A_1795] : memref<16384x56x128xf32, #tpu.memory_space<hbm>> -> memref<1x50x64xf32, #tpu.memory_space<hbm>>
      %dma_start3A_1797 = tpu.memref_squeeze %dma_start3A_1796 : memref<1x50x64xf32, #tpu.memory_space<hbm>> -> memref<50x64xf32, #tpu.memory_space<hbm>>
      %dma_start3A_1798 = arith.constant 0 : i32
      %dma_start3A_1799 = arith.constant 0 : i32
      %dma_start3A_1800 = tpu.memref_slice %arg6[%dma_start3A_1785, %dma_start3A_1798, %dma_start3A_1799] : memref<8x100x64xf32, #tpu.memory_space<vmem>> -> memref<1x50x64xf32, #tpu.memory_space<vmem>>
      %dma_start3A_1801 = tpu.memref_squeeze %dma_start3A_1800 : memref<1x50x64xf32, #tpu.memory_space<vmem>> -> memref<50x64xf32, #tpu.memory_space<vmem>>
      tpu.enqueue_dma source(%dma_start3A_1801 : memref<50x64xf32, #tpu.memory_space<vmem>>) target(%dma_start3A_1797 : memref<50x64xf32, #tpu.memory_space<hbm>>) target_semaphore(%arg16 : memref<!tpu.dma_semaphore, #tpu.memory_space<semaphore_mem>>)
      %mul3A_1802 = arith.constant 2 : i32
      %mul3A_1803 = arith.muli %add3A_1718, %mul3A_1802 : i32
      %add3A_1804 = arith.addi %mul3A_4, %mul3A_1803 : i32
      %add3A_1805 = arith.constant 1 : i32
      %add3A_1806 = arith.addi %add3A_1804, %add3A_1805 : i32
      %dma_start3A_1807 = arith.constant 1 : i32
      %dma_start3A_1808 = arith.constant 50 : i32
      %dma_start3A_1809 = arith.constant 0 : i32
      %dma_start3A_1810 = tpu.memref_slice %arg6[%dma_start3A_1807, %dma_start3A_1808, %dma_start3A_1809] : memref<8x100x64xf32, #tpu.memory_space<vmem>> -> memref<1x50x64xf32, #tpu.memory_space<vmem>>
      %dma_start3A_1811 = tpu.memref_squeeze %dma_start3A_1810 : memref<1x50x64xf32, #tpu.memory_space<vmem>> -> memref<50x64xf32, #tpu.memory_space<vmem>>
      %dma_start3A_1812 = arith.constant 0 : i32
      %dma_start3A_1813 = arith.constant 0 : i32
      %dma_start3A_1814 = tpu.memref_slice %arg4[%add3A_1806, %dma_start3A_1812, %dma_start3A_1813] : memref<16384x56x128xf32, #tpu.memory_space<hbm>> -> memref<1x50x64xf32, #tpu.memory_space<hbm>>
      %dma_start3A_1815 = tpu.memref_squeeze %dma_start3A_1814 : memref<1x50x64xf32, #tpu.memory_space<hbm>> -> memref<50x64xf32, #tpu.memory_space<hbm>>
      %dma_start3A_1816 = arith.constant 0 : i32
      %dma_start3A_1817 = arith.constant 0 : i32
      %dma_start3A_1818 = tpu.memref_slice %arg4[%add3A_1806, %dma_start3A_1816, %dma_start3A_1817] : memref<16384x56x128xf32, #tpu.memory_space<hbm>> -> memref<1x50x64xf32, #tpu.memory_space<hbm>>
      %dma_start3A_1819 = tpu.memref_squeeze %dma_start3A_1818 : memref<1x50x64xf32, #tpu.memory_space<hbm>> -> memref<50x64xf32, #tpu.memory_space<hbm>>
      %dma_start3A_1820 = arith.constant 50 : i32
      %dma_start3A_1821 = arith.constant 0 : i32
      %dma_start3A_1822 = tpu.memref_slice %arg6[%dma_start3A_1807, %dma_start3A_1820, %dma_start3A_1821] : memref<8x100x64xf32, #tpu.memory_space<vmem>> -> memref<1x50x64xf32, #tpu.memory_space<vmem>>
      %dma_start3A_1823 = tpu.memref_squeeze %dma_start3A_1822 : memref<1x50x64xf32, #tpu.memory_space<vmem>> -> memref<50x64xf32, #tpu.memory_space<vmem>>
      tpu.enqueue_dma source(%dma_start3A_1823 : memref<50x64xf32, #tpu.memory_space<vmem>>) target(%dma_start3A_1819 : memref<50x64xf32, #tpu.memory_space<hbm>>) target_semaphore(%arg16 : memref<!tpu.dma_semaphore, #tpu.memory_space<semaphore_mem>>)
      %add3A_1824 = arith.constant 2 : i32
      %add3A_1825 = arith.addi %mul3A_1610, %add3A_1824 : i32
      %dma_wait3A_1826 = arith.constant 1 : i32
      %dma_wait3A_1827 = arith.constant 0 : i32
      %dma_wait3A_1828 = arith.constant 0 : i32
      %dma_wait3A_1829 = tpu.memref_slice %arg6[%dma_wait3A_1826, %dma_wait3A_1827, %dma_wait3A_1828] : memref<8x100x64xf32, #tpu.memory_space<vmem>> -> memref<1x50x64xf32, #tpu.memory_space<vmem>>
      %dma_wait3A_1830 = tpu.memref_squeeze %dma_wait3A_1829 : memref<1x50x64xf32, #tpu.memory_space<vmem>> -> memref<50x64xf32, #tpu.memory_space<vmem>>
      %dma_wait3A_1831 = arith.constant 0 : i32
      %dma_wait3A_1832 = arith.constant 0 : i32
      %dma_wait3A_1833 = tpu.memref_slice %arg4[%mul3A_4, %dma_wait3A_1831, %dma_wait3A_1832] : memref<16384x56x128xf32, #tpu.memory_space<hbm>> -> memref<1x50x64xf32, #tpu.memory_space<hbm>>
      %dma_wait3A_1834 = tpu.memref_squeeze %dma_wait3A_1833 : memref<1x50x64xf32, #tpu.memory_space<hbm>> -> memref<50x64xf32, #tpu.memory_space<hbm>>
      %dma_wait3A_1835 = arith.constant 0 : i32
      %dma_wait3A_1836 = arith.constant 0 : i32
      %dma_wait3A_1837 = tpu.memref_slice %arg4[%mul3A_4, %dma_wait3A_1835, %dma_wait3A_1836] : memref<16384x56x128xf32, #tpu.memory_space<hbm>> -> memref<1x50x64xf32, #tpu.memory_space<hbm>>
      %dma_wait3A_1838 = tpu.memref_squeeze %dma_wait3A_1837 : memref<1x50x64xf32, #tpu.memory_space<hbm>> -> memref<50x64xf32, #tpu.memory_space<hbm>>
      %dma_wait3A_1839 = arith.constant 0 : i32
      %dma_wait3A_1840 = arith.constant 0 : i32
      %dma_wait3A_1841 = tpu.memref_slice %arg6[%dma_wait3A_1826, %dma_wait3A_1839, %dma_wait3A_1840] : memref<8x100x64xf32, #tpu.memory_space<vmem>> -> memref<1x50x64xf32, #tpu.memory_space<vmem>>
      %dma_wait3A_1842 = tpu.memref_squeeze %dma_wait3A_1841 : memref<1x50x64xf32, #tpu.memory_space<vmem>> -> memref<50x64xf32, #tpu.memory_space<vmem>>
      tpu.wait_dma2 semaphore(%arg16 : memref<!tpu.dma_semaphore, #tpu.memory_space<semaphore_mem>>) src(%dma_wait3A_1842 : memref<50x64xf32, #tpu.memory_space<vmem>>) dst(%dma_wait3A_1838 : memref<50x64xf32, #tpu.memory_space<hbm>>)
      %dma_wait3A_1843 = arith.constant 1 : i32
      %dma_wait3A_1844 = arith.constant 50 : i32
      %dma_wait3A_1845 = arith.constant 0 : i32
      %dma_wait3A_1846 = tpu.memref_slice %arg6[%dma_wait3A_1843, %dma_wait3A_1844, %dma_wait3A_1845] : memref<8x100x64xf32, #tpu.memory_space<vmem>> -> memref<1x50x64xf32, #tpu.memory_space<vmem>>
      %dma_wait3A_1847 = tpu.memref_squeeze %dma_wait3A_1846 : memref<1x50x64xf32, #tpu.memory_space<vmem>> -> memref<50x64xf32, #tpu.memory_space<vmem>>
      %dma_wait3A_1848 = arith.constant 0 : i32
      %dma_wait3A_1849 = arith.constant 0 : i32
      %dma_wait3A_1850 = tpu.memref_slice %arg4[%mul3A_4, %dma_wait3A_1848, %dma_wait3A_1849] : memref<16384x56x128xf32, #tpu.memory_space<hbm>> -> memref<1x50x64xf32, #tpu.memory_space<hbm>>
      %dma_wait3A_1851 = tpu.memref_squeeze %dma_wait3A_1850 : memref<1x50x64xf32, #tpu.memory_space<hbm>> -> memref<50x64xf32, #tpu.memory_space<hbm>>
      %dma_wait3A_1852 = arith.constant 0 : i32
      %dma_wait3A_1853 = arith.constant 0 : i32
      %dma_wait3A_1854 = tpu.memref_slice %arg4[%mul3A_4, %dma_wait3A_1852, %dma_wait3A_1853] : memref<16384x56x128xf32, #tpu.memory_space<hbm>> -> memref<1x50x64xf32, #tpu.memory_space<hbm>>
      %dma_wait3A_1855 = tpu.memref_squeeze %dma_wait3A_1854 : memref<1x50x64xf32, #tpu.memory_space<hbm>> -> memref<50x64xf32, #tpu.memory_space<hbm>>
      %dma_wait3A_1856 = arith.constant 50 : i32
      %dma_wait3A_1857 = arith.constant 0 : i32
      %dma_wait3A_1858 = tpu.memref_slice %arg6[%dma_wait3A_1843, %dma_wait3A_1856, %dma_wait3A_1857] : memref<8x100x64xf32, #tpu.memory_space<vmem>> -> memref<1x50x64xf32, #tpu.memory_space<vmem>>
      %dma_wait3A_1859 = tpu.memref_squeeze %dma_wait3A_1858 : memref<1x50x64xf32, #tpu.memory_space<vmem>> -> memref<50x64xf32, #tpu.memory_space<vmem>>
      tpu.wait_dma2 semaphore(%arg16 : memref<!tpu.dma_semaphore, #tpu.memory_space<semaphore_mem>>) src(%dma_wait3A_1859 : memref<50x64xf32, #tpu.memory_space<vmem>>) dst(%dma_wait3A_1855 : memref<50x64xf32, #tpu.memory_space<hbm>>)
      %add3A_1860 = arith.constant 8 : i32
      %add3A_1861 = arith.addi %add3A_1825, %add3A_1860 : i32
      %sub3A_1862 = arith.constant 1 : i32
      %sub3A_1863 = arith.subi %add3A_1861, %sub3A_1862 : i32
      %dma_start3A_1864 = arith.constant 1 : i32
      %dma_start3A_1865 = arith.constant 0 : i32
      %dma_start3A_1866 = arith.constant 0 : i32
      %dma_start3A_1867 = tpu.memref_slice %arg6[%dma_start3A_1864, %dma_start3A_1865, %dma_start3A_1866] : memref<8x100x64xf32, #tpu.memory_space<vmem>> -> memref<1x100x64xf32, #tpu.memory_space<vmem>>
      %dma_start3A_1868 = tpu.memref_squeeze %dma_start3A_1867 : memref<1x100x64xf32, #tpu.memory_space<vmem>> -> memref<100x64xf32, #tpu.memory_space<vmem>>
      %dma_start3A_1869 = arith.constant 0 : i32
      %dma_start3A_1870 = tpu.memref_slice %arg5[%sub3A_1863, %dma_start3A_1869] : memref<256x100xi32, #tpu.memory_space<vmem>> -> memref<1x100xi32, #tpu.memory_space<vmem>>
      %dma_start3A_1871 = tpu.memref_squeeze %dma_start3A_1870 : memref<1x100xi32, #tpu.memory_space<vmem>> -> memref<100xi32, #tpu.memory_space<vmem>>
      %dma_start3A_1872 = arith.constant 0 : i32
      %dma_start3A_1873 = arith.constant 0 : i32
      %dma_start3A_1874 = tpu.memref_slice %arg3[%dma_start3A_1872, %dma_start3A_1873] : memref<100000x64xf32, #tpu.memory_space<hbm>> -> memref<100000x64xf32, #tpu.memory_space<hbm>>
      tpu.enqueue_indirect_dma source(%dma_start3A_1874 : memref<100000x64xf32, #tpu.memory_space<hbm>>) target(%dma_start3A_1868 : memref<100x64xf32, #tpu.memory_space<vmem>>) offsets(%dma_start3A_1871 : memref<100xi32, #tpu.memory_space<vmem>>) semaphore(%arg8 : memref<!tpu.dma_semaphore, #tpu.memory_space<semaphore_mem>>)
      %dma_wait3A_1875 = arith.constant 0 : i32
      %dma_wait3A_1876 = arith.constant 2 : i32
      %dma_wait3A_1877 = arith.constant 0 : i32
      %dma_wait3A_1878 = arith.constant 0 : i32
      %dma_wait3A_1879 = tpu.memref_slice %arg6[%dma_wait3A_1876, %dma_wait3A_1877, %dma_wait3A_1878] : memref<8x100x64xf32, #tpu.memory_space<vmem>> -> memref<1x100x64xf32, #tpu.memory_space<vmem>>
      %dma_wait3A_1880 = tpu.memref_squeeze %dma_wait3A_1879 : memref<1x100x64xf32, #tpu.memory_space<vmem>> -> memref<100x64xf32, #tpu.memory_space<vmem>>
      %dma_wait3A_1881 = arith.constant 0 : i32
      %dma_wait3A_1882 = tpu.memref_slice %arg5[%dma_wait3A_1875, %dma_wait3A_1881] : memref<256x100xi32, #tpu.memory_space<vmem>> -> memref<1x100xi32, #tpu.memory_space<vmem>>
      %dma_wait3A_1883 = tpu.memref_squeeze %dma_wait3A_1882 : memref<1x100xi32, #tpu.memory_space<vmem>> -> memref<100xi32, #tpu.memory_space<vmem>>
      %dma_wait3A_1884 = arith.constant 0 : i32
      %dma_wait3A_1885 = arith.constant 0 : i32
      %dma_wait3A_1886 = tpu.memref_slice %arg3[%dma_wait3A_1884, %dma_wait3A_1885] : memref<100000x64xf32, #tpu.memory_space<hbm>> -> memref<100000x64xf32, #tpu.memory_space<hbm>>
      tpu.wait_indirect_dma semaphore(%arg9 : memref<!tpu.dma_semaphore, #tpu.memory_space<semaphore_mem>>) src(%dma_wait3A_1886 : memref<100000x64xf32, #tpu.memory_space<hbm>>) dst(%dma_wait3A_1880 : memref<100x64xf32, #tpu.memory_space<vmem>>)
      %mul3A_1887 = arith.constant 2 : i32
      %mul3A_1888 = arith.muli %add3A_1825, %mul3A_1887 : i32
      %add3A_1889 = arith.addi %mul3A_4, %mul3A_1888 : i32
      %add3A_1890 = arith.constant 0 : i32
      %add3A_1891 = arith.addi %add3A_1889, %add3A_1890 : i32
      %dma_start3A_1892 = arith.constant 2 : i32
      %dma_start3A_1893 = arith.constant 0 : i32
      %dma_start3A_1894 = arith.constant 0 : i32
      %dma_start3A_1895 = tpu.memref_slice %arg6[%dma_start3A_1892, %dma_start3A_1893, %dma_start3A_1894] : memref<8x100x64xf32, #tpu.memory_space<vmem>> -> memref<1x50x64xf32, #tpu.memory_space<vmem>>
      %dma_start3A_1896 = tpu.memref_squeeze %dma_start3A_1895 : memref<1x50x64xf32, #tpu.memory_space<vmem>> -> memref<50x64xf32, #tpu.memory_space<vmem>>
      %dma_start3A_1897 = arith.constant 0 : i32
      %dma_start3A_1898 = arith.constant 0 : i32
      %dma_start3A_1899 = tpu.memref_slice %arg4[%add3A_1891, %dma_start3A_1897, %dma_start3A_1898] : memref<16384x56x128xf32, #tpu.memory_space<hbm>> -> memref<1x50x64xf32, #tpu.memory_space<hbm>>
      %dma_start3A_1900 = tpu.memref_squeeze %dma_start3A_1899 : memref<1x50x64xf32, #tpu.memory_space<hbm>> -> memref<50x64xf32, #tpu.memory_space<hbm>>
      %dma_start3A_1901 = arith.constant 0 : i32
      %dma_start3A_1902 = arith.constant 0 : i32
      %dma_start3A_1903 = tpu.memref_slice %arg4[%add3A_1891, %dma_start3A_1901, %dma_start3A_1902] : memref<16384x56x128xf32, #tpu.memory_space<hbm>> -> memref<1x50x64xf32, #tpu.memory_space<hbm>>
      %dma_start3A_1904 = tpu.memref_squeeze %dma_start3A_1903 : memref<1x50x64xf32, #tpu.memory_space<hbm>> -> memref<50x64xf32, #tpu.memory_space<hbm>>
      %dma_start3A_1905 = arith.constant 0 : i32
      %dma_start3A_1906 = arith.constant 0 : i32
      %dma_start3A_1907 = tpu.memref_slice %arg6[%dma_start3A_1892, %dma_start3A_1905, %dma_start3A_1906] : memref<8x100x64xf32, #tpu.memory_space<vmem>> -> memref<1x50x64xf32, #tpu.memory_space<vmem>>
      %dma_start3A_1908 = tpu.memref_squeeze %dma_start3A_1907 : memref<1x50x64xf32, #tpu.memory_space<vmem>> -> memref<50x64xf32, #tpu.memory_space<vmem>>
      tpu.enqueue_dma source(%dma_start3A_1908 : memref<50x64xf32, #tpu.memory_space<vmem>>) target(%dma_start3A_1904 : memref<50x64xf32, #tpu.memory_space<hbm>>) target_semaphore(%arg17 : memref<!tpu.dma_semaphore, #tpu.memory_space<semaphore_mem>>)
      %mul3A_1909 = arith.constant 2 : i32
      %mul3A_1910 = arith.muli %add3A_1825, %mul3A_1909 : i32
      %add3A_1911 = arith.addi %mul3A_4, %mul3A_1910 : i32
      %add3A_1912 = arith.constant 1 : i32
      %add3A_1913 = arith.addi %add3A_1911, %add3A_1912 : i32
      %dma_start3A_1914 = arith.constant 2 : i32
      %dma_start3A_1915 = arith.constant 50 : i32
      %dma_start3A_1916 = arith.constant 0 : i32
      %dma_start3A_1917 = tpu.memref_slice %arg6[%dma_start3A_1914, %dma_start3A_1915, %dma_start3A_1916] : memref<8x100x64xf32, #tpu.memory_space<vmem>> -> memref<1x50x64xf32, #tpu.memory_space<vmem>>
      %dma_start3A_1918 = tpu.memref_squeeze %dma_start3A_1917 : memref<1x50x64xf32, #tpu.memory_space<vmem>> -> memref<50x64xf32, #tpu.memory_space<vmem>>
      %dma_start3A_1919 = arith.constant 0 : i32
      %dma_start3A_1920 = arith.constant 0 : i32
      %dma_start3A_1921 = tpu.memref_slice %arg4[%add3A_1913, %dma_start3A_1919, %dma_start3A_1920] : memref<16384x56x128xf32, #tpu.memory_space<hbm>> -> memref<1x50x64xf32, #tpu.memory_space<hbm>>
      %dma_start3A_1922 = tpu.memref_squeeze %dma_start3A_1921 : memref<1x50x64xf32, #tpu.memory_space<hbm>> -> memref<50x64xf32, #tpu.memory_space<hbm>>
      %dma_start3A_1923 = arith.constant 0 : i32
      %dma_start3A_1924 = arith.constant 0 : i32
      %dma_start3A_1925 = tpu.memref_slice %arg4[%add3A_1913, %dma_start3A_1923, %dma_start3A_1924] : memref<16384x56x128xf32, #tpu.memory_space<hbm>> -> memref<1x50x64xf32, #tpu.memory_space<hbm>>
      %dma_start3A_1926 = tpu.memref_squeeze %dma_start3A_1925 : memref<1x50x64xf32, #tpu.memory_space<hbm>> -> memref<50x64xf32, #tpu.memory_space<hbm>>
      %dma_start3A_1927 = arith.constant 50 : i32
      %dma_start3A_1928 = arith.constant 0 : i32
      %dma_start3A_1929 = tpu.memref_slice %arg6[%dma_start3A_1914, %dma_start3A_1927, %dma_start3A_1928] : memref<8x100x64xf32, #tpu.memory_space<vmem>> -> memref<1x50x64xf32, #tpu.memory_space<vmem>>
      %dma_start3A_1930 = tpu.memref_squeeze %dma_start3A_1929 : memref<1x50x64xf32, #tpu.memory_space<vmem>> -> memref<50x64xf32, #tpu.memory_space<vmem>>
      tpu.enqueue_dma source(%dma_start3A_1930 : memref<50x64xf32, #tpu.memory_space<vmem>>) target(%dma_start3A_1926 : memref<50x64xf32, #tpu.memory_space<hbm>>) target_semaphore(%arg17 : memref<!tpu.dma_semaphore, #tpu.memory_space<semaphore_mem>>)
      %add3A_1931 = arith.constant 3 : i32
      %add3A_1932 = arith.addi %mul3A_1610, %add3A_1931 : i32
      %dma_wait3A_1933 = arith.constant 2 : i32
      %dma_wait3A_1934 = arith.constant 0 : i32
      %dma_wait3A_1935 = arith.constant 0 : i32
      %dma_wait3A_1936 = tpu.memref_slice %arg6[%dma_wait3A_1933, %dma_wait3A_1934, %dma_wait3A_1935] : memref<8x100x64xf32, #tpu.memory_space<vmem>> -> memref<1x50x64xf32, #tpu.memory_space<vmem>>
      %dma_wait3A_1937 = tpu.memref_squeeze %dma_wait3A_1936 : memref<1x50x64xf32, #tpu.memory_space<vmem>> -> memref<50x64xf32, #tpu.memory_space<vmem>>
      %dma_wait3A_1938 = arith.constant 0 : i32
      %dma_wait3A_1939 = arith.constant 0 : i32
      %dma_wait3A_1940 = tpu.memref_slice %arg4[%mul3A_4, %dma_wait3A_1938, %dma_wait3A_1939] : memref<16384x56x128xf32, #tpu.memory_space<hbm>> -> memref<1x50x64xf32, #tpu.memory_space<hbm>>
      %dma_wait3A_1941 = tpu.memref_squeeze %dma_wait3A_1940 : memref<1x50x64xf32, #tpu.memory_space<hbm>> -> memref<50x64xf32, #tpu.memory_space<hbm>>
      %dma_wait3A_1942 = arith.constant 0 : i32
      %dma_wait3A_1943 = arith.constant 0 : i32
      %dma_wait3A_1944 = tpu.memref_slice %arg4[%mul3A_4, %dma_wait3A_1942, %dma_wait3A_1943] : memref<16384x56x128xf32, #tpu.memory_space<hbm>> -> memref<1x50x64xf32, #tpu.memory_space<hbm>>
      %dma_wait3A_1945 = tpu.memref_squeeze %dma_wait3A_1944 : memref<1x50x64xf32, #tpu.memory_space<hbm>> -> memref<50x64xf32, #tpu.memory_space<hbm>>
      %dma_wait3A_1946 = arith.constant 0 : i32
      %dma_wait3A_1947 = arith.constant 0 : i32
      %dma_wait3A_1948 = tpu.memref_slice %arg6[%dma_wait3A_1933, %dma_wait3A_1946, %dma_wait3A_1947] : memref<8x100x64xf32, #tpu.memory_space<vmem>> -> memref<1x50x64xf32, #tpu.memory_space<vmem>>
      %dma_wait3A_1949 = tpu.memref_squeeze %dma_wait3A_1948 : memref<1x50x64xf32, #tpu.memory_space<vmem>> -> memref<50x64xf32, #tpu.memory_space<vmem>>
      tpu.wait_dma2 semaphore(%arg17 : memref<!tpu.dma_semaphore, #tpu.memory_space<semaphore_mem>>) src(%dma_wait3A_1949 : memref<50x64xf32, #tpu.memory_space<vmem>>) dst(%dma_wait3A_1945 : memref<50x64xf32, #tpu.memory_space<hbm>>)
      %dma_wait3A_1950 = arith.constant 2 : i32
      %dma_wait3A_1951 = arith.constant 50 : i32
      %dma_wait3A_1952 = arith.constant 0 : i32
      %dma_wait3A_1953 = tpu.memref_slice %arg6[%dma_wait3A_1950, %dma_wait3A_1951, %dma_wait3A_1952] : memref<8x100x64xf32, #tpu.memory_space<vmem>> -> memref<1x50x64xf32, #tpu.memory_space<vmem>>
      %dma_wait3A_1954 = tpu.memref_squeeze %dma_wait3A_1953 : memref<1x50x64xf32, #tpu.memory_space<vmem>> -> memref<50x64xf32, #tpu.memory_space<vmem>>
      %dma_wait3A_1955 = arith.constant 0 : i32
      %dma_wait3A_1956 = arith.constant 0 : i32
      %dma_wait3A_1957 = tpu.memref_slice %arg4[%mul3A_4, %dma_wait3A_1955, %dma_wait3A_1956] : memref<16384x56x128xf32, #tpu.memory_space<hbm>> -> memref<1x50x64xf32, #tpu.memory_space<hbm>>
      %dma_wait3A_1958 = tpu.memref_squeeze %dma_wait3A_1957 : memref<1x50x64xf32, #tpu.memory_space<hbm>> -> memref<50x64xf32, #tpu.memory_space<hbm>>
      %dma_wait3A_1959 = arith.constant 0 : i32
      %dma_wait3A_1960 = arith.constant 0 : i32
      %dma_wait3A_1961 = tpu.memref_slice %arg4[%mul3A_4, %dma_wait3A_1959, %dma_wait3A_1960] : memref<16384x56x128xf32, #tpu.memory_space<hbm>> -> memref<1x50x64xf32, #tpu.memory_space<hbm>>
      %dma_wait3A_1962 = tpu.memref_squeeze %dma_wait3A_1961 : memref<1x50x64xf32, #tpu.memory_space<hbm>> -> memref<50x64xf32, #tpu.memory_space<hbm>>
      %dma_wait3A_1963 = arith.constant 50 : i32
      %dma_wait3A_1964 = arith.constant 0 : i32
      %dma_wait3A_1965 = tpu.memref_slice %arg6[%dma_wait3A_1950, %dma_wait3A_1963, %dma_wait3A_1964] : memref<8x100x64xf32, #tpu.memory_space<vmem>> -> memref<1x50x64xf32, #tpu.memory_space<vmem>>
      %dma_wait3A_1966 = tpu.memref_squeeze %dma_wait3A_1965 : memref<1x50x64xf32, #tpu.memory_space<vmem>> -> memref<50x64xf32, #tpu.memory_space<vmem>>
      tpu.wait_dma2 semaphore(%arg17 : memref<!tpu.dma_semaphore, #tpu.memory_space<semaphore_mem>>) src(%dma_wait3A_1966 : memref<50x64xf32, #tpu.memory_space<vmem>>) dst(%dma_wait3A_1962 : memref<50x64xf32, #tpu.memory_space<hbm>>)
      %add3A_1967 = arith.constant 8 : i32
      %add3A_1968 = arith.addi %add3A_1932, %add3A_1967 : i32
      %sub3A_1969 = arith.constant 1 : i32
      %sub3A_1970 = arith.subi %add3A_1968, %sub3A_1969 : i32
      %dma_start3A_1971 = arith.constant 2 : i32
      %dma_start3A_1972 = arith.constant 0 : i32
      %dma_start3A_1973 = arith.constant 0 : i32
      %dma_start3A_1974 = tpu.memref_slice %arg6[%dma_start3A_1971, %dma_start3A_1972, %dma_start3A_1973] : memref<8x100x64xf32, #tpu.memory_space<vmem>> -> memref<1x100x64xf32, #tpu.memory_space<vmem>>
      %dma_start3A_1975 = tpu.memref_squeeze %dma_start3A_1974 : memref<1x100x64xf32, #tpu.memory_space<vmem>> -> memref<100x64xf32, #tpu.memory_space<vmem>>
      %dma_start3A_1976 = arith.constant 0 : i32
      %dma_start3A_1977 = tpu.memref_slice %arg5[%sub3A_1970, %dma_start3A_1976] : memref<256x100xi32, #tpu.memory_space<vmem>> -> memref<1x100xi32, #tpu.memory_space<vmem>>
      %dma_start3A_1978 = tpu.memref_squeeze %dma_start3A_1977 : memref<1x100xi32, #tpu.memory_space<vmem>> -> memref<100xi32, #tpu.memory_space<vmem>>
      %dma_start3A_1979 = arith.constant 0 : i32
      %dma_start3A_1980 = arith.constant 0 : i32
      %dma_start3A_1981 = tpu.memref_slice %arg3[%dma_start3A_1979, %dma_start3A_1980] : memref<100000x64xf32, #tpu.memory_space<hbm>> -> memref<100000x64xf32, #tpu.memory_space<hbm>>
      tpu.enqueue_indirect_dma source(%dma_start3A_1981 : memref<100000x64xf32, #tpu.memory_space<hbm>>) target(%dma_start3A_1975 : memref<100x64xf32, #tpu.memory_space<vmem>>) offsets(%dma_start3A_1978 : memref<100xi32, #tpu.memory_space<vmem>>) semaphore(%arg9 : memref<!tpu.dma_semaphore, #tpu.memory_space<semaphore_mem>>)
      %dma_wait3A_1982 = arith.constant 0 : i32
      %dma_wait3A_1983 = arith.constant 3 : i32
      %dma_wait3A_1984 = arith.constant 0 : i32
      %dma_wait3A_1985 = arith.constant 0 : i32
      %dma_wait3A_1986 = tpu.memref_slice %arg6[%dma_wait3A_1983, %dma_wait3A_1984, %dma_wait3A_1985] : memref<8x100x64xf32, #tpu.memory_space<vmem>> -> memref<1x100x64xf32, #tpu.memory_space<vmem>>
      %dma_wait3A_1987 = tpu.memref_squeeze %dma_wait3A_1986 : memref<1x100x64xf32, #tpu.memory_space<vmem>> -> memref<100x64xf32, #tpu.memory_space<vmem>>
      %dma_wait3A_1988 = arith.constant 0 : i32
      %dma_wait3A_1989 = tpu.memref_slice %arg5[%dma_wait3A_1982, %dma_wait3A_1988] : memref<256x100xi32, #tpu.memory_space<vmem>> -> memref<1x100xi32, #tpu.memory_space<vmem>>
      %dma_wait3A_1990 = tpu.memref_squeeze %dma_wait3A_1989 : memref<1x100xi32, #tpu.memory_space<vmem>> -> memref<100xi32, #tpu.memory_space<vmem>>
      %dma_wait3A_1991 = arith.constant 0 : i32
      %dma_wait3A_1992 = arith.constant 0 : i32
      %dma_wait3A_1993 = tpu.memref_slice %arg3[%dma_wait3A_1991, %dma_wait3A_1992] : memref<100000x64xf32, #tpu.memory_space<hbm>> -> memref<100000x64xf32, #tpu.memory_space<hbm>>
      tpu.wait_indirect_dma semaphore(%arg10 : memref<!tpu.dma_semaphore, #tpu.memory_space<semaphore_mem>>) src(%dma_wait3A_1993 : memref<100000x64xf32, #tpu.memory_space<hbm>>) dst(%dma_wait3A_1987 : memref<100x64xf32, #tpu.memory_space<vmem>>)
      %mul3A_1994 = arith.constant 2 : i32
      %mul3A_1995 = arith.muli %add3A_1932, %mul3A_1994 : i32
      %add3A_1996 = arith.addi %mul3A_4, %mul3A_1995 : i32
      %add3A_1997 = arith.constant 0 : i32
      %add3A_1998 = arith.addi %add3A_1996, %add3A_1997 : i32
      %dma_start3A_1999 = arith.constant 3 : i32
      %dma_start3A_2000 = arith.constant 0 : i32
      %dma_start3A_2001 = arith.constant 0 : i32
      %dma_start3A_2002 = tpu.memref_slice %arg6[%dma_start3A_1999, %dma_start3A_2000, %dma_start3A_2001] : memref<8x100x64xf32, #tpu.memory_space<vmem>> -> memref<1x50x64xf32, #tpu.memory_space<vmem>>
      %dma_start3A_2003 = tpu.memref_squeeze %dma_start3A_2002 : memref<1x50x64xf32, #tpu.memory_space<vmem>> -> memref<50x64xf32, #tpu.memory_space<vmem>>
      %dma_start3A_2004 = arith.constant 0 : i32
      %dma_start3A_2005 = arith.constant 0 : i32
      %dma_start3A_2006 = tpu.memref_slice %arg4[%add3A_1998, %dma_start3A_2004, %dma_start3A_2005] : memref<16384x56x128xf32, #tpu.memory_space<hbm>> -> memref<1x50x64xf32, #tpu.memory_space<hbm>>
      %dma_start3A_2007 = tpu.memref_squeeze %dma_start3A_2006 : memref<1x50x64xf32, #tpu.memory_space<hbm>> -> memref<50x64xf32, #tpu.memory_space<hbm>>
      %dma_start3A_2008 = arith.constant 0 : i32
      %dma_start3A_2009 = arith.constant 0 : i32
      %dma_start3A_2010 = tpu.memref_slice %arg4[%add3A_1998, %dma_start3A_2008, %dma_start3A_2009] : memref<16384x56x128xf32, #tpu.memory_space<hbm>> -> memref<1x50x64xf32, #tpu.memory_space<hbm>>
      %dma_start3A_2011 = tpu.memref_squeeze %dma_start3A_2010 : memref<1x50x64xf32, #tpu.memory_space<hbm>> -> memref<50x64xf32, #tpu.memory_space<hbm>>
      %dma_start3A_2012 = arith.constant 0 : i32
      %dma_start3A_2013 = arith.constant 0 : i32
      %dma_start3A_2014 = tpu.memref_slice %arg6[%dma_start3A_1999, %dma_start3A_2012, %dma_start3A_2013] : memref<8x100x64xf32, #tpu.memory_space<vmem>> -> memref<1x50x64xf32, #tpu.memory_space<vmem>>
      %dma_start3A_2015 = tpu.memref_squeeze %dma_start3A_2014 : memref<1x50x64xf32, #tpu.memory_space<vmem>> -> memref<50x64xf32, #tpu.memory_space<vmem>>
      tpu.enqueue_dma source(%dma_start3A_2015 : memref<50x64xf32, #tpu.memory_space<vmem>>) target(%dma_start3A_2011 : memref<50x64xf32, #tpu.memory_space<hbm>>) target_semaphore(%arg18 : memref<!tpu.dma_semaphore, #tpu.memory_space<semaphore_mem>>)
      %mul3A_2016 = arith.constant 2 : i32
      %mul3A_2017 = arith.muli %add3A_1932, %mul3A_2016 : i32
      %add3A_2018 = arith.addi %mul3A_4, %mul3A_2017 : i32
      %add3A_2019 = arith.constant 1 : i32
      %add3A_2020 = arith.addi %add3A_2018, %add3A_2019 : i32
      %dma_start3A_2021 = arith.constant 3 : i32
      %dma_start3A_2022 = arith.constant 50 : i32
      %dma_start3A_2023 = arith.constant 0 : i32
      %dma_start3A_2024 = tpu.memref_slice %arg6[%dma_start3A_2021, %dma_start3A_2022, %dma_start3A_2023] : memref<8x100x64xf32, #tpu.memory_space<vmem>> -> memref<1x50x64xf32, #tpu.memory_space<vmem>>
      %dma_start3A_2025 = tpu.memref_squeeze %dma_start3A_2024 : memref<1x50x64xf32, #tpu.memory_space<vmem>> -> memref<50x64xf32, #tpu.memory_space<vmem>>
      %dma_start3A_2026 = arith.constant 0 : i32
      %dma_start3A_2027 = arith.constant 0 : i32
      %dma_start3A_2028 = tpu.memref_slice %arg4[%add3A_2020, %dma_start3A_2026, %dma_start3A_2027] : memref<16384x56x128xf32, #tpu.memory_space<hbm>> -> memref<1x50x64xf32, #tpu.memory_space<hbm>>
      %dma_start3A_2029 = tpu.memref_squeeze %dma_start3A_2028 : memref<1x50x64xf32, #tpu.memory_space<hbm>> -> memref<50x64xf32, #tpu.memory_space<hbm>>
      %dma_start3A_2030 = arith.constant 0 : i32
      %dma_start3A_2031 = arith.constant 0 : i32
      %dma_start3A_2032 = tpu.memref_slice %arg4[%add3A_2020, %dma_start3A_2030, %dma_start3A_2031] : memref<16384x56x128xf32, #tpu.memory_space<hbm>> -> memref<1x50x64xf32, #tpu.memory_space<hbm>>
      %dma_start3A_2033 = tpu.memref_squeeze %dma_start3A_2032 : memref<1x50x64xf32, #tpu.memory_space<hbm>> -> memref<50x64xf32, #tpu.memory_space<hbm>>
      %dma_start3A_2034 = arith.constant 50 : i32
      %dma_start3A_2035 = arith.constant 0 : i32
      %dma_start3A_2036 = tpu.memref_slice %arg6[%dma_start3A_2021, %dma_start3A_2034, %dma_start3A_2035] : memref<8x100x64xf32, #tpu.memory_space<vmem>> -> memref<1x50x64xf32, #tpu.memory_space<vmem>>
      %dma_start3A_2037 = tpu.memref_squeeze %dma_start3A_2036 : memref<1x50x64xf32, #tpu.memory_space<vmem>> -> memref<50x64xf32, #tpu.memory_space<vmem>>
      tpu.enqueue_dma source(%dma_start3A_2037 : memref<50x64xf32, #tpu.memory_space<vmem>>) target(%dma_start3A_2033 : memref<50x64xf32, #tpu.memory_space<hbm>>) target_semaphore(%arg18 : memref<!tpu.dma_semaphore, #tpu.memory_space<semaphore_mem>>)
      %add3A_2038 = arith.constant 4 : i32
      %add3A_2039 = arith.addi %mul3A_1610, %add3A_2038 : i32
      %dma_wait3A_2040 = arith.constant 3 : i32
      %dma_wait3A_2041 = arith.constant 0 : i32
      %dma_wait3A_2042 = arith.constant 0 : i32
      %dma_wait3A_2043 = tpu.memref_slice %arg6[%dma_wait3A_2040, %dma_wait3A_2041, %dma_wait3A_2042] : memref<8x100x64xf32, #tpu.memory_space<vmem>> -> memref<1x50x64xf32, #tpu.memory_space<vmem>>
      %dma_wait3A_2044 = tpu.memref_squeeze %dma_wait3A_2043 : memref<1x50x64xf32, #tpu.memory_space<vmem>> -> memref<50x64xf32, #tpu.memory_space<vmem>>
      %dma_wait3A_2045 = arith.constant 0 : i32
      %dma_wait3A_2046 = arith.constant 0 : i32
      %dma_wait3A_2047 = tpu.memref_slice %arg4[%mul3A_4, %dma_wait3A_2045, %dma_wait3A_2046] : memref<16384x56x128xf32, #tpu.memory_space<hbm>> -> memref<1x50x64xf32, #tpu.memory_space<hbm>>
      %dma_wait3A_2048 = tpu.memref_squeeze %dma_wait3A_2047 : memref<1x50x64xf32, #tpu.memory_space<hbm>> -> memref<50x64xf32, #tpu.memory_space<hbm>>
      %dma_wait3A_2049 = arith.constant 0 : i32
      %dma_wait3A_2050 = arith.constant 0 : i32
      %dma_wait3A_2051 = tpu.memref_slice %arg4[%mul3A_4, %dma_wait3A_2049, %dma_wait3A_2050] : memref<16384x56x128xf32, #tpu.memory_space<hbm>> -> memref<1x50x64xf32, #tpu.memory_space<hbm>>
      %dma_wait3A_2052 = tpu.memref_squeeze %dma_wait3A_2051 : memref<1x50x64xf32, #tpu.memory_space<hbm>> -> memref<50x64xf32, #tpu.memory_space<hbm>>
      %dma_wait3A_2053 = arith.constant 0 : i32
      %dma_wait3A_2054 = arith.constant 0 : i32
      %dma_wait3A_2055 = tpu.memref_slice %arg6[%dma_wait3A_2040, %dma_wait3A_2053, %dma_wait3A_2054] : memref<8x100x64xf32, #tpu.memory_space<vmem>> -> memref<1x50x64xf32, #tpu.memory_space<vmem>>
      %dma_wait3A_2056 = tpu.memref_squeeze %dma_wait3A_2055 : memref<1x50x64xf32, #tpu.memory_space<vmem>> -> memref<50x64xf32, #tpu.memory_space<vmem>>
      tpu.wait_dma2 semaphore(%arg18 : memref<!tpu.dma_semaphore, #tpu.memory_space<semaphore_mem>>) src(%dma_wait3A_2056 : memref<50x64xf32, #tpu.memory_space<vmem>>) dst(%dma_wait3A_2052 : memref<50x64xf32, #tpu.memory_space<hbm>>)
      %dma_wait3A_2057 = arith.constant 3 : i32
      %dma_wait3A_2058 = arith.constant 50 : i32
      %dma_wait3A_2059 = arith.constant 0 : i32
      %dma_wait3A_2060 = tpu.memref_slice %arg6[%dma_wait3A_2057, %dma_wait3A_2058, %dma_wait3A_2059] : memref<8x100x64xf32, #tpu.memory_space<vmem>> -> memref<1x50x64xf32, #tpu.memory_space<vmem>>
      %dma_wait3A_2061 = tpu.memref_squeeze %dma_wait3A_2060 : memref<1x50x64xf32, #tpu.memory_space<vmem>> -> memref<50x64xf32, #tpu.memory_space<vmem>>
      %dma_wait3A_2062 = arith.constant 0 : i32
      %dma_wait3A_2063 = arith.constant 0 : i32
      %dma_wait3A_2064 = tpu.memref_slice %arg4[%mul3A_4, %dma_wait3A_2062, %dma_wait3A_2063] : memref<16384x56x128xf32, #tpu.memory_space<hbm>> -> memref<1x50x64xf32, #tpu.memory_space<hbm>>
      %dma_wait3A_2065 = tpu.memref_squeeze %dma_wait3A_2064 : memref<1x50x64xf32, #tpu.memory_space<hbm>> -> memref<50x64xf32, #tpu.memory_space<hbm>>
      %dma_wait3A_2066 = arith.constant 0 : i32
      %dma_wait3A_2067 = arith.constant 0 : i32
      %dma_wait3A_2068 = tpu.memref_slice %arg4[%mul3A_4, %dma_wait3A_2066, %dma_wait3A_2067] : memref<16384x56x128xf32, #tpu.memory_space<hbm>> -> memref<1x50x64xf32, #tpu.memory_space<hbm>>
      %dma_wait3A_2069 = tpu.memref_squeeze %dma_wait3A_2068 : memref<1x50x64xf32, #tpu.memory_space<hbm>> -> memref<50x64xf32, #tpu.memory_space<hbm>>
      %dma_wait3A_2070 = arith.constant 50 : i32
      %dma_wait3A_2071 = arith.constant 0 : i32
      %dma_wait3A_2072 = tpu.memref_slice %arg6[%dma_wait3A_2057, %dma_wait3A_2070, %dma_wait3A_2071] : memref<8x100x64xf32, #tpu.memory_space<vmem>> -> memref<1x50x64xf32, #tpu.memory_space<vmem>>
      %dma_wait3A_2073 = tpu.memref_squeeze %dma_wait3A_2072 : memref<1x50x64xf32, #tpu.memory_space<vmem>> -> memref<50x64xf32, #tpu.memory_space<vmem>>
      tpu.wait_dma2 semaphore(%arg18 : memref<!tpu.dma_semaphore, #tpu.memory_space<semaphore_mem>>) src(%dma_wait3A_2073 : memref<50x64xf32, #tpu.memory_space<vmem>>) dst(%dma_wait3A_2069 : memref<50x64xf32, #tpu.memory_space<hbm>>)
      %add3A_2074 = arith.constant 8 : i32
      %add3A_2075 = arith.addi %add3A_2039, %add3A_2074 : i32
      %sub3A_2076 = arith.constant 1 : i32
      %sub3A_2077 = arith.subi %add3A_2075, %sub3A_2076 : i32
      %dma_start3A_2078 = arith.constant 3 : i32
      %dma_start3A_2079 = arith.constant 0 : i32
      %dma_start3A_2080 = arith.constant 0 : i32
      %dma_start3A_2081 = tpu.memref_slice %arg6[%dma_start3A_2078, %dma_start3A_2079, %dma_start3A_2080] : memref<8x100x64xf32, #tpu.memory_space<vmem>> -> memref<1x100x64xf32, #tpu.memory_space<vmem>>
      %dma_start3A_2082 = tpu.memref_squeeze %dma_start3A_2081 : memref<1x100x64xf32, #tpu.memory_space<vmem>> -> memref<100x64xf32, #tpu.memory_space<vmem>>
      %dma_start3A_2083 = arith.constant 0 : i32
      %dma_start3A_2084 = tpu.memref_slice %arg5[%sub3A_2077, %dma_start3A_2083] : memref<256x100xi32, #tpu.memory_space<vmem>> -> memref<1x100xi32, #tpu.memory_space<vmem>>
      %dma_start3A_2085 = tpu.memref_squeeze %dma_start3A_2084 : memref<1x100xi32, #tpu.memory_space<vmem>> -> memref<100xi32, #tpu.memory_space<vmem>>
      %dma_start3A_2086 = arith.constant 0 : i32
      %dma_start3A_2087 = arith.constant 0 : i32
      %dma_start3A_2088 = tpu.memref_slice %arg3[%dma_start3A_2086, %dma_start3A_2087] : memref<100000x64xf32, #tpu.memory_space<hbm>> -> memref<100000x64xf32, #tpu.memory_space<hbm>>
      tpu.enqueue_indirect_dma source(%dma_start3A_2088 : memref<100000x64xf32, #tpu.memory_space<hbm>>) target(%dma_start3A_2082 : memref<100x64xf32, #tpu.memory_space<vmem>>) offsets(%dma_start3A_2085 : memref<100xi32, #tpu.memory_space<vmem>>) semaphore(%arg10 : memref<!tpu.dma_semaphore, #tpu.memory_space<semaphore_mem>>)
      %dma_wait3A_2089 = arith.constant 0 : i32
      %dma_wait3A_2090 = arith.constant 4 : i32
      %dma_wait3A_2091 = arith.constant 0 : i32
      %dma_wait3A_2092 = arith.constant 0 : i32
      %dma_wait3A_2093 = tpu.memref_slice %arg6[%dma_wait3A_2090, %dma_wait3A_2091, %dma_wait3A_2092] : memref<8x100x64xf32, #tpu.memory_space<vmem>> -> memref<1x100x64xf32, #tpu.memory_space<vmem>>
      %dma_wait3A_2094 = tpu.memref_squeeze %dma_wait3A_2093 : memref<1x100x64xf32, #tpu.memory_space<vmem>> -> memref<100x64xf32, #tpu.memory_space<vmem>>
      %dma_wait3A_2095 = arith.constant 0 : i32
      %dma_wait3A_2096 = tpu.memref_slice %arg5[%dma_wait3A_2089, %dma_wait3A_2095] : memref<256x100xi32, #tpu.memory_space<vmem>> -> memref<1x100xi32, #tpu.memory_space<vmem>>
      %dma_wait3A_2097 = tpu.memref_squeeze %dma_wait3A_2096 : memref<1x100xi32, #tpu.memory_space<vmem>> -> memref<100xi32, #tpu.memory_space<vmem>>
      %dma_wait3A_2098 = arith.constant 0 : i32
      %dma_wait3A_2099 = arith.constant 0 : i32
      %dma_wait3A_2100 = tpu.memref_slice %arg3[%dma_wait3A_2098, %dma_wait3A_2099] : memref<100000x64xf32, #tpu.memory_space<hbm>> -> memref<100000x64xf32, #tpu.memory_space<hbm>>
      tpu.wait_indirect_dma semaphore(%arg11 : memref<!tpu.dma_semaphore, #tpu.memory_space<semaphore_mem>>) src(%dma_wait3A_2100 : memref<100000x64xf32, #tpu.memory_space<hbm>>) dst(%dma_wait3A_2094 : memref<100x64xf32, #tpu.memory_space<vmem>>)
      %mul3A_2101 = arith.constant 2 : i32
      %mul3A_2102 = arith.muli %add3A_2039, %mul3A_2101 : i32
      %add3A_2103 = arith.addi %mul3A_4, %mul3A_2102 : i32
      %add3A_2104 = arith.constant 0 : i32
      %add3A_2105 = arith.addi %add3A_2103, %add3A_2104 : i32
      %dma_start3A_2106 = arith.constant 4 : i32
      %dma_start3A_2107 = arith.constant 0 : i32
      %dma_start3A_2108 = arith.constant 0 : i32
      %dma_start3A_2109 = tpu.memref_slice %arg6[%dma_start3A_2106, %dma_start3A_2107, %dma_start3A_2108] : memref<8x100x64xf32, #tpu.memory_space<vmem>> -> memref<1x50x64xf32, #tpu.memory_space<vmem>>
      %dma_start3A_2110 = tpu.memref_squeeze %dma_start3A_2109 : memref<1x50x64xf32, #tpu.memory_space<vmem>> -> memref<50x64xf32, #tpu.memory_space<vmem>>
      %dma_start3A_2111 = arith.constant 0 : i32
      %dma_start3A_2112 = arith.constant 0 : i32
      %dma_start3A_2113 = tpu.memref_slice %arg4[%add3A_2105, %dma_start3A_2111, %dma_start3A_2112] : memref<16384x56x128xf32, #tpu.memory_space<hbm>> -> memref<1x50x64xf32, #tpu.memory_space<hbm>>
      %dma_start3A_2114 = tpu.memref_squeeze %dma_start3A_2113 : memref<1x50x64xf32, #tpu.memory_space<hbm>> -> memref<50x64xf32, #tpu.memory_space<hbm>>
      %dma_start3A_2115 = arith.constant 0 : i32
      %dma_start3A_2116 = arith.constant 0 : i32
      %dma_start3A_2117 = tpu.memref_slice %arg4[%add3A_2105, %dma_start3A_2115, %dma_start3A_2116] : memref<16384x56x128xf32, #tpu.memory_space<hbm>> -> memref<1x50x64xf32, #tpu.memory_space<hbm>>
      %dma_start3A_2118 = tpu.memref_squeeze %dma_start3A_2117 : memref<1x50x64xf32, #tpu.memory_space<hbm>> -> memref<50x64xf32, #tpu.memory_space<hbm>>
      %dma_start3A_2119 = arith.constant 0 : i32
      %dma_start3A_2120 = arith.constant 0 : i32
      %dma_start3A_2121 = tpu.memref_slice %arg6[%dma_start3A_2106, %dma_start3A_2119, %dma_start3A_2120] : memref<8x100x64xf32, #tpu.memory_space<vmem>> -> memref<1x50x64xf32, #tpu.memory_space<vmem>>
      %dma_start3A_2122 = tpu.memref_squeeze %dma_start3A_2121 : memref<1x50x64xf32, #tpu.memory_space<vmem>> -> memref<50x64xf32, #tpu.memory_space<vmem>>
      tpu.enqueue_dma source(%dma_start3A_2122 : memref<50x64xf32, #tpu.memory_space<vmem>>) target(%dma_start3A_2118 : memref<50x64xf32, #tpu.memory_space<hbm>>) target_semaphore(%arg19 : memref<!tpu.dma_semaphore, #tpu.memory_space<semaphore_mem>>)
      %mul3A_2123 = arith.constant 2 : i32
      %mul3A_2124 = arith.muli %add3A_2039, %mul3A_2123 : i32
      %add3A_2125 = arith.addi %mul3A_4, %mul3A_2124 : i32
      %add3A_2126 = arith.constant 1 : i32
      %add3A_2127 = arith.addi %add3A_2125, %add3A_2126 : i32
      %dma_start3A_2128 = arith.constant 4 : i32
      %dma_start3A_2129 = arith.constant 50 : i32
      %dma_start3A_2130 = arith.constant 0 : i32
      %dma_start3A_2131 = tpu.memref_slice %arg6[%dma_start3A_2128, %dma_start3A_2129, %dma_start3A_2130] : memref<8x100x64xf32, #tpu.memory_space<vmem>> -> memref<1x50x64xf32, #tpu.memory_space<vmem>>
      %dma_start3A_2132 = tpu.memref_squeeze %dma_start3A_2131 : memref<1x50x64xf32, #tpu.memory_space<vmem>> -> memref<50x64xf32, #tpu.memory_space<vmem>>
      %dma_start3A_2133 = arith.constant 0 : i32
      %dma_start3A_2134 = arith.constant 0 : i32
      %dma_start3A_2135 = tpu.memref_slice %arg4[%add3A_2127, %dma_start3A_2133, %dma_start3A_2134] : memref<16384x56x128xf32, #tpu.memory_space<hbm>> -> memref<1x50x64xf32, #tpu.memory_space<hbm>>
      %dma_start3A_2136 = tpu.memref_squeeze %dma_start3A_2135 : memref<1x50x64xf32, #tpu.memory_space<hbm>> -> memref<50x64xf32, #tpu.memory_space<hbm>>
      %dma_start3A_2137 = arith.constant 0 : i32
      %dma_start3A_2138 = arith.constant 0 : i32
      %dma_start3A_2139 = tpu.memref_slice %arg4[%add3A_2127, %dma_start3A_2137, %dma_start3A_2138] : memref<16384x56x128xf32, #tpu.memory_space<hbm>> -> memref<1x50x64xf32, #tpu.memory_space<hbm>>
      %dma_start3A_2140 = tpu.memref_squeeze %dma_start3A_2139 : memref<1x50x64xf32, #tpu.memory_space<hbm>> -> memref<50x64xf32, #tpu.memory_space<hbm>>
      %dma_start3A_2141 = arith.constant 50 : i32
      %dma_start3A_2142 = arith.constant 0 : i32
      %dma_start3A_2143 = tpu.memref_slice %arg6[%dma_start3A_2128, %dma_start3A_2141, %dma_start3A_2142] : memref<8x100x64xf32, #tpu.memory_space<vmem>> -> memref<1x50x64xf32, #tpu.memory_space<vmem>>
      %dma_start3A_2144 = tpu.memref_squeeze %dma_start3A_2143 : memref<1x50x64xf32, #tpu.memory_space<vmem>> -> memref<50x64xf32, #tpu.memory_space<vmem>>
      tpu.enqueue_dma source(%dma_start3A_2144 : memref<50x64xf32, #tpu.memory_space<vmem>>) target(%dma_start3A_2140 : memref<50x64xf32, #tpu.memory_space<hbm>>) target_semaphore(%arg19 : memref<!tpu.dma_semaphore, #tpu.memory_space<semaphore_mem>>)
      %add3A_2145 = arith.constant 5 : i32
      %add3A_2146 = arith.addi %mul3A_1610, %add3A_2145 : i32
      %dma_wait3A_2147 = arith.constant 4 : i32
      %dma_wait3A_2148 = arith.constant 0 : i32
      %dma_wait3A_2149 = arith.constant 0 : i32
      %dma_wait3A_2150 = tpu.memref_slice %arg6[%dma_wait3A_2147, %dma_wait3A_2148, %dma_wait3A_2149] : memref<8x100x64xf32, #tpu.memory_space<vmem>> -> memref<1x50x64xf32, #tpu.memory_space<vmem>>
      %dma_wait3A_2151 = tpu.memref_squeeze %dma_wait3A_2150 : memref<1x50x64xf32, #tpu.memory_space<vmem>> -> memref<50x64xf32, #tpu.memory_space<vmem>>
      %dma_wait3A_2152 = arith.constant 0 : i32
      %dma_wait3A_2153 = arith.constant 0 : i32
      %dma_wait3A_2154 = tpu.memref_slice %arg4[%mul3A_4, %dma_wait3A_2152, %dma_wait3A_2153] : memref<16384x56x128xf32, #tpu.memory_space<hbm>> -> memref<1x50x64xf32, #tpu.memory_space<hbm>>
      %dma_wait3A_2155 = tpu.memref_squeeze %dma_wait3A_2154 : memref<1x50x64xf32, #tpu.memory_space<hbm>> -> memref<50x64xf32, #tpu.memory_space<hbm>>
      %dma_wait3A_2156 = arith.constant 0 : i32
      %dma_wait3A_2157 = arith.constant 0 : i32
      %dma_wait3A_2158 = tpu.memref_slice %arg4[%mul3A_4, %dma_wait3A_2156, %dma_wait3A_2157] : memref<16384x56x128xf32, #tpu.memory_space<hbm>> -> memref<1x50x64xf32, #tpu.memory_space<hbm>>
      %dma_wait3A_2159 = tpu.memref_squeeze %dma_wait3A_2158 : memref<1x50x64xf32, #tpu.memory_space<hbm>> -> memref<50x64xf32, #tpu.memory_space<hbm>>
      %dma_wait3A_2160 = arith.constant 0 : i32
      %dma_wait3A_2161 = arith.constant 0 : i32
      %dma_wait3A_2162 = tpu.memref_slice %arg6[%dma_wait3A_2147, %dma_wait3A_2160, %dma_wait3A_2161] : memref<8x100x64xf32, #tpu.memory_space<vmem>> -> memref<1x50x64xf32, #tpu.memory_space<vmem>>
      %dma_wait3A_2163 = tpu.memref_squeeze %dma_wait3A_2162 : memref<1x50x64xf32, #tpu.memory_space<vmem>> -> memref<50x64xf32, #tpu.memory_space<vmem>>
      tpu.wait_dma2 semaphore(%arg19 : memref<!tpu.dma_semaphore, #tpu.memory_space<semaphore_mem>>) src(%dma_wait3A_2163 : memref<50x64xf32, #tpu.memory_space<vmem>>) dst(%dma_wait3A_2159 : memref<50x64xf32, #tpu.memory_space<hbm>>)
      %dma_wait3A_2164 = arith.constant 4 : i32
      %dma_wait3A_2165 = arith.constant 50 : i32
      %dma_wait3A_2166 = arith.constant 0 : i32
      %dma_wait3A_2167 = tpu.memref_slice %arg6[%dma_wait3A_2164, %dma_wait3A_2165, %dma_wait3A_2166] : memref<8x100x64xf32, #tpu.memory_space<vmem>> -> memref<1x50x64xf32, #tpu.memory_space<vmem>>
      %dma_wait3A_2168 = tpu.memref_squeeze %dma_wait3A_2167 : memref<1x50x64xf32, #tpu.memory_space<vmem>> -> memref<50x64xf32, #tpu.memory_space<vmem>>
      %dma_wait3A_2169 = arith.constant 0 : i32
      %dma_wait3A_2170 = arith.constant 0 : i32
      %dma_wait3A_2171 = tpu.memref_slice %arg4[%mul3A_4, %dma_wait3A_2169, %dma_wait3A_2170] : memref<16384x56x128xf32, #tpu.memory_space<hbm>> -> memref<1x50x64xf32, #tpu.memory_space<hbm>>
      %dma_wait3A_2172 = tpu.memref_squeeze %dma_wait3A_2171 : memref<1x50x64xf32, #tpu.memory_space<hbm>> -> memref<50x64xf32, #tpu.memory_space<hbm>>
      %dma_wait3A_2173 = arith.constant 0 : i32
      %dma_wait3A_2174 = arith.constant 0 : i32
      %dma_wait3A_2175 = tpu.memref_slice %arg4[%mul3A_4, %dma_wait3A_2173, %dma_wait3A_2174] : memref<16384x56x128xf32, #tpu.memory_space<hbm>> -> memref<1x50x64xf32, #tpu.memory_space<hbm>>
      %dma_wait3A_2176 = tpu.memref_squeeze %dma_wait3A_2175 : memref<1x50x64xf32, #tpu.memory_space<hbm>> -> memref<50x64xf32, #tpu.memory_space<hbm>>
      %dma_wait3A_2177 = arith.constant 50 : i32
      %dma_wait3A_2178 = arith.constant 0 : i32
      %dma_wait3A_2179 = tpu.memref_slice %arg6[%dma_wait3A_2164, %dma_wait3A_2177, %dma_wait3A_2178] : memref<8x100x64xf32, #tpu.memory_space<vmem>> -> memref<1x50x64xf32, #tpu.memory_space<vmem>>
      %dma_wait3A_2180 = tpu.memref_squeeze %dma_wait3A_2179 : memref<1x50x64xf32, #tpu.memory_space<vmem>> -> memref<50x64xf32, #tpu.memory_space<vmem>>
      tpu.wait_dma2 semaphore(%arg19 : memref<!tpu.dma_semaphore, #tpu.memory_space<semaphore_mem>>) src(%dma_wait3A_2180 : memref<50x64xf32, #tpu.memory_space<vmem>>) dst(%dma_wait3A_2176 : memref<50x64xf32, #tpu.memory_space<hbm>>)
      %add3A_2181 = arith.constant 8 : i32
      %add3A_2182 = arith.addi %add3A_2146, %add3A_2181 : i32
      %sub3A_2183 = arith.constant 1 : i32
      %sub3A_2184 = arith.subi %add3A_2182, %sub3A_2183 : i32
      %dma_start3A_2185 = arith.constant 4 : i32
      %dma_start3A_2186 = arith.constant 0 : i32
      %dma_start3A_2187 = arith.constant 0 : i32
      %dma_start3A_2188 = tpu.memref_slice %arg6[%dma_start3A_2185, %dma_start3A_2186, %dma_start3A_2187] : memref<8x100x64xf32, #tpu.memory_space<vmem>> -> memref<1x100x64xf32, #tpu.memory_space<vmem>>
      %dma_start3A_2189 = tpu.memref_squeeze %dma_start3A_2188 : memref<1x100x64xf32, #tpu.memory_space<vmem>> -> memref<100x64xf32, #tpu.memory_space<vmem>>
      %dma_start3A_2190 = arith.constant 0 : i32
      %dma_start3A_2191 = tpu.memref_slice %arg5[%sub3A_2184, %dma_start3A_2190] : memref<256x100xi32, #tpu.memory_space<vmem>> -> memref<1x100xi32, #tpu.memory_space<vmem>>
      %dma_start3A_2192 = tpu.memref_squeeze %dma_start3A_2191 : memref<1x100xi32, #tpu.memory_space<vmem>> -> memref<100xi32, #tpu.memory_space<vmem>>
      %dma_start3A_2193 = arith.constant 0 : i32
      %dma_start3A_2194 = arith.constant 0 : i32
      %dma_start3A_2195 = tpu.memref_slice %arg3[%dma_start3A_2193, %dma_start3A_2194] : memref<100000x64xf32, #tpu.memory_space<hbm>> -> memref<100000x64xf32, #tpu.memory_space<hbm>>
      tpu.enqueue_indirect_dma source(%dma_start3A_2195 : memref<100000x64xf32, #tpu.memory_space<hbm>>) target(%dma_start3A_2189 : memref<100x64xf32, #tpu.memory_space<vmem>>) offsets(%dma_start3A_2192 : memref<100xi32, #tpu.memory_space<vmem>>) semaphore(%arg11 : memref<!tpu.dma_semaphore, #tpu.memory_space<semaphore_mem>>)
      %dma_wait3A_2196 = arith.constant 0 : i32
      %dma_wait3A_2197 = arith.constant 5 : i32
      %dma_wait3A_2198 = arith.constant 0 : i32
      %dma_wait3A_2199 = arith.constant 0 : i32
      %dma_wait3A_2200 = tpu.memref_slice %arg6[%dma_wait3A_2197, %dma_wait3A_2198, %dma_wait3A_2199] : memref<8x100x64xf32, #tpu.memory_space<vmem>> -> memref<1x100x64xf32, #tpu.memory_space<vmem>>
      %dma_wait3A_2201 = tpu.memref_squeeze %dma_wait3A_2200 : memref<1x100x64xf32, #tpu.memory_space<vmem>> -> memref<100x64xf32, #tpu.memory_space<vmem>>
      %dma_wait3A_2202 = arith.constant 0 : i32
      %dma_wait3A_2203 = tpu.memref_slice %arg5[%dma_wait3A_2196, %dma_wait3A_2202] : memref<256x100xi32, #tpu.memory_space<vmem>> -> memref<1x100xi32, #tpu.memory_space<vmem>>
      %dma_wait3A_2204 = tpu.memref_squeeze %dma_wait3A_2203 : memref<1x100xi32, #tpu.memory_space<vmem>> -> memref<100xi32, #tpu.memory_space<vmem>>
      %dma_wait3A_2205 = arith.constant 0 : i32
      %dma_wait3A_2206 = arith.constant 0 : i32
      %dma_wait3A_2207 = tpu.memref_slice %arg3[%dma_wait3A_2205, %dma_wait3A_2206] : memref<100000x64xf32, #tpu.memory_space<hbm>> -> memref<100000x64xf32, #tpu.memory_space<hbm>>
      tpu.wait_indirect_dma semaphore(%arg12 : memref<!tpu.dma_semaphore, #tpu.memory_space<semaphore_mem>>) src(%dma_wait3A_2207 : memref<100000x64xf32, #tpu.memory_space<hbm>>) dst(%dma_wait3A_2201 : memref<100x64xf32, #tpu.memory_space<vmem>>)
      %mul3A_2208 = arith.constant 2 : i32
      %mul3A_2209 = arith.muli %add3A_2146, %mul3A_2208 : i32
      %add3A_2210 = arith.addi %mul3A_4, %mul3A_2209 : i32
      %add3A_2211 = arith.constant 0 : i32
      %add3A_2212 = arith.addi %add3A_2210, %add3A_2211 : i32
      %dma_start3A_2213 = arith.constant 5 : i32
      %dma_start3A_2214 = arith.constant 0 : i32
      %dma_start3A_2215 = arith.constant 0 : i32
      %dma_start3A_2216 = tpu.memref_slice %arg6[%dma_start3A_2213, %dma_start3A_2214, %dma_start3A_2215] : memref<8x100x64xf32, #tpu.memory_space<vmem>> -> memref<1x50x64xf32, #tpu.memory_space<vmem>>
      %dma_start3A_2217 = tpu.memref_squeeze %dma_start3A_2216 : memref<1x50x64xf32, #tpu.memory_space<vmem>> -> memref<50x64xf32, #tpu.memory_space<vmem>>
      %dma_start3A_2218 = arith.constant 0 : i32
      %dma_start3A_2219 = arith.constant 0 : i32
      %dma_start3A_2220 = tpu.memref_slice %arg4[%add3A_2212, %dma_start3A_2218, %dma_start3A_2219] : memref<16384x56x128xf32, #tpu.memory_space<hbm>> -> memref<1x50x64xf32, #tpu.memory_space<hbm>>
      %dma_start3A_2221 = tpu.memref_squeeze %dma_start3A_2220 : memref<1x50x64xf32, #tpu.memory_space<hbm>> -> memref<50x64xf32, #tpu.memory_space<hbm>>
      %dma_start3A_2222 = arith.constant 0 : i32
      %dma_start3A_2223 = arith.constant 0 : i32
      %dma_start3A_2224 = tpu.memref_slice %arg4[%add3A_2212, %dma_start3A_2222, %dma_start3A_2223] : memref<16384x56x128xf32, #tpu.memory_space<hbm>> -> memref<1x50x64xf32, #tpu.memory_space<hbm>>
      %dma_start3A_2225 = tpu.memref_squeeze %dma_start3A_2224 : memref<1x50x64xf32, #tpu.memory_space<hbm>> -> memref<50x64xf32, #tpu.memory_space<hbm>>
      %dma_start3A_2226 = arith.constant 0 : i32
      %dma_start3A_2227 = arith.constant 0 : i32
      %dma_start3A_2228 = tpu.memref_slice %arg6[%dma_start3A_2213, %dma_start3A_2226, %dma_start3A_2227] : memref<8x100x64xf32, #tpu.memory_space<vmem>> -> memref<1x50x64xf32, #tpu.memory_space<vmem>>
      %dma_start3A_2229 = tpu.memref_squeeze %dma_start3A_2228 : memref<1x50x64xf32, #tpu.memory_space<vmem>> -> memref<50x64xf32, #tpu.memory_space<vmem>>
      tpu.enqueue_dma source(%dma_start3A_2229 : memref<50x64xf32, #tpu.memory_space<vmem>>) target(%dma_start3A_2225 : memref<50x64xf32, #tpu.memory_space<hbm>>) target_semaphore(%arg20 : memref<!tpu.dma_semaphore, #tpu.memory_space<semaphore_mem>>)
      %mul3A_2230 = arith.constant 2 : i32
      %mul3A_2231 = arith.muli %add3A_2146, %mul3A_2230 : i32
      %add3A_2232 = arith.addi %mul3A_4, %mul3A_2231 : i32
      %add3A_2233 = arith.constant 1 : i32
      %add3A_2234 = arith.addi %add3A_2232, %add3A_2233 : i32
      %dma_start3A_2235 = arith.constant 5 : i32
      %dma_start3A_2236 = arith.constant 50 : i32
      %dma_start3A_2237 = arith.constant 0 : i32
      %dma_start3A_2238 = tpu.memref_slice %arg6[%dma_start3A_2235, %dma_start3A_2236, %dma_start3A_2237] : memref<8x100x64xf32, #tpu.memory_space<vmem>> -> memref<1x50x64xf32, #tpu.memory_space<vmem>>
      %dma_start3A_2239 = tpu.memref_squeeze %dma_start3A_2238 : memref<1x50x64xf32, #tpu.memory_space<vmem>> -> memref<50x64xf32, #tpu.memory_space<vmem>>
      %dma_start3A_2240 = arith.constant 0 : i32
      %dma_start3A_2241 = arith.constant 0 : i32
      %dma_start3A_2242 = tpu.memref_slice %arg4[%add3A_2234, %dma_start3A_2240, %dma_start3A_2241] : memref<16384x56x128xf32, #tpu.memory_space<hbm>> -> memref<1x50x64xf32, #tpu.memory_space<hbm>>
      %dma_start3A_2243 = tpu.memref_squeeze %dma_start3A_2242 : memref<1x50x64xf32, #tpu.memory_space<hbm>> -> memref<50x64xf32, #tpu.memory_space<hbm>>
      %dma_start3A_2244 = arith.constant 0 : i32
      %dma_start3A_2245 = arith.constant 0 : i32
      %dma_start3A_2246 = tpu.memref_slice %arg4[%add3A_2234, %dma_start3A_2244, %dma_start3A_2245] : memref<16384x56x128xf32, #tpu.memory_space<hbm>> -> memref<1x50x64xf32, #tpu.memory_space<hbm>>
      %dma_start3A_2247 = tpu.memref_squeeze %dma_start3A_2246 : memref<1x50x64xf32, #tpu.memory_space<hbm>> -> memref<50x64xf32, #tpu.memory_space<hbm>>
      %dma_start3A_2248 = arith.constant 50 : i32
      %dma_start3A_2249 = arith.constant 0 : i32
      %dma_start3A_2250 = tpu.memref_slice %arg6[%dma_start3A_2235, %dma_start3A_2248, %dma_start3A_2249] : memref<8x100x64xf32, #tpu.memory_space<vmem>> -> memref<1x50x64xf32, #tpu.memory_space<vmem>>
      %dma_start3A_2251 = tpu.memref_squeeze %dma_start3A_2250 : memref<1x50x64xf32, #tpu.memory_space<vmem>> -> memref<50x64xf32, #tpu.memory_space<vmem>>
      tpu.enqueue_dma source(%dma_start3A_2251 : memref<50x64xf32, #tpu.memory_space<vmem>>) target(%dma_start3A_2247 : memref<50x64xf32, #tpu.memory_space<hbm>>) target_semaphore(%arg20 : memref<!tpu.dma_semaphore, #tpu.memory_space<semaphore_mem>>)
      %add3A_2252 = arith.constant 6 : i32
      %add3A_2253 = arith.addi %mul3A_1610, %add3A_2252 : i32
      %dma_wait3A_2254 = arith.constant 5 : i32
      %dma_wait3A_2255 = arith.constant 0 : i32
      %dma_wait3A_2256 = arith.constant 0 : i32
      %dma_wait3A_2257 = tpu.memref_slice %arg6[%dma_wait3A_2254, %dma_wait3A_2255, %dma_wait3A_2256] : memref<8x100x64xf32, #tpu.memory_space<vmem>> -> memref<1x50x64xf32, #tpu.memory_space<vmem>>
      %dma_wait3A_2258 = tpu.memref_squeeze %dma_wait3A_2257 : memref<1x50x64xf32, #tpu.memory_space<vmem>> -> memref<50x64xf32, #tpu.memory_space<vmem>>
      %dma_wait3A_2259 = arith.constant 0 : i32
      %dma_wait3A_2260 = arith.constant 0 : i32
      %dma_wait3A_2261 = tpu.memref_slice %arg4[%mul3A_4, %dma_wait3A_2259, %dma_wait3A_2260] : memref<16384x56x128xf32, #tpu.memory_space<hbm>> -> memref<1x50x64xf32, #tpu.memory_space<hbm>>
      %dma_wait3A_2262 = tpu.memref_squeeze %dma_wait3A_2261 : memref<1x50x64xf32, #tpu.memory_space<hbm>> -> memref<50x64xf32, #tpu.memory_space<hbm>>
      %dma_wait3A_2263 = arith.constant 0 : i32
      %dma_wait3A_2264 = arith.constant 0 : i32
      %dma_wait3A_2265 = tpu.memref_slice %arg4[%mul3A_4, %dma_wait3A_2263, %dma_wait3A_2264] : memref<16384x56x128xf32, #tpu.memory_space<hbm>> -> memref<1x50x64xf32, #tpu.memory_space<hbm>>
      %dma_wait3A_2266 = tpu.memref_squeeze %dma_wait3A_2265 : memref<1x50x64xf32, #tpu.memory_space<hbm>> -> memref<50x64xf32, #tpu.memory_space<hbm>>
      %dma_wait3A_2267 = arith.constant 0 : i32
      %dma_wait3A_2268 = arith.constant 0 : i32
      %dma_wait3A_2269 = tpu.memref_slice %arg6[%dma_wait3A_2254, %dma_wait3A_2267, %dma_wait3A_2268] : memref<8x100x64xf32, #tpu.memory_space<vmem>> -> memref<1x50x64xf32, #tpu.memory_space<vmem>>
      %dma_wait3A_2270 = tpu.memref_squeeze %dma_wait3A_2269 : memref<1x50x64xf32, #tpu.memory_space<vmem>> -> memref<50x64xf32, #tpu.memory_space<vmem>>
      tpu.wait_dma2 semaphore(%arg20 : memref<!tpu.dma_semaphore, #tpu.memory_space<semaphore_mem>>) src(%dma_wait3A_2270 : memref<50x64xf32, #tpu.memory_space<vmem>>) dst(%dma_wait3A_2266 : memref<50x64xf32, #tpu.memory_space<hbm>>)
      %dma_wait3A_2271 = arith.constant 5 : i32
      %dma_wait3A_2272 = arith.constant 50 : i32
      %dma_wait3A_2273 = arith.constant 0 : i32
      %dma_wait3A_2274 = tpu.memref_slice %arg6[%dma_wait3A_2271, %dma_wait3A_2272, %dma_wait3A_2273] : memref<8x100x64xf32, #tpu.memory_space<vmem>> -> memref<1x50x64xf32, #tpu.memory_space<vmem>>
      %dma_wait3A_2275 = tpu.memref_squeeze %dma_wait3A_2274 : memref<1x50x64xf32, #tpu.memory_space<vmem>> -> memref<50x64xf32, #tpu.memory_space<vmem>>
      %dma_wait3A_2276 = arith.constant 0 : i32
      %dma_wait3A_2277 = arith.constant 0 : i32
      %dma_wait3A_2278 = tpu.memref_slice %arg4[%mul3A_4, %dma_wait3A_2276, %dma_wait3A_2277] : memref<16384x56x128xf32, #tpu.memory_space<hbm>> -> memref<1x50x64xf32, #tpu.memory_space<hbm>>
      %dma_wait3A_2279 = tpu.memref_squeeze %dma_wait3A_2278 : memref<1x50x64xf32, #tpu.memory_space<hbm>> -> memref<50x64xf32, #tpu.memory_space<hbm>>
      %dma_wait3A_2280 = arith.constant 0 : i32
      %dma_wait3A_2281 = arith.constant 0 : i32
      %dma_wait3A_2282 = tpu.memref_slice %arg4[%mul3A_4, %dma_wait3A_2280, %dma_wait3A_2281] : memref<16384x56x128xf32, #tpu.memory_space<hbm>> -> memref<1x50x64xf32, #tpu.memory_space<hbm>>
      %dma_wait3A_2283 = tpu.memref_squeeze %dma_wait3A_2282 : memref<1x50x64xf32, #tpu.memory_space<hbm>> -> memref<50x64xf32, #tpu.memory_space<hbm>>
      %dma_wait3A_2284 = arith.constant 50 : i32
      %dma_wait3A_2285 = arith.constant 0 : i32
      %dma_wait3A_2286 = tpu.memref_slice %arg6[%dma_wait3A_2271, %dma_wait3A_2284, %dma_wait3A_2285] : memref<8x100x64xf32, #tpu.memory_space<vmem>> -> memref<1x50x64xf32, #tpu.memory_space<vmem>>
      %dma_wait3A_2287 = tpu.memref_squeeze %dma_wait3A_2286 : memref<1x50x64xf32, #tpu.memory_space<vmem>> -> memref<50x64xf32, #tpu.memory_space<vmem>>
      tpu.wait_dma2 semaphore(%arg20 : memref<!tpu.dma_semaphore, #tpu.memory_space<semaphore_mem>>) src(%dma_wait3A_2287 : memref<50x64xf32, #tpu.memory_space<vmem>>) dst(%dma_wait3A_2283 : memref<50x64xf32, #tpu.memory_space<hbm>>)
      %add3A_2288 = arith.constant 8 : i32
      %add3A_2289 = arith.addi %add3A_2253, %add3A_2288 : i32
      %sub3A_2290 = arith.constant 1 : i32
      %sub3A_2291 = arith.subi %add3A_2289, %sub3A_2290 : i32
      %dma_start3A_2292 = arith.constant 5 : i32
      %dma_start3A_2293 = arith.constant 0 : i32
      %dma_start3A_2294 = arith.constant 0 : i32
      %dma_start3A_2295 = tpu.memref_slice %arg6[%dma_start3A_2292, %dma_start3A_2293, %dma_start3A_2294] : memref<8x100x64xf32, #tpu.memory_space<vmem>> -> memref<1x100x64xf32, #tpu.memory_space<vmem>>
      %dma_start3A_2296 = tpu.memref_squeeze %dma_start3A_2295 : memref<1x100x64xf32, #tpu.memory_space<vmem>> -> memref<100x64xf32, #tpu.memory_space<vmem>>
      %dma_start3A_2297 = arith.constant 0 : i32
      %dma_start3A_2298 = tpu.memref_slice %arg5[%sub3A_2291, %dma_start3A_2297] : memref<256x100xi32, #tpu.memory_space<vmem>> -> memref<1x100xi32, #tpu.memory_space<vmem>>
      %dma_start3A_2299 = tpu.memref_squeeze %dma_start3A_2298 : memref<1x100xi32, #tpu.memory_space<vmem>> -> memref<100xi32, #tpu.memory_space<vmem>>
      %dma_start3A_2300 = arith.constant 0 : i32
      %dma_start3A_2301 = arith.constant 0 : i32
      %dma_start3A_2302 = tpu.memref_slice %arg3[%dma_start3A_2300, %dma_start3A_2301] : memref<100000x64xf32, #tpu.memory_space<hbm>> -> memref<100000x64xf32, #tpu.memory_space<hbm>>
      tpu.enqueue_indirect_dma source(%dma_start3A_2302 : memref<100000x64xf32, #tpu.memory_space<hbm>>) target(%dma_start3A_2296 : memref<100x64xf32, #tpu.memory_space<vmem>>) offsets(%dma_start3A_2299 : memref<100xi32, #tpu.memory_space<vmem>>) semaphore(%arg12 : memref<!tpu.dma_semaphore, #tpu.memory_space<semaphore_mem>>)
      %dma_wait3A_2303 = arith.constant 0 : i32
      %dma_wait3A_2304 = arith.constant 6 : i32
      %dma_wait3A_2305 = arith.constant 0 : i32
      %dma_wait3A_2306 = arith.constant 0 : i32
      %dma_wait3A_2307 = tpu.memref_slice %arg6[%dma_wait3A_2304, %dma_wait3A_2305, %dma_wait3A_2306] : memref<8x100x64xf32, #tpu.memory_space<vmem>> -> memref<1x100x64xf32, #tpu.memory_space<vmem>>
      %dma_wait3A_2308 = tpu.memref_squeeze %dma_wait3A_2307 : memref<1x100x64xf32, #tpu.memory_space<vmem>> -> memref<100x64xf32, #tpu.memory_space<vmem>>
      %dma_wait3A_2309 = arith.constant 0 : i32
      %dma_wait3A_2310 = tpu.memref_slice %arg5[%dma_wait3A_2303, %dma_wait3A_2309] : memref<256x100xi32, #tpu.memory_space<vmem>> -> memref<1x100xi32, #tpu.memory_space<vmem>>
      %dma_wait3A_2311 = tpu.memref_squeeze %dma_wait3A_2310 : memref<1x100xi32, #tpu.memory_space<vmem>> -> memref<100xi32, #tpu.memory_space<vmem>>
      %dma_wait3A_2312 = arith.constant 0 : i32
      %dma_wait3A_2313 = arith.constant 0 : i32
      %dma_wait3A_2314 = tpu.memref_slice %arg3[%dma_wait3A_2312, %dma_wait3A_2313] : memref<100000x64xf32, #tpu.memory_space<hbm>> -> memref<100000x64xf32, #tpu.memory_space<hbm>>
      tpu.wait_indirect_dma semaphore(%arg13 : memref<!tpu.dma_semaphore, #tpu.memory_space<semaphore_mem>>) src(%dma_wait3A_2314 : memref<100000x64xf32, #tpu.memory_space<hbm>>) dst(%dma_wait3A_2308 : memref<100x64xf32, #tpu.memory_space<vmem>>)
      %mul3A_2315 = arith.constant 2 : i32
      %mul3A_2316 = arith.muli %add3A_2253, %mul3A_2315 : i32
      %add3A_2317 = arith.addi %mul3A_4, %mul3A_2316 : i32
      %add3A_2318 = arith.constant 0 : i32
      %add3A_2319 = arith.addi %add3A_2317, %add3A_2318 : i32
      %dma_start3A_2320 = arith.constant 6 : i32
      %dma_start3A_2321 = arith.constant 0 : i32
      %dma_start3A_2322 = arith.constant 0 : i32
      %dma_start3A_2323 = tpu.memref_slice %arg6[%dma_start3A_2320, %dma_start3A_2321, %dma_start3A_2322] : memref<8x100x64xf32, #tpu.memory_space<vmem>> -> memref<1x50x64xf32, #tpu.memory_space<vmem>>
      %dma_start3A_2324 = tpu.memref_squeeze %dma_start3A_2323 : memref<1x50x64xf32, #tpu.memory_space<vmem>> -> memref<50x64xf32, #tpu.memory_space<vmem>>
      %dma_start3A_2325 = arith.constant 0 : i32
      %dma_start3A_2326 = arith.constant 0 : i32
      %dma_start3A_2327 = tpu.memref_slice %arg4[%add3A_2319, %dma_start3A_2325, %dma_start3A_2326] : memref<16384x56x128xf32, #tpu.memory_space<hbm>> -> memref<1x50x64xf32, #tpu.memory_space<hbm>>
      %dma_start3A_2328 = tpu.memref_squeeze %dma_start3A_2327 : memref<1x50x64xf32, #tpu.memory_space<hbm>> -> memref<50x64xf32, #tpu.memory_space<hbm>>
      %dma_start3A_2329 = arith.constant 0 : i32
      %dma_start3A_2330 = arith.constant 0 : i32
      %dma_start3A_2331 = tpu.memref_slice %arg4[%add3A_2319, %dma_start3A_2329, %dma_start3A_2330] : memref<16384x56x128xf32, #tpu.memory_space<hbm>> -> memref<1x50x64xf32, #tpu.memory_space<hbm>>
      %dma_start3A_2332 = tpu.memref_squeeze %dma_start3A_2331 : memref<1x50x64xf32, #tpu.memory_space<hbm>> -> memref<50x64xf32, #tpu.memory_space<hbm>>
      %dma_start3A_2333 = arith.constant 0 : i32
      %dma_start3A_2334 = arith.constant 0 : i32
      %dma_start3A_2335 = tpu.memref_slice %arg6[%dma_start3A_2320, %dma_start3A_2333, %dma_start3A_2334] : memref<8x100x64xf32, #tpu.memory_space<vmem>> -> memref<1x50x64xf32, #tpu.memory_space<vmem>>
      %dma_start3A_2336 = tpu.memref_squeeze %dma_start3A_2335 : memref<1x50x64xf32, #tpu.memory_space<vmem>> -> memref<50x64xf32, #tpu.memory_space<vmem>>
      tpu.enqueue_dma source(%dma_start3A_2336 : memref<50x64xf32, #tpu.memory_space<vmem>>) target(%dma_start3A_2332 : memref<50x64xf32, #tpu.memory_space<hbm>>) target_semaphore(%arg21 : memref<!tpu.dma_semaphore, #tpu.memory_space<semaphore_mem>>)
      %mul3A_2337 = arith.constant 2 : i32
      %mul3A_2338 = arith.muli %add3A_2253, %mul3A_2337 : i32
      %add3A_2339 = arith.addi %mul3A_4, %mul3A_2338 : i32
      %add3A_2340 = arith.constant 1 : i32
      %add3A_2341 = arith.addi %add3A_2339, %add3A_2340 : i32
      %dma_start3A_2342 = arith.constant 6 : i32
      %dma_start3A_2343 = arith.constant 50 : i32
      %dma_start3A_2344 = arith.constant 0 : i32
      %dma_start3A_2345 = tpu.memref_slice %arg6[%dma_start3A_2342, %dma_start3A_2343, %dma_start3A_2344] : memref<8x100x64xf32, #tpu.memory_space<vmem>> -> memref<1x50x64xf32, #tpu.memory_space<vmem>>
      %dma_start3A_2346 = tpu.memref_squeeze %dma_start3A_2345 : memref<1x50x64xf32, #tpu.memory_space<vmem>> -> memref<50x64xf32, #tpu.memory_space<vmem>>
      %dma_start3A_2347 = arith.constant 0 : i32
      %dma_start3A_2348 = arith.constant 0 : i32
      %dma_start3A_2349 = tpu.memref_slice %arg4[%add3A_2341, %dma_start3A_2347, %dma_start3A_2348] : memref<16384x56x128xf32, #tpu.memory_space<hbm>> -> memref<1x50x64xf32, #tpu.memory_space<hbm>>
      %dma_start3A_2350 = tpu.memref_squeeze %dma_start3A_2349 : memref<1x50x64xf32, #tpu.memory_space<hbm>> -> memref<50x64xf32, #tpu.memory_space<hbm>>
      %dma_start3A_2351 = arith.constant 0 : i32
      %dma_start3A_2352 = arith.constant 0 : i32
      %dma_start3A_2353 = tpu.memref_slice %arg4[%add3A_2341, %dma_start3A_2351, %dma_start3A_2352] : memref<16384x56x128xf32, #tpu.memory_space<hbm>> -> memref<1x50x64xf32, #tpu.memory_space<hbm>>
      %dma_start3A_2354 = tpu.memref_squeeze %dma_start3A_2353 : memref<1x50x64xf32, #tpu.memory_space<hbm>> -> memref<50x64xf32, #tpu.memory_space<hbm>>
      %dma_start3A_2355 = arith.constant 50 : i32
      %dma_start3A_2356 = arith.constant 0 : i32
      %dma_start3A_2357 = tpu.memref_slice %arg6[%dma_start3A_2342, %dma_start3A_2355, %dma_start3A_2356] : memref<8x100x64xf32, #tpu.memory_space<vmem>> -> memref<1x50x64xf32, #tpu.memory_space<vmem>>
      %dma_start3A_2358 = tpu.memref_squeeze %dma_start3A_2357 : memref<1x50x64xf32, #tpu.memory_space<vmem>> -> memref<50x64xf32, #tpu.memory_space<vmem>>
      tpu.enqueue_dma source(%dma_start3A_2358 : memref<50x64xf32, #tpu.memory_space<vmem>>) target(%dma_start3A_2354 : memref<50x64xf32, #tpu.memory_space<hbm>>) target_semaphore(%arg21 : memref<!tpu.dma_semaphore, #tpu.memory_space<semaphore_mem>>)
      %add3A_2359 = arith.constant 7 : i32
      %add3A_2360 = arith.addi %mul3A_1610, %add3A_2359 : i32
      %dma_wait3A_2361 = arith.constant 6 : i32
      %dma_wait3A_2362 = arith.constant 0 : i32
      %dma_wait3A_2363 = arith.constant 0 : i32
      %dma_wait3A_2364 = tpu.memref_slice %arg6[%dma_wait3A_2361, %dma_wait3A_2362, %dma_wait3A_2363] : memref<8x100x64xf32, #tpu.memory_space<vmem>> -> memref<1x50x64xf32, #tpu.memory_space<vmem>>
      %dma_wait3A_2365 = tpu.memref_squeeze %dma_wait3A_2364 : memref<1x50x64xf32, #tpu.memory_space<vmem>> -> memref<50x64xf32, #tpu.memory_space<vmem>>
      %dma_wait3A_2366 = arith.constant 0 : i32
      %dma_wait3A_2367 = arith.constant 0 : i32
      %dma_wait3A_2368 = tpu.memref_slice %arg4[%mul3A_4, %dma_wait3A_2366, %dma_wait3A_2367] : memref<16384x56x128xf32, #tpu.memory_space<hbm>> -> memref<1x50x64xf32, #tpu.memory_space<hbm>>
      %dma_wait3A_2369 = tpu.memref_squeeze %dma_wait3A_2368 : memref<1x50x64xf32, #tpu.memory_space<hbm>> -> memref<50x64xf32, #tpu.memory_space<hbm>>
      %dma_wait3A_2370 = arith.constant 0 : i32
      %dma_wait3A_2371 = arith.constant 0 : i32
      %dma_wait3A_2372 = tpu.memref_slice %arg4[%mul3A_4, %dma_wait3A_2370, %dma_wait3A_2371] : memref<16384x56x128xf32, #tpu.memory_space<hbm>> -> memref<1x50x64xf32, #tpu.memory_space<hbm>>
      %dma_wait3A_2373 = tpu.memref_squeeze %dma_wait3A_2372 : memref<1x50x64xf32, #tpu.memory_space<hbm>> -> memref<50x64xf32, #tpu.memory_space<hbm>>
      %dma_wait3A_2374 = arith.constant 0 : i32
      %dma_wait3A_2375 = arith.constant 0 : i32
      %dma_wait3A_2376 = tpu.memref_slice %arg6[%dma_wait3A_2361, %dma_wait3A_2374, %dma_wait3A_2375] : memref<8x100x64xf32, #tpu.memory_space<vmem>> -> memref<1x50x64xf32, #tpu.memory_space<vmem>>
      %dma_wait3A_2377 = tpu.memref_squeeze %dma_wait3A_2376 : memref<1x50x64xf32, #tpu.memory_space<vmem>> -> memref<50x64xf32, #tpu.memory_space<vmem>>
      tpu.wait_dma2 semaphore(%arg21 : memref<!tpu.dma_semaphore, #tpu.memory_space<semaphore_mem>>) src(%dma_wait3A_2377 : memref<50x64xf32, #tpu.memory_space<vmem>>) dst(%dma_wait3A_2373 : memref<50x64xf32, #tpu.memory_space<hbm>>)
      %dma_wait3A_2378 = arith.constant 6 : i32
      %dma_wait3A_2379 = arith.constant 50 : i32
      %dma_wait3A_2380 = arith.constant 0 : i32
      %dma_wait3A_2381 = tpu.memref_slice %arg6[%dma_wait3A_2378, %dma_wait3A_2379, %dma_wait3A_2380] : memref<8x100x64xf32, #tpu.memory_space<vmem>> -> memref<1x50x64xf32, #tpu.memory_space<vmem>>
      %dma_wait3A_2382 = tpu.memref_squeeze %dma_wait3A_2381 : memref<1x50x64xf32, #tpu.memory_space<vmem>> -> memref<50x64xf32, #tpu.memory_space<vmem>>
      %dma_wait3A_2383 = arith.constant 0 : i32
      %dma_wait3A_2384 = arith.constant 0 : i32
      %dma_wait3A_2385 = tpu.memref_slice %arg4[%mul3A_4, %dma_wait3A_2383, %dma_wait3A_2384] : memref<16384x56x128xf32, #tpu.memory_space<hbm>> -> memref<1x50x64xf32, #tpu.memory_space<hbm>>
      %dma_wait3A_2386 = tpu.memref_squeeze %dma_wait3A_2385 : memref<1x50x64xf32, #tpu.memory_space<hbm>> -> memref<50x64xf32, #tpu.memory_space<hbm>>
      %dma_wait3A_2387 = arith.constant 0 : i32
      %dma_wait3A_2388 = arith.constant 0 : i32
      %dma_wait3A_2389 = tpu.memref_slice %arg4[%mul3A_4, %dma_wait3A_2387, %dma_wait3A_2388] : memref<16384x56x128xf32, #tpu.memory_space<hbm>> -> memref<1x50x64xf32, #tpu.memory_space<hbm>>
      %dma_wait3A_2390 = tpu.memref_squeeze %dma_wait3A_2389 : memref<1x50x64xf32, #tpu.memory_space<hbm>> -> memref<50x64xf32, #tpu.memory_space<hbm>>
      %dma_wait3A_2391 = arith.constant 50 : i32
      %dma_wait3A_2392 = arith.constant 0 : i32
      %dma_wait3A_2393 = tpu.memref_slice %arg6[%dma_wait3A_2378, %dma_wait3A_2391, %dma_wait3A_2392] : memref<8x100x64xf32, #tpu.memory_space<vmem>> -> memref<1x50x64xf32, #tpu.memory_space<vmem>>
      %dma_wait3A_2394 = tpu.memref_squeeze %dma_wait3A_2393 : memref<1x50x64xf32, #tpu.memory_space<vmem>> -> memref<50x64xf32, #tpu.memory_space<vmem>>
      tpu.wait_dma2 semaphore(%arg21 : memref<!tpu.dma_semaphore, #tpu.memory_space<semaphore_mem>>) src(%dma_wait3A_2394 : memref<50x64xf32, #tpu.memory_space<vmem>>) dst(%dma_wait3A_2390 : memref<50x64xf32, #tpu.memory_space<hbm>>)
      %add3A_2395 = arith.constant 8 : i32
      %add3A_2396 = arith.addi %add3A_2360, %add3A_2395 : i32
      %sub3A_2397 = arith.constant 1 : i32
      %sub3A_2398 = arith.subi %add3A_2396, %sub3A_2397 : i32
      %dma_start3A_2399 = arith.constant 6 : i32
      %dma_start3A_2400 = arith.constant 0 : i32
      %dma_start3A_2401 = arith.constant 0 : i32
      %dma_start3A_2402 = tpu.memref_slice %arg6[%dma_start3A_2399, %dma_start3A_2400, %dma_start3A_2401] : memref<8x100x64xf32, #tpu.memory_space<vmem>> -> memref<1x100x64xf32, #tpu.memory_space<vmem>>
      %dma_start3A_2403 = tpu.memref_squeeze %dma_start3A_2402 : memref<1x100x64xf32, #tpu.memory_space<vmem>> -> memref<100x64xf32, #tpu.memory_space<vmem>>
      %dma_start3A_2404 = arith.constant 0 : i32
      %dma_start3A_2405 = tpu.memref_slice %arg5[%sub3A_2398, %dma_start3A_2404] : memref<256x100xi32, #tpu.memory_space<vmem>> -> memref<1x100xi32, #tpu.memory_space<vmem>>
      %dma_start3A_2406 = tpu.memref_squeeze %dma_start3A_2405 : memref<1x100xi32, #tpu.memory_space<vmem>> -> memref<100xi32, #tpu.memory_space<vmem>>
      %dma_start3A_2407 = arith.constant 0 : i32
      %dma_start3A_2408 = arith.constant 0 : i32
      %dma_start3A_2409 = tpu.memref_slice %arg3[%dma_start3A_2407, %dma_start3A_2408] : memref<100000x64xf32, #tpu.memory_space<hbm>> -> memref<100000x64xf32, #tpu.memory_space<hbm>>
      tpu.enqueue_indirect_dma source(%dma_start3A_2409 : memref<100000x64xf32, #tpu.memory_space<hbm>>) target(%dma_start3A_2403 : memref<100x64xf32, #tpu.memory_space<vmem>>) offsets(%dma_start3A_2406 : memref<100xi32, #tpu.memory_space<vmem>>) semaphore(%arg13 : memref<!tpu.dma_semaphore, #tpu.memory_space<semaphore_mem>>)
      %dma_wait3A_2410 = arith.constant 0 : i32
      %dma_wait3A_2411 = arith.constant 7 : i32
      %dma_wait3A_2412 = arith.constant 0 : i32
      %dma_wait3A_2413 = arith.constant 0 : i32
      %dma_wait3A_2414 = tpu.memref_slice %arg6[%dma_wait3A_2411, %dma_wait3A_2412, %dma_wait3A_2413] : memref<8x100x64xf32, #tpu.memory_space<vmem>> -> memref<1x100x64xf32, #tpu.memory_space<vmem>>
      %dma_wait3A_2415 = tpu.memref_squeeze %dma_wait3A_2414 : memref<1x100x64xf32, #tpu.memory_space<vmem>> -> memref<100x64xf32, #tpu.memory_space<vmem>>
      %dma_wait3A_2416 = arith.constant 0 : i32
      %dma_wait3A_2417 = tpu.memref_slice %arg5[%dma_wait3A_2410, %dma_wait3A_2416] : memref<256x100xi32, #tpu.memory_space<vmem>> -> memref<1x100xi32, #tpu.memory_space<vmem>>
      %dma_wait3A_2418 = tpu.memref_squeeze %dma_wait3A_2417 : memref<1x100xi32, #tpu.memory_space<vmem>> -> memref<100xi32, #tpu.memory_space<vmem>>
      %dma_wait3A_2419 = arith.constant 0 : i32
      %dma_wait3A_2420 = arith.constant 0 : i32
      %dma_wait3A_2421 = tpu.memref_slice %arg3[%dma_wait3A_2419, %dma_wait3A_2420] : memref<100000x64xf32, #tpu.memory_space<hbm>> -> memref<100000x64xf32, #tpu.memory_space<hbm>>
      tpu.wait_indirect_dma semaphore(%arg14 : memref<!tpu.dma_semaphore, #tpu.memory_space<semaphore_mem>>) src(%dma_wait3A_2421 : memref<100000x64xf32, #tpu.memory_space<hbm>>) dst(%dma_wait3A_2415 : memref<100x64xf32, #tpu.memory_space<vmem>>)
      %mul3A_2422 = arith.constant 2 : i32
      %mul3A_2423 = arith.muli %add3A_2360, %mul3A_2422 : i32
      %add3A_2424 = arith.addi %mul3A_4, %mul3A_2423 : i32
      %add3A_2425 = arith.constant 0 : i32
      %add3A_2426 = arith.addi %add3A_2424, %add3A_2425 : i32
      %dma_start3A_2427 = arith.constant 7 : i32
      %dma_start3A_2428 = arith.constant 0 : i32
      %dma_start3A_2429 = arith.constant 0 : i32
      %dma_start3A_2430 = tpu.memref_slice %arg6[%dma_start3A_2427, %dma_start3A_2428, %dma_start3A_2429] : memref<8x100x64xf32, #tpu.memory_space<vmem>> -> memref<1x50x64xf32, #tpu.memory_space<vmem>>
      %dma_start3A_2431 = tpu.memref_squeeze %dma_start3A_2430 : memref<1x50x64xf32, #tpu.memory_space<vmem>> -> memref<50x64xf32, #tpu.memory_space<vmem>>
      %dma_start3A_2432 = arith.constant 0 : i32
      %dma_start3A_2433 = arith.constant 0 : i32
      %dma_start3A_2434 = tpu.memref_slice %arg4[%add3A_2426, %dma_start3A_2432, %dma_start3A_2433] : memref<16384x56x128xf32, #tpu.memory_space<hbm>> -> memref<1x50x64xf32, #tpu.memory_space<hbm>>
      %dma_start3A_2435 = tpu.memref_squeeze %dma_start3A_2434 : memref<1x50x64xf32, #tpu.memory_space<hbm>> -> memref<50x64xf32, #tpu.memory_space<hbm>>
      %dma_start3A_2436 = arith.constant 0 : i32
      %dma_start3A_2437 = arith.constant 0 : i32
      %dma_start3A_2438 = tpu.memref_slice %arg4[%add3A_2426, %dma_start3A_2436, %dma_start3A_2437] : memref<16384x56x128xf32, #tpu.memory_space<hbm>> -> memref<1x50x64xf32, #tpu.memory_space<hbm>>
      %dma_start3A_2439 = tpu.memref_squeeze %dma_start3A_2438 : memref<1x50x64xf32, #tpu.memory_space<hbm>> -> memref<50x64xf32, #tpu.memory_space<hbm>>
      %dma_start3A_2440 = arith.constant 0 : i32
      %dma_start3A_2441 = arith.constant 0 : i32
      %dma_start3A_2442 = tpu.memref_slice %arg6[%dma_start3A_2427, %dma_start3A_2440, %dma_start3A_2441] : memref<8x100x64xf32, #tpu.memory_space<vmem>> -> memref<1x50x64xf32, #tpu.memory_space<vmem>>
      %dma_start3A_2443 = tpu.memref_squeeze %dma_start3A_2442 : memref<1x50x64xf32, #tpu.memory_space<vmem>> -> memref<50x64xf32, #tpu.memory_space<vmem>>
      tpu.enqueue_dma source(%dma_start3A_2443 : memref<50x64xf32, #tpu.memory_space<vmem>>) target(%dma_start3A_2439 : memref<50x64xf32, #tpu.memory_space<hbm>>) target_semaphore(%arg22 : memref<!tpu.dma_semaphore, #tpu.memory_space<semaphore_mem>>)
      %mul3A_2444 = arith.constant 2 : i32
      %mul3A_2445 = arith.muli %add3A_2360, %mul3A_2444 : i32
      %add3A_2446 = arith.addi %mul3A_4, %mul3A_2445 : i32
      %add3A_2447 = arith.constant 1 : i32
      %add3A_2448 = arith.addi %add3A_2446, %add3A_2447 : i32
      %dma_start3A_2449 = arith.constant 7 : i32
      %dma_start3A_2450 = arith.constant 50 : i32
      %dma_start3A_2451 = arith.constant 0 : i32
      %dma_start3A_2452 = tpu.memref_slice %arg6[%dma_start3A_2449, %dma_start3A_2450, %dma_start3A_2451] : memref<8x100x64xf32, #tpu.memory_space<vmem>> -> memref<1x50x64xf32, #tpu.memory_space<vmem>>
      %dma_start3A_2453 = tpu.memref_squeeze %dma_start3A_2452 : memref<1x50x64xf32, #tpu.memory_space<vmem>> -> memref<50x64xf32, #tpu.memory_space<vmem>>
      %dma_start3A_2454 = arith.constant 0 : i32
      %dma_start3A_2455 = arith.constant 0 : i32
      %dma_start3A_2456 = tpu.memref_slice %arg4[%add3A_2448, %dma_start3A_2454, %dma_start3A_2455] : memref<16384x56x128xf32, #tpu.memory_space<hbm>> -> memref<1x50x64xf32, #tpu.memory_space<hbm>>
      %dma_start3A_2457 = tpu.memref_squeeze %dma_start3A_2456 : memref<1x50x64xf32, #tpu.memory_space<hbm>> -> memref<50x64xf32, #tpu.memory_space<hbm>>
      %dma_start3A_2458 = arith.constant 0 : i32
      %dma_start3A_2459 = arith.constant 0 : i32
      %dma_start3A_2460 = tpu.memref_slice %arg4[%add3A_2448, %dma_start3A_2458, %dma_start3A_2459] : memref<16384x56x128xf32, #tpu.memory_space<hbm>> -> memref<1x50x64xf32, #tpu.memory_space<hbm>>
      %dma_start3A_2461 = tpu.memref_squeeze %dma_start3A_2460 : memref<1x50x64xf32, #tpu.memory_space<hbm>> -> memref<50x64xf32, #tpu.memory_space<hbm>>
      %dma_start3A_2462 = arith.constant 50 : i32
      %dma_start3A_2463 = arith.constant 0 : i32
      %dma_start3A_2464 = tpu.memref_slice %arg6[%dma_start3A_2449, %dma_start3A_2462, %dma_start3A_2463] : memref<8x100x64xf32, #tpu.memory_space<vmem>> -> memref<1x50x64xf32, #tpu.memory_space<vmem>>
      %dma_start3A_2465 = tpu.memref_squeeze %dma_start3A_2464 : memref<1x50x64xf32, #tpu.memory_space<vmem>> -> memref<50x64xf32, #tpu.memory_space<vmem>>
      tpu.enqueue_dma source(%dma_start3A_2465 : memref<50x64xf32, #tpu.memory_space<vmem>>) target(%dma_start3A_2461 : memref<50x64xf32, #tpu.memory_space<hbm>>) target_semaphore(%arg22 : memref<!tpu.dma_semaphore, #tpu.memory_space<semaphore_mem>>)
    }
    %scan3A_857 = arith.constant 30 : i32
    %dma_wait3A_858 = arith.constant 7 : i32
    %dma_wait3A_859 = arith.constant 0 : i32
    %dma_wait3A_860 = arith.constant 0 : i32
    %dma_wait3A_861 = tpu.memref_slice %arg6[%dma_wait3A_858, %dma_wait3A_859, %dma_wait3A_860] : memref<8x100x64xf32, #tpu.memory_space<vmem>> -> memref<1x50x64xf32, #tpu.memory_space<vmem>>
    %dma_wait3A_862 = tpu.memref_squeeze %dma_wait3A_861 : memref<1x50x64xf32, #tpu.memory_space<vmem>> -> memref<50x64xf32, #tpu.memory_space<vmem>>
    %dma_wait3A_863 = arith.constant 0 : i32
    %dma_wait3A_864 = arith.constant 0 : i32
    %dma_wait3A_865 = tpu.memref_slice %arg4[%mul3A_4, %dma_wait3A_863, %dma_wait3A_864] : memref<16384x56x128xf32, #tpu.memory_space<hbm>> -> memref<1x50x64xf32, #tpu.memory_space<hbm>>
    %dma_wait3A_866 = tpu.memref_squeeze %dma_wait3A_865 : memref<1x50x64xf32, #tpu.memory_space<hbm>> -> memref<50x64xf32, #tpu.memory_space<hbm>>
    %dma_wait3A_867 = arith.constant 0 : i32
    %dma_wait3A_868 = arith.constant 0 : i32
    %dma_wait3A_869 = tpu.memref_slice %arg4[%mul3A_4, %dma_wait3A_867, %dma_wait3A_868] : memref<16384x56x128xf32, #tpu.memory_space<hbm>> -> memref<1x50x64xf32, #tpu.memory_space<hbm>>
    %dma_wait3A_870 = tpu.memref_squeeze %dma_wait3A_869 : memref<1x50x64xf32, #tpu.memory_space<hbm>> -> memref<50x64xf32, #tpu.memory_space<hbm>>
    %dma_wait3A_871 = arith.constant 0 : i32
    %dma_wait3A_872 = arith.constant 0 : i32
    %dma_wait3A_873 = tpu.memref_slice %arg6[%dma_wait3A_858, %dma_wait3A_871, %dma_wait3A_872] : memref<8x100x64xf32, #tpu.memory_space<vmem>> -> memref<1x50x64xf32, #tpu.memory_space<vmem>>
    %dma_wait3A_874 = tpu.memref_squeeze %dma_wait3A_873 : memref<1x50x64xf32, #tpu.memory_space<vmem>> -> memref<50x64xf32, #tpu.memory_space<vmem>>
    tpu.wait_dma2 semaphore(%arg22 : memref<!tpu.dma_semaphore, #tpu.memory_space<semaphore_mem>>) src(%dma_wait3A_874 : memref<50x64xf32, #tpu.memory_space<vmem>>) dst(%dma_wait3A_870 : memref<50x64xf32, #tpu.memory_space<hbm>>)
    %dma_wait3A_875 = arith.constant 7 : i32
    %dma_wait3A_876 = arith.constant 50 : i32
    %dma_wait3A_877 = arith.constant 0 : i32
    %dma_wait3A_878 = tpu.memref_slice %arg6[%dma_wait3A_875, %dma_wait3A_876, %dma_wait3A_877] : memref<8x100x64xf32, #tpu.memory_space<vmem>> -> memref<1x50x64xf32, #tpu.memory_space<vmem>>
    %dma_wait3A_879 = tpu.memref_squeeze %dma_wait3A_878 : memref<1x50x64xf32, #tpu.memory_space<vmem>> -> memref<50x64xf32, #tpu.memory_space<vmem>>
    %dma_wait3A_880 = arith.constant 0 : i32
    %dma_wait3A_881 = arith.constant 0 : i32
    %dma_wait3A_882 = tpu.memref_slice %arg4[%mul3A_4, %dma_wait3A_880, %dma_wait3A_881] : memref<16384x56x128xf32, #tpu.memory_space<hbm>> -> memref<1x50x64xf32, #tpu.memory_space<hbm>>
    %dma_wait3A_883 = tpu.memref_squeeze %dma_wait3A_882 : memref<1x50x64xf32, #tpu.memory_space<hbm>> -> memref<50x64xf32, #tpu.memory_space<hbm>>
    %dma_wait3A_884 = arith.constant 0 : i32
    %dma_wait3A_885 = arith.constant 0 : i32
    %dma_wait3A_886 = tpu.memref_slice %arg4[%mul3A_4, %dma_wait3A_884, %dma_wait3A_885] : memref<16384x56x128xf32, #tpu.memory_space<hbm>> -> memref<1x50x64xf32, #tpu.memory_space<hbm>>
    %dma_wait3A_887 = tpu.memref_squeeze %dma_wait3A_886 : memref<1x50x64xf32, #tpu.memory_space<hbm>> -> memref<50x64xf32, #tpu.memory_space<hbm>>
    %dma_wait3A_888 = arith.constant 50 : i32
    %dma_wait3A_889 = arith.constant 0 : i32
    %dma_wait3A_890 = tpu.memref_slice %arg6[%dma_wait3A_875, %dma_wait3A_888, %dma_wait3A_889] : memref<8x100x64xf32, #tpu.memory_space<vmem>> -> memref<1x50x64xf32, #tpu.memory_space<vmem>>
    %dma_wait3A_891 = tpu.memref_squeeze %dma_wait3A_890 : memref<1x50x64xf32, #tpu.memory_space<vmem>> -> memref<50x64xf32, #tpu.memory_space<vmem>>
    tpu.wait_dma2 semaphore(%arg22 : memref<!tpu.dma_semaphore, #tpu.memory_space<semaphore_mem>>) src(%dma_wait3A_891 : memref<50x64xf32, #tpu.memory_space<vmem>>) dst(%dma_wait3A_887 : memref<50x64xf32, #tpu.memory_space<hbm>>)
    %dma_start3A_892 = arith.constant 255 : i32
    %dma_start3A_893 = arith.constant 7 : i32
    %dma_start3A_894 = arith.constant 0 : i32
    %dma_start3A_895 = arith.constant 0 : i32
    %dma_start3A_896 = tpu.memref_slice %arg6[%dma_start3A_893, %dma_start3A_894, %dma_start3A_895] : memref<8x100x64xf32, #tpu.memory_space<vmem>> -> memref<1x100x64xf32, #tpu.memory_space<vmem>>
    %dma_start3A_897 = tpu.memref_squeeze %dma_start3A_896 : memref<1x100x64xf32, #tpu.memory_space<vmem>> -> memref<100x64xf32, #tpu.memory_space<vmem>>
    %dma_start3A_898 = arith.constant 0 : i32
    %dma_start3A_899 = tpu.memref_slice %arg5[%dma_start3A_892, %dma_start3A_898] : memref<256x100xi32, #tpu.memory_space<vmem>> -> memref<1x100xi32, #tpu.memory_space<vmem>>
    %dma_start3A_900 = tpu.memref_squeeze %dma_start3A_899 : memref<1x100xi32, #tpu.memory_space<vmem>> -> memref<100xi32, #tpu.memory_space<vmem>>
    %dma_start3A_901 = arith.constant 0 : i32
    %dma_start3A_902 = arith.constant 0 : i32
    %dma_start3A_903 = tpu.memref_slice %arg3[%dma_start3A_901, %dma_start3A_902] : memref<100000x64xf32, #tpu.memory_space<hbm>> -> memref<100000x64xf32, #tpu.memory_space<hbm>>
    tpu.enqueue_indirect_dma source(%dma_start3A_903 : memref<100000x64xf32, #tpu.memory_space<hbm>>) target(%dma_start3A_897 : memref<100x64xf32, #tpu.memory_space<vmem>>) offsets(%dma_start3A_900 : memref<100xi32, #tpu.memory_space<vmem>>) semaphore(%arg14 : memref<!tpu.dma_semaphore, #tpu.memory_space<semaphore_mem>>)
    %dma_wait3A_904 = arith.constant 0 : i32
    %dma_wait3A_905 = arith.constant 0 : i32
    %dma_wait3A_906 = arith.constant 0 : i32
    %dma_wait3A_907 = arith.constant 0 : i32
    %dma_wait3A_908 = tpu.memref_slice %arg6[%dma_wait3A_905, %dma_wait3A_906, %dma_wait3A_907] : memref<8x100x64xf32, #tpu.memory_space<vmem>> -> memref<1x100x64xf32, #tpu.memory_space<vmem>>
    %dma_wait3A_909 = tpu.memref_squeeze %dma_wait3A_908 : memref<1x100x64xf32, #tpu.memory_space<vmem>> -> memref<100x64xf32, #tpu.memory_space<vmem>>
    %dma_wait3A_910 = arith.constant 0 : i32
    %dma_wait3A_911 = tpu.memref_slice %arg5[%dma_wait3A_904, %dma_wait3A_910] : memref<256x100xi32, #tpu.memory_space<vmem>> -> memref<1x100xi32, #tpu.memory_space<vmem>>
    %dma_wait3A_912 = tpu.memref_squeeze %dma_wait3A_911 : memref<1x100xi32, #tpu.memory_space<vmem>> -> memref<100xi32, #tpu.memory_space<vmem>>
    %dma_wait3A_913 = arith.constant 0 : i32
    %dma_wait3A_914 = arith.constant 0 : i32
    %dma_wait3A_915 = tpu.memref_slice %arg3[%dma_wait3A_913, %dma_wait3A_914] : memref<100000x64xf32, #tpu.memory_space<hbm>> -> memref<100000x64xf32, #tpu.memory_space<hbm>>
    tpu.wait_indirect_dma semaphore(%arg7 : memref<!tpu.dma_semaphore, #tpu.memory_space<semaphore_mem>>) src(%dma_wait3A_915 : memref<100000x64xf32, #tpu.memory_space<hbm>>) dst(%dma_wait3A_909 : memref<100x64xf32, #tpu.memory_space<vmem>>)
    %add3A_916 = arith.constant 496 : i32
    %add3A_917 = arith.addi %mul3A_4, %add3A_916 : i32
    %add3A_918 = arith.constant 0 : i32
    %add3A_919 = arith.addi %add3A_917, %add3A_918 : i32
    %dma_start3A_920 = arith.constant 0 : i32
    %dma_start3A_921 = arith.constant 0 : i32
    %dma_start3A_922 = arith.constant 0 : i32
    %dma_start3A_923 = tpu.memref_slice %arg6[%dma_start3A_920, %dma_start3A_921, %dma_start3A_922] : memref<8x100x64xf32, #tpu.memory_space<vmem>> -> memref<1x50x64xf32, #tpu.memory_space<vmem>>
    %dma_start3A_924 = tpu.memref_squeeze %dma_start3A_923 : memref<1x50x64xf32, #tpu.memory_space<vmem>> -> memref<50x64xf32, #tpu.memory_space<vmem>>
    %dma_start3A_925 = arith.constant 0 : i32
    %dma_start3A_926 = arith.constant 0 : i32
    %dma_start3A_927 = tpu.memref_slice %arg4[%add3A_919, %dma_start3A_925, %dma_start3A_926] : memref<16384x56x128xf32, #tpu.memory_space<hbm>> -> memref<1x50x64xf32, #tpu.memory_space<hbm>>
    %dma_start3A_928 = tpu.memref_squeeze %dma_start3A_927 : memref<1x50x64xf32, #tpu.memory_space<hbm>> -> memref<50x64xf32, #tpu.memory_space<hbm>>
    %dma_start3A_929 = arith.constant 0 : i32
    %dma_start3A_930 = arith.constant 0 : i32
    %dma_start3A_931 = tpu.memref_slice %arg4[%add3A_919, %dma_start3A_929, %dma_start3A_930] : memref<16384x56x128xf32, #tpu.memory_space<hbm>> -> memref<1x50x64xf32, #tpu.memory_space<hbm>>
    %dma_start3A_932 = tpu.memref_squeeze %dma_start3A_931 : memref<1x50x64xf32, #tpu.memory_space<hbm>> -> memref<50x64xf32, #tpu.memory_space<hbm>>
    %dma_start3A_933 = arith.constant 0 : i32
    %dma_start3A_934 = arith.constant 0 : i32
    %dma_start3A_935 = tpu.memref_slice %arg6[%dma_start3A_920, %dma_start3A_933, %dma_start3A_934] : memref<8x100x64xf32, #tpu.memory_space<vmem>> -> memref<1x50x64xf32, #tpu.memory_space<vmem>>
    %dma_start3A_936 = tpu.memref_squeeze %dma_start3A_935 : memref<1x50x64xf32, #tpu.memory_space<vmem>> -> memref<50x64xf32, #tpu.memory_space<vmem>>
    tpu.enqueue_dma source(%dma_start3A_936 : memref<50x64xf32, #tpu.memory_space<vmem>>) target(%dma_start3A_932 : memref<50x64xf32, #tpu.memory_space<hbm>>) target_semaphore(%arg15 : memref<!tpu.dma_semaphore, #tpu.memory_space<semaphore_mem>>)
    %add3A_937 = arith.constant 496 : i32
    %add3A_938 = arith.addi %mul3A_4, %add3A_937 : i32
    %add3A_939 = arith.constant 1 : i32
    %add3A_940 = arith.addi %add3A_938, %add3A_939 : i32
    %dma_start3A_941 = arith.constant 0 : i32
    %dma_start3A_942 = arith.constant 50 : i32
    %dma_start3A_943 = arith.constant 0 : i32
    %dma_start3A_944 = tpu.memref_slice %arg6[%dma_start3A_941, %dma_start3A_942, %dma_start3A_943] : memref<8x100x64xf32, #tpu.memory_space<vmem>> -> memref<1x50x64xf32, #tpu.memory_space<vmem>>
    %dma_start3A_945 = tpu.memref_squeeze %dma_start3A_944 : memref<1x50x64xf32, #tpu.memory_space<vmem>> -> memref<50x64xf32, #tpu.memory_space<vmem>>
    %dma_start3A_946 = arith.constant 0 : i32
    %dma_start3A_947 = arith.constant 0 : i32
    %dma_start3A_948 = tpu.memref_slice %arg4[%add3A_940, %dma_start3A_946, %dma_start3A_947] : memref<16384x56x128xf32, #tpu.memory_space<hbm>> -> memref<1x50x64xf32, #tpu.memory_space<hbm>>
    %dma_start3A_949 = tpu.memref_squeeze %dma_start3A_948 : memref<1x50x64xf32, #tpu.memory_space<hbm>> -> memref<50x64xf32, #tpu.memory_space<hbm>>
    %dma_start3A_950 = arith.constant 0 : i32
    %dma_start3A_951 = arith.constant 0 : i32
    %dma_start3A_952 = tpu.memref_slice %arg4[%add3A_940, %dma_start3A_950, %dma_start3A_951] : memref<16384x56x128xf32, #tpu.memory_space<hbm>> -> memref<1x50x64xf32, #tpu.memory_space<hbm>>
    %dma_start3A_953 = tpu.memref_squeeze %dma_start3A_952 : memref<1x50x64xf32, #tpu.memory_space<hbm>> -> memref<50x64xf32, #tpu.memory_space<hbm>>
    %dma_start3A_954 = arith.constant 50 : i32
    %dma_start3A_955 = arith.constant 0 : i32
    %dma_start3A_956 = tpu.memref_slice %arg6[%dma_start3A_941, %dma_start3A_954, %dma_start3A_955] : memref<8x100x64xf32, #tpu.memory_space<vmem>> -> memref<1x50x64xf32, #tpu.memory_space<vmem>>
    %dma_start3A_957 = tpu.memref_squeeze %dma_start3A_956 : memref<1x50x64xf32, #tpu.memory_space<vmem>> -> memref<50x64xf32, #tpu.memory_space<vmem>>
    tpu.enqueue_dma source(%dma_start3A_957 : memref<50x64xf32, #tpu.memory_space<vmem>>) target(%dma_start3A_953 : memref<50x64xf32, #tpu.memory_space<hbm>>) target_semaphore(%arg15 : memref<!tpu.dma_semaphore, #tpu.memory_space<semaphore_mem>>)
    %dma_wait3A_958 = arith.constant 0 : i32
    %dma_wait3A_959 = arith.constant 1 : i32
    %dma_wait3A_960 = arith.constant 0 : i32
    %dma_wait3A_961 = arith.constant 0 : i32
    %dma_wait3A_962 = tpu.memref_slice %arg6[%dma_wait3A_959, %dma_wait3A_960, %dma_wait3A_961] : memref<8x100x64xf32, #tpu.memory_space<vmem>> -> memref<1x100x64xf32, #tpu.memory_space<vmem>>
    %dma_wait3A_963 = tpu.memref_squeeze %dma_wait3A_962 : memref<1x100x64xf32, #tpu.memory_space<vmem>> -> memref<100x64xf32, #tpu.memory_space<vmem>>
    %dma_wait3A_964 = arith.constant 0 : i32
    %dma_wait3A_965 = tpu.memref_slice %arg5[%dma_wait3A_958, %dma_wait3A_964] : memref<256x100xi32, #tpu.memory_space<vmem>> -> memref<1x100xi32, #tpu.memory_space<vmem>>
    %dma_wait3A_966 = tpu.memref_squeeze %dma_wait3A_965 : memref<1x100xi32, #tpu.memory_space<vmem>> -> memref<100xi32, #tpu.memory_space<vmem>>
    %dma_wait3A_967 = arith.constant 0 : i32
    %dma_wait3A_968 = arith.constant 0 : i32
    %dma_wait3A_969 = tpu.memref_slice %arg3[%dma_wait3A_967, %dma_wait3A_968] : memref<100000x64xf32, #tpu.memory_space<hbm>> -> memref<100000x64xf32, #tpu.memory_space<hbm>>
    tpu.wait_indirect_dma semaphore(%arg8 : memref<!tpu.dma_semaphore, #tpu.memory_space<semaphore_mem>>) src(%dma_wait3A_969 : memref<100000x64xf32, #tpu.memory_space<hbm>>) dst(%dma_wait3A_963 : memref<100x64xf32, #tpu.memory_space<vmem>>)
    %add3A_970 = arith.constant 498 : i32
    %add3A_971 = arith.addi %mul3A_4, %add3A_970 : i32
    %add3A_972 = arith.constant 0 : i32
    %add3A_973 = arith.addi %add3A_971, %add3A_972 : i32
    %dma_start3A_974 = arith.constant 1 : i32
    %dma_start3A_975 = arith.constant 0 : i32
    %dma_start3A_976 = arith.constant 0 : i32
    %dma_start3A_977 = tpu.memref_slice %arg6[%dma_start3A_974, %dma_start3A_975, %dma_start3A_976] : memref<8x100x64xf32, #tpu.memory_space<vmem>> -> memref<1x50x64xf32, #tpu.memory_space<vmem>>
    %dma_start3A_978 = tpu.memref_squeeze %dma_start3A_977 : memref<1x50x64xf32, #tpu.memory_space<vmem>> -> memref<50x64xf32, #tpu.memory_space<vmem>>
    %dma_start3A_979 = arith.constant 0 : i32
    %dma_start3A_980 = arith.constant 0 : i32
    %dma_start3A_981 = tpu.memref_slice %arg4[%add3A_973, %dma_start3A_979, %dma_start3A_980] : memref<16384x56x128xf32, #tpu.memory_space<hbm>> -> memref<1x50x64xf32, #tpu.memory_space<hbm>>
    %dma_start3A_982 = tpu.memref_squeeze %dma_start3A_981 : memref<1x50x64xf32, #tpu.memory_space<hbm>> -> memref<50x64xf32, #tpu.memory_space<hbm>>
    %dma_start3A_983 = arith.constant 0 : i32
    %dma_start3A_984 = arith.constant 0 : i32
    %dma_start3A_985 = tpu.memref_slice %arg4[%add3A_973, %dma_start3A_983, %dma_start3A_984] : memref<16384x56x128xf32, #tpu.memory_space<hbm>> -> memref<1x50x64xf32, #tpu.memory_space<hbm>>
    %dma_start3A_986 = tpu.memref_squeeze %dma_start3A_985 : memref<1x50x64xf32, #tpu.memory_space<hbm>> -> memref<50x64xf32, #tpu.memory_space<hbm>>
    %dma_start3A_987 = arith.constant 0 : i32
    %dma_start3A_988 = arith.constant 0 : i32
    %dma_start3A_989 = tpu.memref_slice %arg6[%dma_start3A_974, %dma_start3A_987, %dma_start3A_988] : memref<8x100x64xf32, #tpu.memory_space<vmem>> -> memref<1x50x64xf32, #tpu.memory_space<vmem>>
    %dma_start3A_990 = tpu.memref_squeeze %dma_start3A_989 : memref<1x50x64xf32, #tpu.memory_space<vmem>> -> memref<50x64xf32, #tpu.memory_space<vmem>>
    tpu.enqueue_dma source(%dma_start3A_990 : memref<50x64xf32, #tpu.memory_space<vmem>>) target(%dma_start3A_986 : memref<50x64xf32, #tpu.memory_space<hbm>>) target_semaphore(%arg16 : memref<!tpu.dma_semaphore, #tpu.memory_space<semaphore_mem>>)
    %add3A_991 = arith.constant 498 : i32
    %add3A_992 = arith.addi %mul3A_4, %add3A_991 : i32
    %add3A_993 = arith.constant 1 : i32
    %add3A_994 = arith.addi %add3A_992, %add3A_993 : i32
    %dma_start3A_995 = arith.constant 1 : i32
    %dma_start3A_996 = arith.constant 50 : i32
    %dma_start3A_997 = arith.constant 0 : i32
    %dma_start3A_998 = tpu.memref_slice %arg6[%dma_start3A_995, %dma_start3A_996, %dma_start3A_997] : memref<8x100x64xf32, #tpu.memory_space<vmem>> -> memref<1x50x64xf32, #tpu.memory_space<vmem>>
    %dma_start3A_999 = tpu.memref_squeeze %dma_start3A_998 : memref<1x50x64xf32, #tpu.memory_space<vmem>> -> memref<50x64xf32, #tpu.memory_space<vmem>>
    %dma_start3A_1000 = arith.constant 0 : i32
    %dma_start3A_1001 = arith.constant 0 : i32
    %dma_start3A_1002 = tpu.memref_slice %arg4[%add3A_994, %dma_start3A_1000, %dma_start3A_1001] : memref<16384x56x128xf32, #tpu.memory_space<hbm>> -> memref<1x50x64xf32, #tpu.memory_space<hbm>>
    %dma_start3A_1003 = tpu.memref_squeeze %dma_start3A_1002 : memref<1x50x64xf32, #tpu.memory_space<hbm>> -> memref<50x64xf32, #tpu.memory_space<hbm>>
    %dma_start3A_1004 = arith.constant 0 : i32
    %dma_start3A_1005 = arith.constant 0 : i32
    %dma_start3A_1006 = tpu.memref_slice %arg4[%add3A_994, %dma_start3A_1004, %dma_start3A_1005] : memref<16384x56x128xf32, #tpu.memory_space<hbm>> -> memref<1x50x64xf32, #tpu.memory_space<hbm>>
    %dma_start3A_1007 = tpu.memref_squeeze %dma_start3A_1006 : memref<1x50x64xf32, #tpu.memory_space<hbm>> -> memref<50x64xf32, #tpu.memory_space<hbm>>
    %dma_start3A_1008 = arith.constant 50 : i32
    %dma_start3A_1009 = arith.constant 0 : i32
    %dma_start3A_1010 = tpu.memref_slice %arg6[%dma_start3A_995, %dma_start3A_1008, %dma_start3A_1009] : memref<8x100x64xf32, #tpu.memory_space<vmem>> -> memref<1x50x64xf32, #tpu.memory_space<vmem>>
    %dma_start3A_1011 = tpu.memref_squeeze %dma_start3A_1010 : memref<1x50x64xf32, #tpu.memory_space<vmem>> -> memref<50x64xf32, #tpu.memory_space<vmem>>
    tpu.enqueue_dma source(%dma_start3A_1011 : memref<50x64xf32, #tpu.memory_space<vmem>>) target(%dma_start3A_1007 : memref<50x64xf32, #tpu.memory_space<hbm>>) target_semaphore(%arg16 : memref<!tpu.dma_semaphore, #tpu.memory_space<semaphore_mem>>)
    %dma_wait3A_1012 = arith.constant 0 : i32
    %dma_wait3A_1013 = arith.constant 2 : i32
    %dma_wait3A_1014 = arith.constant 0 : i32
    %dma_wait3A_1015 = arith.constant 0 : i32
    %dma_wait3A_1016 = tpu.memref_slice %arg6[%dma_wait3A_1013, %dma_wait3A_1014, %dma_wait3A_1015] : memref<8x100x64xf32, #tpu.memory_space<vmem>> -> memref<1x100x64xf32, #tpu.memory_space<vmem>>
    %dma_wait3A_1017 = tpu.memref_squeeze %dma_wait3A_1016 : memref<1x100x64xf32, #tpu.memory_space<vmem>> -> memref<100x64xf32, #tpu.memory_space<vmem>>
    %dma_wait3A_1018 = arith.constant 0 : i32
    %dma_wait3A_1019 = tpu.memref_slice %arg5[%dma_wait3A_1012, %dma_wait3A_1018] : memref<256x100xi32, #tpu.memory_space<vmem>> -> memref<1x100xi32, #tpu.memory_space<vmem>>
    %dma_wait3A_1020 = tpu.memref_squeeze %dma_wait3A_1019 : memref<1x100xi32, #tpu.memory_space<vmem>> -> memref<100xi32, #tpu.memory_space<vmem>>
    %dma_wait3A_1021 = arith.constant 0 : i32
    %dma_wait3A_1022 = arith.constant 0 : i32
    %dma_wait3A_1023 = tpu.memref_slice %arg3[%dma_wait3A_1021, %dma_wait3A_1022] : memref<100000x64xf32, #tpu.memory_space<hbm>> -> memref<100000x64xf32, #tpu.memory_space<hbm>>
    tpu.wait_indirect_dma semaphore(%arg9 : memref<!tpu.dma_semaphore, #tpu.memory_space<semaphore_mem>>) src(%dma_wait3A_1023 : memref<100000x64xf32, #tpu.memory_space<hbm>>) dst(%dma_wait3A_1017 : memref<100x64xf32, #tpu.memory_space<vmem>>)
    %add3A_1024 = arith.constant 500 : i32
    %add3A_1025 = arith.addi %mul3A_4, %add3A_1024 : i32
    %add3A_1026 = arith.constant 0 : i32
    %add3A_1027 = arith.addi %add3A_1025, %add3A_1026 : i32
    %dma_start3A_1028 = arith.constant 2 : i32
    %dma_start3A_1029 = arith.constant 0 : i32
    %dma_start3A_1030 = arith.constant 0 : i32
    %dma_start3A_1031 = tpu.memref_slice %arg6[%dma_start3A_1028, %dma_start3A_1029, %dma_start3A_1030] : memref<8x100x64xf32, #tpu.memory_space<vmem>> -> memref<1x50x64xf32, #tpu.memory_space<vmem>>
    %dma_start3A_1032 = tpu.memref_squeeze %dma_start3A_1031 : memref<1x50x64xf32, #tpu.memory_space<vmem>> -> memref<50x64xf32, #tpu.memory_space<vmem>>
    %dma_start3A_1033 = arith.constant 0 : i32
    %dma_start3A_1034 = arith.constant 0 : i32
    %dma_start3A_1035 = tpu.memref_slice %arg4[%add3A_1027, %dma_start3A_1033, %dma_start3A_1034] : memref<16384x56x128xf32, #tpu.memory_space<hbm>> -> memref<1x50x64xf32, #tpu.memory_space<hbm>>
    %dma_start3A_1036 = tpu.memref_squeeze %dma_start3A_1035 : memref<1x50x64xf32, #tpu.memory_space<hbm>> -> memref<50x64xf32, #tpu.memory_space<hbm>>
    %dma_start3A_1037 = arith.constant 0 : i32
    %dma_start3A_1038 = arith.constant 0 : i32
    %dma_start3A_1039 = tpu.memref_slice %arg4[%add3A_1027, %dma_start3A_1037, %dma_start3A_1038] : memref<16384x56x128xf32, #tpu.memory_space<hbm>> -> memref<1x50x64xf32, #tpu.memory_space<hbm>>
    %dma_start3A_1040 = tpu.memref_squeeze %dma_start3A_1039 : memref<1x50x64xf32, #tpu.memory_space<hbm>> -> memref<50x64xf32, #tpu.memory_space<hbm>>
    %dma_start3A_1041 = arith.constant 0 : i32
    %dma_start3A_1042 = arith.constant 0 : i32
    %dma_start3A_1043 = tpu.memref_slice %arg6[%dma_start3A_1028, %dma_start3A_1041, %dma_start3A_1042] : memref<8x100x64xf32, #tpu.memory_space<vmem>> -> memref<1x50x64xf32, #tpu.memory_space<vmem>>
    %dma_start3A_1044 = tpu.memref_squeeze %dma_start3A_1043 : memref<1x50x64xf32, #tpu.memory_space<vmem>> -> memref<50x64xf32, #tpu.memory_space<vmem>>
    tpu.enqueue_dma source(%dma_start3A_1044 : memref<50x64xf32, #tpu.memory_space<vmem>>) target(%dma_start3A_1040 : memref<50x64xf32, #tpu.memory_space<hbm>>) target_semaphore(%arg17 : memref<!tpu.dma_semaphore, #tpu.memory_space<semaphore_mem>>)
    %add3A_1045 = arith.constant 500 : i32
    %add3A_1046 = arith.addi %mul3A_4, %add3A_1045 : i32
    %add3A_1047 = arith.constant 1 : i32
    %add3A_1048 = arith.addi %add3A_1046, %add3A_1047 : i32
    %dma_start3A_1049 = arith.constant 2 : i32
    %dma_start3A_1050 = arith.constant 50 : i32
    %dma_start3A_1051 = arith.constant 0 : i32
    %dma_start3A_1052 = tpu.memref_slice %arg6[%dma_start3A_1049, %dma_start3A_1050, %dma_start3A_1051] : memref<8x100x64xf32, #tpu.memory_space<vmem>> -> memref<1x50x64xf32, #tpu.memory_space<vmem>>
    %dma_start3A_1053 = tpu.memref_squeeze %dma_start3A_1052 : memref<1x50x64xf32, #tpu.memory_space<vmem>> -> memref<50x64xf32, #tpu.memory_space<vmem>>
    %dma_start3A_1054 = arith.constant 0 : i32
    %dma_start3A_1055 = arith.constant 0 : i32
    %dma_start3A_1056 = tpu.memref_slice %arg4[%add3A_1048, %dma_start3A_1054, %dma_start3A_1055] : memref<16384x56x128xf32, #tpu.memory_space<hbm>> -> memref<1x50x64xf32, #tpu.memory_space<hbm>>
    %dma_start3A_1057 = tpu.memref_squeeze %dma_start3A_1056 : memref<1x50x64xf32, #tpu.memory_space<hbm>> -> memref<50x64xf32, #tpu.memory_space<hbm>>
    %dma_start3A_1058 = arith.constant 0 : i32
    %dma_start3A_1059 = arith.constant 0 : i32
    %dma_start3A_1060 = tpu.memref_slice %arg4[%add3A_1048, %dma_start3A_1058, %dma_start3A_1059] : memref<16384x56x128xf32, #tpu.memory_space<hbm>> -> memref<1x50x64xf32, #tpu.memory_space<hbm>>
    %dma_start3A_1061 = tpu.memref_squeeze %dma_start3A_1060 : memref<1x50x64xf32, #tpu.memory_space<hbm>> -> memref<50x64xf32, #tpu.memory_space<hbm>>
    %dma_start3A_1062 = arith.constant 50 : i32
    %dma_start3A_1063 = arith.constant 0 : i32
    %dma_start3A_1064 = tpu.memref_slice %arg6[%dma_start3A_1049, %dma_start3A_1062, %dma_start3A_1063] : memref<8x100x64xf32, #tpu.memory_space<vmem>> -> memref<1x50x64xf32, #tpu.memory_space<vmem>>
    %dma_start3A_1065 = tpu.memref_squeeze %dma_start3A_1064 : memref<1x50x64xf32, #tpu.memory_space<vmem>> -> memref<50x64xf32, #tpu.memory_space<vmem>>
    tpu.enqueue_dma source(%dma_start3A_1065 : memref<50x64xf32, #tpu.memory_space<vmem>>) target(%dma_start3A_1061 : memref<50x64xf32, #tpu.memory_space<hbm>>) target_semaphore(%arg17 : memref<!tpu.dma_semaphore, #tpu.memory_space<semaphore_mem>>)
    %dma_wait3A_1066 = arith.constant 0 : i32
    %dma_wait3A_1067 = arith.constant 3 : i32
    %dma_wait3A_1068 = arith.constant 0 : i32
    %dma_wait3A_1069 = arith.constant 0 : i32
    %dma_wait3A_1070 = tpu.memref_slice %arg6[%dma_wait3A_1067, %dma_wait3A_1068, %dma_wait3A_1069] : memref<8x100x64xf32, #tpu.memory_space<vmem>> -> memref<1x100x64xf32, #tpu.memory_space<vmem>>
    %dma_wait3A_1071 = tpu.memref_squeeze %dma_wait3A_1070 : memref<1x100x64xf32, #tpu.memory_space<vmem>> -> memref<100x64xf32, #tpu.memory_space<vmem>>
    %dma_wait3A_1072 = arith.constant 0 : i32
    %dma_wait3A_1073 = tpu.memref_slice %arg5[%dma_wait3A_1066, %dma_wait3A_1072] : memref<256x100xi32, #tpu.memory_space<vmem>> -> memref<1x100xi32, #tpu.memory_space<vmem>>
    %dma_wait3A_1074 = tpu.memref_squeeze %dma_wait3A_1073 : memref<1x100xi32, #tpu.memory_space<vmem>> -> memref<100xi32, #tpu.memory_space<vmem>>
    %dma_wait3A_1075 = arith.constant 0 : i32
    %dma_wait3A_1076 = arith.constant 0 : i32
    %dma_wait3A_1077 = tpu.memref_slice %arg3[%dma_wait3A_1075, %dma_wait3A_1076] : memref<100000x64xf32, #tpu.memory_space<hbm>> -> memref<100000x64xf32, #tpu.memory_space<hbm>>
    tpu.wait_indirect_dma semaphore(%arg10 : memref<!tpu.dma_semaphore, #tpu.memory_space<semaphore_mem>>) src(%dma_wait3A_1077 : memref<100000x64xf32, #tpu.memory_space<hbm>>) dst(%dma_wait3A_1071 : memref<100x64xf32, #tpu.memory_space<vmem>>)
    %add3A_1078 = arith.constant 502 : i32
    %add3A_1079 = arith.addi %mul3A_4, %add3A_1078 : i32
    %add3A_1080 = arith.constant 0 : i32
    %add3A_1081 = arith.addi %add3A_1079, %add3A_1080 : i32
    %dma_start3A_1082 = arith.constant 3 : i32
    %dma_start3A_1083 = arith.constant 0 : i32
    %dma_start3A_1084 = arith.constant 0 : i32
    %dma_start3A_1085 = tpu.memref_slice %arg6[%dma_start3A_1082, %dma_start3A_1083, %dma_start3A_1084] : memref<8x100x64xf32, #tpu.memory_space<vmem>> -> memref<1x50x64xf32, #tpu.memory_space<vmem>>
    %dma_start3A_1086 = tpu.memref_squeeze %dma_start3A_1085 : memref<1x50x64xf32, #tpu.memory_space<vmem>> -> memref<50x64xf32, #tpu.memory_space<vmem>>
    %dma_start3A_1087 = arith.constant 0 : i32
    %dma_start3A_1088 = arith.constant 0 : i32
    %dma_start3A_1089 = tpu.memref_slice %arg4[%add3A_1081, %dma_start3A_1087, %dma_start3A_1088] : memref<16384x56x128xf32, #tpu.memory_space<hbm>> -> memref<1x50x64xf32, #tpu.memory_space<hbm>>
    %dma_start3A_1090 = tpu.memref_squeeze %dma_start3A_1089 : memref<1x50x64xf32, #tpu.memory_space<hbm>> -> memref<50x64xf32, #tpu.memory_space<hbm>>
    %dma_start3A_1091 = arith.constant 0 : i32
    %dma_start3A_1092 = arith.constant 0 : i32
    %dma_start3A_1093 = tpu.memref_slice %arg4[%add3A_1081, %dma_start3A_1091, %dma_start3A_1092] : memref<16384x56x128xf32, #tpu.memory_space<hbm>> -> memref<1x50x64xf32, #tpu.memory_space<hbm>>
    %dma_start3A_1094 = tpu.memref_squeeze %dma_start3A_1093 : memref<1x50x64xf32, #tpu.memory_space<hbm>> -> memref<50x64xf32, #tpu.memory_space<hbm>>
    %dma_start3A_1095 = arith.constant 0 : i32
    %dma_start3A_1096 = arith.constant 0 : i32
    %dma_start3A_1097 = tpu.memref_slice %arg6[%dma_start3A_1082, %dma_start3A_1095, %dma_start3A_1096] : memref<8x100x64xf32, #tpu.memory_space<vmem>> -> memref<1x50x64xf32, #tpu.memory_space<vmem>>
    %dma_start3A_1098 = tpu.memref_squeeze %dma_start3A_1097 : memref<1x50x64xf32, #tpu.memory_space<vmem>> -> memref<50x64xf32, #tpu.memory_space<vmem>>
    tpu.enqueue_dma source(%dma_start3A_1098 : memref<50x64xf32, #tpu.memory_space<vmem>>) target(%dma_start3A_1094 : memref<50x64xf32, #tpu.memory_space<hbm>>) target_semaphore(%arg18 : memref<!tpu.dma_semaphore, #tpu.memory_space<semaphore_mem>>)
    %add3A_1099 = arith.constant 502 : i32
    %add3A_1100 = arith.addi %mul3A_4, %add3A_1099 : i32
    %add3A_1101 = arith.constant 1 : i32
    %add3A_1102 = arith.addi %add3A_1100, %add3A_1101 : i32
    %dma_start3A_1103 = arith.constant 3 : i32
    %dma_start3A_1104 = arith.constant 50 : i32
    %dma_start3A_1105 = arith.constant 0 : i32
    %dma_start3A_1106 = tpu.memref_slice %arg6[%dma_start3A_1103, %dma_start3A_1104, %dma_start3A_1105] : memref<8x100x64xf32, #tpu.memory_space<vmem>> -> memref<1x50x64xf32, #tpu.memory_space<vmem>>
    %dma_start3A_1107 = tpu.memref_squeeze %dma_start3A_1106 : memref<1x50x64xf32, #tpu.memory_space<vmem>> -> memref<50x64xf32, #tpu.memory_space<vmem>>
    %dma_start3A_1108 = arith.constant 0 : i32
    %dma_start3A_1109 = arith.constant 0 : i32
    %dma_start3A_1110 = tpu.memref_slice %arg4[%add3A_1102, %dma_start3A_1108, %dma_start3A_1109] : memref<16384x56x128xf32, #tpu.memory_space<hbm>> -> memref<1x50x64xf32, #tpu.memory_space<hbm>>
    %dma_start3A_1111 = tpu.memref_squeeze %dma_start3A_1110 : memref<1x50x64xf32, #tpu.memory_space<hbm>> -> memref<50x64xf32, #tpu.memory_space<hbm>>
    %dma_start3A_1112 = arith.constant 0 : i32
    %dma_start3A_1113 = arith.constant 0 : i32
    %dma_start3A_1114 = tpu.memref_slice %arg4[%add3A_1102, %dma_start3A_1112, %dma_start3A_1113] : memref<16384x56x128xf32, #tpu.memory_space<hbm>> -> memref<1x50x64xf32, #tpu.memory_space<hbm>>
    %dma_start3A_1115 = tpu.memref_squeeze %dma_start3A_1114 : memref<1x50x64xf32, #tpu.memory_space<hbm>> -> memref<50x64xf32, #tpu.memory_space<hbm>>
    %dma_start3A_1116 = arith.constant 50 : i32
    %dma_start3A_1117 = arith.constant 0 : i32
    %dma_start3A_1118 = tpu.memref_slice %arg6[%dma_start3A_1103, %dma_start3A_1116, %dma_start3A_1117] : memref<8x100x64xf32, #tpu.memory_space<vmem>> -> memref<1x50x64xf32, #tpu.memory_space<vmem>>
    %dma_start3A_1119 = tpu.memref_squeeze %dma_start3A_1118 : memref<1x50x64xf32, #tpu.memory_space<vmem>> -> memref<50x64xf32, #tpu.memory_space<vmem>>
    tpu.enqueue_dma source(%dma_start3A_1119 : memref<50x64xf32, #tpu.memory_space<vmem>>) target(%dma_start3A_1115 : memref<50x64xf32, #tpu.memory_space<hbm>>) target_semaphore(%arg18 : memref<!tpu.dma_semaphore, #tpu.memory_space<semaphore_mem>>)
    %dma_wait3A_1120 = arith.constant 0 : i32
    %dma_wait3A_1121 = arith.constant 4 : i32
    %dma_wait3A_1122 = arith.constant 0 : i32
    %dma_wait3A_1123 = arith.constant 0 : i32
    %dma_wait3A_1124 = tpu.memref_slice %arg6[%dma_wait3A_1121, %dma_wait3A_1122, %dma_wait3A_1123] : memref<8x100x64xf32, #tpu.memory_space<vmem>> -> memref<1x100x64xf32, #tpu.memory_space<vmem>>
    %dma_wait3A_1125 = tpu.memref_squeeze %dma_wait3A_1124 : memref<1x100x64xf32, #tpu.memory_space<vmem>> -> memref<100x64xf32, #tpu.memory_space<vmem>>
    %dma_wait3A_1126 = arith.constant 0 : i32
    %dma_wait3A_1127 = tpu.memref_slice %arg5[%dma_wait3A_1120, %dma_wait3A_1126] : memref<256x100xi32, #tpu.memory_space<vmem>> -> memref<1x100xi32, #tpu.memory_space<vmem>>
    %dma_wait3A_1128 = tpu.memref_squeeze %dma_wait3A_1127 : memref<1x100xi32, #tpu.memory_space<vmem>> -> memref<100xi32, #tpu.memory_space<vmem>>
    %dma_wait3A_1129 = arith.constant 0 : i32
    %dma_wait3A_1130 = arith.constant 0 : i32
    %dma_wait3A_1131 = tpu.memref_slice %arg3[%dma_wait3A_1129, %dma_wait3A_1130] : memref<100000x64xf32, #tpu.memory_space<hbm>> -> memref<100000x64xf32, #tpu.memory_space<hbm>>
    tpu.wait_indirect_dma semaphore(%arg11 : memref<!tpu.dma_semaphore, #tpu.memory_space<semaphore_mem>>) src(%dma_wait3A_1131 : memref<100000x64xf32, #tpu.memory_space<hbm>>) dst(%dma_wait3A_1125 : memref<100x64xf32, #tpu.memory_space<vmem>>)
    %add3A_1132 = arith.constant 504 : i32
    %add3A_1133 = arith.addi %mul3A_4, %add3A_1132 : i32
    %add3A_1134 = arith.constant 0 : i32
    %add3A_1135 = arith.addi %add3A_1133, %add3A_1134 : i32
    %dma_start3A_1136 = arith.constant 4 : i32
    %dma_start3A_1137 = arith.constant 0 : i32
    %dma_start3A_1138 = arith.constant 0 : i32
    %dma_start3A_1139 = tpu.memref_slice %arg6[%dma_start3A_1136, %dma_start3A_1137, %dma_start3A_1138] : memref<8x100x64xf32, #tpu.memory_space<vmem>> -> memref<1x50x64xf32, #tpu.memory_space<vmem>>
    %dma_start3A_1140 = tpu.memref_squeeze %dma_start3A_1139 : memref<1x50x64xf32, #tpu.memory_space<vmem>> -> memref<50x64xf32, #tpu.memory_space<vmem>>
    %dma_start3A_1141 = arith.constant 0 : i32
    %dma_start3A_1142 = arith.constant 0 : i32
    %dma_start3A_1143 = tpu.memref_slice %arg4[%add3A_1135, %dma_start3A_1141, %dma_start3A_1142] : memref<16384x56x128xf32, #tpu.memory_space<hbm>> -> memref<1x50x64xf32, #tpu.memory_space<hbm>>
    %dma_start3A_1144 = tpu.memref_squeeze %dma_start3A_1143 : memref<1x50x64xf32, #tpu.memory_space<hbm>> -> memref<50x64xf32, #tpu.memory_space<hbm>>
    %dma_start3A_1145 = arith.constant 0 : i32
    %dma_start3A_1146 = arith.constant 0 : i32
    %dma_start3A_1147 = tpu.memref_slice %arg4[%add3A_1135, %dma_start3A_1145, %dma_start3A_1146] : memref<16384x56x128xf32, #tpu.memory_space<hbm>> -> memref<1x50x64xf32, #tpu.memory_space<hbm>>
    %dma_start3A_1148 = tpu.memref_squeeze %dma_start3A_1147 : memref<1x50x64xf32, #tpu.memory_space<hbm>> -> memref<50x64xf32, #tpu.memory_space<hbm>>
    %dma_start3A_1149 = arith.constant 0 : i32
    %dma_start3A_1150 = arith.constant 0 : i32
    %dma_start3A_1151 = tpu.memref_slice %arg6[%dma_start3A_1136, %dma_start3A_1149, %dma_start3A_1150] : memref<8x100x64xf32, #tpu.memory_space<vmem>> -> memref<1x50x64xf32, #tpu.memory_space<vmem>>
    %dma_start3A_1152 = tpu.memref_squeeze %dma_start3A_1151 : memref<1x50x64xf32, #tpu.memory_space<vmem>> -> memref<50x64xf32, #tpu.memory_space<vmem>>
    tpu.enqueue_dma source(%dma_start3A_1152 : memref<50x64xf32, #tpu.memory_space<vmem>>) target(%dma_start3A_1148 : memref<50x64xf32, #tpu.memory_space<hbm>>) target_semaphore(%arg19 : memref<!tpu.dma_semaphore, #tpu.memory_space<semaphore_mem>>)
    %add3A_1153 = arith.constant 504 : i32
    %add3A_1154 = arith.addi %mul3A_4, %add3A_1153 : i32
    %add3A_1155 = arith.constant 1 : i32
    %add3A_1156 = arith.addi %add3A_1154, %add3A_1155 : i32
    %dma_start3A_1157 = arith.constant 4 : i32
    %dma_start3A_1158 = arith.constant 50 : i32
    %dma_start3A_1159 = arith.constant 0 : i32
    %dma_start3A_1160 = tpu.memref_slice %arg6[%dma_start3A_1157, %dma_start3A_1158, %dma_start3A_1159] : memref<8x100x64xf32, #tpu.memory_space<vmem>> -> memref<1x50x64xf32, #tpu.memory_space<vmem>>
    %dma_start3A_1161 = tpu.memref_squeeze %dma_start3A_1160 : memref<1x50x64xf32, #tpu.memory_space<vmem>> -> memref<50x64xf32, #tpu.memory_space<vmem>>
    %dma_start3A_1162 = arith.constant 0 : i32
    %dma_start3A_1163 = arith.constant 0 : i32
    %dma_start3A_1164 = tpu.memref_slice %arg4[%add3A_1156, %dma_start3A_1162, %dma_start3A_1163] : memref<16384x56x128xf32, #tpu.memory_space<hbm>> -> memref<1x50x64xf32, #tpu.memory_space<hbm>>
    %dma_start3A_1165 = tpu.memref_squeeze %dma_start3A_1164 : memref<1x50x64xf32, #tpu.memory_space<hbm>> -> memref<50x64xf32, #tpu.memory_space<hbm>>
    %dma_start3A_1166 = arith.constant 0 : i32
    %dma_start3A_1167 = arith.constant 0 : i32
    %dma_start3A_1168 = tpu.memref_slice %arg4[%add3A_1156, %dma_start3A_1166, %dma_start3A_1167] : memref<16384x56x128xf32, #tpu.memory_space<hbm>> -> memref<1x50x64xf32, #tpu.memory_space<hbm>>
    %dma_start3A_1169 = tpu.memref_squeeze %dma_start3A_1168 : memref<1x50x64xf32, #tpu.memory_space<hbm>> -> memref<50x64xf32, #tpu.memory_space<hbm>>
    %dma_start3A_1170 = arith.constant 50 : i32
    %dma_start3A_1171 = arith.constant 0 : i32
    %dma_start3A_1172 = tpu.memref_slice %arg6[%dma_start3A_1157, %dma_start3A_1170, %dma_start3A_1171] : memref<8x100x64xf32, #tpu.memory_space<vmem>> -> memref<1x50x64xf32, #tpu.memory_space<vmem>>
    %dma_start3A_1173 = tpu.memref_squeeze %dma_start3A_1172 : memref<1x50x64xf32, #tpu.memory_space<vmem>> -> memref<50x64xf32, #tpu.memory_space<vmem>>
    tpu.enqueue_dma source(%dma_start3A_1173 : memref<50x64xf32, #tpu.memory_space<vmem>>) target(%dma_start3A_1169 : memref<50x64xf32, #tpu.memory_space<hbm>>) target_semaphore(%arg19 : memref<!tpu.dma_semaphore, #tpu.memory_space<semaphore_mem>>)
    %dma_wait3A_1174 = arith.constant 0 : i32
    %dma_wait3A_1175 = arith.constant 5 : i32
    %dma_wait3A_1176 = arith.constant 0 : i32
    %dma_wait3A_1177 = arith.constant 0 : i32
    %dma_wait3A_1178 = tpu.memref_slice %arg6[%dma_wait3A_1175, %dma_wait3A_1176, %dma_wait3A_1177] : memref<8x100x64xf32, #tpu.memory_space<vmem>> -> memref<1x100x64xf32, #tpu.memory_space<vmem>>
    %dma_wait3A_1179 = tpu.memref_squeeze %dma_wait3A_1178 : memref<1x100x64xf32, #tpu.memory_space<vmem>> -> memref<100x64xf32, #tpu.memory_space<vmem>>
    %dma_wait3A_1180 = arith.constant 0 : i32
    %dma_wait3A_1181 = tpu.memref_slice %arg5[%dma_wait3A_1174, %dma_wait3A_1180] : memref<256x100xi32, #tpu.memory_space<vmem>> -> memref<1x100xi32, #tpu.memory_space<vmem>>
    %dma_wait3A_1182 = tpu.memref_squeeze %dma_wait3A_1181 : memref<1x100xi32, #tpu.memory_space<vmem>> -> memref<100xi32, #tpu.memory_space<vmem>>
    %dma_wait3A_1183 = arith.constant 0 : i32
    %dma_wait3A_1184 = arith.constant 0 : i32
    %dma_wait3A_1185 = tpu.memref_slice %arg3[%dma_wait3A_1183, %dma_wait3A_1184] : memref<100000x64xf32, #tpu.memory_space<hbm>> -> memref<100000x64xf32, #tpu.memory_space<hbm>>
    tpu.wait_indirect_dma semaphore(%arg12 : memref<!tpu.dma_semaphore, #tpu.memory_space<semaphore_mem>>) src(%dma_wait3A_1185 : memref<100000x64xf32, #tpu.memory_space<hbm>>) dst(%dma_wait3A_1179 : memref<100x64xf32, #tpu.memory_space<vmem>>)
    %add3A_1186 = arith.constant 506 : i32
    %add3A_1187 = arith.addi %mul3A_4, %add3A_1186 : i32
    %add3A_1188 = arith.constant 0 : i32
    %add3A_1189 = arith.addi %add3A_1187, %add3A_1188 : i32
    %dma_start3A_1190 = arith.constant 5 : i32
    %dma_start3A_1191 = arith.constant 0 : i32
    %dma_start3A_1192 = arith.constant 0 : i32
    %dma_start3A_1193 = tpu.memref_slice %arg6[%dma_start3A_1190, %dma_start3A_1191, %dma_start3A_1192] : memref<8x100x64xf32, #tpu.memory_space<vmem>> -> memref<1x50x64xf32, #tpu.memory_space<vmem>>
    %dma_start3A_1194 = tpu.memref_squeeze %dma_start3A_1193 : memref<1x50x64xf32, #tpu.memory_space<vmem>> -> memref<50x64xf32, #tpu.memory_space<vmem>>
    %dma_start3A_1195 = arith.constant 0 : i32
    %dma_start3A_1196 = arith.constant 0 : i32
    %dma_start3A_1197 = tpu.memref_slice %arg4[%add3A_1189, %dma_start3A_1195, %dma_start3A_1196] : memref<16384x56x128xf32, #tpu.memory_space<hbm>> -> memref<1x50x64xf32, #tpu.memory_space<hbm>>
    %dma_start3A_1198 = tpu.memref_squeeze %dma_start3A_1197 : memref<1x50x64xf32, #tpu.memory_space<hbm>> -> memref<50x64xf32, #tpu.memory_space<hbm>>
    %dma_start3A_1199 = arith.constant 0 : i32
    %dma_start3A_1200 = arith.constant 0 : i32
    %dma_start3A_1201 = tpu.memref_slice %arg4[%add3A_1189, %dma_start3A_1199, %dma_start3A_1200] : memref<16384x56x128xf32, #tpu.memory_space<hbm>> -> memref<1x50x64xf32, #tpu.memory_space<hbm>>
    %dma_start3A_1202 = tpu.memref_squeeze %dma_start3A_1201 : memref<1x50x64xf32, #tpu.memory_space<hbm>> -> memref<50x64xf32, #tpu.memory_space<hbm>>
    %dma_start3A_1203 = arith.constant 0 : i32
    %dma_start3A_1204 = arith.constant 0 : i32
    %dma_start3A_1205 = tpu.memref_slice %arg6[%dma_start3A_1190, %dma_start3A_1203, %dma_start3A_1204] : memref<8x100x64xf32, #tpu.memory_space<vmem>> -> memref<1x50x64xf32, #tpu.memory_space<vmem>>
    %dma_start3A_1206 = tpu.memref_squeeze %dma_start3A_1205 : memref<1x50x64xf32, #tpu.memory_space<vmem>> -> memref<50x64xf32, #tpu.memory_space<vmem>>
    tpu.enqueue_dma source(%dma_start3A_1206 : memref<50x64xf32, #tpu.memory_space<vmem>>) target(%dma_start3A_1202 : memref<50x64xf32, #tpu.memory_space<hbm>>) target_semaphore(%arg20 : memref<!tpu.dma_semaphore, #tpu.memory_space<semaphore_mem>>)
    %add3A_1207 = arith.constant 506 : i32
    %add3A_1208 = arith.addi %mul3A_4, %add3A_1207 : i32
    %add3A_1209 = arith.constant 1 : i32
    %add3A_1210 = arith.addi %add3A_1208, %add3A_1209 : i32
    %dma_start3A_1211 = arith.constant 5 : i32
    %dma_start3A_1212 = arith.constant 50 : i32
    %dma_start3A_1213 = arith.constant 0 : i32
    %dma_start3A_1214 = tpu.memref_slice %arg6[%dma_start3A_1211, %dma_start3A_1212, %dma_start3A_1213] : memref<8x100x64xf32, #tpu.memory_space<vmem>> -> memref<1x50x64xf32, #tpu.memory_space<vmem>>
    %dma_start3A_1215 = tpu.memref_squeeze %dma_start3A_1214 : memref<1x50x64xf32, #tpu.memory_space<vmem>> -> memref<50x64xf32, #tpu.memory_space<vmem>>
    %dma_start3A_1216 = arith.constant 0 : i32
    %dma_start3A_1217 = arith.constant 0 : i32
    %dma_start3A_1218 = tpu.memref_slice %arg4[%add3A_1210, %dma_start3A_1216, %dma_start3A_1217] : memref<16384x56x128xf32, #tpu.memory_space<hbm>> -> memref<1x50x64xf32, #tpu.memory_space<hbm>>
    %dma_start3A_1219 = tpu.memref_squeeze %dma_start3A_1218 : memref<1x50x64xf32, #tpu.memory_space<hbm>> -> memref<50x64xf32, #tpu.memory_space<hbm>>
    %dma_start3A_1220 = arith.constant 0 : i32
    %dma_start3A_1221 = arith.constant 0 : i32
    %dma_start3A_1222 = tpu.memref_slice %arg4[%add3A_1210, %dma_start3A_1220, %dma_start3A_1221] : memref<16384x56x128xf32, #tpu.memory_space<hbm>> -> memref<1x50x64xf32, #tpu.memory_space<hbm>>
    %dma_start3A_1223 = tpu.memref_squeeze %dma_start3A_1222 : memref<1x50x64xf32, #tpu.memory_space<hbm>> -> memref<50x64xf32, #tpu.memory_space<hbm>>
    %dma_start3A_1224 = arith.constant 50 : i32
    %dma_start3A_1225 = arith.constant 0 : i32
    %dma_start3A_1226 = tpu.memref_slice %arg6[%dma_start3A_1211, %dma_start3A_1224, %dma_start3A_1225] : memref<8x100x64xf32, #tpu.memory_space<vmem>> -> memref<1x50x64xf32, #tpu.memory_space<vmem>>
    %dma_start3A_1227 = tpu.memref_squeeze %dma_start3A_1226 : memref<1x50x64xf32, #tpu.memory_space<vmem>> -> memref<50x64xf32, #tpu.memory_space<vmem>>
    tpu.enqueue_dma source(%dma_start3A_1227 : memref<50x64xf32, #tpu.memory_space<vmem>>) target(%dma_start3A_1223 : memref<50x64xf32, #tpu.memory_space<hbm>>) target_semaphore(%arg20 : memref<!tpu.dma_semaphore, #tpu.memory_space<semaphore_mem>>)
    %dma_wait3A_1228 = arith.constant 0 : i32
    %dma_wait3A_1229 = arith.constant 6 : i32
    %dma_wait3A_1230 = arith.constant 0 : i32
    %dma_wait3A_1231 = arith.constant 0 : i32
    %dma_wait3A_1232 = tpu.memref_slice %arg6[%dma_wait3A_1229, %dma_wait3A_1230, %dma_wait3A_1231] : memref<8x100x64xf32, #tpu.memory_space<vmem>> -> memref<1x100x64xf32, #tpu.memory_space<vmem>>
    %dma_wait3A_1233 = tpu.memref_squeeze %dma_wait3A_1232 : memref<1x100x64xf32, #tpu.memory_space<vmem>> -> memref<100x64xf32, #tpu.memory_space<vmem>>
    %dma_wait3A_1234 = arith.constant 0 : i32
    %dma_wait3A_1235 = tpu.memref_slice %arg5[%dma_wait3A_1228, %dma_wait3A_1234] : memref<256x100xi32, #tpu.memory_space<vmem>> -> memref<1x100xi32, #tpu.memory_space<vmem>>
    %dma_wait3A_1236 = tpu.memref_squeeze %dma_wait3A_1235 : memref<1x100xi32, #tpu.memory_space<vmem>> -> memref<100xi32, #tpu.memory_space<vmem>>
    %dma_wait3A_1237 = arith.constant 0 : i32
    %dma_wait3A_1238 = arith.constant 0 : i32
    %dma_wait3A_1239 = tpu.memref_slice %arg3[%dma_wait3A_1237, %dma_wait3A_1238] : memref<100000x64xf32, #tpu.memory_space<hbm>> -> memref<100000x64xf32, #tpu.memory_space<hbm>>
    tpu.wait_indirect_dma semaphore(%arg13 : memref<!tpu.dma_semaphore, #tpu.memory_space<semaphore_mem>>) src(%dma_wait3A_1239 : memref<100000x64xf32, #tpu.memory_space<hbm>>) dst(%dma_wait3A_1233 : memref<100x64xf32, #tpu.memory_space<vmem>>)
    %add3A_1240 = arith.constant 508 : i32
    %add3A_1241 = arith.addi %mul3A_4, %add3A_1240 : i32
    %add3A_1242 = arith.constant 0 : i32
    %add3A_1243 = arith.addi %add3A_1241, %add3A_1242 : i32
    %dma_start3A_1244 = arith.constant 6 : i32
    %dma_start3A_1245 = arith.constant 0 : i32
    %dma_start3A_1246 = arith.constant 0 : i32
    %dma_start3A_1247 = tpu.memref_slice %arg6[%dma_start3A_1244, %dma_start3A_1245, %dma_start3A_1246] : memref<8x100x64xf32, #tpu.memory_space<vmem>> -> memref<1x50x64xf32, #tpu.memory_space<vmem>>
    %dma_start3A_1248 = tpu.memref_squeeze %dma_start3A_1247 : memref<1x50x64xf32, #tpu.memory_space<vmem>> -> memref<50x64xf32, #tpu.memory_space<vmem>>
    %dma_start3A_1249 = arith.constant 0 : i32
    %dma_start3A_1250 = arith.constant 0 : i32
    %dma_start3A_1251 = tpu.memref_slice %arg4[%add3A_1243, %dma_start3A_1249, %dma_start3A_1250] : memref<16384x56x128xf32, #tpu.memory_space<hbm>> -> memref<1x50x64xf32, #tpu.memory_space<hbm>>
    %dma_start3A_1252 = tpu.memref_squeeze %dma_start3A_1251 : memref<1x50x64xf32, #tpu.memory_space<hbm>> -> memref<50x64xf32, #tpu.memory_space<hbm>>
    %dma_start3A_1253 = arith.constant 0 : i32
    %dma_start3A_1254 = arith.constant 0 : i32
    %dma_start3A_1255 = tpu.memref_slice %arg4[%add3A_1243, %dma_start3A_1253, %dma_start3A_1254] : memref<16384x56x128xf32, #tpu.memory_space<hbm>> -> memref<1x50x64xf32, #tpu.memory_space<hbm>>
    %dma_start3A_1256 = tpu.memref_squeeze %dma_start3A_1255 : memref<1x50x64xf32, #tpu.memory_space<hbm>> -> memref<50x64xf32, #tpu.memory_space<hbm>>
    %dma_start3A_1257 = arith.constant 0 : i32
    %dma_start3A_1258 = arith.constant 0 : i32
    %dma_start3A_1259 = tpu.memref_slice %arg6[%dma_start3A_1244, %dma_start3A_1257, %dma_start3A_1258] : memref<8x100x64xf32, #tpu.memory_space<vmem>> -> memref<1x50x64xf32, #tpu.memory_space<vmem>>
    %dma_start3A_1260 = tpu.memref_squeeze %dma_start3A_1259 : memref<1x50x64xf32, #tpu.memory_space<vmem>> -> memref<50x64xf32, #tpu.memory_space<vmem>>
    tpu.enqueue_dma source(%dma_start3A_1260 : memref<50x64xf32, #tpu.memory_space<vmem>>) target(%dma_start3A_1256 : memref<50x64xf32, #tpu.memory_space<hbm>>) target_semaphore(%arg21 : memref<!tpu.dma_semaphore, #tpu.memory_space<semaphore_mem>>)
    %add3A_1261 = arith.constant 508 : i32
    %add3A_1262 = arith.addi %mul3A_4, %add3A_1261 : i32
    %add3A_1263 = arith.constant 1 : i32
    %add3A_1264 = arith.addi %add3A_1262, %add3A_1263 : i32
    %dma_start3A_1265 = arith.constant 6 : i32
    %dma_start3A_1266 = arith.constant 50 : i32
    %dma_start3A_1267 = arith.constant 0 : i32
    %dma_start3A_1268 = tpu.memref_slice %arg6[%dma_start3A_1265, %dma_start3A_1266, %dma_start3A_1267] : memref<8x100x64xf32, #tpu.memory_space<vmem>> -> memref<1x50x64xf32, #tpu.memory_space<vmem>>
    %dma_start3A_1269 = tpu.memref_squeeze %dma_start3A_1268 : memref<1x50x64xf32, #tpu.memory_space<vmem>> -> memref<50x64xf32, #tpu.memory_space<vmem>>
    %dma_start3A_1270 = arith.constant 0 : i32
    %dma_start3A_1271 = arith.constant 0 : i32
    %dma_start3A_1272 = tpu.memref_slice %arg4[%add3A_1264, %dma_start3A_1270, %dma_start3A_1271] : memref<16384x56x128xf32, #tpu.memory_space<hbm>> -> memref<1x50x64xf32, #tpu.memory_space<hbm>>
    %dma_start3A_1273 = tpu.memref_squeeze %dma_start3A_1272 : memref<1x50x64xf32, #tpu.memory_space<hbm>> -> memref<50x64xf32, #tpu.memory_space<hbm>>
    %dma_start3A_1274 = arith.constant 0 : i32
    %dma_start3A_1275 = arith.constant 0 : i32
    %dma_start3A_1276 = tpu.memref_slice %arg4[%add3A_1264, %dma_start3A_1274, %dma_start3A_1275] : memref<16384x56x128xf32, #tpu.memory_space<hbm>> -> memref<1x50x64xf32, #tpu.memory_space<hbm>>
    %dma_start3A_1277 = tpu.memref_squeeze %dma_start3A_1276 : memref<1x50x64xf32, #tpu.memory_space<hbm>> -> memref<50x64xf32, #tpu.memory_space<hbm>>
    %dma_start3A_1278 = arith.constant 50 : i32
    %dma_start3A_1279 = arith.constant 0 : i32
    %dma_start3A_1280 = tpu.memref_slice %arg6[%dma_start3A_1265, %dma_start3A_1278, %dma_start3A_1279] : memref<8x100x64xf32, #tpu.memory_space<vmem>> -> memref<1x50x64xf32, #tpu.memory_space<vmem>>
    %dma_start3A_1281 = tpu.memref_squeeze %dma_start3A_1280 : memref<1x50x64xf32, #tpu.memory_space<vmem>> -> memref<50x64xf32, #tpu.memory_space<vmem>>
    tpu.enqueue_dma source(%dma_start3A_1281 : memref<50x64xf32, #tpu.memory_space<vmem>>) target(%dma_start3A_1277 : memref<50x64xf32, #tpu.memory_space<hbm>>) target_semaphore(%arg21 : memref<!tpu.dma_semaphore, #tpu.memory_space<semaphore_mem>>)
    %dma_wait3A_1282 = arith.constant 0 : i32
    %dma_wait3A_1283 = arith.constant 7 : i32
    %dma_wait3A_1284 = arith.constant 0 : i32
    %dma_wait3A_1285 = arith.constant 0 : i32
    %dma_wait3A_1286 = tpu.memref_slice %arg6[%dma_wait3A_1283, %dma_wait3A_1284, %dma_wait3A_1285] : memref<8x100x64xf32, #tpu.memory_space<vmem>> -> memref<1x100x64xf32, #tpu.memory_space<vmem>>
    %dma_wait3A_1287 = tpu.memref_squeeze %dma_wait3A_1286 : memref<1x100x64xf32, #tpu.memory_space<vmem>> -> memref<100x64xf32, #tpu.memory_space<vmem>>
    %dma_wait3A_1288 = arith.constant 0 : i32
    %dma_wait3A_1289 = tpu.memref_slice %arg5[%dma_wait3A_1282, %dma_wait3A_1288] : memref<256x100xi32, #tpu.memory_space<vmem>> -> memref<1x100xi32, #tpu.memory_space<vmem>>
    %dma_wait3A_1290 = tpu.memref_squeeze %dma_wait3A_1289 : memref<1x100xi32, #tpu.memory_space<vmem>> -> memref<100xi32, #tpu.memory_space<vmem>>
    %dma_wait3A_1291 = arith.constant 0 : i32
    %dma_wait3A_1292 = arith.constant 0 : i32
    %dma_wait3A_1293 = tpu.memref_slice %arg3[%dma_wait3A_1291, %dma_wait3A_1292] : memref<100000x64xf32, #tpu.memory_space<hbm>> -> memref<100000x64xf32, #tpu.memory_space<hbm>>
    tpu.wait_indirect_dma semaphore(%arg14 : memref<!tpu.dma_semaphore, #tpu.memory_space<semaphore_mem>>) src(%dma_wait3A_1293 : memref<100000x64xf32, #tpu.memory_space<hbm>>) dst(%dma_wait3A_1287 : memref<100x64xf32, #tpu.memory_space<vmem>>)
    %add3A_1294 = arith.constant 510 : i32
    %add3A_1295 = arith.addi %mul3A_4, %add3A_1294 : i32
    %add3A_1296 = arith.constant 0 : i32
    %add3A_1297 = arith.addi %add3A_1295, %add3A_1296 : i32
    %dma_start3A_1298 = arith.constant 7 : i32
    %dma_start3A_1299 = arith.constant 0 : i32
    %dma_start3A_1300 = arith.constant 0 : i32
    %dma_start3A_1301 = tpu.memref_slice %arg6[%dma_start3A_1298, %dma_start3A_1299, %dma_start3A_1300] : memref<8x100x64xf32, #tpu.memory_space<vmem>> -> memref<1x50x64xf32, #tpu.memory_space<vmem>>
    %dma_start3A_1302 = tpu.memref_squeeze %dma_start3A_1301 : memref<1x50x64xf32, #tpu.memory_space<vmem>> -> memref<50x64xf32, #tpu.memory_space<vmem>>
    %dma_start3A_1303 = arith.constant 0 : i32
    %dma_start3A_1304 = arith.constant 0 : i32
    %dma_start3A_1305 = tpu.memref_slice %arg4[%add3A_1297, %dma_start3A_1303, %dma_start3A_1304] : memref<16384x56x128xf32, #tpu.memory_space<hbm>> -> memref<1x50x64xf32, #tpu.memory_space<hbm>>
    %dma_start3A_1306 = tpu.memref_squeeze %dma_start3A_1305 : memref<1x50x64xf32, #tpu.memory_space<hbm>> -> memref<50x64xf32, #tpu.memory_space<hbm>>
    %dma_start3A_1307 = arith.constant 0 : i32
    %dma_start3A_1308 = arith.constant 0 : i32
    %dma_start3A_1309 = tpu.memref_slice %arg4[%add3A_1297, %dma_start3A_1307, %dma_start3A_1308] : memref<16384x56x128xf32, #tpu.memory_space<hbm>> -> memref<1x50x64xf32, #tpu.memory_space<hbm>>
    %dma_start3A_1310 = tpu.memref_squeeze %dma_start3A_1309 : memref<1x50x64xf32, #tpu.memory_space<hbm>> -> memref<50x64xf32, #tpu.memory_space<hbm>>
    %dma_start3A_1311 = arith.constant 0 : i32
    %dma_start3A_1312 = arith.constant 0 : i32
    %dma_start3A_1313 = tpu.memref_slice %arg6[%dma_start3A_1298, %dma_start3A_1311, %dma_start3A_1312] : memref<8x100x64xf32, #tpu.memory_space<vmem>> -> memref<1x50x64xf32, #tpu.memory_space<vmem>>
    %dma_start3A_1314 = tpu.memref_squeeze %dma_start3A_1313 : memref<1x50x64xf32, #tpu.memory_space<vmem>> -> memref<50x64xf32, #tpu.memory_space<vmem>>
    tpu.enqueue_dma source(%dma_start3A_1314 : memref<50x64xf32, #tpu.memory_space<vmem>>) target(%dma_start3A_1310 : memref<50x64xf32, #tpu.memory_space<hbm>>) target_semaphore(%arg22 : memref<!tpu.dma_semaphore, #tpu.memory_space<semaphore_mem>>)
    %add3A_1315 = arith.constant 510 : i32
    %add3A_1316 = arith.addi %mul3A_4, %add3A_1315 : i32
    %add3A_1317 = arith.constant 1 : i32
    %add3A_1318 = arith.addi %add3A_1316, %add3A_1317 : i32
    %dma_start3A_1319 = arith.constant 7 : i32
    %dma_start3A_1320 = arith.constant 50 : i32
    %dma_start3A_1321 = arith.constant 0 : i32
    %dma_start3A_1322 = tpu.memref_slice %arg6[%dma_start3A_1319, %dma_start3A_1320, %dma_start3A_1321] : memref<8x100x64xf32, #tpu.memory_space<vmem>> -> memref<1x50x64xf32, #tpu.memory_space<vmem>>
    %dma_start3A_1323 = tpu.memref_squeeze %dma_start3A_1322 : memref<1x50x64xf32, #tpu.memory_space<vmem>> -> memref<50x64xf32, #tpu.memory_space<vmem>>
    %dma_start3A_1324 = arith.constant 0 : i32
    %dma_start3A_1325 = arith.constant 0 : i32
    %dma_start3A_1326 = tpu.memref_slice %arg4[%add3A_1318, %dma_start3A_1324, %dma_start3A_1325] : memref<16384x56x128xf32, #tpu.memory_space<hbm>> -> memref<1x50x64xf32, #tpu.memory_space<hbm>>
    %dma_start3A_1327 = tpu.memref_squeeze %dma_start3A_1326 : memref<1x50x64xf32, #tpu.memory_space<hbm>> -> memref<50x64xf32, #tpu.memory_space<hbm>>
    %dma_start3A_1328 = arith.constant 0 : i32
    %dma_start3A_1329 = arith.constant 0 : i32
    %dma_start3A_1330 = tpu.memref_slice %arg4[%add3A_1318, %dma_start3A_1328, %dma_start3A_1329] : memref<16384x56x128xf32, #tpu.memory_space<hbm>> -> memref<1x50x64xf32, #tpu.memory_space<hbm>>
    %dma_start3A_1331 = tpu.memref_squeeze %dma_start3A_1330 : memref<1x50x64xf32, #tpu.memory_space<hbm>> -> memref<50x64xf32, #tpu.memory_space<hbm>>
    %dma_start3A_1332 = arith.constant 50 : i32
    %dma_start3A_1333 = arith.constant 0 : i32
    %dma_start3A_1334 = tpu.memref_slice %arg6[%dma_start3A_1319, %dma_start3A_1332, %dma_start3A_1333] : memref<8x100x64xf32, #tpu.memory_space<vmem>> -> memref<1x50x64xf32, #tpu.memory_space<vmem>>
    %dma_start3A_1335 = tpu.memref_squeeze %dma_start3A_1334 : memref<1x50x64xf32, #tpu.memory_space<vmem>> -> memref<50x64xf32, #tpu.memory_space<vmem>>
    tpu.enqueue_dma source(%dma_start3A_1335 : memref<50x64xf32, #tpu.memory_space<vmem>>) target(%dma_start3A_1331 : memref<50x64xf32, #tpu.memory_space<hbm>>) target_semaphore(%arg22 : memref<!tpu.dma_semaphore, #tpu.memory_space<semaphore_mem>>)
    %dma_wait3A_1336 = arith.constant 0 : i32
    %dma_wait3A_1337 = arith.constant 0 : i32
    %dma_wait3A_1338 = arith.constant 0 : i32
    %dma_wait3A_1339 = tpu.memref_slice %arg6[%dma_wait3A_1336, %dma_wait3A_1337, %dma_wait3A_1338] : memref<8x100x64xf32, #tpu.memory_space<vmem>> -> memref<1x50x64xf32, #tpu.memory_space<vmem>>
    %dma_wait3A_1340 = tpu.memref_squeeze %dma_wait3A_1339 : memref<1x50x64xf32, #tpu.memory_space<vmem>> -> memref<50x64xf32, #tpu.memory_space<vmem>>
    %dma_wait3A_1341 = arith.constant 0 : i32
    %dma_wait3A_1342 = arith.constant 0 : i32
    %dma_wait3A_1343 = tpu.memref_slice %arg4[%mul3A_4, %dma_wait3A_1341, %dma_wait3A_1342] : memref<16384x56x128xf32, #tpu.memory_space<hbm>> -> memref<1x50x64xf32, #tpu.memory_space<hbm>>
    %dma_wait3A_1344 = tpu.memref_squeeze %dma_wait3A_1343 : memref<1x50x64xf32, #tpu.memory_space<hbm>> -> memref<50x64xf32, #tpu.memory_space<hbm>>
    %dma_wait3A_1345 = arith.constant 0 : i32
    %dma_wait3A_1346 = arith.constant 0 : i32
    %dma_wait3A_1347 = tpu.memref_slice %arg4[%mul3A_4, %dma_wait3A_1345, %dma_wait3A_1346] : memref<16384x56x128xf32, #tpu.memory_space<hbm>> -> memref<1x50x64xf32, #tpu.memory_space<hbm>>
    %dma_wait3A_1348 = tpu.memref_squeeze %dma_wait3A_1347 : memref<1x50x64xf32, #tpu.memory_space<hbm>> -> memref<50x64xf32, #tpu.memory_space<hbm>>
    %dma_wait3A_1349 = arith.constant 0 : i32
    %dma_wait3A_1350 = arith.constant 0 : i32
    %dma_wait3A_1351 = tpu.memref_slice %arg6[%dma_wait3A_1336, %dma_wait3A_1349, %dma_wait3A_1350] : memref<8x100x64xf32, #tpu.memory_space<vmem>> -> memref<1x50x64xf32, #tpu.memory_space<vmem>>
    %dma_wait3A_1352 = tpu.memref_squeeze %dma_wait3A_1351 : memref<1x50x64xf32, #tpu.memory_space<vmem>> -> memref<50x64xf32, #tpu.memory_space<vmem>>
    tpu.wait_dma2 semaphore(%arg15 : memref<!tpu.dma_semaphore, #tpu.memory_space<semaphore_mem>>) src(%dma_wait3A_1352 : memref<50x64xf32, #tpu.memory_space<vmem>>) dst(%dma_wait3A_1348 : memref<50x64xf32, #tpu.memory_space<hbm>>)
    %dma_wait3A_1353 = arith.constant 0 : i32
    %dma_wait3A_1354 = arith.constant 50 : i32
    %dma_wait3A_1355 = arith.constant 0 : i32
    %dma_wait3A_1356 = tpu.memref_slice %arg6[%dma_wait3A_1353, %dma_wait3A_1354, %dma_wait3A_1355] : memref<8x100x64xf32, #tpu.memory_space<vmem>> -> memref<1x50x64xf32, #tpu.memory_space<vmem>>
    %dma_wait3A_1357 = tpu.memref_squeeze %dma_wait3A_1356 : memref<1x50x64xf32, #tpu.memory_space<vmem>> -> memref<50x64xf32, #tpu.memory_space<vmem>>
    %dma_wait3A_1358 = arith.constant 0 : i32
    %dma_wait3A_1359 = arith.constant 0 : i32
    %dma_wait3A_1360 = tpu.memref_slice %arg4[%mul3A_4, %dma_wait3A_1358, %dma_wait3A_1359] : memref<16384x56x128xf32, #tpu.memory_space<hbm>> -> memref<1x50x64xf32, #tpu.memory_space<hbm>>
    %dma_wait3A_1361 = tpu.memref_squeeze %dma_wait3A_1360 : memref<1x50x64xf32, #tpu.memory_space<hbm>> -> memref<50x64xf32, #tpu.memory_space<hbm>>
    %dma_wait3A_1362 = arith.constant 0 : i32
    %dma_wait3A_1363 = arith.constant 0 : i32
    %dma_wait3A_1364 = tpu.memref_slice %arg4[%mul3A_4, %dma_wait3A_1362, %dma_wait3A_1363] : memref<16384x56x128xf32, #tpu.memory_space<hbm>> -> memref<1x50x64xf32, #tpu.memory_space<hbm>>
    %dma_wait3A_1365 = tpu.memref_squeeze %dma_wait3A_1364 : memref<1x50x64xf32, #tpu.memory_space<hbm>> -> memref<50x64xf32, #tpu.memory_space<hbm>>
    %dma_wait3A_1366 = arith.constant 50 : i32
    %dma_wait3A_1367 = arith.constant 0 : i32
    %dma_wait3A_1368 = tpu.memref_slice %arg6[%dma_wait3A_1353, %dma_wait3A_1366, %dma_wait3A_1367] : memref<8x100x64xf32, #tpu.memory_space<vmem>> -> memref<1x50x64xf32, #tpu.memory_space<vmem>>
    %dma_wait3A_1369 = tpu.memref_squeeze %dma_wait3A_1368 : memref<1x50x64xf32, #tpu.memory_space<vmem>> -> memref<50x64xf32, #tpu.memory_space<vmem>>
    tpu.wait_dma2 semaphore(%arg15 : memref<!tpu.dma_semaphore, #tpu.memory_space<semaphore_mem>>) src(%dma_wait3A_1369 : memref<50x64xf32, #tpu.memory_space<vmem>>) dst(%dma_wait3A_1365 : memref<50x64xf32, #tpu.memory_space<hbm>>)
    %dma_wait3A_1370 = arith.constant 1 : i32
    %dma_wait3A_1371 = arith.constant 0 : i32
    %dma_wait3A_1372 = arith.constant 0 : i32
    %dma_wait3A_1373 = tpu.memref_slice %arg6[%dma_wait3A_1370, %dma_wait3A_1371, %dma_wait3A_1372] : memref<8x100x64xf32, #tpu.memory_space<vmem>> -> memref<1x50x64xf32, #tpu.memory_space<vmem>>
    %dma_wait3A_1374 = tpu.memref_squeeze %dma_wait3A_1373 : memref<1x50x64xf32, #tpu.memory_space<vmem>> -> memref<50x64xf32, #tpu.memory_space<vmem>>
    %dma_wait3A_1375 = arith.constant 0 : i32
    %dma_wait3A_1376 = arith.constant 0 : i32
    %dma_wait3A_1377 = tpu.memref_slice %arg4[%mul3A_4, %dma_wait3A_1375, %dma_wait3A_1376] : memref<16384x56x128xf32, #tpu.memory_space<hbm>> -> memref<1x50x64xf32, #tpu.memory_space<hbm>>
    %dma_wait3A_1378 = tpu.memref_squeeze %dma_wait3A_1377 : memref<1x50x64xf32, #tpu.memory_space<hbm>> -> memref<50x64xf32, #tpu.memory_space<hbm>>
    %dma_wait3A_1379 = arith.constant 0 : i32
    %dma_wait3A_1380 = arith.constant 0 : i32
    %dma_wait3A_1381 = tpu.memref_slice %arg4[%mul3A_4, %dma_wait3A_1379, %dma_wait3A_1380] : memref<16384x56x128xf32, #tpu.memory_space<hbm>> -> memref<1x50x64xf32, #tpu.memory_space<hbm>>
    %dma_wait3A_1382 = tpu.memref_squeeze %dma_wait3A_1381 : memref<1x50x64xf32, #tpu.memory_space<hbm>> -> memref<50x64xf32, #tpu.memory_space<hbm>>
    %dma_wait3A_1383 = arith.constant 0 : i32
    %dma_wait3A_1384 = arith.constant 0 : i32
    %dma_wait3A_1385 = tpu.memref_slice %arg6[%dma_wait3A_1370, %dma_wait3A_1383, %dma_wait3A_1384] : memref<8x100x64xf32, #tpu.memory_space<vmem>> -> memref<1x50x64xf32, #tpu.memory_space<vmem>>
    %dma_wait3A_1386 = tpu.memref_squeeze %dma_wait3A_1385 : memref<1x50x64xf32, #tpu.memory_space<vmem>> -> memref<50x64xf32, #tpu.memory_space<vmem>>
    tpu.wait_dma2 semaphore(%arg16 : memref<!tpu.dma_semaphore, #tpu.memory_space<semaphore_mem>>) src(%dma_wait3A_1386 : memref<50x64xf32, #tpu.memory_space<vmem>>) dst(%dma_wait3A_1382 : memref<50x64xf32, #tpu.memory_space<hbm>>)
    %dma_wait3A_1387 = arith.constant 1 : i32
    %dma_wait3A_1388 = arith.constant 50 : i32
    %dma_wait3A_1389 = arith.constant 0 : i32
    %dma_wait3A_1390 = tpu.memref_slice %arg6[%dma_wait3A_1387, %dma_wait3A_1388, %dma_wait3A_1389] : memref<8x100x64xf32, #tpu.memory_space<vmem>> -> memref<1x50x64xf32, #tpu.memory_space<vmem>>
    %dma_wait3A_1391 = tpu.memref_squeeze %dma_wait3A_1390 : memref<1x50x64xf32, #tpu.memory_space<vmem>> -> memref<50x64xf32, #tpu.memory_space<vmem>>
    %dma_wait3A_1392 = arith.constant 0 : i32
    %dma_wait3A_1393 = arith.constant 0 : i32
    %dma_wait3A_1394 = tpu.memref_slice %arg4[%mul3A_4, %dma_wait3A_1392, %dma_wait3A_1393] : memref<16384x56x128xf32, #tpu.memory_space<hbm>> -> memref<1x50x64xf32, #tpu.memory_space<hbm>>
    %dma_wait3A_1395 = tpu.memref_squeeze %dma_wait3A_1394 : memref<1x50x64xf32, #tpu.memory_space<hbm>> -> memref<50x64xf32, #tpu.memory_space<hbm>>
    %dma_wait3A_1396 = arith.constant 0 : i32
    %dma_wait3A_1397 = arith.constant 0 : i32
    %dma_wait3A_1398 = tpu.memref_slice %arg4[%mul3A_4, %dma_wait3A_1396, %dma_wait3A_1397] : memref<16384x56x128xf32, #tpu.memory_space<hbm>> -> memref<1x50x64xf32, #tpu.memory_space<hbm>>
    %dma_wait3A_1399 = tpu.memref_squeeze %dma_wait3A_1398 : memref<1x50x64xf32, #tpu.memory_space<hbm>> -> memref<50x64xf32, #tpu.memory_space<hbm>>
    %dma_wait3A_1400 = arith.constant 50 : i32
    %dma_wait3A_1401 = arith.constant 0 : i32
    %dma_wait3A_1402 = tpu.memref_slice %arg6[%dma_wait3A_1387, %dma_wait3A_1400, %dma_wait3A_1401] : memref<8x100x64xf32, #tpu.memory_space<vmem>> -> memref<1x50x64xf32, #tpu.memory_space<vmem>>
    %dma_wait3A_1403 = tpu.memref_squeeze %dma_wait3A_1402 : memref<1x50x64xf32, #tpu.memory_space<vmem>> -> memref<50x64xf32, #tpu.memory_space<vmem>>
    tpu.wait_dma2 semaphore(%arg16 : memref<!tpu.dma_semaphore, #tpu.memory_space<semaphore_mem>>) src(%dma_wait3A_1403 : memref<50x64xf32, #tpu.memory_space<vmem>>) dst(%dma_wait3A_1399 : memref<50x64xf32, #tpu.memory_space<hbm>>)
    %dma_wait3A_1404 = arith.constant 2 : i32
    %dma_wait3A_1405 = arith.constant 0 : i32
    %dma_wait3A_1406 = arith.constant 0 : i32
    %dma_wait3A_1407 = tpu.memref_slice %arg6[%dma_wait3A_1404, %dma_wait3A_1405, %dma_wait3A_1406] : memref<8x100x64xf32, #tpu.memory_space<vmem>> -> memref<1x50x64xf32, #tpu.memory_space<vmem>>
    %dma_wait3A_1408 = tpu.memref_squeeze %dma_wait3A_1407 : memref<1x50x64xf32, #tpu.memory_space<vmem>> -> memref<50x64xf32, #tpu.memory_space<vmem>>
    %dma_wait3A_1409 = arith.constant 0 : i32
    %dma_wait3A_1410 = arith.constant 0 : i32
    %dma_wait3A_1411 = tpu.memref_slice %arg4[%mul3A_4, %dma_wait3A_1409, %dma_wait3A_1410] : memref<16384x56x128xf32, #tpu.memory_space<hbm>> -> memref<1x50x64xf32, #tpu.memory_space<hbm>>
    %dma_wait3A_1412 = tpu.memref_squeeze %dma_wait3A_1411 : memref<1x50x64xf32, #tpu.memory_space<hbm>> -> memref<50x64xf32, #tpu.memory_space<hbm>>
    %dma_wait3A_1413 = arith.constant 0 : i32
    %dma_wait3A_1414 = arith.constant 0 : i32
    %dma_wait3A_1415 = tpu.memref_slice %arg4[%mul3A_4, %dma_wait3A_1413, %dma_wait3A_1414] : memref<16384x56x128xf32, #tpu.memory_space<hbm>> -> memref<1x50x64xf32, #tpu.memory_space<hbm>>
    %dma_wait3A_1416 = tpu.memref_squeeze %dma_wait3A_1415 : memref<1x50x64xf32, #tpu.memory_space<hbm>> -> memref<50x64xf32, #tpu.memory_space<hbm>>
    %dma_wait3A_1417 = arith.constant 0 : i32
    %dma_wait3A_1418 = arith.constant 0 : i32
    %dma_wait3A_1419 = tpu.memref_slice %arg6[%dma_wait3A_1404, %dma_wait3A_1417, %dma_wait3A_1418] : memref<8x100x64xf32, #tpu.memory_space<vmem>> -> memref<1x50x64xf32, #tpu.memory_space<vmem>>
    %dma_wait3A_1420 = tpu.memref_squeeze %dma_wait3A_1419 : memref<1x50x64xf32, #tpu.memory_space<vmem>> -> memref<50x64xf32, #tpu.memory_space<vmem>>
    tpu.wait_dma2 semaphore(%arg17 : memref<!tpu.dma_semaphore, #tpu.memory_space<semaphore_mem>>) src(%dma_wait3A_1420 : memref<50x64xf32, #tpu.memory_space<vmem>>) dst(%dma_wait3A_1416 : memref<50x64xf32, #tpu.memory_space<hbm>>)
    %dma_wait3A_1421 = arith.constant 2 : i32
    %dma_wait3A_1422 = arith.constant 50 : i32
    %dma_wait3A_1423 = arith.constant 0 : i32
    %dma_wait3A_1424 = tpu.memref_slice %arg6[%dma_wait3A_1421, %dma_wait3A_1422, %dma_wait3A_1423] : memref<8x100x64xf32, #tpu.memory_space<vmem>> -> memref<1x50x64xf32, #tpu.memory_space<vmem>>
    %dma_wait3A_1425 = tpu.memref_squeeze %dma_wait3A_1424 : memref<1x50x64xf32, #tpu.memory_space<vmem>> -> memref<50x64xf32, #tpu.memory_space<vmem>>
    %dma_wait3A_1426 = arith.constant 0 : i32
    %dma_wait3A_1427 = arith.constant 0 : i32
    %dma_wait3A_1428 = tpu.memref_slice %arg4[%mul3A_4, %dma_wait3A_1426, %dma_wait3A_1427] : memref<16384x56x128xf32, #tpu.memory_space<hbm>> -> memref<1x50x64xf32, #tpu.memory_space<hbm>>
    %dma_wait3A_1429 = tpu.memref_squeeze %dma_wait3A_1428 : memref<1x50x64xf32, #tpu.memory_space<hbm>> -> memref<50x64xf32, #tpu.memory_space<hbm>>
    %dma_wait3A_1430 = arith.constant 0 : i32
    %dma_wait3A_1431 = arith.constant 0 : i32
    %dma_wait3A_1432 = tpu.memref_slice %arg4[%mul3A_4, %dma_wait3A_1430, %dma_wait3A_1431] : memref<16384x56x128xf32, #tpu.memory_space<hbm>> -> memref<1x50x64xf32, #tpu.memory_space<hbm>>
    %dma_wait3A_1433 = tpu.memref_squeeze %dma_wait3A_1432 : memref<1x50x64xf32, #tpu.memory_space<hbm>> -> memref<50x64xf32, #tpu.memory_space<hbm>>
    %dma_wait3A_1434 = arith.constant 50 : i32
    %dma_wait3A_1435 = arith.constant 0 : i32
    %dma_wait3A_1436 = tpu.memref_slice %arg6[%dma_wait3A_1421, %dma_wait3A_1434, %dma_wait3A_1435] : memref<8x100x64xf32, #tpu.memory_space<vmem>> -> memref<1x50x64xf32, #tpu.memory_space<vmem>>
    %dma_wait3A_1437 = tpu.memref_squeeze %dma_wait3A_1436 : memref<1x50x64xf32, #tpu.memory_space<vmem>> -> memref<50x64xf32, #tpu.memory_space<vmem>>
    tpu.wait_dma2 semaphore(%arg17 : memref<!tpu.dma_semaphore, #tpu.memory_space<semaphore_mem>>) src(%dma_wait3A_1437 : memref<50x64xf32, #tpu.memory_space<vmem>>) dst(%dma_wait3A_1433 : memref<50x64xf32, #tpu.memory_space<hbm>>)
    %dma_wait3A_1438 = arith.constant 3 : i32
    %dma_wait3A_1439 = arith.constant 0 : i32
    %dma_wait3A_1440 = arith.constant 0 : i32
    %dma_wait3A_1441 = tpu.memref_slice %arg6[%dma_wait3A_1438, %dma_wait3A_1439, %dma_wait3A_1440] : memref<8x100x64xf32, #tpu.memory_space<vmem>> -> memref<1x50x64xf32, #tpu.memory_space<vmem>>
    %dma_wait3A_1442 = tpu.memref_squeeze %dma_wait3A_1441 : memref<1x50x64xf32, #tpu.memory_space<vmem>> -> memref<50x64xf32, #tpu.memory_space<vmem>>
    %dma_wait3A_1443 = arith.constant 0 : i32
    %dma_wait3A_1444 = arith.constant 0 : i32
    %dma_wait3A_1445 = tpu.memref_slice %arg4[%mul3A_4, %dma_wait3A_1443, %dma_wait3A_1444] : memref<16384x56x128xf32, #tpu.memory_space<hbm>> -> memref<1x50x64xf32, #tpu.memory_space<hbm>>
    %dma_wait3A_1446 = tpu.memref_squeeze %dma_wait3A_1445 : memref<1x50x64xf32, #tpu.memory_space<hbm>> -> memref<50x64xf32, #tpu.memory_space<hbm>>
    %dma_wait3A_1447 = arith.constant 0 : i32
    %dma_wait3A_1448 = arith.constant 0 : i32
    %dma_wait3A_1449 = tpu.memref_slice %arg4[%mul3A_4, %dma_wait3A_1447, %dma_wait3A_1448] : memref<16384x56x128xf32, #tpu.memory_space<hbm>> -> memref<1x50x64xf32, #tpu.memory_space<hbm>>
    %dma_wait3A_1450 = tpu.memref_squeeze %dma_wait3A_1449 : memref<1x50x64xf32, #tpu.memory_space<hbm>> -> memref<50x64xf32, #tpu.memory_space<hbm>>
    %dma_wait3A_1451 = arith.constant 0 : i32
    %dma_wait3A_1452 = arith.constant 0 : i32
    %dma_wait3A_1453 = tpu.memref_slice %arg6[%dma_wait3A_1438, %dma_wait3A_1451, %dma_wait3A_1452] : memref<8x100x64xf32, #tpu.memory_space<vmem>> -> memref<1x50x64xf32, #tpu.memory_space<vmem>>
    %dma_wait3A_1454 = tpu.memref_squeeze %dma_wait3A_1453 : memref<1x50x64xf32, #tpu.memory_space<vmem>> -> memref<50x64xf32, #tpu.memory_space<vmem>>
    tpu.wait_dma2 semaphore(%arg18 : memref<!tpu.dma_semaphore, #tpu.memory_space<semaphore_mem>>) src(%dma_wait3A_1454 : memref<50x64xf32, #tpu.memory_space<vmem>>) dst(%dma_wait3A_1450 : memref<50x64xf32, #tpu.memory_space<hbm>>)
    %dma_wait3A_1455 = arith.constant 3 : i32
    %dma_wait3A_1456 = arith.constant 50 : i32
    %dma_wait3A_1457 = arith.constant 0 : i32
    %dma_wait3A_1458 = tpu.memref_slice %arg6[%dma_wait3A_1455, %dma_wait3A_1456, %dma_wait3A_1457] : memref<8x100x64xf32, #tpu.memory_space<vmem>> -> memref<1x50x64xf32, #tpu.memory_space<vmem>>
    %dma_wait3A_1459 = tpu.memref_squeeze %dma_wait3A_1458 : memref<1x50x64xf32, #tpu.memory_space<vmem>> -> memref<50x64xf32, #tpu.memory_space<vmem>>
    %dma_wait3A_1460 = arith.constant 0 : i32
    %dma_wait3A_1461 = arith.constant 0 : i32
    %dma_wait3A_1462 = tpu.memref_slice %arg4[%mul3A_4, %dma_wait3A_1460, %dma_wait3A_1461] : memref<16384x56x128xf32, #tpu.memory_space<hbm>> -> memref<1x50x64xf32, #tpu.memory_space<hbm>>
    %dma_wait3A_1463 = tpu.memref_squeeze %dma_wait3A_1462 : memref<1x50x64xf32, #tpu.memory_space<hbm>> -> memref<50x64xf32, #tpu.memory_space<hbm>>
    %dma_wait3A_1464 = arith.constant 0 : i32
    %dma_wait3A_1465 = arith.constant 0 : i32
    %dma_wait3A_1466 = tpu.memref_slice %arg4[%mul3A_4, %dma_wait3A_1464, %dma_wait3A_1465] : memref<16384x56x128xf32, #tpu.memory_space<hbm>> -> memref<1x50x64xf32, #tpu.memory_space<hbm>>
    %dma_wait3A_1467 = tpu.memref_squeeze %dma_wait3A_1466 : memref<1x50x64xf32, #tpu.memory_space<hbm>> -> memref<50x64xf32, #tpu.memory_space<hbm>>
    %dma_wait3A_1468 = arith.constant 50 : i32
    %dma_wait3A_1469 = arith.constant 0 : i32
    %dma_wait3A_1470 = tpu.memref_slice %arg6[%dma_wait3A_1455, %dma_wait3A_1468, %dma_wait3A_1469] : memref<8x100x64xf32, #tpu.memory_space<vmem>> -> memref<1x50x64xf32, #tpu.memory_space<vmem>>
    %dma_wait3A_1471 = tpu.memref_squeeze %dma_wait3A_1470 : memref<1x50x64xf32, #tpu.memory_space<vmem>> -> memref<50x64xf32, #tpu.memory_space<vmem>>
    tpu.wait_dma2 semaphore(%arg18 : memref<!tpu.dma_semaphore, #tpu.memory_space<semaphore_mem>>) src(%dma_wait3A_1471 : memref<50x64xf32, #tpu.memory_space<vmem>>) dst(%dma_wait3A_1467 : memref<50x64xf32, #tpu.memory_space<hbm>>)
    %dma_wait3A_1472 = arith.constant 4 : i32
    %dma_wait3A_1473 = arith.constant 0 : i32
    %dma_wait3A_1474 = arith.constant 0 : i32
    %dma_wait3A_1475 = tpu.memref_slice %arg6[%dma_wait3A_1472, %dma_wait3A_1473, %dma_wait3A_1474] : memref<8x100x64xf32, #tpu.memory_space<vmem>> -> memref<1x50x64xf32, #tpu.memory_space<vmem>>
    %dma_wait3A_1476 = tpu.memref_squeeze %dma_wait3A_1475 : memref<1x50x64xf32, #tpu.memory_space<vmem>> -> memref<50x64xf32, #tpu.memory_space<vmem>>
    %dma_wait3A_1477 = arith.constant 0 : i32
    %dma_wait3A_1478 = arith.constant 0 : i32
    %dma_wait3A_1479 = tpu.memref_slice %arg4[%mul3A_4, %dma_wait3A_1477, %dma_wait3A_1478] : memref<16384x56x128xf32, #tpu.memory_space<hbm>> -> memref<1x50x64xf32, #tpu.memory_space<hbm>>
    %dma_wait3A_1480 = tpu.memref_squeeze %dma_wait3A_1479 : memref<1x50x64xf32, #tpu.memory_space<hbm>> -> memref<50x64xf32, #tpu.memory_space<hbm>>
    %dma_wait3A_1481 = arith.constant 0 : i32
    %dma_wait3A_1482 = arith.constant 0 : i32
    %dma_wait3A_1483 = tpu.memref_slice %arg4[%mul3A_4, %dma_wait3A_1481, %dma_wait3A_1482] : memref<16384x56x128xf32, #tpu.memory_space<hbm>> -> memref<1x50x64xf32, #tpu.memory_space<hbm>>
    %dma_wait3A_1484 = tpu.memref_squeeze %dma_wait3A_1483 : memref<1x50x64xf32, #tpu.memory_space<hbm>> -> memref<50x64xf32, #tpu.memory_space<hbm>>
    %dma_wait3A_1485 = arith.constant 0 : i32
    %dma_wait3A_1486 = arith.constant 0 : i32
    %dma_wait3A_1487 = tpu.memref_slice %arg6[%dma_wait3A_1472, %dma_wait3A_1485, %dma_wait3A_1486] : memref<8x100x64xf32, #tpu.memory_space<vmem>> -> memref<1x50x64xf32, #tpu.memory_space<vmem>>
    %dma_wait3A_1488 = tpu.memref_squeeze %dma_wait3A_1487 : memref<1x50x64xf32, #tpu.memory_space<vmem>> -> memref<50x64xf32, #tpu.memory_space<vmem>>
    tpu.wait_dma2 semaphore(%arg19 : memref<!tpu.dma_semaphore, #tpu.memory_space<semaphore_mem>>) src(%dma_wait3A_1488 : memref<50x64xf32, #tpu.memory_space<vmem>>) dst(%dma_wait3A_1484 : memref<50x64xf32, #tpu.memory_space<hbm>>)
    %dma_wait3A_1489 = arith.constant 4 : i32
    %dma_wait3A_1490 = arith.constant 50 : i32
    %dma_wait3A_1491 = arith.constant 0 : i32
    %dma_wait3A_1492 = tpu.memref_slice %arg6[%dma_wait3A_1489, %dma_wait3A_1490, %dma_wait3A_1491] : memref<8x100x64xf32, #tpu.memory_space<vmem>> -> memref<1x50x64xf32, #tpu.memory_space<vmem>>
    %dma_wait3A_1493 = tpu.memref_squeeze %dma_wait3A_1492 : memref<1x50x64xf32, #tpu.memory_space<vmem>> -> memref<50x64xf32, #tpu.memory_space<vmem>>
    %dma_wait3A_1494 = arith.constant 0 : i32
    %dma_wait3A_1495 = arith.constant 0 : i32
    %dma_wait3A_1496 = tpu.memref_slice %arg4[%mul3A_4, %dma_wait3A_1494, %dma_wait3A_1495] : memref<16384x56x128xf32, #tpu.memory_space<hbm>> -> memref<1x50x64xf32, #tpu.memory_space<hbm>>
    %dma_wait3A_1497 = tpu.memref_squeeze %dma_wait3A_1496 : memref<1x50x64xf32, #tpu.memory_space<hbm>> -> memref<50x64xf32, #tpu.memory_space<hbm>>
    %dma_wait3A_1498 = arith.constant 0 : i32
    %dma_wait3A_1499 = arith.constant 0 : i32
    %dma_wait3A_1500 = tpu.memref_slice %arg4[%mul3A_4, %dma_wait3A_1498, %dma_wait3A_1499] : memref<16384x56x128xf32, #tpu.memory_space<hbm>> -> memref<1x50x64xf32, #tpu.memory_space<hbm>>
    %dma_wait3A_1501 = tpu.memref_squeeze %dma_wait3A_1500 : memref<1x50x64xf32, #tpu.memory_space<hbm>> -> memref<50x64xf32, #tpu.memory_space<hbm>>
    %dma_wait3A_1502 = arith.constant 50 : i32
    %dma_wait3A_1503 = arith.constant 0 : i32
    %dma_wait3A_1504 = tpu.memref_slice %arg6[%dma_wait3A_1489, %dma_wait3A_1502, %dma_wait3A_1503] : memref<8x100x64xf32, #tpu.memory_space<vmem>> -> memref<1x50x64xf32, #tpu.memory_space<vmem>>
    %dma_wait3A_1505 = tpu.memref_squeeze %dma_wait3A_1504 : memref<1x50x64xf32, #tpu.memory_space<vmem>> -> memref<50x64xf32, #tpu.memory_space<vmem>>
    tpu.wait_dma2 semaphore(%arg19 : memref<!tpu.dma_semaphore, #tpu.memory_space<semaphore_mem>>) src(%dma_wait3A_1505 : memref<50x64xf32, #tpu.memory_space<vmem>>) dst(%dma_wait3A_1501 : memref<50x64xf32, #tpu.memory_space<hbm>>)
    %dma_wait3A_1506 = arith.constant 5 : i32
    %dma_wait3A_1507 = arith.constant 0 : i32
    %dma_wait3A_1508 = arith.constant 0 : i32
    %dma_wait3A_1509 = tpu.memref_slice %arg6[%dma_wait3A_1506, %dma_wait3A_1507, %dma_wait3A_1508] : memref<8x100x64xf32, #tpu.memory_space<vmem>> -> memref<1x50x64xf32, #tpu.memory_space<vmem>>
    %dma_wait3A_1510 = tpu.memref_squeeze %dma_wait3A_1509 : memref<1x50x64xf32, #tpu.memory_space<vmem>> -> memref<50x64xf32, #tpu.memory_space<vmem>>
    %dma_wait3A_1511 = arith.constant 0 : i32
    %dma_wait3A_1512 = arith.constant 0 : i32
    %dma_wait3A_1513 = tpu.memref_slice %arg4[%mul3A_4, %dma_wait3A_1511, %dma_wait3A_1512] : memref<16384x56x128xf32, #tpu.memory_space<hbm>> -> memref<1x50x64xf32, #tpu.memory_space<hbm>>
    %dma_wait3A_1514 = tpu.memref_squeeze %dma_wait3A_1513 : memref<1x50x64xf32, #tpu.memory_space<hbm>> -> memref<50x64xf32, #tpu.memory_space<hbm>>
    %dma_wait3A_1515 = arith.constant 0 : i32
    %dma_wait3A_1516 = arith.constant 0 : i32
    %dma_wait3A_1517 = tpu.memref_slice %arg4[%mul3A_4, %dma_wait3A_1515, %dma_wait3A_1516] : memref<16384x56x128xf32, #tpu.memory_space<hbm>> -> memref<1x50x64xf32, #tpu.memory_space<hbm>>
    %dma_wait3A_1518 = tpu.memref_squeeze %dma_wait3A_1517 : memref<1x50x64xf32, #tpu.memory_space<hbm>> -> memref<50x64xf32, #tpu.memory_space<hbm>>
    %dma_wait3A_1519 = arith.constant 0 : i32
    %dma_wait3A_1520 = arith.constant 0 : i32
    %dma_wait3A_1521 = tpu.memref_slice %arg6[%dma_wait3A_1506, %dma_wait3A_1519, %dma_wait3A_1520] : memref<8x100x64xf32, #tpu.memory_space<vmem>> -> memref<1x50x64xf32, #tpu.memory_space<vmem>>
    %dma_wait3A_1522 = tpu.memref_squeeze %dma_wait3A_1521 : memref<1x50x64xf32, #tpu.memory_space<vmem>> -> memref<50x64xf32, #tpu.memory_space<vmem>>
    tpu.wait_dma2 semaphore(%arg20 : memref<!tpu.dma_semaphore, #tpu.memory_space<semaphore_mem>>) src(%dma_wait3A_1522 : memref<50x64xf32, #tpu.memory_space<vmem>>) dst(%dma_wait3A_1518 : memref<50x64xf32, #tpu.memory_space<hbm>>)
    %dma_wait3A_1523 = arith.constant 5 : i32
    %dma_wait3A_1524 = arith.constant 50 : i32
    %dma_wait3A_1525 = arith.constant 0 : i32
    %dma_wait3A_1526 = tpu.memref_slice %arg6[%dma_wait3A_1523, %dma_wait3A_1524, %dma_wait3A_1525] : memref<8x100x64xf32, #tpu.memory_space<vmem>> -> memref<1x50x64xf32, #tpu.memory_space<vmem>>
    %dma_wait3A_1527 = tpu.memref_squeeze %dma_wait3A_1526 : memref<1x50x64xf32, #tpu.memory_space<vmem>> -> memref<50x64xf32, #tpu.memory_space<vmem>>
    %dma_wait3A_1528 = arith.constant 0 : i32
    %dma_wait3A_1529 = arith.constant 0 : i32
    %dma_wait3A_1530 = tpu.memref_slice %arg4[%mul3A_4, %dma_wait3A_1528, %dma_wait3A_1529] : memref<16384x56x128xf32, #tpu.memory_space<hbm>> -> memref<1x50x64xf32, #tpu.memory_space<hbm>>
    %dma_wait3A_1531 = tpu.memref_squeeze %dma_wait3A_1530 : memref<1x50x64xf32, #tpu.memory_space<hbm>> -> memref<50x64xf32, #tpu.memory_space<hbm>>
    %dma_wait3A_1532 = arith.constant 0 : i32
    %dma_wait3A_1533 = arith.constant 0 : i32
    %dma_wait3A_1534 = tpu.memref_slice %arg4[%mul3A_4, %dma_wait3A_1532, %dma_wait3A_1533] : memref<16384x56x128xf32, #tpu.memory_space<hbm>> -> memref<1x50x64xf32, #tpu.memory_space<hbm>>
    %dma_wait3A_1535 = tpu.memref_squeeze %dma_wait3A_1534 : memref<1x50x64xf32, #tpu.memory_space<hbm>> -> memref<50x64xf32, #tpu.memory_space<hbm>>
    %dma_wait3A_1536 = arith.constant 50 : i32
    %dma_wait3A_1537 = arith.constant 0 : i32
    %dma_wait3A_1538 = tpu.memref_slice %arg6[%dma_wait3A_1523, %dma_wait3A_1536, %dma_wait3A_1537] : memref<8x100x64xf32, #tpu.memory_space<vmem>> -> memref<1x50x64xf32, #tpu.memory_space<vmem>>
    %dma_wait3A_1539 = tpu.memref_squeeze %dma_wait3A_1538 : memref<1x50x64xf32, #tpu.memory_space<vmem>> -> memref<50x64xf32, #tpu.memory_space<vmem>>
    tpu.wait_dma2 semaphore(%arg20 : memref<!tpu.dma_semaphore, #tpu.memory_space<semaphore_mem>>) src(%dma_wait3A_1539 : memref<50x64xf32, #tpu.memory_space<vmem>>) dst(%dma_wait3A_1535 : memref<50x64xf32, #tpu.memory_space<hbm>>)
    %dma_wait3A_1540 = arith.constant 6 : i32
    %dma_wait3A_1541 = arith.constant 0 : i32
    %dma_wait3A_1542 = arith.constant 0 : i32
    %dma_wait3A_1543 = tpu.memref_slice %arg6[%dma_wait3A_1540, %dma_wait3A_1541, %dma_wait3A_1542] : memref<8x100x64xf32, #tpu.memory_space<vmem>> -> memref<1x50x64xf32, #tpu.memory_space<vmem>>
    %dma_wait3A_1544 = tpu.memref_squeeze %dma_wait3A_1543 : memref<1x50x64xf32, #tpu.memory_space<vmem>> -> memref<50x64xf32, #tpu.memory_space<vmem>>
    %dma_wait3A_1545 = arith.constant 0 : i32
    %dma_wait3A_1546 = arith.constant 0 : i32
    %dma_wait3A_1547 = tpu.memref_slice %arg4[%mul3A_4, %dma_wait3A_1545, %dma_wait3A_1546] : memref<16384x56x128xf32, #tpu.memory_space<hbm>> -> memref<1x50x64xf32, #tpu.memory_space<hbm>>
    %dma_wait3A_1548 = tpu.memref_squeeze %dma_wait3A_1547 : memref<1x50x64xf32, #tpu.memory_space<hbm>> -> memref<50x64xf32, #tpu.memory_space<hbm>>
    %dma_wait3A_1549 = arith.constant 0 : i32
    %dma_wait3A_1550 = arith.constant 0 : i32
    %dma_wait3A_1551 = tpu.memref_slice %arg4[%mul3A_4, %dma_wait3A_1549, %dma_wait3A_1550] : memref<16384x56x128xf32, #tpu.memory_space<hbm>> -> memref<1x50x64xf32, #tpu.memory_space<hbm>>
    %dma_wait3A_1552 = tpu.memref_squeeze %dma_wait3A_1551 : memref<1x50x64xf32, #tpu.memory_space<hbm>> -> memref<50x64xf32, #tpu.memory_space<hbm>>
    %dma_wait3A_1553 = arith.constant 0 : i32
    %dma_wait3A_1554 = arith.constant 0 : i32
    %dma_wait3A_1555 = tpu.memref_slice %arg6[%dma_wait3A_1540, %dma_wait3A_1553, %dma_wait3A_1554] : memref<8x100x64xf32, #tpu.memory_space<vmem>> -> memref<1x50x64xf32, #tpu.memory_space<vmem>>
    %dma_wait3A_1556 = tpu.memref_squeeze %dma_wait3A_1555 : memref<1x50x64xf32, #tpu.memory_space<vmem>> -> memref<50x64xf32, #tpu.memory_space<vmem>>
    tpu.wait_dma2 semaphore(%arg21 : memref<!tpu.dma_semaphore, #tpu.memory_space<semaphore_mem>>) src(%dma_wait3A_1556 : memref<50x64xf32, #tpu.memory_space<vmem>>) dst(%dma_wait3A_1552 : memref<50x64xf32, #tpu.memory_space<hbm>>)
    %dma_wait3A_1557 = arith.constant 6 : i32
    %dma_wait3A_1558 = arith.constant 50 : i32
    %dma_wait3A_1559 = arith.constant 0 : i32
    %dma_wait3A_1560 = tpu.memref_slice %arg6[%dma_wait3A_1557, %dma_wait3A_1558, %dma_wait3A_1559] : memref<8x100x64xf32, #tpu.memory_space<vmem>> -> memref<1x50x64xf32, #tpu.memory_space<vmem>>
    %dma_wait3A_1561 = tpu.memref_squeeze %dma_wait3A_1560 : memref<1x50x64xf32, #tpu.memory_space<vmem>> -> memref<50x64xf32, #tpu.memory_space<vmem>>
    %dma_wait3A_1562 = arith.constant 0 : i32
    %dma_wait3A_1563 = arith.constant 0 : i32
    %dma_wait3A_1564 = tpu.memref_slice %arg4[%mul3A_4, %dma_wait3A_1562, %dma_wait3A_1563] : memref<16384x56x128xf32, #tpu.memory_space<hbm>> -> memref<1x50x64xf32, #tpu.memory_space<hbm>>
    %dma_wait3A_1565 = tpu.memref_squeeze %dma_wait3A_1564 : memref<1x50x64xf32, #tpu.memory_space<hbm>> -> memref<50x64xf32, #tpu.memory_space<hbm>>
    %dma_wait3A_1566 = arith.constant 0 : i32
    %dma_wait3A_1567 = arith.constant 0 : i32
    %dma_wait3A_1568 = tpu.memref_slice %arg4[%mul3A_4, %dma_wait3A_1566, %dma_wait3A_1567] : memref<16384x56x128xf32, #tpu.memory_space<hbm>> -> memref<1x50x64xf32, #tpu.memory_space<hbm>>
    %dma_wait3A_1569 = tpu.memref_squeeze %dma_wait3A_1568 : memref<1x50x64xf32, #tpu.memory_space<hbm>> -> memref<50x64xf32, #tpu.memory_space<hbm>>
    %dma_wait3A_1570 = arith.constant 50 : i32
    %dma_wait3A_1571 = arith.constant 0 : i32
    %dma_wait3A_1572 = tpu.memref_slice %arg6[%dma_wait3A_1557, %dma_wait3A_1570, %dma_wait3A_1571] : memref<8x100x64xf32, #tpu.memory_space<vmem>> -> memref<1x50x64xf32, #tpu.memory_space<vmem>>
    %dma_wait3A_1573 = tpu.memref_squeeze %dma_wait3A_1572 : memref<1x50x64xf32, #tpu.memory_space<vmem>> -> memref<50x64xf32, #tpu.memory_space<vmem>>
    tpu.wait_dma2 semaphore(%arg21 : memref<!tpu.dma_semaphore, #tpu.memory_space<semaphore_mem>>) src(%dma_wait3A_1573 : memref<50x64xf32, #tpu.memory_space<vmem>>) dst(%dma_wait3A_1569 : memref<50x64xf32, #tpu.memory_space<hbm>>)
    %dma_wait3A_1574 = arith.constant 7 : i32
    %dma_wait3A_1575 = arith.constant 0 : i32
    %dma_wait3A_1576 = arith.constant 0 : i32
    %dma_wait3A_1577 = tpu.memref_slice %arg6[%dma_wait3A_1574, %dma_wait3A_1575, %dma_wait3A_1576] : memref<8x100x64xf32, #tpu.memory_space<vmem>> -> memref<1x50x64xf32, #tpu.memory_space<vmem>>
    %dma_wait3A_1578 = tpu.memref_squeeze %dma_wait3A_1577 : memref<1x50x64xf32, #tpu.memory_space<vmem>> -> memref<50x64xf32, #tpu.memory_space<vmem>>
    %dma_wait3A_1579 = arith.constant 0 : i32
    %dma_wait3A_1580 = arith.constant 0 : i32
    %dma_wait3A_1581 = tpu.memref_slice %arg4[%mul3A_4, %dma_wait3A_1579, %dma_wait3A_1580] : memref<16384x56x128xf32, #tpu.memory_space<hbm>> -> memref<1x50x64xf32, #tpu.memory_space<hbm>>
    %dma_wait3A_1582 = tpu.memref_squeeze %dma_wait3A_1581 : memref<1x50x64xf32, #tpu.memory_space<hbm>> -> memref<50x64xf32, #tpu.memory_space<hbm>>
    %dma_wait3A_1583 = arith.constant 0 : i32
    %dma_wait3A_1584 = arith.constant 0 : i32
    %dma_wait3A_1585 = tpu.memref_slice %arg4[%mul3A_4, %dma_wait3A_1583, %dma_wait3A_1584] : memref<16384x56x128xf32, #tpu.memory_space<hbm>> -> memref<1x50x64xf32, #tpu.memory_space<hbm>>
    %dma_wait3A_1586 = tpu.memref_squeeze %dma_wait3A_1585 : memref<1x50x64xf32, #tpu.memory_space<hbm>> -> memref<50x64xf32, #tpu.memory_space<hbm>>
    %dma_wait3A_1587 = arith.constant 0 : i32
    %dma_wait3A_1588 = arith.constant 0 : i32
    %dma_wait3A_1589 = tpu.memref_slice %arg6[%dma_wait3A_1574, %dma_wait3A_1587, %dma_wait3A_1588] : memref<8x100x64xf32, #tpu.memory_space<vmem>> -> memref<1x50x64xf32, #tpu.memory_space<vmem>>
    %dma_wait3A_1590 = tpu.memref_squeeze %dma_wait3A_1589 : memref<1x50x64xf32, #tpu.memory_space<vmem>> -> memref<50x64xf32, #tpu.memory_space<vmem>>
    tpu.wait_dma2 semaphore(%arg22 : memref<!tpu.dma_semaphore, #tpu.memory_space<semaphore_mem>>) src(%dma_wait3A_1590 : memref<50x64xf32, #tpu.memory_space<vmem>>) dst(%dma_wait3A_1586 : memref<50x64xf32, #tpu.memory_space<hbm>>)
    %dma_wait3A_1591 = arith.constant 7 : i32
    %dma_wait3A_1592 = arith.constant 50 : i32
    %dma_wait3A_1593 = arith.constant 0 : i32
    %dma_wait3A_1594 = tpu.memref_slice %arg6[%dma_wait3A_1591, %dma_wait3A_1592, %dma_wait3A_1593] : memref<8x100x64xf32, #tpu.memory_space<vmem>> -> memref<1x50x64xf32, #tpu.memory_space<vmem>>
    %dma_wait3A_1595 = tpu.memref_squeeze %dma_wait3A_1594 : memref<1x50x64xf32, #tpu.memory_space<vmem>> -> memref<50x64xf32, #tpu.memory_space<vmem>>
    %dma_wait3A_1596 = arith.constant 0 : i32
    %dma_wait3A_1597 = arith.constant 0 : i32
    %dma_wait3A_1598 = tpu.memref_slice %arg4[%mul3A_4, %dma_wait3A_1596, %dma_wait3A_1597] : memref<16384x56x128xf32, #tpu.memory_space<hbm>> -> memref<1x50x64xf32, #tpu.memory_space<hbm>>
    %dma_wait3A_1599 = tpu.memref_squeeze %dma_wait3A_1598 : memref<1x50x64xf32, #tpu.memory_space<hbm>> -> memref<50x64xf32, #tpu.memory_space<hbm>>
    %dma_wait3A_1600 = arith.constant 0 : i32
    %dma_wait3A_1601 = arith.constant 0 : i32
    %dma_wait3A_1602 = tpu.memref_slice %arg4[%mul3A_4, %dma_wait3A_1600, %dma_wait3A_1601] : memref<16384x56x128xf32, #tpu.memory_space<hbm>> -> memref<1x50x64xf32, #tpu.memory_space<hbm>>
    %dma_wait3A_1603 = tpu.memref_squeeze %dma_wait3A_1602 : memref<1x50x64xf32, #tpu.memory_space<hbm>> -> memref<50x64xf32, #tpu.memory_space<hbm>>
    %dma_wait3A_1604 = arith.constant 50 : i32
    %dma_wait3A_1605 = arith.constant 0 : i32
    %dma_wait3A_1606 = tpu.memref_slice %arg6[%dma_wait3A_1591, %dma_wait3A_1604, %dma_wait3A_1605] : memref<8x100x64xf32, #tpu.memory_space<vmem>> -> memref<1x50x64xf32, #tpu.memory_space<vmem>>
    %dma_wait3A_1607 = tpu.memref_squeeze %dma_wait3A_1606 : memref<1x50x64xf32, #tpu.memory_space<vmem>> -> memref<50x64xf32, #tpu.memory_space<vmem>>
    tpu.wait_dma2 semaphore(%arg22 : memref<!tpu.dma_semaphore, #tpu.memory_space<semaphore_mem>>) src(%dma_wait3A_1607 : memref<50x64xf32, #tpu.memory_space<vmem>>) dst(%dma_wait3A_1603 : memref<50x64xf32, #tpu.memory_space<hbm>>)
    return
  }
}

</mosaic_0001>

<sc_bundles>
// kernel: kernel.3.cloned.1.call-start
scs
__scs_entry_jumppad:
0x0: {  	(pc) =	sbr.rel $0x88, $3  }
0x1: {  	(tag) =	ssettag $0x0;
	lr =	simm.s32 $0x1  }
0x2: {  	[smem:$0x3F9F] =	sst lr;
	_ =	strace $0xD0000000  }
0x3: {  	_ = 	snop  }
0x4: {  	_ = 	snop  }
0x5: {  	_ = 	snop  }
0x6: {  	_ = 	snop  }
0x7: {  	_ = 	snop  }
__scs_overlays_trampoline_lowered:
0x8: {  	[smem:$0x3FAE] =	sst s0  }
0x9: {  	[smem:$0x3FAF] =	sst s1  }
0xa: {  	[smem:$0x3FB0] =	sst s2  }
0xb: {  	[smem:$0x3FB1] =	sst s3  }
0xc: {  	[smem:$0x3FB2] =	sst s4  }
0xd: {  	[smem:$0x3FB3] =	sst s5  }
0xe: {  	[smem:$0x3FB4] =	sst s6  }
0xf: {  	[smem:$0x3FB5] =	sst s7  }
0x10: {  	[smem:$0x3FB6] =	sst s8  }
0x11: {  	[smem:$0x3FB7] =	sst s9;
	s0 =	simm.s32 @!p0 $0x0  }
0x12: {  	s1 =	sld [smem:$0x3F9D];
	s0 =	simm.s32 @p0 $0x1  }
0x13: {  	[smem:$0x3FB8] =	sst s0;
	s0 =	simm.s32 @!p1 $0x0  }
0x14: {  	s2 =	sld [smem:$0x3F9C];
	s0 =	simm.s32 @p1 $0x1  }
0x15: {  	[smem:$0x3FB9] =	sst s0;
	s0 =	simm.s32 @!p2 $0x0  }
0x16: {  	s3 =	sld [smem:$0x3FDB];
	s0 =	simm.s32 @p2 $0x1  }
0x17: {  	s4 =	simm.s32 $0x1BF5;
	[smem:$0x3FBB] =	sst s0  }
0x18: {  	s0 =	sld [smem:$0x3F9E];
	_ =	swait.ge [sflag:s4], $0x0  }
0x19: {  	s7 =	sld [smem:$0x3F9F]  }
0x1a: {  	s8 =	sadd.s32 $0xFFFFE003, lr  }
0x1b: {  	s9 =	sadd.s32 $0xFFFFFEF7, lr;
	s5 =	simm.s32 $0xFFFFFFFF;
	p2 =	slt.u32 s8, $0xFFFFF086  }
0x1c: {  	p1 =	slt.u32 s9, $0xF7A;
	s5 =	simm.s32 @!p2 $0x0  }
0x1d: {  	s5 =	simm.s32 @p1 $0x1;
	p0 =	seq.s32 s7, s2  }
0x1e: {  	s7 =	smul.u32 @!p0 $0xF7A, s2;
	p2 =	seq.s32 @!p0 s5, $0x0  }
0x1f: {  	s9 =	smul.u32 $0xF7A, s1;
	s8 =	simm.s32 @!p0 $0x1BF5;
	p2 =	por !p2, p0  }
0x20: {  	[sflag:s8] =	ssyncset.s32 @!p0 $0xFFFFF086;
	s6 =	sadd.s32 @!p0 s3, s7;
	s7 =	simm.s32 @!p0 $0x108  }
0x21: {  	s3 =	sadd.s32 s3, s9;
	s6 =	sadd.s32 @!p0 $0x88, s6;
	s7 =	simm.s32 @p2 $0x1082  }
0x22: {  	[simem:s7], [sflag:s8] =	dma.local @!p0 [hbm:s6], $0xF7A  }
0x23: {  	s9 =	sor.u32 $0xD0000000, s2;
	s6 =	simm.s32 $0x108;
	_ =	swait.ge @!p0 [sflag:s8], $0x0  }
0x24: {  	s3 =	sadd.s32 $0x88, s3;
	s6 =	simm.s32 @!p1 $0x1082;
	[sflag:s4] =	ssyncset.s32 $0xFFFFF086  }
0x25: {  	[simem:s6], [sflag:s4] =	dma.local [hbm:s3], $0xF7A  }
0x26: {  	[smem:$0x3F9F] =	sst s1;
	(tag) =	ssettag s2;
	_ =	strace s9  }
0x27: {  	s1 =	sld [smem:$0x3FAF]  }
0x28: {  	s2 =	sld [smem:$0x3FB0]  }
0x29: {  	s4 =	sld [smem:$0x3FB2]  }
0x2a: {  	p0 =	seq.s32 s5, $0x0;
	s5 =	sld [smem:$0x3FB3]  }
0x2b: {  	s6 =	sld [smem:$0x3FB4]  }
0x2c: {  	s7 =	sld [smem:$0x3FB5]  }
0x2d: {  	s3 =	simm.s32 $0x108;
	s8 =	sld [smem:$0x3FB6]  }
0x2e: {  	s3 =	simm.s32 @!p0 $0x1082;
	s9 =	sld [smem:$0x3FB7]  }
0x2f: {  	lr =	sadd.s32 s0, s3;
	s0 =	sld [smem:$0x3FAE]  }
0x30: {  	s3 =	sld [smem:$0x3FB1]  }
0x31: {  	[smem:$0x3FBA] =	sst s10  }
0x32: {  	s10 =	sld [smem:$0x3FB8];
	_ =	sdelay $0x3  }
0x33: {  	p0 =	seq.s32 s10, $0x1;
	s10 =	sld [smem:$0x3FBA];
	_ =	sdelay $0x3  }
0x34: {  	[smem:$0x3FBA] =	sst s10  }
0x35: {  	s10 =	sld [smem:$0x3FB9];
	_ =	sdelay $0x3  }
0x36: {  	p1 =	seq.s32 s10, $0x1;
	s10 =	sld [smem:$0x3FBA];
	_ =	sdelay $0x3  }
0x37: {  	[smem:$0x3FBA] =	sst s10  }
0x38: {  	s10 =	sld [smem:$0x3FBB]  }
0x39: {  	_ = 	snop;
	(pc) =	sbr.ind lr, $3  }
0x3a: {  	_ = 	snop  }
0x3b: {  	_ = 	snop  }
0x3c: {  	p2 =	seq.s32 s10, $0x1;
	s10 =	sld [smem:$0x3FBA]  }
0x3d: {  	_ =	shalt  }
0x3e: {  	_ =	shalt  }
0x3f: {  	_ =	shalt  }
0x40: {  	_ =	shalt  }
0x41: {  	_ =	shalt  }
0x42: {  	_ =	shalt  }
0x43: {  	_ =	shalt  }
0x44: {  	_ =	shalt  }
0x45: {  	_ =	shalt  }
0x46: {  	_ =	shalt  }
0x47: {  	_ =	shalt  }
0x48: {  	_ =	shalt  }
0x49: {  	_ =	shalt  }
0x4a: {  	_ =	shalt  }
0x4b: {  	_ =	shalt  }
0x4c: {  	_ =	shalt  }
0x4d: {  	_ =	shalt  }
0x4e: {  	_ =	shalt  }
0x4f: {  	_ =	shalt  }
0x50: {  	_ =	shalt  }
0x51: {  	_ =	shalt  }
0x52: {  	_ =	shalt  }
0x53: {  	_ =	shalt  }
0x54: {  	_ =	shalt  }
0x55: {  	_ =	shalt  }
0x56: {  	_ =	shalt  }
0x57: {  	_ =	shalt  }
0x58: {  	_ =	shalt  }
0x59: {  	_ =	shalt  }
0x5a: {  	_ =	shalt  }
0x5b: {  	_ =	shalt  }
0x5c: {  	_ =	shalt  }
0x5d: {  	_ =	shalt  }
0x5e: {  	_ =	shalt  }
0x5f: {  	_ =	shalt  }
0x60: {  	_ =	shalt  }
0x61: {  	_ =	shalt  }
0x62: {  	_ =	shalt  }
0x63: {  	_ =	shalt  }
0x64: {  	_ =	shalt  }
0x65: {  	_ =	shalt  }
0x66: {  	_ =	shalt  }
0x67: {  	_ =	shalt  }
0x68: {  	_ =	shalt  }
0x69: {  	_ =	shalt  }
0x6a: {  	_ =	shalt  }
0x6b: {  	_ =	shalt  }
0x6c: {  	_ =	shalt  }
0x6d: {  	_ =	shalt  }
0x6e: {  	_ =	shalt  }
0x6f: {  	_ =	shalt  }
0x70: {  	_ =	shalt  }
0x71: {  	_ =	shalt  }
0x72: {  	_ =	shalt  }
0x73: {  	_ =	shalt  }
0x74: {  	_ =	shalt  }
0x75: {  	_ =	shalt  }
0x76: {  	_ =	shalt  }
0x77: {  	_ =	shalt  }
0x78: {  	_ =	shalt  }
0x79: {  	_ =	shalt  }
0x7a: {  	_ =	shalt  }
0x7b: {  	_ =	shalt  }
0x7c: {  	_ =	shalt  }
0x7d: {  	_ =	shalt  }
0x7e: {  	_ =	shalt  }
0x7f: {  	_ =	shalt  }
0x80: {  	_ =	shalt  }
0x81: {  	_ =	shalt  }
0x82: {  	_ =	shalt  }
0x83: {  	_ =	shalt  }
0x84: {  	_ =	shalt  }
0x85: {  	_ =	shalt  }
0x86: {  	_ =	shalt  }
0x87: {  	_ =	shalt  }
.Lfunc_end0:
.L_simem_size_0:
called_computation.1_lowered:
.L_overlay_start_0:
0x88: {  	s2 =	sld [smem:$0x3FD9]  }
0x89: {  	s3 =	sld [smem:$0x3FFE];
	_ =	sdelay $0x1  }
0x8a: {  	s1 =	srdreg.scid  }
0x8b: {  	s0 =	sand.u32 $0x1, s1  }
0x8c: {  	s16 =	sshll.u32 s0, $0xA;
	s2 =	sadd.s32 s3, s2  }
0x8d: {  	s2 =	sadd.s32 s2, s16  }
0x8e: {  	[smem:$0x3FC6] =	sst s2  }
0x8f: {  	_ = 	snop  }
0x90: {  	(tm) =	ssettm $0x1  }
0x91: {  	s17 =	sld [smem:$0x3FFB];
	_ =	sdelay $0x3  }
0x92: {  	_ =	strace s17  }
0x93: {  	s2 =	sld [smem:$0x3FFC];
	_ =	sdelay $0x3  }
0x94: {  	_ =	strace s2  }
0x95: {  	s2 =	sld [smem:$0x3FFD];
	_ =	sdelay $0x3  }
0x96: {  	_ =	strace s2  }
0x97: {  	_ =	strace $0x8FFFFFFF  }
0x98: {  	s18 =	sld [smem:$0x3FDB];
	_ =	sdelay $0x1  }
0x99: {  	s19 =	simm.s32 $_scs_section_size  }
0x9a: {  	s4 =	simm.s32 $_size__tile_overlayer_lowered;
	s5 =	simm.s32 $_tile_overlayer_lowered  }
0x9b: {  	s22 =	simm.s32 $0x1BFF;
	s21 =	sshll.u32 s5, $0x1;
	s2 =	sadd.s32 s19, s18  }
0x9c: {  	s6 =	simm.s32 $0x0;
	s20 =	sshll.u32 s4, $0x1;
	s4 =	sadd.s32 s21, s2  }
0x9d: {  	[timem:s6], [sflag:s22] =	dma.local [hbm:s4], s20  }
0x9e: {  	_ =	swait.ge [sflag:s22], s20  }
0x9f: {  	s3 =	ssub.s32 $0x0, s20;
	[sflag:s22] =	ssyncset.done $0x0  }
0xa0: {  	[sflag:s22] =	ssyncadd.s32 s3;
	_ =	sdelay $0x1  }
0xa1: {  	s23 =	simm.s32 $0x1B8B  }
0xa2: {  	_ =	swait.ge [sflag:s23], $0x1  }
0xa3: {  	[sflag:s23] =	ssyncset.done $0x0  }
0xa4: {  	s25 =	simm.s32 $0x1B8E;
	s24 =	sld [smem:$0x3FFE];
	[sflag:s23] =	ssyncadd.s32 $0xFFFFFFFF  }
0xa5: {  	s26 =	simm.s32 $execute0_lowered;
	[smem:$0x3FD2] =	sst s25  }
0xa6: {  	s4 =	sshll.u32 s26, $0x1;
	_ =	strace $0x80000046;
	[dreg:$0x1] =	wrdreg $0xFFFFFFFF  }
0xa7: {  	s28 =	simm.s32 $_size_execute0_lowered;
	s2 =	sadd.s32 s2, s4;
	[dreg:$0x0] =	wrdreg $0x0  }
0xa8: {  	s4 =	sshll.u32 s28, $0x1;
	[dreg:$0x2] =	wrdreg s2  }
0xa9: {  	[dreg:$0x3] =	wrdreg s4  }
0xaa: {  	[dreg:$0x4] =	wrdreg $0xC0  }
0xab: {  	_ =	task [dreg:s6], $0x5FFFF  }
0xac: {  	[dreg:$0x1] =	wrdreg $0xFFFFFFFF  }
0xad: {  	[dreg:$0x0] =	wrdreg $0x60  }
0xae: {  	[dreg:$0x2] =	wrdreg s24  }
0xaf: {  	[dreg:$0x3] =	wrdreg $0x9  }
0xb0: {  	_ =	task.clear_ibuf [dreg:s6], $0x4FFFF;
	_ =	strace $0x90000046  }
0xb1: {  	s29 =	simm.s32 $0x9;
	_ =	strace $0x80000048  }
0xb2: {  	_ =	swait.ge [sflag:s29], $0x1  }
0xb3: {  	[sflag:s29] =	ssyncadd.s32 $0xFFFFFFFF  }
0xb4: {  	_ =	strace $0x90000048  }
0xb5: {  	_ =	sfence  }
0xb6: {  	s30 =	sld [smem:$0x0];
	_ =	sdelay $0x2  }
0xb7: {  	s31 =	sshll.u32 s1, $0xD;
	s1 =	sshrl.u32 s1, $0x2  }
0xb8: {  	s3 =	sand.u32 $0x4000, s31;
	s1 =	sadd.s32 s1, s30  }
0xb9: {  	s0 =	sor.u32 s3, s0;
	s1 =	sshll.u32 s1, $0x11  }
0xba: {  	s0 =	sor.u32 s1, s0  }
0xbb: {  	s0 =	sadd.s32 $0x8F2B, s0  }
0xbc: {  	[sflag:s0] =	ssyncadd.remote.s32 $0x1  }
0xbd: {  	_ =	sfence.sel $0xFFFF  }
0xbe: {  	[dreg:$0x0] =	wrdreg $0xFFFFFFFF;
	(pc) =	sbr.abs _section_cstart, $3  }
0xbf: {  	[dreg:$0x1] =	wrdreg $0xFFFFFFFF  }
0xc0: {  	_ =	task.clear_ibuf [dreg:s6], $0x2FFFF;
	_ =	strace $0x9FFFFFFF  }
0xc1: {  	(tm) =	ssettm $0x7FFFFFFF  }
tec
execute0_lowered:
.L_overlay_start_1:
0x0: {  	(tag) =	ssettag $0x1  }
0x1: {  	s0 =	srdreg.scid;
	s8 =	stileid.u32  }
0x2: {  	s0 =	sand.u32 $0x1, s0;
	s1 =	sshll.u32 s8, $0x1  }
0x3: {  	s1 =	sor.u32 s0, s1  }
0x4: {  	s2 =	rddreg [dreg:$0x0];
	s4 =	simm.s32 $0x0;
	s3 =	smul.u32 $0xD00, s1  }
0x5: {  	[smem:$0x7FF] =	sst s4  }
0x6: {  	_ =	strace $0x80000047;
	s5 =	smul.u32 $0x70000, s1;
	s18 =	sadd.s32 s3, s2  }
0x7: {  	s3 =	sadd.s32 $0x1A800, s2;
	s2 =	sadd.s32 $0xDDE00, s2;
	s4 =	sadd.s32 $0x800, s18  }
0x8: {  	s1 =	smul.u32 $0x380000, s1;
	s9 =	sadd.s32 s2, s5;
	[dreg:$0xa] =	wrdreg s4  }
0x9: {  	s19 =	sadd.s32 $0x380, s9;
	[dreg:$0x9] =	wrdreg s9  }
0xa: {  	s1 =	sshrl.u32 s1, $0x3;
	s20 =	sadd.s32 $0x700, s9;
	[dreg:$0xb] =	wrdreg s19  }
0xb: {  	s1 =	sadd.s32 s2, s1;
	s22 =	sadd.s32 $0xA80, s9;
	[dreg:$0xc] =	wrdreg s20  }
0xc: {  	s24 =	sadd.s32 $0x6C800, s1;
	[dreg:$0xd] =	wrdreg s22  }
0xd: {  	s25 =	sadd.s32 $0x6CB80, s1;
	[dreg:$0xe] =	wrdreg s24  }
0xe: {  	s26 =	sadd.s32 $0x6CF00, s1;
	[dreg:$0xf] =	wrdreg s25  }
0xf: {  	s21 =	smul.u32 $0x700000, s8;
	s28 =	sadd.s32 $0x6D280, s1;
	[dreg:$0x10] =	wrdreg s26  }
0x10: {  	s15 =	smul.u32 $0xE0000, s8;
	s10 =	sadd.s32 $0x6D600, s1;
	[dreg:$0x11] =	wrdreg s28  }
0x11: {  	s6 =	ssub.s32 $0x2, s0;
	s11 =	sadd.s32 $0x6D980, s1;
	[dreg:$0x12] =	wrdreg s10  }
0x12: {  	s23 =	smul.u32 $0x380000, s0;
	s12 =	sadd.s32 $0x6DD00, s1;
	[dreg:$0x13] =	wrdreg s11  }
0x13: {  	s0 =	smul.u32 $0x70000, s0;
	s14 =	sadd.s32 $0x6E080, s1;
	[dreg:$0x14] =	wrdreg s12  }
0x14: {  	s17 =	sadd.s32 s15, s2;
	s16 =	sadd.s32 $0x6E400, s1;
	[dreg:$0x15] =	wrdreg s14  }
0x15: {  	s7 =	sshrl.u32 s6, $0x1;
	s0 =	sadd.s32 s0, s17;
	[dreg:$0x16] =	wrdreg s16  }
0x16: {  	s5 =	ssub.s32 s6, s7;
	s8 =	sadd.s32 $0x6EE80, s1;
	[dreg:$0x3] =	wrdreg s0  }
0x17: {  	s30 =	simm.s32 $0xB;
	s15 =	smax.u32 s5, $0x1;
	[dreg:$0x19] =	wrdreg s8  }
0x18: {  	s31 =	simm.s32 $0x4;
	s17 =	sadd.s32 $0x1180, s9;
	[dreg:$0x1e] =	wrdreg s15  }
0x19: {  	s29 =	simm.s32 $0x8;
	s19 =	sadd.s32 $0x6E780, s1;
	[smem:$0x7F3] =	sst s17  }
0x1a: {  	s4 =	sadd.s32 s23, s21;
	s25 =	sadd.s32 $0x6EB00, s1;
	[dreg:$0x17] =	wrdreg s19  }
0x1b: {  	s5 =	simm.s32 $0x10;
	s10 =	sadd.s32 $0x6F200, s1;
	[dreg:$0x18] =	wrdreg s25  }
0x1c: {  	s13 =	sor.u32 $0x32C00, s4;
	s12 =	sadd.s32 $0x6F580, s1;
	[dreg:$0x1a] =	wrdreg s10  }
0x1d: {  	s18 =	sor.u32 $0x2F400, s4;
	s14 =	sadd.s32 $0x6FC80, s1;
	[dreg:$0x1b] =	wrdreg s12  }
0x1e: {  	s22 =	sor.u32 $0x28400, s4;
	s16 =	sadd.s32 $0xE00, s9;
	[dreg:$0x1d] =	wrdreg s14  }
0x1f: {  	s6 =	sshrl.u32 s13, $0x3;
	s13 =	sadd.s32 $0x6F900, s1;
	[dreg:$0x1f] =	wrdreg s16  }
0x20: {  	s20 =	sshrl.u32 s18, $0x3;
	s18 =	sadd.s32 $0x1500, s9;
	[dreg:$0x1c] =	wrdreg s13  }
0x21: {  	s24 =	sor.u32 $0x24C00, s4;
	s19 =	sadd.s32 $0x1880, s9;
	[smem:$0x7F4] =	sst s18  }
0x22: {  	s23 =	sshrl.u32 s22, $0x3;
	s22 =	sadd.s32 $0x2300, s9;
	[smem:$0x7F5] =	sst s19  }
0x23: {  	s28 =	sor.u32 $0x21400, s4;
	s25 =	sadd.s32 $0x2D80, s9;
	[smem:$0x7F8] =	sst s22  }
0x24: {  	s7 =	sshrl.u32 s28, $0x3;
	s28 =	sadd.s32 $0x3480, s9;
	[smem:$0x7FB] =	sst s25  }
0x25: {  	s4 =	sor.u32 $0x36400, s4;
	s6 =	sadd.s32 s6, s2;
	[smem:$0x7FD] =	sst s28  }
0x26: {  	s8 =	simm.s32 $0x0;
	s21 =	sadd.s32 s20, s2;
	[dreg:$0x2] =	wrdreg s6  }
0x27: {  	s4 =	sshrl.u32 s4, $0x3;
	s0 =	sadd.s32 s23, s2;
	[dreg:$0x4] =	wrdreg s21  }
0x28: {  	s10 =	simm.s32 $0x64;
	s11 =	sadd.s32 s4, s2;
	[dreg:$0x5] =	wrdreg s0  }
0x29: {  	s20 =	sadd.s32 $0x1C00, s9;
	s23 =	sadd.s32 $0x2680, s9;
	[dreg:$0x8] =	wrdreg s11  }
0x2a: {  	s4 =	simm.s32 $0xE;
	s25 =	simm.s32 $0xF;
	[smem:$0x7F6] =	sst s20  }
0x2b: {  	s6 =	sshrl.u32 s24, $0x3;
	s0 =	sadd.s32 s7, s2;
	[smem:$0x7F9] =	sst s23  }
0x2c: {  	s21 =	sadd.s32 $0x1F80, s9;
	s24 =	sadd.s32 $0x2A00, s9;
	[dreg:$0x7] =	wrdreg s0  }
0x2d: {  	s20 =	simm.s32 $0x40;
	s23 =	simm.s32 $0x9;
	[smem:$0x7F7] =	sst s21  }
0x2e: {  	s7 =	simm.s32 $0x6;
	s26 =	sadd.s32 s6, s2;
	[smem:$0x7FA] =	sst s24  }
0x2f: {  	s21 =	simm.s32 $0x80;
	s0 =	simm.s32 $0xC;
	s2 =	simm.s32 $0x5  }
0x30: {  	s6 =	simm.s32 $0xD;
	[dreg:$0x6] =	wrdreg s26;
	s26 =	sadd.s32 $0x3100, s9  }
0x31: {  	s9 =	simm.s32 $0x7;
	[smem:$0x7FC] =	sst s26;
	s26 =	simm.s32 $0xA  }
.LBB2_1:
0x32: {  	[smem:$0x7F2] =	sst s8  }
0x33: {  	s1 =	simm.s32 $0x0;
	s15 =	rddreg [dreg:$0xa];
	s16 =	simm.s32 $0x11  }
0x34: {  	[tilespmem:s1], [sflag:$0x11] =	stream.linear.gather [hbm4b:s15+s1], $0x6800, $0x38;
	[tilespmem:$0x13000] =	vst v63  }
0x35: {  	_ =	swait.ge [sflag:s16], $0x6800  }
0x36: {  	[sflag:s16] =	ssyncset.done $0x0  }
0x37: {  	s12 =	simm.s32 $0x6800;
	[sflag:s16] =	ssyncadd.s32 $0xFFFF9800  }
0x38: {  	[tilespmem:s12], [sflag:$0x1] =	stream.indirect.gather [hbm4b:s3+s10], $0x40, s1, s10, $0xb8;
	[tilespmem:$0x13000] =	vst v63  }
0x39: {  	s17 =	simm.s32 $0x68;
	s13 =	simm.s32 $0x8100  }
0x3a: {  	[tilespmem:s13], [sflag:$0x2] =	stream.indirect.gather [hbm4b:s3+s10], $0x40, s17, s10, $0xb8;
	[tilespmem:$0x13000] =	vst v63  }
0x3b: {  	s18 =	simm.s32 $0xD0;
	s14 =	simm.s32 $0x9A00  }
0x3c: {  	[tilespmem:s14], [sflag:$0x3] =	stream.indirect.gather [hbm4b:s3+s10], $0x40, s18, s10, $0xb8;
	[tilespmem:$0x13000] =	vst v63  }
0x3d: {  	s19 =	simm.s32 $0x138;
	s15 =	simm.s32 $0xB300  }
0x3e: {  	[tilespmem:s15], [sflag:$0x4] =	stream.indirect.gather [hbm4b:s3+s10], $0x40, s19, s10, $0xb8;
	[tilespmem:$0x13000] =	vst v63  }
0x3f: {  	s22 =	simm.s32 $0x1A0;
	s16 =	simm.s32 $0xCC00  }
0x40: {  	[tilespmem:s16], [sflag:$0x5] =	stream.indirect.gather [hbm4b:s3+s10], $0x40, s22, s10, $0xb8;
	[tilespmem:$0x13000] =	vst v63  }
0x41: {  	s24 =	simm.s32 $0x208;
	s17 =	simm.s32 $0xE500  }
0x42: {  	[tilespmem:s17], [sflag:$0x6] =	stream.indirect.gather [hbm4b:s3+s10], $0x40, s24, s10, $0xb8;
	[tilespmem:$0x13000] =	vst v63  }
0x43: {  	s28 =	simm.s32 $0x270;
	s19 =	simm.s32 $0xFE00  }
0x44: {  	[tilespmem:s19], [sflag:$0x7] =	stream.indirect.gather [hbm4b:s3+s10], $0x40, s28, s10, $0xb8;
	[tilespmem:$0x13000] =	vst v63  }
0x45: {  	s8 =	simm.s32 $0x2D8;
	s11 =	simm.s32 $0x11700  }
0x46: {  	[tilespmem:s11], [sflag:$0x8] =	stream.indirect.gather [hbm4b:s3+s10], $0x40, s8, s10, $0xb8;
	[tilespmem:$0x13000] =	vst v63  }
0x47: {  	s11 =	simm.s32 $0x1  }
0x48: {  	_ =	swait.ge [sflag:s11], $0x1900  }
0x49: {  	[sflag:s11] =	ssyncset.done $0x0  }
0x4a: {  	s18 =	rddreg [dreg:$0x9];
	[sflag:s11] =	ssyncadd.s32 $0xFFFFE700  }
0x4b: {  	[hbm4b:s18+s20] =	stream.strided.scatter [tilespmem:s12], [sflag:$0x9], $0xC80, s21, s20, $0x38;
	[tilespmem:$0x13000] =	vst v63  }
0x4c: {  	s24 =	simm.s32 $0x7480;
	s22 =	rddreg [dreg:$0xb]  }
0x4d: {  	[hbm4b:s22+s20] =	stream.strided.scatter [tilespmem:s24], [sflag:$0x9], $0xC80, s21, s20, $0x38;
	[tilespmem:$0x13000] =	vst v63  }
0x4e: {  	_ =	swait.ge [sflag:s23], $0xC80  }
0x4f: {  	[sflag:s23] =	ssyncset.done $0x0  }
0x50: {  	[sflag:s23] =	ssyncadd.s32 $0xFFFFF380  }
0x51: {  	_ =	swait.ge [sflag:s23], $0xC80  }
0x52: {  	[sflag:s23] =	ssyncset.done $0x0  }
0x53: {  	s28 =	simm.s32 $0x340;
	s22 =	simm.s32 $0x2;
	[sflag:s23] =	ssyncadd.s32 $0xFFFFF380  }
0x54: {  	[tilespmem:s12], [sflag:$0x1] =	stream.indirect.gather [hbm4b:s3+s10], $0x40, s28, s10, $0xb8;
	[tilespmem:$0x13000] =	vst v63  }
0x55: {  	_ =	swait.ge [sflag:s22], $0x1900  }
0x56: {  	[sflag:s22] =	ssyncset.done $0x0  }
0x57: {  	s8 =	rddreg [dreg:$0xc];
	[sflag:s22] =	ssyncadd.s32 $0xFFFFE700  }
0x58: {  	[hbm4b:s8+s20] =	stream.strided.scatter [tilespmem:s13], [sflag:$0xA], $0xC80, s21, s20, $0x38;
	[tilespmem:$0x13000] =	vst v63  }
0x59: {  	s28 =	simm.s32 $0x8D80;
	s18 =	rddreg [dreg:$0xd]  }
0x5a: {  	[hbm4b:s18+s20] =	stream.strided.scatter [tilespmem:s28], [sflag:$0xA], $0xC80, s21, s20, $0x38;
	[tilespmem:$0x13000] =	vst v63  }
0x5b: {  	_ =	swait.ge [sflag:s26], $0xC80  }
0x5c: {  	[sflag:s26] =	ssyncset.done $0x0  }
0x5d: {  	[sflag:s26] =	ssyncadd.s32 $0xFFFFF380  }
0x5e: {  	_ =	swait.ge [sflag:s26], $0xC80  }
0x5f: {  	[sflag:s26] =	ssyncset.done $0x0  }
0x60: {  	s8 =	simm.s32 $0x3A8;
	s28 =	simm.s32 $0x3;
	[sflag:s26] =	ssyncadd.s32 $0xFFFFF380  }
0x61: {  	[tilespmem:s13], [sflag:$0x2] =	stream.indirect.gather [hbm4b:s3+s10], $0x40, s8, s10, $0xb8;
	[tilespmem:$0x13000] =	vst v63  }
0x62: {  	_ =	swait.ge [sflag:s28], $0x1900  }
0x63: {  	[sflag:s28] =	ssyncset.done $0x0;
	s18 =	rddreg [dreg:$0x1f]  }
0x64: {  	s8 =	sld [smem:$0x7F3];
	[sflag:s28] =	ssyncadd.s32 $0xFFFFE700  }
0x65: {  	[hbm4b:s18+s20] =	stream.strided.scatter [tilespmem:s14], [sflag:$0xB], $0xC80, s21, s20, $0x38;
	[tilespmem:$0x13000] =	vst v63  }
0x66: {  	s18 =	simm.s32 $0xA680  }
0x67: {  	[hbm4b:s8+s20] =	stream.strided.scatter [tilespmem:s18], [sflag:$0xB], $0xC80, s21, s20, $0x38;
	[tilespmem:$0x13000] =	vst v63  }
0x68: {  	_ =	swait.ge [sflag:s30], $0xC80  }
0x69: {  	[sflag:s30] =	ssyncset.done $0x0  }
0x6a: {  	[sflag:s30] =	ssyncadd.s32 $0xFFFFF380  }
0x6b: {  	_ =	swait.ge [sflag:s30], $0xC80  }
0x6c: {  	[sflag:s30] =	ssyncset.done $0x0  }
0x6d: {  	s8 =	simm.s32 $0x410;
	[sflag:s30] =	ssyncadd.s32 $0xFFFFF380  }
0x6e: {  	[tilespmem:s14], [sflag:$0x3] =	stream.indirect.gather [hbm4b:s3+s10], $0x40, s8, s10, $0xb8;
	[tilespmem:$0x13000] =	vst v63  }
0x6f: {  	_ =	swait.ge [sflag:s31], $0x1900  }
0x70: {  	s18 =	sld [smem:$0x7F4]  }
0x71: {  	[sflag:s31] =	ssyncset.done $0x0  }
0x72: {  	s8 =	sld [smem:$0x7F5];
	[sflag:s31] =	ssyncadd.s32 $0xFFFFE700  }
0x73: {  	[hbm4b:s18+s20] =	stream.strided.scatter [tilespmem:s15], [sflag:$0xC], $0xC80, s21, s20, $0x38;
	[tilespmem:$0x13000] =	vst v63  }
0x74: {  	s18 =	simm.s32 $0xBF80  }
0x75: {  	[hbm4b:s8+s20] =	stream.strided.scatter [tilespmem:s18], [sflag:$0xC], $0xC80, s21, s20, $0x38;
	[tilespmem:$0x13000] =	vst v63  }
0x76: {  	_ =	swait.ge [sflag:s0], $0xC80  }
0x77: {  	[sflag:s0] =	ssyncset.done $0x0  }
0x78: {  	[sflag:s0] =	ssyncadd.s32 $0xFFFFF380  }
0x79: {  	_ =	swait.ge [sflag:s0], $0xC80  }
0x7a: {  	[sflag:s0] =	ssyncset.done $0x0  }
0x7b: {  	s8 =	simm.s32 $0x478;
	[sflag:s0] =	ssyncadd.s32 $0xFFFFF380  }
0x7c: {  	[tilespmem:s15], [sflag:$0x4] =	stream.indirect.gather [hbm4b:s3+s10], $0x40, s8, s10, $0xb8;
	[tilespmem:$0x13000] =	vst v63  }
0x7d: {  	_ =	swait.ge [sflag:s2], $0x1900  }
0x7e: {  	s18 =	sld [smem:$0x7F6]  }
0x7f: {  	[sflag:s2] =	ssyncset.done $0x0  }
0x80: {  	s8 =	sld [smem:$0x7F7];
	[sflag:s2] =	ssyncadd.s32 $0xFFFFE700  }
0x81: {  	[hbm4b:s18+s20] =	stream.strided.scatter [tilespmem:s16], [sflag:$0xD], $0xC80, s21, s20, $0x38;
	[tilespmem:$0x13000] =	vst v63  }
0x82: {  	s18 =	simm.s32 $0xD880  }
0x83: {  	[hbm4b:s8+s20] =	stream.strided.scatter [tilespmem:s18], [sflag:$0xD], $0xC80, s21, s20, $0x38;
	[tilespmem:$0x13000] =	vst v63  }
0x84: {  	_ =	swait.ge [sflag:s6], $0xC80  }
0x85: {  	[sflag:s6] =	ssyncset.done $0x0  }
0x86: {  	[sflag:s6] =	ssyncadd.s32 $0xFFFFF380  }
0x87: {  	_ =	swait.ge [sflag:s6], $0xC80  }
0x88: {  	[sflag:s6] =	ssyncset.done $0x0  }
0x89: {  	s8 =	simm.s32 $0x4E0;
	[sflag:s6] =	ssyncadd.s32 $0xFFFFF380  }
0x8a: {  	[tilespmem:s16], [sflag:$0x5] =	stream.indirect.gather [hbm4b:s3+s10], $0x40, s8, s10, $0xb8;
	[tilespmem:$0x13000] =	vst v63  }
0x8b: {  	_ =	swait.ge [sflag:s7], $0x1900  }
0x8c: {  	s18 =	sld [smem:$0x7F8]  }
0x8d: {  	[sflag:s7] =	ssyncset.done $0x0  }
0x8e: {  	s8 =	sld [smem:$0x7F9];
	[sflag:s7] =	ssyncadd.s32 $0xFFFFE700  }
0x8f: {  	[hbm4b:s18+s20] =	stream.strided.scatter [tilespmem:s17], [sflag:$0xE], $0xC80, s21, s20, $0x38;
	[tilespmem:$0x13000] =	vst v63  }
0x90: {  	s18 =	simm.s32 $0xF180  }
0x91: {  	[hbm4b:s8+s20] =	stream.strided.scatter [tilespmem:s18], [sflag:$0xE], $0xC80, s21, s20, $0x38;
	[tilespmem:$0x13000] =	vst v63  }
0x92: {  	_ =	swait.ge [sflag:s4], $0xC80  }
0x93: {  	[sflag:s4] =	ssyncset.done $0x0  }
0x94: {  	[sflag:s4] =	ssyncadd.s32 $0xFFFFF380  }
0x95: {  	_ =	swait.ge [sflag:s4], $0xC80  }
0x96: {  	[sflag:s4] =	ssyncset.done $0x0  }
0x97: {  	s8 =	simm.s32 $0x548;
	[sflag:s4] =	ssyncadd.s32 $0xFFFFF380  }
0x98: {  	[tilespmem:s17], [sflag:$0x6] =	stream.indirect.gather [hbm4b:s3+s10], $0x40, s8, s10, $0xb8;
	[tilespmem:$0x13000] =	vst v63  }
0x99: {  	_ =	swait.ge [sflag:s9], $0x1900  }
0x9a: {  	s18 =	sld [smem:$0x7FA]  }
0x9b: {  	[sflag:s9] =	ssyncset.done $0x0  }
0x9c: {  	s8 =	sld [smem:$0x7FB];
	[sflag:s9] =	ssyncadd.s32 $0xFFFFE700  }
0x9d: {  	[hbm4b:s18+s20] =	stream.strided.scatter [tilespmem:s19], [sflag:$0xF], $0xC80, s21, s20, $0x38;
	[tilespmem:$0x13000] =	vst v63  }
0x9e: {  	s18 =	simm.s32 $0x10A80  }
0x9f: {  	[hbm4b:s8+s20] =	stream.strided.scatter [tilespmem:s18], [sflag:$0xF], $0xC80, s21, s20, $0x38;
	[tilespmem:$0x13000] =	vst v63  }
0xa0: {  	_ =	swait.ge [sflag:s25], $0xC80  }
0xa1: {  	[sflag:s25] =	ssyncset.done $0x0  }
0xa2: {  	[sflag:s25] =	ssyncadd.s32 $0xFFFFF380  }
0xa3: {  	_ =	swait.ge [sflag:s25], $0xC80  }
0xa4: {  	[sflag:s25] =	ssyncset.done $0x0  }
0xa5: {  	s8 =	simm.s32 $0x5B0;
	[sflag:s25] =	ssyncadd.s32 $0xFFFFF380  }
0xa6: {  	[tilespmem:s19], [sflag:$0x7] =	stream.indirect.gather [hbm4b:s3+s10], $0x40, s8, s10, $0xb8;
	[tilespmem:$0x13000] =	vst v63  }
0xa7: {  	_ =	swait.ge [sflag:s29], $0x1900  }
0xa8: {  	s18 =	sld [smem:$0x7FC]  }
0xa9: {  	[sflag:s29] =	ssyncset.done $0x0  }
0xaa: {  	s8 =	simm.s32 $0x11700;
	s1 =	sld [smem:$0x7FD];
	[sflag:s29] =	ssyncadd.s32 $0xFFFFE700  }
0xab: {  	[hbm4b:s18+s20] =	stream.strided.scatter [tilespmem:s8], [sflag:$0x10], $0xC80, s21, s20, $0x38;
	[tilespmem:$0x13000] =	vst v63  }
0xac: {  	s18 =	simm.s32 $0x12380  }
0xad: {  	[hbm4b:s1+s20] =	stream.strided.scatter [tilespmem:s18], [sflag:$0x10], $0xC80, s21, s20, $0x38;
	[tilespmem:$0x13000] =	vst v63  }
0xae: {  	_ =	swait.ge [sflag:s5], $0xC80  }
0xaf: {  	[sflag:s5] =	ssyncset.done $0x0  }
0xb0: {  	[sflag:s5] =	ssyncadd.s32 $0xFFFFF380  }
0xb1: {  	_ =	swait.ge [sflag:s5], $0xC80  }
0xb2: {  	[sflag:s5] =	ssyncset.done $0x0  }
0xb3: {  	s18 =	simm.s32 $0x618;
	[sflag:s5] =	ssyncadd.s32 $0xFFFFF380  }
0xb4: {  	[tilespmem:s8], [sflag:$0x8] =	stream.indirect.gather [hbm4b:s3+s10], $0x40, s18, s10, $0xb8;
	[tilespmem:$0x13000] =	vst v63  }
0xb5: {  	_ =	swait.ge [sflag:s11], $0x1900  }
0xb6: {  	s8 =	rddreg [dreg:$0x3]  }
0xb7: {  	[sflag:s11] =	ssyncset.done $0x0;
	s1 =	sadd.s32 $0x0, s8  }
0xb8: {  	[sflag:s11] =	ssyncadd.s32 $0xFFFFE700;
	s11 =	sadd.s32 $0x3800, s1  }
0xb9: {  	[hbm4b:s11+s20] =	stream.strided.scatter [tilespmem:s12], [sflag:$0x9], $0xC80, s21, s20, $0x38;
	[tilespmem:$0x13000] =	vst v63  }
0xba: {  	s11 =	sadd.s32 $0x3B80, s1  }
0xbb: {  	[hbm4b:s11+s20] =	stream.strided.scatter [tilespmem:s24], [sflag:$0x9], $0xC80, s21, s20, $0x38;
	[tilespmem:$0x13000] =	vst v63  }
0xbc: {  	_ =	swait.ge [sflag:s23], $0xC80  }
0xbd: {  	[sflag:s23] =	ssyncset.done $0x0  }
0xbe: {  	[sflag:s23] =	ssyncadd.s32 $0xFFFFF380  }
0xbf: {  	_ =	swait.ge [sflag:s23], $0xC80  }
0xc0: {  	[sflag:s23] =	ssyncset.done $0x0  }
0xc1: {  	s11 =	simm.s32 $0x680;
	[sflag:s23] =	ssyncadd.s32 $0xFFFFF380  }
0xc2: {  	[tilespmem:s12], [sflag:$0x1] =	stream.indirect.gather [hbm4b:s3+s10], $0x40, s11, s10, $0xb8;
	[tilespmem:$0x13000] =	vst v63  }
0xc3: {  	_ =	swait.ge [sflag:s22], $0x1900  }
0xc4: {  	[sflag:s22] =	ssyncset.done $0x0  }
0xc5: {  	s12 =	rddreg [dreg:$0x7];
	[sflag:s22] =	ssyncadd.s32 $0xFFFFE700;
	s22 =	sadd.s32 $0x3F00, s1  }
0xc6: {  	[hbm4b:s22+s20] =	stream.strided.scatter [tilespmem:s13], [sflag:$0xA], $0xC80, s21, s20, $0x38;
	[tilespmem:$0x13000] =	vst v63  }
0xc7: {  	s24 =	simm.s32 $0x8D80;
	s8 =	sadd.s32 $0x0, s12  }
0xc8: {  	[hbm4b:s8+s20] =	stream.strided.scatter [tilespmem:s24], [sflag:$0xA], $0xC80, s21, s20, $0x38;
	[tilespmem:$0x13000] =	vst v63  }
0xc9: {  	_ =	swait.ge [sflag:s26], $0xC80  }
0xca: {  	[sflag:s26] =	ssyncset.done $0x0  }
0xcb: {  	[sflag:s26] =	ssyncadd.s32 $0xFFFFF380  }
0xcc: {  	_ =	swait.ge [sflag:s26], $0xC80  }
0xcd: {  	[sflag:s26] =	ssyncset.done $0x0  }
0xce: {  	s11 =	simm.s32 $0x6E8;
	[sflag:s26] =	ssyncadd.s32 $0xFFFFF380  }
0xcf: {  	[tilespmem:s13], [sflag:$0x2] =	stream.indirect.gather [hbm4b:s3+s10], $0x40, s11, s10, $0xb8;
	[tilespmem:$0x13000] =	vst v63  }
0xd0: {  	_ =	swait.ge [sflag:s28], $0x1900  }
0xd1: {  	[sflag:s28] =	ssyncset.done $0x0  }
0xd2: {  	s13 =	sadd.s32 $0x4600, s1;
	s12 =	rddreg [dreg:$0x6];
	[sflag:s28] =	ssyncadd.s32 $0xFFFFE700  }
0xd3: {  	[hbm4b:s13+s20] =	stream.strided.scatter [tilespmem:s14], [sflag:$0xB], $0xC80, s21, s20, $0x38;
	[tilespmem:$0x13000] =	vst v63  }
0xd4: {  	s22 =	simm.s32 $0xA680;
	s8 =	sadd.s32 $0x0, s12  }
0xd5: {  	[hbm4b:s8+s20] =	stream.strided.scatter [tilespmem:s22], [sflag:$0xB], $0xC80, s21, s20, $0x38;
	[tilespmem:$0x13000] =	vst v63  }
0xd6: {  	_ =	swait.ge [sflag:s30], $0xC80  }
0xd7: {  	[sflag:s30] =	ssyncset.done $0x0  }
0xd8: {  	[sflag:s30] =	ssyncadd.s32 $0xFFFFF380  }
0xd9: {  	_ =	swait.ge [sflag:s30], $0xC80  }
0xda: {  	[sflag:s30] =	ssyncset.done $0x0  }
0xdb: {  	s24 =	simm.s32 $0x750;
	[sflag:s30] =	ssyncadd.s32 $0xFFFFF380  }
0xdc: {  	[tilespmem:s14], [sflag:$0x3] =	stream.indirect.gather [hbm4b:s3+s10], $0x40, s24, s10, $0xb8;
	[tilespmem:$0x13000] =	vst v63  }
0xdd: {  	_ =	swait.ge [sflag:s31], $0x1900  }
0xde: {  	[sflag:s31] =	ssyncset.done $0x0  }
0xdf: {  	s12 =	sadd.s32 $0x4D00, s1;
	s28 =	rddreg [dreg:$0x5];
	[sflag:s31] =	ssyncadd.s32 $0xFFFFE700  }
0xe0: {  	[hbm4b:s12+s20] =	stream.strided.scatter [tilespmem:s15], [sflag:$0xC], $0xC80, s21, s20, $0x38;
	[tilespmem:$0x13000] =	vst v63  }
0xe1: {  	s13 =	simm.s32 $0xBF80;
	s8 =	sadd.s32 $0x0, s28  }
0xe2: {  	[hbm4b:s8+s20] =	stream.strided.scatter [tilespmem:s13], [sflag:$0xC], $0xC80, s21, s20, $0x38;
	[tilespmem:$0x13000] =	vst v63  }
0xe3: {  	_ =	swait.ge [sflag:s0], $0xC80  }
0xe4: {  	[sflag:s0] =	ssyncset.done $0x0  }
0xe5: {  	[sflag:s0] =	ssyncadd.s32 $0xFFFFF380  }
0xe6: {  	_ =	swait.ge [sflag:s0], $0xC80  }
0xe7: {  	[sflag:s0] =	ssyncset.done $0x0  }
0xe8: {  	s14 =	simm.s32 $0x7B8;
	[sflag:s0] =	ssyncadd.s32 $0xFFFFF380  }
0xe9: {  	[tilespmem:s15], [sflag:$0x4] =	stream.indirect.gather [hbm4b:s3+s10], $0x40, s14, s10, $0xb8;
	[tilespmem:$0x13000] =	vst v63  }
0xea: {  	_ =	swait.ge [sflag:s2], $0x1900  }
0xeb: {  	[sflag:s2] =	ssyncset.done $0x0  }
0xec: {  	s22 =	sadd.s32 $0x5400, s1;
	[sflag:s2] =	ssyncadd.s32 $0xFFFFE700  }
0xed: {  	[hbm4b:s22+s20] =	stream.strided.scatter [tilespmem:s16], [sflag:$0xD], $0xC80, s21, s20, $0x38;
	[tilespmem:$0x13000] =	vst v63  }
0xee: {  	s24 =	sadd.s32 $0x5780, s1;
	s28 =	simm.s32 $0xD880  }
0xef: {  	[hbm4b:s24+s20] =	stream.strided.scatter [tilespmem:s28], [sflag:$0xD], $0xC80, s21, s20, $0x38;
	[tilespmem:$0x13000] =	vst v63  }
0xf0: {  	_ =	swait.ge [sflag:s6], $0xC80  }
0xf1: {  	[sflag:s6] =	ssyncset.done $0x0  }
0xf2: {  	[sflag:s6] =	ssyncadd.s32 $0xFFFFF380  }
0xf3: {  	_ =	swait.ge [sflag:s6], $0xC80  }
0xf4: {  	[sflag:s6] =	ssyncset.done $0x0  }
0xf5: {  	s11 =	simm.s32 $0x820;
	[sflag:s6] =	ssyncadd.s32 $0xFFFFF380  }
0xf6: {  	[tilespmem:s16], [sflag:$0x5] =	stream.indirect.gather [hbm4b:s3+s10], $0x40, s11, s10, $0xb8;
	[tilespmem:$0x13000] =	vst v63  }
0xf7: {  	_ =	swait.ge [sflag:s7], $0x1900  }
0xf8: {  	[sflag:s7] =	ssyncset.done $0x0  }
0xf9: {  	s13 =	sadd.s32 $0x5B00, s1;
	s12 =	rddreg [dreg:$0x4];
	[sflag:s7] =	ssyncadd.s32 $0xFFFFE700  }
0xfa: {  	[hbm4b:s13+s20] =	stream.strided.scatter [tilespmem:s17], [sflag:$0xE], $0xC80, s21, s20, $0x38;
	[tilespmem:$0x13000] =	vst v63  }
0xfb: {  	s14 =	simm.s32 $0xF180;
	s8 =	sadd.s32 $0x0, s12  }
0xfc: {  	[hbm4b:s8+s20] =	stream.strided.scatter [tilespmem:s14], [sflag:$0xE], $0xC80, s21, s20, $0x38;
	[tilespmem:$0x13000] =	vst v63  }
0xfd: {  	_ =	swait.ge [sflag:s4], $0xC80  }
0xfe: {  	[sflag:s4] =	ssyncset.done $0x0  }
0xff: {  	[sflag:s4] =	ssyncadd.s32 $0xFFFFF380  }
0x100: {  	_ =	swait.ge [sflag:s4], $0xC80  }
0x101: {  	[sflag:s4] =	ssyncset.done $0x0  }
0x102: {  	s15 =	simm.s32 $0x888;
	[sflag:s4] =	ssyncadd.s32 $0xFFFFF380  }
0x103: {  	[tilespmem:s17], [sflag:$0x6] =	stream.indirect.gather [hbm4b:s3+s10], $0x40, s15, s10, $0xb8;
	[tilespmem:$0x13000] =	vst v63  }
0x104: {  	_ =	swait.ge [sflag:s9], $0x1900  }
0x105: {  	[sflag:s9] =	ssyncset.done $0x0  }
0x106: {  	s17 =	sadd.s32 $0x6200, s1;
	s16 =	rddreg [dreg:$0x2];
	[sflag:s9] =	ssyncadd.s32 $0xFFFFE700  }
0x107: {  	[hbm4b:s17+s20] =	stream.strided.scatter [tilespmem:s19], [sflag:$0xF], $0xC80, s21, s20, $0x38;
	[tilespmem:$0x13000] =	vst v63  }
0x108: {  	s22 =	simm.s32 $0x10A80;
	s8 =	sadd.s32 $0x0, s16  }
0x109: {  	[hbm4b:s8+s20] =	stream.strided.scatter [tilespmem:s22], [sflag:$0xF], $0xC80, s21, s20, $0x38;
	[tilespmem:$0x13000] =	vst v63  }
0x10a: {  	_ =	swait.ge [sflag:s25], $0xC80  }
0x10b: {  	[sflag:s25] =	ssyncset.done $0x0  }
0x10c: {  	[sflag:s25] =	ssyncadd.s32 $0xFFFFF380  }
0x10d: {  	_ =	swait.ge [sflag:s25], $0xC80  }
0x10e: {  	[sflag:s25] =	ssyncset.done $0x0  }
0x10f: {  	s24 =	simm.s32 $0x8F0;
	[sflag:s25] =	ssyncadd.s32 $0xFFFFF380  }
0x110: {  	[tilespmem:s19], [sflag:$0x7] =	stream.indirect.gather [hbm4b:s3+s10], $0x40, s24, s10, $0xb8;
	[tilespmem:$0x13000] =	vst v63  }
0x111: {  	_ =	swait.ge [sflag:s29], $0x1900  }
0x112: {  	s18 =	simm.s32 $0x11700;
	[sflag:s29] =	ssyncset.done $0x0  }
0x113: {  	s1 =	sadd.s32 $0x6900, s1;
	s28 =	rddreg [dreg:$0x8];
	[sflag:s29] =	ssyncadd.s32 $0xFFFFE700  }
0x114: {  	[hbm4b:s1+s20] =	stream.strided.scatter [tilespmem:s18], [sflag:$0x10], $0xC80, s21, s20, $0x38;
	[tilespmem:$0x13000] =	vst v63  }
0x115: {  	s8 =	simm.s32 $0x3800;
	s22 =	simm.s32 $0xC30;
	s1 =	sadd.s32 $0x0, s28  }
.LBB2_2:
0x116: {  	s11 =	simm.s32 $0x12380  }
0x117: {  	[hbm4b:s1+s20] =	stream.strided.scatter [tilespmem:s11], [sflag:$0x10], $0xC80, s21, s20, $0x38;
	[tilespmem:$0x13000] =	vst v63  }
0x118: {  	_ =	swait.ge [sflag:s5], $0xC80  }
0x119: {  	[sflag:s5] =	ssyncset.done $0x0  }
0x11a: {  	[sflag:s5] =	ssyncadd.s32 $0xFFFFF380  }
0x11b: {  	_ =	swait.ge [sflag:s5], $0xC80  }
0x11c: {  	s13 =	sadd.s32 $0xFFFFFD28, s22;
	[sflag:s5] =	ssyncset.done $0x0  }
0x11d: {  	s28 =	simm.s32 $0x11700;
	s12 =	simm.s32 $0x1;
	[sflag:s5] =	ssyncadd.s32 $0xFFFFF380  }
0x11e: {  	[tilespmem:s28], [sflag:$0x8] =	stream.indirect.gather [hbm4b:s3+s10], $0x40, s13, s10, $0xb8;
	[tilespmem:$0x13000] =	vst v63  }
0x11f: {  	_ =	swait.ge [sflag:s12], $0x1900  }
0x120: {  	s1 =	smov.u32 s8;
	s14 =	rddreg [dreg:$0x3]  }
0x121: {  	[sflag:s12] =	ssyncset.done $0x0;
	s11 =	sadd.s32 s1, s14  }
0x122: {  	s13 =	simm.s32 $0x6800;
	[sflag:s12] =	ssyncadd.s32 $0xFFFFE700;
	s15 =	sadd.s32 $0x3800, s11  }
0x123: {  	[hbm4b:s15+s20] =	stream.strided.scatter [tilespmem:s13], [sflag:$0x9], $0xC80, s21, s20, $0x38;
	[tilespmem:$0x13000] =	vst v63  }
0x124: {  	s14 =	simm.s32 $0x7480;
	s16 =	sadd.s32 $0x3B80, s11  }
0x125: {  	[hbm4b:s16+s20] =	stream.strided.scatter [tilespmem:s14], [sflag:$0x9], $0xC80, s21, s20, $0x38;
	[tilespmem:$0x13000] =	vst v63  }
0x126: {  	_ =	swait.ge [sflag:s23], $0xC80  }
0x127: {  	[sflag:s23] =	ssyncset.done $0x0  }
0x128: {  	[sflag:s23] =	ssyncadd.s32 $0xFFFFF380  }
0x129: {  	_ =	swait.ge [sflag:s23], $0xC80  }
0x12a: {  	[sflag:s23] =	ssyncset.done $0x0  }
0x12b: {  	s17 =	sadd.s32 $0xFFFFFD90, s22;
	s18 =	simm.s32 $0x2;
	[sflag:s23] =	ssyncadd.s32 $0xFFFFF380  }
0x12c: {  	[tilespmem:s13], [sflag:$0x1] =	stream.indirect.gather [hbm4b:s3+s10], $0x40, s17, s10, $0xb8;
	[tilespmem:$0x13000] =	vst v63  }
0x12d: {  	_ =	swait.ge [sflag:s18], $0x1900  }
0x12e: {  	s24 =	sadd.s32 $0x3F00, s11;
	[sflag:s18] =	ssyncset.done $0x0  }
0x12f: {  	s16 =	simm.s32 $0x8100;
	s19 =	rddreg [dreg:$0x7];
	[sflag:s18] =	ssyncadd.s32 $0xFFFFE700  }
0x130: {  	[hbm4b:s24+s20] =	stream.strided.scatter [tilespmem:s16], [sflag:$0xA], $0xC80, s21, s20, $0x38;
	[tilespmem:$0x13000] =	vst v63  }
0x131: {  	s15 =	simm.s32 $0x8D80;
	s12 =	sadd.s32 s1, s19  }
0x132: {  	[hbm4b:s12+s20] =	stream.strided.scatter [tilespmem:s15], [sflag:$0xA], $0xC80, s21, s20, $0x38;
	[tilespmem:$0x13000] =	vst v63  }
0x133: {  	_ =	swait.ge [sflag:s26], $0xC80  }
0x134: {  	[sflag:s26] =	ssyncset.done $0x0  }
0x135: {  	[sflag:s26] =	ssyncadd.s32 $0xFFFFF380  }
0x136: {  	_ =	swait.ge [sflag:s26], $0xC80  }
0x137: {  	[sflag:s26] =	ssyncset.done $0x0  }
0x138: {  	s17 =	sadd.s32 $0xFFFFFDF8, s22;
	s18 =	simm.s32 $0x3;
	[sflag:s26] =	ssyncadd.s32 $0xFFFFF380  }
0x139: {  	[tilespmem:s16], [sflag:$0x2] =	stream.indirect.gather [hbm4b:s3+s10], $0x40, s17, s10, $0xb8;
	[tilespmem:$0x13000] =	vst v63  }
0x13a: {  	_ =	swait.ge [sflag:s18], $0x1900  }
0x13b: {  	s24 =	sadd.s32 $0x4600, s11;
	[sflag:s18] =	ssyncset.done $0x0  }
0x13c: {  	s17 =	simm.s32 $0x9A00;
	s19 =	rddreg [dreg:$0x6];
	[sflag:s18] =	ssyncadd.s32 $0xFFFFE700  }
0x13d: {  	[hbm4b:s24+s20] =	stream.strided.scatter [tilespmem:s17], [sflag:$0xB], $0xC80, s21, s20, $0x38;
	[tilespmem:$0x13000] =	vst v63  }
0x13e: {  	s16 =	simm.s32 $0xA680;
	s12 =	sadd.s32 s1, s19  }
0x13f: {  	[hbm4b:s12+s20] =	stream.strided.scatter [tilespmem:s16], [sflag:$0xB], $0xC80, s21, s20, $0x38;
	[tilespmem:$0x13000] =	vst v63  }
0x140: {  	_ =	swait.ge [sflag:s30], $0xC80  }
0x141: {  	[sflag:s30] =	ssyncset.done $0x0  }
0x142: {  	[sflag:s30] =	ssyncadd.s32 $0xFFFFF380  }
0x143: {  	_ =	swait.ge [sflag:s30], $0xC80  }
0x144: {  	[sflag:s30] =	ssyncset.done $0x0  }
0x145: {  	s18 =	sadd.s32 $0xFFFFFE60, s22;
	[sflag:s30] =	ssyncadd.s32 $0xFFFFF380  }
0x146: {  	[tilespmem:s17], [sflag:$0x3] =	stream.indirect.gather [hbm4b:s3+s10], $0x40, s18, s10, $0xb8;
	[tilespmem:$0x13000] =	vst v63  }
0x147: {  	_ =	swait.ge [sflag:s31], $0x1900  }
0x148: {  	s24 =	sadd.s32 $0x4D00, s11;
	[sflag:s31] =	ssyncset.done $0x0  }
0x149: {  	s18 =	simm.s32 $0xB300;
	s19 =	rddreg [dreg:$0x5];
	[sflag:s31] =	ssyncadd.s32 $0xFFFFE700  }
0x14a: {  	[hbm4b:s24+s20] =	stream.strided.scatter [tilespmem:s18], [sflag:$0xC], $0xC80, s21, s20, $0x38;
	[tilespmem:$0x13000] =	vst v63  }
0x14b: {  	s17 =	simm.s32 $0xBF80;
	s12 =	sadd.s32 s1, s19  }
0x14c: {  	[hbm4b:s12+s20] =	stream.strided.scatter [tilespmem:s17], [sflag:$0xC], $0xC80, s21, s20, $0x38;
	[tilespmem:$0x13000] =	vst v63  }
0x14d: {  	_ =	swait.ge [sflag:s0], $0xC80  }
0x14e: {  	[sflag:s0] =	ssyncset.done $0x0  }
0x14f: {  	[sflag:s0] =	ssyncadd.s32 $0xFFFFF380  }
0x150: {  	_ =	swait.ge [sflag:s0], $0xC80  }
0x151: {  	[sflag:s0] =	ssyncset.done $0x0  }
0x152: {  	s19 =	sadd.s32 $0xFFFFFEC8, s22;
	[sflag:s0] =	ssyncadd.s32 $0xFFFFF380  }
0x153: {  	[tilespmem:s18], [sflag:$0x4] =	stream.indirect.gather [hbm4b:s3+s10], $0x40, s19, s10, $0xb8;
	[tilespmem:$0x13000] =	vst v63  }
0x154: {  	_ =	swait.ge [sflag:s2], $0x1900  }
0x155: {  	[sflag:s2] =	ssyncset.done $0x0  }
0x156: {  	s13 =	simm.s32 $0xCC00;
	s24 =	sadd.s32 $0x5400, s11;
	[sflag:s2] =	ssyncadd.s32 $0xFFFFE700  }
0x157: {  	[hbm4b:s24+s20] =	stream.strided.scatter [tilespmem:s13], [sflag:$0xD], $0xC80, s21, s20, $0x38;
	[tilespmem:$0x13000] =	vst v63  }
0x158: {  	s18 =	sadd.s32 $0x5780, s11;
	s19 =	simm.s32 $0xD880  }
0x159: {  	[hbm4b:s18+s20] =	stream.strided.scatter [tilespmem:s19], [sflag:$0xD], $0xC80, s21, s20, $0x38;
	[tilespmem:$0x13000] =	vst v63  }
0x15a: {  	_ =	swait.ge [sflag:s6], $0xC80  }
0x15b: {  	[sflag:s6] =	ssyncset.done $0x0  }
0x15c: {  	[sflag:s6] =	ssyncadd.s32 $0xFFFFF380  }
0x15d: {  	_ =	swait.ge [sflag:s6], $0xC80  }
0x15e: {  	[sflag:s6] =	ssyncset.done $0x0  }
0x15f: {  	s24 =	sadd.s32 $0xFFFFFF30, s22;
	[sflag:s6] =	ssyncadd.s32 $0xFFFFF380  }
0x160: {  	[tilespmem:s13], [sflag:$0x5] =	stream.indirect.gather [hbm4b:s3+s10], $0x40, s24, s10, $0xb8;
	[tilespmem:$0x13000] =	vst v63  }
0x161: {  	_ =	swait.ge [sflag:s7], $0x1900  }
0x162: {  	s19 =	sadd.s32 $0x5B00, s11;
	[sflag:s7] =	ssyncset.done $0x0  }
0x163: {  	s24 =	simm.s32 $0xE500;
	s12 =	rddreg [dreg:$0x4];
	[sflag:s7] =	ssyncadd.s32 $0xFFFFE700  }
0x164: {  	[hbm4b:s19+s20] =	stream.strided.scatter [tilespmem:s24], [sflag:$0xE], $0xC80, s21, s20, $0x38;
	[tilespmem:$0x13000] =	vst v63  }
0x165: {  	s12 =	sadd.s32 s1, s12;
	s19 =	simm.s32 $0xF180  }
0x166: {  	[hbm4b:s12+s20] =	stream.strided.scatter [tilespmem:s19], [sflag:$0xE], $0xC80, s21, s20, $0x38;
	[tilespmem:$0x13000] =	vst v63  }
0x167: {  	_ =	swait.ge [sflag:s4], $0xC80  }
0x168: {  	[sflag:s4] =	ssyncset.done $0x0  }
0x169: {  	[sflag:s4] =	ssyncadd.s32 $0xFFFFF380  }
0x16a: {  	_ =	swait.ge [sflag:s4], $0xC80  }
0x16b: {  	[sflag:s4] =	ssyncset.done $0x0  }
0x16c: {  	s13 =	sadd.s32 $0xFFFFFF98, s22;
	[sflag:s4] =	ssyncadd.s32 $0xFFFFF380  }
0x16d: {  	[tilespmem:s24], [sflag:$0x6] =	stream.indirect.gather [hbm4b:s3+s10], $0x40, s13, s10, $0xb8;
	[tilespmem:$0x13000] =	vst v63  }
0x16e: {  	_ =	swait.ge [sflag:s9], $0x1900  }
0x16f: {  	s13 =	sadd.s32 $0x6200, s11;
	[sflag:s9] =	ssyncset.done $0x0  }
0x170: {  	s24 =	simm.s32 $0xFE00;
	s12 =	rddreg [dreg:$0x2];
	[sflag:s9] =	ssyncadd.s32 $0xFFFFE700  }
0x171: {  	[hbm4b:s13+s20] =	stream.strided.scatter [tilespmem:s24], [sflag:$0xF], $0xC80, s21, s20, $0x38;
	[tilespmem:$0x13000] =	vst v63  }
0x172: {  	s12 =	sadd.s32 s1, s12;
	s13 =	simm.s32 $0x10A80  }
0x173: {  	[hbm4b:s12+s20] =	stream.strided.scatter [tilespmem:s13], [sflag:$0xF], $0xC80, s21, s20, $0x38;
	[tilespmem:$0x13000] =	vst v63  }
0x174: {  	_ =	swait.ge [sflag:s25], $0xC80  }
0x175: {  	[sflag:s25] =	ssyncset.done $0x0  }
0x176: {  	[sflag:s25] =	ssyncadd.s32 $0xFFFFF380  }
0x177: {  	p0 =	sne.s32 s8, $0x65800;
	_ =	swait.ge [sflag:s25], $0xC80  }
0x178: {  	s8 =	sadd.s32 $0x3800, s8;
	s14 =	simm.s32 $0x6800;
	[sflag:s25] =	ssyncset.done $0x0  }
0x179: {  	s15 =	simm.s32 $0x8100;
	s16 =	simm.s32 $0x9A00;
	[sflag:s25] =	ssyncadd.s32 $0xFFFFF380  }
0x17a: {  	[tilespmem:s24], [sflag:$0x7] =	stream.indirect.gather [hbm4b:s3+s10], $0x40, s22, s10, $0xb8;
	[tilespmem:$0x13000] =	vst v63  }
.Ltmp0:
0x17b: {  	s17 =	simm.s32 $0xB300;
	s18 =	simm.s32 $0xCC00;
	(pc) =	sbr.rel @p0 .LBB2_2-.Ltmp0, $4  }
0x17c: {  	s19 =	simm.s32 $0xE500;
	s11 =	sadd.s32 $0x6900, s11;
	_ =	swait.ge [sflag:s29], $0x1900  }
0x17d: {  	s13 =	simm.s32 $0xFE00;
	[sflag:s29] =	ssyncset.done $0x0;
	s24 =	rddreg [dreg:$0x8]  }
0x17e: {  	s22 =	sadd.s32 $0x340, s22;
	[sflag:s29] =	ssyncadd.s32 $0xFFFFE700;
	s1 =	sadd.s32 s1, s24  }
0x17f: {  	[hbm4b:s11+s20] =	stream.strided.scatter [tilespmem:s28], [sflag:$0x10], $0xC80, s21, s20, $0x38;
	[tilespmem:$0x13000] =	vst v63  }
0x180: {  	s12 =	simm.s32 $0x12380  }
0x181: {  	[hbm4b:s1+s20] =	stream.strided.scatter [tilespmem:s12], [sflag:$0x10], $0xC80, s21, s20, $0x38;
	[tilespmem:$0x13000] =	vst v63  }
0x182: {  	_ =	swait.ge [sflag:s5], $0xC80  }
0x183: {  	[sflag:s5] =	ssyncset.done $0x0  }
0x184: {  	[sflag:s5] =	ssyncadd.s32 $0xFFFFF380  }
0x185: {  	_ =	swait.ge [sflag:s5], $0xC80  }
0x186: {  	s8 =	simm.s32 $0x11700;
	[sflag:s5] =	ssyncset.done $0x0  }
0x187: {  	s11 =	simm.s32 $0x6798;
	s22 =	simm.s32 $0x1;
	[sflag:s5] =	ssyncadd.s32 $0xFFFFF380  }
0x188: {  	[tilespmem:s8], [sflag:$0x8] =	stream.indirect.gather [hbm4b:s3+s10], $0x40, s11, s10, $0xb8;
	[tilespmem:$0x13000] =	vst v63  }
0x189: {  	_ =	swait.ge [sflag:s22], $0x1900  }
0x18a: {  	[sflag:s22] =	ssyncset.done $0x0  }
0x18b: {  	s24 =	rddreg [dreg:$0xe];
	[sflag:s22] =	ssyncadd.s32 $0xFFFFE700  }
0x18c: {  	[hbm4b:s24+s20] =	stream.strided.scatter [tilespmem:s14], [sflag:$0x9], $0xC80, s21, s20, $0x38;
	[tilespmem:$0x13000] =	vst v63  }
0x18d: {  	s11 =	simm.s32 $0x7480;
	s28 =	rddreg [dreg:$0xf]  }
0x18e: {  	[hbm4b:s28+s20] =	stream.strided.scatter [tilespmem:s11], [sflag:$0x9], $0xC80, s21, s20, $0x38;
	[tilespmem:$0x13000] =	vst v63  }
0x18f: {  	s11 =	simm.s32 $0x2  }
0x190: {  	_ =	swait.ge [sflag:s11], $0x1900  }
0x191: {  	[sflag:s11] =	ssyncset.done $0x0  }
0x192: {  	s14 =	rddreg [dreg:$0x10];
	[sflag:s11] =	ssyncadd.s32 $0xFFFFE700  }
0x193: {  	[hbm4b:s14+s20] =	stream.strided.scatter [tilespmem:s15], [sflag:$0xA], $0xC80, s21, s20, $0x38;
	[tilespmem:$0x13000] =	vst v63  }
0x194: {  	s22 =	simm.s32 $0x8D80;
	s24 =	simm.s32 $0x3;
	s15 =	rddreg [dreg:$0x11]  }
0x195: {  	[hbm4b:s15+s20] =	stream.strided.scatter [tilespmem:s22], [sflag:$0xA], $0xC80, s21, s20, $0x38;
	[tilespmem:$0x13000] =	vst v63  }
0x196: {  	_ =	swait.ge [sflag:s24], $0x1900  }
0x197: {  	[sflag:s24] =	ssyncset.done $0x0  }
0x198: {  	s28 =	rddreg [dreg:$0x12];
	[sflag:s24] =	ssyncadd.s32 $0xFFFFE700  }
0x199: {  	[hbm4b:s28+s20] =	stream.strided.scatter [tilespmem:s16], [sflag:$0xB], $0xC80, s21, s20, $0x38;
	[tilespmem:$0x13000] =	vst v63  }
0x19a: {  	s14 =	simm.s32 $0xA680;
	s11 =	rddreg [dreg:$0x13]  }
0x19b: {  	[hbm4b:s11+s20] =	stream.strided.scatter [tilespmem:s14], [sflag:$0xB], $0xC80, s21, s20, $0x38;
	[tilespmem:$0x13000] =	vst v63  }
0x19c: {  	_ =	swait.ge [sflag:s31], $0x1900  }
0x19d: {  	[sflag:s31] =	ssyncset.done $0x0  }
0x19e: {  	s15 =	rddreg [dreg:$0x14];
	[sflag:s31] =	ssyncadd.s32 $0xFFFFE700  }
0x19f: {  	[hbm4b:s15+s20] =	stream.strided.scatter [tilespmem:s17], [sflag:$0xC], $0xC80, s21, s20, $0x38;
	[tilespmem:$0x13000] =	vst v63  }
0x1a0: {  	s16 =	rddreg [dreg:$0x15];
	s17 =	simm.s32 $0xBF80  }
0x1a1: {  	[hbm4b:s16+s20] =	stream.strided.scatter [tilespmem:s17], [sflag:$0xC], $0xC80, s21, s20, $0x38;
	[tilespmem:$0x13000] =	vst v63  }
0x1a2: {  	_ =	swait.ge [sflag:s2], $0x1900  }
0x1a3: {  	[sflag:s2] =	ssyncset.done $0x0  }
0x1a4: {  	s22 =	rddreg [dreg:$0x16];
	[sflag:s2] =	ssyncadd.s32 $0xFFFFE700  }
0x1a5: {  	[hbm4b:s22+s20] =	stream.strided.scatter [tilespmem:s18], [sflag:$0xD], $0xC80, s21, s20, $0x38;
	[tilespmem:$0x13000] =	vst v63  }
0x1a6: {  	s28 =	simm.s32 $0xD880;
	s24 =	rddreg [dreg:$0x17]  }
0x1a7: {  	[hbm4b:s24+s20] =	stream.strided.scatter [tilespmem:s28], [sflag:$0xD], $0xC80, s21, s20, $0x38;
	[tilespmem:$0x13000] =	vst v63  }
0x1a8: {  	_ =	swait.ge [sflag:s7], $0x1900  }
0x1a9: {  	[sflag:s7] =	ssyncset.done $0x0  }
0x1aa: {  	s11 =	rddreg [dreg:$0x18];
	[sflag:s7] =	ssyncadd.s32 $0xFFFFE700  }
0x1ab: {  	[hbm4b:s11+s20] =	stream.strided.scatter [tilespmem:s19], [sflag:$0xE], $0xC80, s21, s20, $0x38;
	[tilespmem:$0x13000] =	vst v63  }
0x1ac: {  	s15 =	simm.s32 $0xF180;
	s14 =	rddreg [dreg:$0x19]  }
0x1ad: {  	[hbm4b:s14+s20] =	stream.strided.scatter [tilespmem:s15], [sflag:$0xE], $0xC80, s21, s20, $0x38;
	[tilespmem:$0x13000] =	vst v63  }
0x1ae: {  	_ =	swait.ge [sflag:s9], $0x1900  }
0x1af: {  	[sflag:s9] =	ssyncset.done $0x0  }
0x1b0: {  	s16 =	rddreg [dreg:$0x1a];
	[sflag:s9] =	ssyncadd.s32 $0xFFFFE700  }
0x1b1: {  	[hbm4b:s16+s20] =	stream.strided.scatter [tilespmem:s13], [sflag:$0xF], $0xC80, s21, s20, $0x38;
	[tilespmem:$0x13000] =	vst v63  }
0x1b2: {  	s18 =	simm.s32 $0x10A80;
	s17 =	rddreg [dreg:$0x1b]  }
0x1b3: {  	[hbm4b:s17+s20] =	stream.strided.scatter [tilespmem:s18], [sflag:$0xF], $0xC80, s21, s20, $0x38;
	[tilespmem:$0x13000] =	vst v63  }
0x1b4: {  	_ =	swait.ge [sflag:s29], $0x1900  }
0x1b5: {  	[sflag:s29] =	ssyncset.done $0x0  }
0x1b6: {  	s19 =	rddreg [dreg:$0x1c];
	[sflag:s29] =	ssyncadd.s32 $0xFFFFE700  }
0x1b7: {  	[hbm4b:s19+s20] =	stream.strided.scatter [tilespmem:s8], [sflag:$0x10], $0xC80, s21, s20, $0x38;
	[tilespmem:$0x13000] =	vst v63  }
0x1b8: {  	s22 =	rddreg [dreg:$0x1d]  }
0x1b9: {  	[hbm4b:s22+s20] =	stream.strided.scatter [tilespmem:s12], [sflag:$0x10], $0xC80, s21, s20, $0x38;
	[tilespmem:$0x13000] =	vst v63  }
0x1ba: {  	_ =	swait.ge [sflag:s23], $0xC80  }
0x1bb: {  	[sflag:s23] =	ssyncset.done $0x0  }
0x1bc: {  	[sflag:s23] =	ssyncadd.s32 $0xFFFFF380  }
0x1bd: {  	_ =	swait.ge [sflag:s23], $0xC80  }
0x1be: {  	[sflag:s23] =	ssyncset.done $0x0  }
0x1bf: {  	[sflag:s23] =	ssyncadd.s32 $0xFFFFF380  }
0x1c0: {  	_ =	swait.ge [sflag:s26], $0xC80  }
0x1c1: {  	[sflag:s26] =	ssyncset.done $0x0  }
0x1c2: {  	[sflag:s26] =	ssyncadd.s32 $0xFFFFF380  }
0x1c3: {  	_ =	swait.ge [sflag:s26], $0xC80  }
0x1c4: {  	[sflag:s26] =	ssyncset.done $0x0  }
0x1c5: {  	[sflag:s26] =	ssyncadd.s32 $0xFFFFF380  }
0x1c6: {  	_ =	swait.ge [sflag:s30], $0xC80  }
0x1c7: {  	[sflag:s30] =	ssyncset.done $0x0  }
0x1c8: {  	[sflag:s30] =	ssyncadd.s32 $0xFFFFF380  }
0x1c9: {  	_ =	swait.ge [sflag:s30], $0xC80  }
0x1ca: {  	[sflag:s30] =	ssyncset.done $0x0  }
0x1cb: {  	[sflag:s30] =	ssyncadd.s32 $0xFFFFF380  }
0x1cc: {  	_ =	swait.ge [sflag:s0], $0xC80  }
0x1cd: {  	[sflag:s0] =	ssyncset.done $0x0  }
0x1ce: {  	[sflag:s0] =	ssyncadd.s32 $0xFFFFF380  }
0x1cf: {  	_ =	swait.ge [sflag:s0], $0xC80  }
0x1d0: {  	[sflag:s0] =	ssyncset.done $0x0  }
0x1d1: {  	[sflag:s0] =	ssyncadd.s32 $0xFFFFF380  }
0x1d2: {  	_ =	swait.ge [sflag:s6], $0xC80  }
0x1d3: {  	[sflag:s6] =	ssyncset.done $0x0  }
0x1d4: {  	[sflag:s6] =	ssyncadd.s32 $0xFFFFF380  }
0x1d5: {  	_ =	swait.ge [sflag:s6], $0xC80  }
0x1d6: {  	[sflag:s6] =	ssyncset.done $0x0  }
0x1d7: {  	[sflag:s6] =	ssyncadd.s32 $0xFFFFF380  }
0x1d8: {  	_ =	swait.ge [sflag:s4], $0xC80  }
0x1d9: {  	[sflag:s4] =	ssyncset.done $0x0  }
0x1da: {  	[sflag:s4] =	ssyncadd.s32 $0xFFFFF380  }
0x1db: {  	_ =	swait.ge [sflag:s4], $0xC80  }
0x1dc: {  	[sflag:s4] =	ssyncset.done $0x0  }
0x1dd: {  	[sflag:s4] =	ssyncadd.s32 $0xFFFFF380  }
0x1de: {  	_ =	swait.ge [sflag:s25], $0xC80  }
0x1df: {  	[sflag:s25] =	ssyncset.done $0x0  }
0x1e0: {  	[sflag:s25] =	ssyncadd.s32 $0xFFFFF380  }
0x1e1: {  	_ =	swait.ge [sflag:s25], $0xC80  }
0x1e2: {  	[sflag:s25] =	ssyncset.done $0x0  }
0x1e3: {  	[sflag:s25] =	ssyncadd.s32 $0xFFFFF380  }
0x1e4: {  	_ =	swait.ge [sflag:s5], $0xC80  }
0x1e5: {  	[sflag:s5] =	ssyncset.done $0x0  }
0x1e6: {  	[sflag:s5] =	ssyncadd.s32 $0xFFFFF380  }
0x1e7: {  	_ =	swait.ge [sflag:s5], $0xC80  }
0x1e8: {  	s24 =	sld [smem:$0x7F2];
	_ =	sdelay $0x2  }
0x1e9: {  	s28 =	rddreg [dreg:$0x1e];
	s8 =	sadd.s32 $0x1, s24  }
0x1ea: {  	p0 =	sne.s32 s8, s28  }
.Ltmp1:
0x1eb: {  	_ = 	snop;
	(pc) =	sbr.rel @p0 .LBB2_1-.Ltmp1, $3  }
0x1ec: {  	_ =	sdelay $0x1  }
0x1ed: {  	[sflag:s5] =	ssyncset.done $0x0  }
0x1ee: {  	[sflag:s5] =	ssyncadd.s32 $0xFFFFF380  }
0x1ef: {  	_ =	sfence.sel $0x180000  }
0x1f0: {  	[bflag:$0x0] =	sbarrier.arrive $0xFFFF  }
0x1f1: {  	_ =	strace $0x90000047  }
0x1f2: {  	s0 =	stileid.u32;
	[bflag:$0x2] =	sbarrier.arrive $0xFFFF  }
0x1f3: {  	p0 =	sne.s32 s0, $0x0;
	s0 =	rddreg [dreg:$0x1]  }
0x1f4: {  	s0 =	sadd.s32 @!p0 $0x100000, s0  }
0x1f5: {  	[sflag:s0] =	ssyncadd.tile.s32 @!p0 $0x1;
	_ =	shalt  }
.Lfunc_end2:
_tile_overlayer_lowered:
.L_overlay_start_2:
0x1f6: {  	(tag) =	ssettag $0x2  }
0x1f7: {  	s0 =	rddreg [dreg:$0x0];
	s2 =	stileid.u32  }
0x1f8: {  	s1 =	rddreg [dreg:$0x1];
	p0 =	sne.s32 s2, $0x0  }
0x1f9: {  	s3 =	rddreg [dreg:$0x2];
	[bflag:$0x3] =	sbarrier.arrive $0xFFFF;
	s2 =	simm.s32 @!p0 $0x1C11  }
0x1fa: {  	[timem:s3], [sflag:s2] =	dma.local @!p0 [hbm:s0], s1  }
0x1fb: {  	s0 =	simm.s32 @!p0 $0x11  }
0x1fc: {  	_ =	swait.ge @!p0 [sflag:s0], s1  }
0x1fd: {  	s1 =	ssub.s32 @!p0 $0x0, s1;
	[sflag:s0] =	ssyncset.done @!p0 $0x0  }
0x1fe: {  	[sflag:s0] =	ssyncadd.s32 @!p0 s1  }
0x1ff: {  	[bflag:$0x3] =	sbarrier.arrive $0xFFFF  }
0x200: {  	_ =	shalt  }

// kernel: sparse-core-data-format-call.cloned.1.call-start
scs
called_computation_lowered:
.L_overlay_start_0:
0x0: {  	s2 =	sld [smem:$0x3FD9]  }
0x1: {  	s3 =	sld [smem:$0x3FFE];
	_ =	sdelay $0x1  }
0x2: {  	s1 =	srdreg.scid  }
0x3: {  	s0 =	sand.u32 $0x1, s1  }
0x4: {  	s18 =	sshll.u32 s0, $0xA;
	s2 =	sadd.s32 s3, s2  }
0x5: {  	s2 =	sadd.s32 s2, s18  }
0x6: {  	[smem:$0x3FC6] =	sst s2  }
0x7: {  	_ = 	snop  }
0x8: {  	s2 =	sld [smem:$0x3FD0];
	(tm) =	ssettm $0x1  }
0x9: {  	s19 =	sld [smem:$0x3FFB];
	_ =	sdelay $0x3  }
0xa: {  	_ =	strace s19  }
0xb: {  	s3 =	sld [smem:$0x3FFC];
	_ =	sdelay $0x3  }
0xc: {  	_ =	strace s3  }
0xd: {  	s3 =	sld [smem:$0x3FFD];
	_ =	sdelay $0x3  }
0xe: {  	_ =	strace s3  }
0xf: {  	_ =	strace $0x8FFFFFFF  }
0x10: {  	s20 =	sld [smem:$0x3FDB];
	_ =	sdelay $0x1  }
0x11: {  	s4 =	simm.s32 $_scs_section_size  }
0x12: {  	s5 =	simm.s32 $_size__tile_overlayer_lowered;
	s6 =	simm.s32 $_tile_overlayer_lowered  }
0x13: {  	s23 =	simm.s32 $0x1BFF;
	s22 =	sshll.u32 s6, $0x1;
	s3 =	sadd.s32 s4, s20  }
0x14: {  	s7 =	simm.s32 $0x0;
	s21 =	sshll.u32 s5, $0x1;
	s5 =	sadd.s32 s22, s3  }
0x15: {  	[timem:s7], [sflag:s23] =	dma.local [hbm:s5], s21  }
0x16: {  	_ =	swait.ge [sflag:s23], s21  }
0x17: {  	s4 =	ssub.s32 $0x0, s21;
	[sflag:s23] =	ssyncset.done $0x0  }
0x18: {  	[sflag:s23] =	ssyncadd.s32 s4;
	_ =	sdelay $0x1  }
0x19: {  	s24 =	simm.s32 $0x1B8B  }
0x1a: {  	_ =	swait.ge [sflag:s24], $0x1  }
0x1b: {  	[sflag:s24] =	ssyncset.done $0x0  }
0x1c: {  	s26 =	simm.s32 $0x1B8E;
	s25 =	sld [smem:$0x3FFE];
	[sflag:s24] =	ssyncadd.s32 $0xFFFFFFFF  }
0x1d: {  	s27 =	simm.s32 $execute0_lowered;
	[smem:$0x3FD2] =	sst s26  }
0x1e: {  	s5 =	sshll.u32 s27, $0x1;
	_ =	strace $0x80000049;
	[dreg:$0x1] =	wrdreg $0xFFFFFFFF  }
0x1f: {  	s28 =	simm.s32 $_size_execute0_lowered;
	s3 =	sadd.s32 s3, s5;
	[dreg:$0x0] =	wrdreg $0x0  }
0x20: {  	s5 =	sshll.u32 s28, $0x1;
	[dreg:$0x2] =	wrdreg s3  }
0x21: {  	[dreg:$0x3] =	wrdreg s5  }
0x22: {  	[dreg:$0x4] =	wrdreg $0xC0  }
0x23: {  	_ =	task [dreg:s7], $0x5FFFF  }
0x24: {  	[dreg:$0x1] =	wrdreg $0xFFFFFFFF  }
0x25: {  	[dreg:$0x0] =	wrdreg $0x60  }
0x26: {  	[dreg:$0x2] =	wrdreg s25  }
0x27: {  	[dreg:$0x3] =	wrdreg s2  }
0x28: {  	[dreg:$0x4] =	wrdreg $0x9  }
0x29: {  	_ =	task.clear_ibuf [dreg:s7], $0x5FFFF;
	_ =	strace $0x90000049  }
0x2a: {  	s29 =	simm.s32 $0x9;
	_ =	strace $0x8000004B  }
0x2b: {  	_ =	swait.ge [sflag:s29], $0x1  }
0x2c: {  	[sflag:s29] =	ssyncadd.s32 $0xFFFFFFFF  }
0x2d: {  	_ =	strace $0x9000004B  }
0x2e: {  	_ =	sfence  }
0x2f: {  	s30 =	sld [smem:$0x0];
	_ =	sdelay $0x2  }
0x30: {  	s31 =	sshll.u32 s1, $0xD;
	s1 =	sshrl.u32 s1, $0x2  }
0x31: {  	s3 =	sand.u32 $0x4000, s31;
	s1 =	sadd.s32 s1, s30  }
0x32: {  	s0 =	sor.u32 s3, s0;
	s1 =	sshll.u32 s1, $0x11  }
0x33: {  	s0 =	sor.u32 s1, s0  }
0x34: {  	s0 =	sadd.s32 $0x8F2B, s0  }
0x35: {  	[sflag:s0] =	ssyncadd.remote.s32 $0x1  }
0x36: {  	_ =	sfence.sel $0xFFFF  }
0x37: {  	[dreg:$0x0] =	wrdreg $0xFFFFFFFF;
	(pc) =	sbr.abs _section_cstart, $3  }
0x38: {  	[dreg:$0x1] =	wrdreg $0xFFFFFFFF  }
0x39: {  	_ =	task.clear_ibuf [dreg:s7], $0x2FFFF;
	_ =	strace $0x9FFFFFFF  }
0x3a: {  	(tm) =	ssettm $0x7FFFFFFF  }
0x3b: {  	_ =	shalt  }
tec
execute0_lowered:
.L_overlay_start_1:
0x0: {  	(tag) =	ssettag $0x1  }
0x1: {  	s0 =	srdreg.scid  }
0x2: {  	s1 =	sshll.u32 s0, $0x4  }
0x3: {  	s0 =	stileid.u32;
	s1 =	sand.u32 $0x10, s1  }
0x4: {  	s1 =	sor.u32 s0, s1  }
0x5: {  	s6 =	rddreg [dreg:$0x0];
	s4 =	simm.s32 $0x1;
	s2 =	sshll.u32 s1, $0x7  }
0x6: {  	s7 =	simm.s32 $0x2;
	s12 =	simm.s32 $0x0;
	s1 =	ssub.s32 $0x4000, s2  }
0x7: {  	s8 =	simm.s32 $0x20000;
	s13 =	simm.s32 $0x0;
	s3 =	sand.u32 $0xF80, s1  }
0x8: {  	s9 =	simm.s32 $0x0;
	s5 =	sshrl.u32 s1, $0xC;
	p0 =	sne.s32 s3, $0x0  }
.Ltmp0:
0x9: {  	s1 =	rddreg [dreg:$0x2];
	s4 =	simm.s32 @!p0 $0x0;
	(pc) =	sbr.rel .LBB1_1-.Ltmp0, $4  }
0xa: {  	s11 =	simm.s32 $0x0;
	s3 =	rddreg [dreg:$0x1];
	s5 =	sadd.s32 s4, s5  }
0xb: {  	_ =	strace $0x8000004A;
	s4 =	simm.s32 $0x1;
	s5 =	smul.u32 $0x32, s5  }
0xc: {  	s6 =	sadd.s32 $0xDDE00, s6;
	s10 =	smov.u32 s2;
	[sflag:s4] =	ssyncpa.u1 $0x0  }
0xd: {  	p0 =	por $0x0, $0x0;
	[sflag:s7] =	ssyncpa.u1 $0x0;
	s7 =	sor.u32 $0x1, s5  }
.LBB1_4:
0xe: {  	s16 =	sshll.u32 s13, $0x3;
	s17 =	sand.u32 $0x78, s13  }
0xf: {  	s30 =	sand.u32 $0x1F800, s13;
	s12 =	sshll.u32 s12, $0x11;
	s16 =	sand.u32 $0x3C00, s16  }
0x10: {  	[tilespmem:s15+$0x810 ss:$0x81] =	vst.msk $0xffff, v2;
	s31 =	sand.u32 $0x7, s13;
	s16 =	sor.u32 s17, s16;
	s17 =	sadd.s32 s3, s30  }
0x11: {  	[tilespmem:s15+$0x1020 ss:$0x81] =	vst.msk $0xffff, v0;
	s13 =	sshll.u32 s31, $0x12;
	s12 =	sadd.s32 s12, s17;
	s16 =	sshrl.u32 s16, $0x3  }
0x12: {  	[tilespmem:s15+$0x0 ss:$0x81] =	vst.msk $0xffff, v1;
	s13 =	sor.u32 $0x400, s13;
	s12 =	sadd.s32 s16, s12  }
0x13: {  	[hbm4b:s12+s13] =	stream.strided.scatter [tilespmem:s14], [sflag:$0x2], $0x2000, s8, s13, $0x20;
	[tilespmem:$0x8080] =	vst v63  }
.LBB1_5:
0x14: {  	s14 =	sadd.s32 $0x1, s9  }
0x15: {  	s12 =	sadd.s32 $0x1000, s10;
	s16 =	smov.u32 s10;
	p2 =	sgt.s32 s14, $0x31  }
0x16: {  	s16 =	smov.u32 @p2 s12  }
0x17: {  	s14 =	simm.s32 @p2 $0x0;
	p2 =	sgt.s32 s16, $0x3FFF  }
0x18: {  	s16 =	smov.u32 @p2 s2;
	p2 =	sne.s32 s11, s7  }
.Ltmp1:
0x19: {  	p1 =	slt.u32 s11, $0x2;
	(pc) =	sbr.rel @!p2 .LBB1_6-.Ltmp1, $4  }
0x1a: {  	s15 =	simm.s32 @!p1 $0x2  }
0x1b: {  	s13 =	smov.u32 s10;
	p0 =	por !p0, !p0;
	_ =	swait.ge @!p1 [sflag:s15], $0x2000  }
0x1c: {  	s12 =	smov.u32 s9;
	[sflag:s15] =	ssyncset.done @!p1 $0x0;
	s9 =	smov.u32 s14  }
0x1d: {  	s11 =	sadd.s32 $0x1, s11;
	[sflag:s15] =	ssyncadd.s32 @!p1 $0xFFFFE000;
	s10 =	smov.u32 s16  }
.LBB1_1:
0x1e: {  	p1 =	sge.u32 s11, s5  }
0x1f: {  	s14 =	sand.u32 @!p1 $0x1FFFFFF, s9  }
0x20: {  	s15 =	smulhi.u32 @!p1 $0x4924925, s14;
	_ =	sdelay $0x1  }
0x21: {  	s15 =	smul.u32 @!p1 $0x38, s15  }
0x22: {  	s16 =	sxor.u32 @!p1 $0xFFFFFFFF, s11;
	s17 =	smul.u32 @!p1 $0x380, s10  }
0x23: {  	s31 =	sadd.s32 $0xFFFFFFFF, s11;
	s16 =	sshll.u32 @!p1 s16, $0xD;
	s14 =	ssub.s32 @!p1 s14, s15  }
0x24: {  	s15 =	sand.u32 @!p1 $0x2000, s16;
	s16 =	sadd.s32 @!p1 s6, s17;
	s14 =	sshll.u32 @!p1 s14, $0x4  }
0x25: {  	s17 =	simm.s32 @!p1 $0x1C00;
	s14 =	sadd.s32 @!p1 s14, s16;
	s16 =	simm.s32 @!p1 $0x40  }
0x26: {  	[tilespmem:s15], [sflag:$0x1] =	stream.strided.gather @!p1 [hbm4b:s14+s16], $0x2000, s17, s16, $0x38;
	[tilespmem:$0x8080] =	vst v63  }
0x27: {  	p1 =	sge.u32 s31, s5  }
.Ltmp2:
0x28: {  	_ = 	snop;
	(pc) =	sbr.rel @p1 .LBB1_5-.Ltmp2, $1  }
0x29: {  	_ =	sdelay $0x3  }
0x2a: {  	s14 =	simm.s32 $0x1  }
0x2b: {  	_ =	swait.ge [sflag:s4], $0x2000;
	s14 =	simm.s32 @!p0 $0x0  }
0x2c: {  	[sflag:s4] =	ssyncset.done $0x0;
	s15 =	sshll.u32 s14, $0xD  }
0x2d: {  	[sflag:s4] =	ssyncadd.s32 $0xFFFFE000;
	s18 =	sor.u32 $0x20, s15  }
0x2e: {  	s14 =	smul.u32 $0x8100, s14;
	v3 =	vld [tilespmem:s18+$0x10]  }
0x2f: {  	s30 =	sand.u32 $0x1, s11;
	v2 =	vld [tilespmem:s18+$0xFFFFFFF0]  }
0x30: {  	s15 =	smul.u32 $0x8100, s30;
	s14 =	sshrl.u32 s14, $0x2;
	v0 =	vld [tilespmem:s18+$0x0]  }
0x31: {  	v1 =	vld [tilespmem:s18+$0xFFFFFFE0];
	s16 =	sor.u32 $0x4000, s14  }
0x32: {  	s31 =	sshrl.u32 s15, $0x2;
	s15 =	sadd.s32 $0x0, s16  }
0x33: {  	s17 =	simm.s32 $0x4;
	s18 =	sadd.s32 $0x40, s18;
	s14 =	sor.u32 $0x4000, s31;
	[tilespmem:s15+$0x1830 ss:$0x81] =	vst.msk $0xffff, v3  }
.LBB1_3:
0x34: {  	v3 =	vld [tilespmem:s18+$0x10];
	p1 =	sne.s32 s17, $0x1FC;
	[tilespmem:s15+$0x810 ss:$0x81] =	vst.msk $0xffff, v2;
	s19 =	smov.u32 s17;
	s17 =	sadd.s32 $0x4, s17  }
.Ltmp3:
0x35: {  	v2 =	vld [tilespmem:s18+$0xFFFFFFF0];
	[tilespmem:s15+$0x1020 ss:$0x81] =	vst.msk $0xffff, v0;
	(pc) =	sbr.rel @p1 .LBB1_3-.Ltmp3, $4  }
0x36: {  	v0 =	vld [tilespmem:s18+$0x0];
	[tilespmem:s15+$0x0 ss:$0x81] =	vst.msk $0xffff, v1  }
0x37: {  	s15 =	sshra.s32 s19, $0x2;
	v1 =	vld [tilespmem:s18+$0xFFFFFFE0]  }
0x38: {  	s15 =	sadd.s32 s15, s16  }
0x39: {  	s18 =	sadd.s32 $0x40, s18;
	[tilespmem:s15+$0x1830 ss:$0x81] =	vst.msk $0xffff, v3  }
.Ltmp4:
0x3a: {  	_ = 	snop;
	(pc) =	sbr.rel .LBB1_4-.Ltmp4, $1  }
0x3b: {  	_ =	sdelay $0x3  }
.LBB1_6:
0x3c: {  	_ =	sfence.sel $0x180000  }
0x3d: {  	s2 =	simm.s32 $0x1;
	[bflag:$0x0] =	sbarrier.arrive $0xFFFF  }
0x3e: {  	s31 =	simm.s32 $0x2;
	[sflag:s2] =	ssyncpa.u1 $0x1  }
0x3f: {  	[sflag:s31] =	ssyncpa.u1 $0x1  }
0x40: {  	p0 =	sne.s32 s0, $0x0;
	_ =	strace $0x9000004A  }
0x41: {  	s0 =	sadd.s32 @!p0 $0x100000, s1;
	[bflag:$0x2] =	sbarrier.arrive $0xFFFF  }
0x42: {  	[sflag:s0] =	ssyncadd.tile.s32 @!p0 $0x1;
	_ =	shalt  }
.Lfunc_end1:
_tile_overlayer_lowered:
.L_overlay_start_2:
0x43: {  	(tag) =	ssettag $0x2  }
0x44: {  	s0 =	rddreg [dreg:$0x0];
	s2 =	stileid.u32  }
0x45: {  	s1 =	rddreg [dreg:$0x1];
	p0 =	sne.s32 s2, $0x0  }
0x46: {  	s3 =	rddreg [dreg:$0x2];
	[bflag:$0x3] =	sbarrier.arrive $0xFFFF;
	s2 =	simm.s32 @!p0 $0x1C01  }
0x47: {  	[timem:s3], [sflag:s2] =	dma.local @!p0 [hbm:s0], s1  }
0x48: {  	s0 =	simm.s32 @!p0 $0x1  }
0x49: {  	_ =	swait.ge @!p0 [sflag:s0], s1  }
0x4a: {  	s1 =	ssub.s32 @!p0 $0x0, s1;
	[sflag:s0] =	ssyncset.done @!p0 $0x0  }
0x4b: {  	[sflag:s0] =	ssyncadd.s32 @!p0 s1  }
0x4c: {  	[bflag:$0x3] =	sbarrier.arrive $0xFFFF  }
0x4d: {  	_ =	shalt  }

</sc_bundles>
